<compile_context>
chip_gen: v7x
topology: tpu7x:2x2x1
jax: 0.10.2.dev20260603
libtpu: 0.0.44.dev20260713+nightly
codegen_flags: <defaults>
</compile_context>

<pallas_src>
import functools

import jax
import jax.numpy as jnp
from jax import lax
from jax.experimental import pallas as pl
from jax.experimental.pallas import tpu as pltpu
from jax.experimental.pallas import tpu_sc as plsc

N = 10000
D = 128
DW = 128
E = 320000
NC, NS = 2, 16
NW = NC * NS
K = 128
NCHUNK = 80
EPW = NCHUNK * K
EPAD = EPW * NW
NJUNK = 16
NACC = 10112
ZROWS = NACC // NS

_MESH = plsc.VectorSubcoreMesh(
    core_axis_name="c", subcore_axis_name="s", num_cores=NC, num_subcores=NS
)

_PART_SDS = jax.ShapeDtypeStruct((NC, NACC, D), jnp.float32)
_DEG_SDS = jax.ShapeDtypeStruct((NC, NACC, DW), jnp.float32)


def _acc_prologue(zeros_hbm, acc, stage_v, tid):
    pltpu.sync_copy(zeros_hbm, stage_v)
    for m in range(4):
        pltpu.sync_copy(stage_v, acc.at[pl.ds(tid * ZROWS + m * K, K)])
    tail = ZROWS - 4 * K
    pltpu.sync_copy(stage_v.at[pl.ds(0, tail)],
                    acc.at[pl.ds(tid * ZROWS + 4 * K, tail)])
    plsc.subcore_barrier()


def _acc_epilogue(out_hbm, acc, stage_v, cid, tid):
    plsc.subcore_barrier()
    base = tid * ZROWS
    for m in range(4):
        pltpu.sync_copy(acc.at[pl.ds(base + m * K, K)], stage_v)
        pltpu.sync_copy(stage_v, out_hbm.at[cid, pl.ds(base + m * K, K)])
    tail = ZROWS - 4 * K
    pltpu.sync_copy(acc.at[pl.ds(base + 4 * K, tail)],
                    stage_v.at[pl.ds(0, tail)])
    pltpu.sync_copy(stage_v.at[pl.ds(0, tail)],
                    out_hbm.at[cid, pl.ds(base + 4 * K, tail)])


@functools.partial(
    pl.kernel,
    out_type=_DEG_SDS,
    mesh=_MESH,
    scratch_types=[
        pltpu.VMEM((NCHUNK, K), jnp.int32),
        pltpu.VMEM((K, DW), jnp.float32),
        pltpu.VMEM_SHARED((NACC, DW), jnp.float32),
    ],
)
def _deg_kernel(dstp_hbm, ones_hbm, zeros_hbm, out_hbm, dst_v, ones_v, acc):
    cid = lax.axis_index("c")
    tid = lax.axis_index("s")
    wid = tid * NC + cid

    _acc_prologue(zeros_hbm, acc, ones_v, tid)

    pltpu.sync_copy(dstp_hbm.at[wid], dst_v)
    pltpu.sync_copy(ones_hbm, ones_v)

    def chunk(j, c):
        pltpu.sync_copy(ones_v, acc.at[dst_v.at[j]], add=True)
        return c

    lax.fori_loop(0, NCHUNK, chunk, 0)

    _acc_epilogue(out_hbm, acc, ones_v, cid, tid)


HC2 = NCHUNK // 2


@functools.partial(
    pl.kernel,
    out_type=_PART_SDS,
    mesh=_MESH,
    scratch_types=[
        pltpu.VMEM((HC2, K), jnp.int32),
        pltpu.VMEM((HC2, K), jnp.int32),
        pltpu.VMEM((K, D), jnp.float32),
        pltpu.VMEM((K, D), jnp.float32),
        pltpu.VMEM_SHARED((NACC, D), jnp.float32),
        pltpu.SemaphoreType.DMA,
        pltpu.SemaphoreType.DMA,
    ],
)
def _scat_kernel(y_hbm, srcp_hbm, dstp_hbm, zeros_hbm, out_hbm, src_v, dst_v,
                 rows_a, rows_b, acc, sem_a, sem_b):
    cid = lax.axis_index("c")
    tid = lax.axis_index("s")
    wid = tid * NC + cid

    _acc_prologue(zeros_hbm, acc, rows_a, tid)

    def gat_a(c):
        return pltpu.make_async_copy(y_hbm.at[src_v.at[c]], rows_a, sem_a)

    def gat_b(c):
        return pltpu.make_async_copy(y_hbm.at[src_v.at[c]], rows_b, sem_b)

    for p in range(2):
        pltpu.sync_copy(srcp_hbm.at[wid, pl.ds(p * HC2, HC2)], src_v)
        pltpu.sync_copy(dstp_hbm.at[wid, pl.ds(p * HC2, HC2)], dst_v)

        gat_a(0).start()

        def body(j2, c):
            c0 = 2 * j2
            gat_b(c0 + 1).start()
            gat_a(c0).wait()
            pltpu.sync_copy(rows_a, acc.at[dst_v.at[c0]], add=True)
            gat_a(c0 + 2).start()
            gat_b(c0 + 1).wait()
            pltpu.sync_copy(rows_b, acc.at[dst_v.at[c0 + 1]], add=True)
            return c

        lax.fori_loop(0, HC2 // 2 - 1, body, 0)

        gat_b(HC2 - 1).start()
        gat_a(HC2 - 2).wait()
        pltpu.sync_copy(rows_a, acc.at[dst_v.at[HC2 - 2]], add=True)
        gat_b(HC2 - 1).wait()
        pltpu.sync_copy(rows_b, acc.at[dst_v.at[HC2 - 1]], add=True)

    _acc_epilogue(out_hbm, acc, rows_a, cid, tid)


_GRID = N // 1000
_ROWS = pl.BlockSpec((1000, D), lambda i: (i, 0))
_SPB = pl.BlockSpec((NC, 1000, D), lambda i: (0, i, 0))
_DPB = pl.BlockSpec((NC, 1000, DW), lambda i: (0, i, 0))
_WMAT = pl.BlockSpec((D, D), lambda i: (0, 0))
_BIAS = pl.BlockSpec((8, D), lambda i: (0, 0))
_OUT_SDS = jax.ShapeDtypeStruct((N, D), jnp.float32)


def _dinv(dp_ref):
    return lax.rsqrt(1.0 + dp_ref[0][:, 0:1] + dp_ref[1][:, 0:1])


def _tc_first_body(dp_ref, x_ref, w_ref, y_ref):
    dv = _dinv(dp_ref)
    y_ref[...] = jnp.dot(x_ref[...], w_ref[...],
                         preferred_element_type=jnp.float32) * dv


_tc_first = pl.pallas_call(
    _tc_first_body,
    grid=(_GRID,),
    in_specs=[_DPB, _ROWS, _WMAT],
    out_specs=_ROWS,
    out_shape=_OUT_SDS,
)


def _tc_mid_body(dp_ref, sp_ref, y_ref, b_ref, w_ref, o_ref):
    dv = _dinv(dp_ref)
    h = dv * (sp_ref[0] + sp_ref[1] + y_ref[...]) + b_ref[0:1, :]
    h = jnp.maximum(h, 0.0)
    o_ref[...] = jnp.dot(h, w_ref[...], preferred_element_type=jnp.float32) * dv


_tc_mid = pl.pallas_call(
    _tc_mid_body,
    grid=(_GRID,),
    in_specs=[_DPB, _SPB, _ROWS, _BIAS, _WMAT],
    out_specs=_ROWS,
    out_shape=_OUT_SDS,
)


def _tc_last_body(dp_ref, sp_ref, y_ref, b3_ref, wd1_ref, bd1_ref, wd2_ref,
                  bd2_ref, o_ref):
    dv = _dinv(dp_ref)
    h = dv * (sp_ref[0] + sp_ref[1] + y_ref[...]) + b3_ref[0:1, :]
    h = jnp.maximum(h, 0.0)
    h = jnp.dot(h, wd1_ref[...], preferred_element_type=jnp.float32)
    h = jnp.maximum(h + bd1_ref[0:1, :], 0.0)
    z = jnp.dot(h, wd2_ref[...], preferred_element_type=jnp.float32)
    o_ref[...] = jax.nn.sigmoid(z + bd2_ref[0:1, :])


_tc_last = pl.pallas_call(
    _tc_last_body,
    grid=(_GRID,),
    in_specs=[_DPB, _SPB, _ROWS, _BIAS, _WMAT, _BIAS, _WMAT, _BIAS],
    out_specs=_ROWS,
    out_shape=_OUT_SDS,
)


def _bias8(b):
    return jnp.broadcast_to(b.reshape(1, -1), (8, b.shape[0]))


def kernel(x, edge_index, W1, b1, W2, b2, W3, b3, Wd1, bd1, Wd2, bd2):
    src = edge_index[0].astype(jnp.int32)
    dst = edge_index[1].astype(jnp.int32)
    npad = EPAD - E
    pidx = jnp.arange(npad, dtype=jnp.int32)
    srcp = jnp.concatenate([src, (pidx * 97) % N]).reshape(NW, NCHUNK, K)
    dstp = jnp.concatenate([dst, N + (pidx % NJUNK)]).reshape(NW, NCHUNK, K)
    ones8_t = jnp.ones((K, DW), jnp.float32)
    zeros8_t = jnp.zeros((K, DW), jnp.float32)
    zeros_t = jnp.zeros((K, D), jnp.float32)

    dp = _deg_kernel(dstp, ones8_t, zeros8_t)

    b1b, b2b, b3b, bd1b = _bias8(b1), _bias8(b2), _bias8(b3), _bias8(bd1)
    wd2p = jnp.pad(Wd2, ((0, 0), (0, D - Wd2.shape[1])))
    bd2b = jnp.broadcast_to(bd2.reshape(1, 1), (8, D))

    y1 = _tc_first(dp, x, W1)
    s1 = _scat_kernel(y1, srcp, dstp, zeros_t)
    y2 = _tc_mid(dp, s1, y1, b1b, W2)
    s2 = _scat_kernel(y2, srcp, dstp, zeros_t)
    y3 = _tc_mid(dp, s2, y2, b2b, W3)
    s3 = _scat_kernel(y3, srcp, dstp, zeros_t)
    out = _tc_last(dp, s3, y3, b3b, Wd1, bd1b, wd2p, bd2b)
    return out[:, :1]

# --- scband reference (transcript-rebuilt; emitter-appended) ---
"""Pipeline reference for scband-gcnactor-87797721465076 (READ-ONLY COPY).

The authoritative reference and input builder live on the scoring server;
editing this copy changes nothing except your own understanding.
"""

import jax, jax.numpy as jnp
import numpy as np

N_NODES = 10000
N_EDGES = 320000
D_IN = 128
D_HID = 128
D_OUT = 1


def setup_inputs(seed: int = 0) -> dict:
    key = jax.random.key(seed)
    ks = jax.random.split(key, 16)
    x = jax.random.normal(ks[0], (N_NODES, D_IN), dtype=jnp.float32)
    edge_index = jax.random.randint(ks[1], (2, N_EDGES), 0, N_NODES, dtype=jnp.int64)
    def glorot(k, fan_in, fan_out):
        lim = jnp.sqrt(6.0 / (fan_in + fan_out))
        return jax.random.uniform(k, (fan_in, fan_out), dtype=jnp.float32, minval=-lim, maxval=lim)
    W1 = glorot(ks[2], D_IN, D_HID)
    b1 = jnp.zeros((D_HID,), dtype=jnp.float32)
    W2 = glorot(ks[3], D_HID, D_HID)
    b2 = jnp.zeros((D_HID,), dtype=jnp.float32)
    W3 = glorot(ks[4], D_HID, D_HID)
    b3 = jnp.zeros((D_HID,), dtype=jnp.float32)
    Wd1 = glorot(ks[5], D_HID, D_HID)
    bd1 = jnp.zeros((D_HID,), dtype=jnp.float32)
    Wd2 = glorot(ks[6], D_HID, D_OUT)
    bd2 = jnp.zeros((D_OUT,), dtype=jnp.float32)
    return {"x": x, "edge_index": edge_index, "W1": W1, "b1": b1, "W2": W2, "b2": b2, "W3": W3, "b3": b3, "Wd1": Wd1, "bd1": bd1, "Wd2": Wd2, "bd2": bd2}


def gcn_conv(x, edge_index, W, b):
    # PyG GCNConv: add self-loops, symmetric normalization, x @ W, scatter-add, + bias
    num_nodes = x.shape[0]
    loop = jnp.arange(num_nodes, dtype=edge_index.dtype)
    src = jnp.concatenate([edge_index[0], loop])
    dst = jnp.concatenate([edge_index[1], loop])
    deg = jnp.zeros((num_nodes,), dtype=x.dtype).at[dst].add(1.0)
    deg_inv_sqrt = jnp.where(deg > 0, jax.lax.rsqrt(deg), 0.0)
    norm = deg_inv_sqrt[src] * deg_inv_sqrt[dst]
    xw = x @ W
    msgs = jnp.take(xw, src, axis=0) * norm[:, None]
    out = jnp.zeros((num_nodes, W.shape[1]), dtype=x.dtype).at[dst].add(msgs)
    return out + b


def reference(x, edge_index, W1, b1, W2, b2, W3, b3, Wd1, bd1, Wd2, bd2):
    h = jax.nn.relu(gcn_conv(x, edge_index, W1, b1))
    h = jax.nn.relu(gcn_conv(h, edge_index, W2, b2))
    h = jax.nn.relu(gcn_conv(h, edge_index, W3, b3))
    h = jax.nn.relu(h @ Wd1 + bd1)
    out = jax.nn.sigmoid(h @ Wd2 + bd2)
    return out

if __name__ == "__main__":
    import jax
    _d = setup_inputs()
    print(jax.jit(kernel)(*tuple(_d.values())))

</pallas_src>

<mosaic_0001>
#map = affine_map<(d0, d1) -> (0, 0)>
#map1 = affine_map<(d0, d1) -> (0, 0, 0)>
module attributes {stable_mosaic.version = 14 : i64} {
  func.func @_scat_kernel(%arg0: i32, %arg1: i32, %arg2: memref<10000x128xf32, #tpu.memory_space<hbm>>, %arg3: memref<32x80x128xi32, #tpu.memory_space<hbm>>, %arg4: memref<32x80x128xi32, #tpu.memory_space<hbm>>, %arg5: memref<128x128xf32, #tpu.memory_space<hbm>>, %arg6: memref<2x10112x128xf32, #tpu.memory_space<hbm>>, %arg7: memref<40x128xi32, #tpu.memory_space<vmem>>, %arg8: memref<40x128xi32, #tpu.memory_space<vmem>>, %arg9: memref<128x128xf32, #tpu.memory_space<vmem>>, %arg10: memref<128x128xf32, #tpu.memory_space<vmem>>, %arg11: memref<10112x128xf32, #tpu.memory_space<vmem_shared>>, %arg12: memref<!tpu.dma_semaphore, #tpu.memory_space<semaphore_mem>>, %arg13: memref<!tpu.dma_semaphore, #tpu.memory_space<semaphore_mem>>) attributes {dimension_semantics = [#tpu.dimension_semantics<core_parallel>, #tpu.dimension_semantics<subcore_parallel>], iteration_bounds = array<i64: 2, 16>, scalar_prefetch = 0 : i64, scratch_operands = 7 : i64, tpu.core_type = #tpu.core_type<sc_vector_subcore>, window_params = [{transform_indices = #map}, {transform_indices = #map1}, {transform_indices = #map1}, {transform_indices = #map}, {transform_indices = #map1}]} {
    %mul3A = arith.constant 2 : i32
    %mul3A_0 = arith.muli %arg1, %mul3A : i32
    %add3A = arith.addi %mul3A_0, %arg0 : i32
    "tpu.region"() ({
      %run_scoped3A_112 = tpu.sem_alloc : memref<!tpu.dma_semaphore, #tpu.memory_space<semaphore_mem>>
      tpu.enqueue_dma source(%arg5 : memref<128x128xf32, #tpu.memory_space<hbm>>) target(%arg9 : memref<128x128xf32, #tpu.memory_space<vmem>>) target_semaphore(%run_scoped3A_112 : memref<!tpu.dma_semaphore, #tpu.memory_space<semaphore_mem>>)
      tpu.wait_dma2 semaphore(%run_scoped3A_112 : memref<!tpu.dma_semaphore, #tpu.memory_space<semaphore_mem>>) src(%arg5 : memref<128x128xf32, #tpu.memory_space<hbm>>) dst(%arg9 : memref<128x128xf32, #tpu.memory_space<vmem>>)
      tpu.yield
    }) : () -> ()
    %mul3A_1 = arith.constant 632 : i32
    %mul3A_2 = arith.muli %arg1, %mul3A_1 : i32
    %add3A_3 = arith.constant 0 : i32
    %add3A_4 = arith.addi %mul3A_2, %add3A_3 : i32
    "tpu.region"() ({
      %run_scoped3A_112 = tpu.sem_alloc : memref<!tpu.dma_semaphore, #tpu.memory_space<semaphore_mem>>
      %dma_start3A_113 = arith.constant 0 : i32
      %dma_start3A_114 = tpu.memref_slice %arg11[%add3A_4, %dma_start3A_113] : memref<10112x128xf32, #tpu.memory_space<vmem_shared>> -> memref<128x128xf32, #tpu.memory_space<vmem_shared>>
      %dma_start3A_115 = arith.constant 0 : i32
      %dma_start3A_116 = tpu.memref_slice %arg11[%add3A_4, %dma_start3A_115] : memref<10112x128xf32, #tpu.memory_space<vmem_shared>> -> memref<128x128xf32, #tpu.memory_space<vmem_shared>>
      tpu.enqueue_dma source(%arg9 : memref<128x128xf32, #tpu.memory_space<vmem>>) target(%dma_start3A_116 : memref<128x128xf32, #tpu.memory_space<vmem_shared>>) target_semaphore(%run_scoped3A_112 : memref<!tpu.dma_semaphore, #tpu.memory_space<semaphore_mem>>)
      %dma_wait3A_117 = arith.constant 0 : i32
      %dma_wait3A_118 = tpu.memref_slice %arg11[%add3A_4, %dma_wait3A_117] : memref<10112x128xf32, #tpu.memory_space<vmem_shared>> -> memref<128x128xf32, #tpu.memory_space<vmem_shared>>
      %dma_wait3A_119 = arith.constant 0 : i32
      %dma_wait3A_120 = tpu.memref_slice %arg11[%add3A_4, %dma_wait3A_119] : memref<10112x128xf32, #tpu.memory_space<vmem_shared>> -> memref<128x128xf32, #tpu.memory_space<vmem_shared>>
      tpu.wait_dma2 semaphore(%run_scoped3A_112 : memref<!tpu.dma_semaphore, #tpu.memory_space<semaphore_mem>>) src(%arg9 : memref<128x128xf32, #tpu.memory_space<vmem>>) dst(%dma_wait3A_120 : memref<128x128xf32, #tpu.memory_space<vmem_shared>>)
      tpu.yield
    }) : () -> ()
    %mul3A_5 = arith.constant 632 : i32
    %mul3A_6 = arith.muli %arg1, %mul3A_5 : i32
    %add3A_7 = arith.constant 128 : i32
    %add3A_8 = arith.addi %mul3A_6, %add3A_7 : i32
    "tpu.region"() ({
      %run_scoped3A_112 = tpu.sem_alloc : memref<!tpu.dma_semaphore, #tpu.memory_space<semaphore_mem>>
      %dma_start3A_113 = arith.constant 0 : i32
      %dma_start3A_114 = tpu.memref_slice %arg11[%add3A_8, %dma_start3A_113] : memref<10112x128xf32, #tpu.memory_space<vmem_shared>> -> memref<128x128xf32, #tpu.memory_space<vmem_shared>>
      %dma_start3A_115 = arith.constant 0 : i32
      %dma_start3A_116 = tpu.memref_slice %arg11[%add3A_8, %dma_start3A_115] : memref<10112x128xf32, #tpu.memory_space<vmem_shared>> -> memref<128x128xf32, #tpu.memory_space<vmem_shared>>
      tpu.enqueue_dma source(%arg9 : memref<128x128xf32, #tpu.memory_space<vmem>>) target(%dma_start3A_116 : memref<128x128xf32, #tpu.memory_space<vmem_shared>>) target_semaphore(%run_scoped3A_112 : memref<!tpu.dma_semaphore, #tpu.memory_space<semaphore_mem>>)
      %dma_wait3A_117 = arith.constant 0 : i32
      %dma_wait3A_118 = tpu.memref_slice %arg11[%add3A_8, %dma_wait3A_117] : memref<10112x128xf32, #tpu.memory_space<vmem_shared>> -> memref<128x128xf32, #tpu.memory_space<vmem_shared>>
      %dma_wait3A_119 = arith.constant 0 : i32
      %dma_wait3A_120 = tpu.memref_slice %arg11[%add3A_8, %dma_wait3A_119] : memref<10112x128xf32, #tpu.memory_space<vmem_shared>> -> memref<128x128xf32, #tpu.memory_space<vmem_shared>>
      tpu.wait_dma2 semaphore(%run_scoped3A_112 : memref<!tpu.dma_semaphore, #tpu.memory_space<semaphore_mem>>) src(%arg9 : memref<128x128xf32, #tpu.memory_space<vmem>>) dst(%dma_wait3A_120 : memref<128x128xf32, #tpu.memory_space<vmem_shared>>)
      tpu.yield
    }) : () -> ()
    %mul3A_9 = arith.constant 632 : i32
    %mul3A_10 = arith.muli %arg1, %mul3A_9 : i32
    %add3A_11 = arith.constant 256 : i32
    %add3A_12 = arith.addi %mul3A_10, %add3A_11 : i32
    "tpu.region"() ({
      %run_scoped3A_112 = tpu.sem_alloc : memref<!tpu.dma_semaphore, #tpu.memory_space<semaphore_mem>>
      %dma_start3A_113 = arith.constant 0 : i32
      %dma_start3A_114 = tpu.memref_slice %arg11[%add3A_12, %dma_start3A_113] : memref<10112x128xf32, #tpu.memory_space<vmem_shared>> -> memref<128x128xf32, #tpu.memory_space<vmem_shared>>
      %dma_start3A_115 = arith.constant 0 : i32
      %dma_start3A_116 = tpu.memref_slice %arg11[%add3A_12, %dma_start3A_115] : memref<10112x128xf32, #tpu.memory_space<vmem_shared>> -> memref<128x128xf32, #tpu.memory_space<vmem_shared>>
      tpu.enqueue_dma source(%arg9 : memref<128x128xf32, #tpu.memory_space<vmem>>) target(%dma_start3A_116 : memref<128x128xf32, #tpu.memory_space<vmem_shared>>) target_semaphore(%run_scoped3A_112 : memref<!tpu.dma_semaphore, #tpu.memory_space<semaphore_mem>>)
      %dma_wait3A_117 = arith.constant 0 : i32
      %dma_wait3A_118 = tpu.memref_slice %arg11[%add3A_12, %dma_wait3A_117] : memref<10112x128xf32, #tpu.memory_space<vmem_shared>> -> memref<128x128xf32, #tpu.memory_space<vmem_shared>>
      %dma_wait3A_119 = arith.constant 0 : i32
      %dma_wait3A_120 = tpu.memref_slice %arg11[%add3A_12, %dma_wait3A_119] : memref<10112x128xf32, #tpu.memory_space<vmem_shared>> -> memref<128x128xf32, #tpu.memory_space<vmem_shared>>
      tpu.wait_dma2 semaphore(%run_scoped3A_112 : memref<!tpu.dma_semaphore, #tpu.memory_space<semaphore_mem>>) src(%arg9 : memref<128x128xf32, #tpu.memory_space<vmem>>) dst(%dma_wait3A_120 : memref<128x128xf32, #tpu.memory_space<vmem_shared>>)
      tpu.yield
    }) : () -> ()
    %mul3A_13 = arith.constant 632 : i32
    %mul3A_14 = arith.muli %arg1, %mul3A_13 : i32
    %add3A_15 = arith.constant 384 : i32
    %add3A_16 = arith.addi %mul3A_14, %add3A_15 : i32
    "tpu.region"() ({
      %run_scoped3A_112 = tpu.sem_alloc : memref<!tpu.dma_semaphore, #tpu.memory_space<semaphore_mem>>
      %dma_start3A_113 = arith.constant 0 : i32
      %dma_start3A_114 = tpu.memref_slice %arg11[%add3A_16, %dma_start3A_113] : memref<10112x128xf32, #tpu.memory_space<vmem_shared>> -> memref<128x128xf32, #tpu.memory_space<vmem_shared>>
      %dma_start3A_115 = arith.constant 0 : i32
      %dma_start3A_116 = tpu.memref_slice %arg11[%add3A_16, %dma_start3A_115] : memref<10112x128xf32, #tpu.memory_space<vmem_shared>> -> memref<128x128xf32, #tpu.memory_space<vmem_shared>>
      tpu.enqueue_dma source(%arg9 : memref<128x128xf32, #tpu.memory_space<vmem>>) target(%dma_start3A_116 : memref<128x128xf32, #tpu.memory_space<vmem_shared>>) target_semaphore(%run_scoped3A_112 : memref<!tpu.dma_semaphore, #tpu.memory_space<semaphore_mem>>)
      %dma_wait3A_117 = arith.constant 0 : i32
      %dma_wait3A_118 = tpu.memref_slice %arg11[%add3A_16, %dma_wait3A_117] : memref<10112x128xf32, #tpu.memory_space<vmem_shared>> -> memref<128x128xf32, #tpu.memory_space<vmem_shared>>
      %dma_wait3A_119 = arith.constant 0 : i32
      %dma_wait3A_120 = tpu.memref_slice %arg11[%add3A_16, %dma_wait3A_119] : memref<10112x128xf32, #tpu.memory_space<vmem_shared>> -> memref<128x128xf32, #tpu.memory_space<vmem_shared>>
      tpu.wait_dma2 semaphore(%run_scoped3A_112 : memref<!tpu.dma_semaphore, #tpu.memory_space<semaphore_mem>>) src(%arg9 : memref<128x128xf32, #tpu.memory_space<vmem>>) dst(%dma_wait3A_120 : memref<128x128xf32, #tpu.memory_space<vmem_shared>>)
      tpu.yield
    }) : () -> ()
    %mul3A_17 = arith.constant 632 : i32
    %mul3A_18 = arith.muli %arg1, %mul3A_17 : i32
    %add3A_19 = arith.constant 512 : i32
    %add3A_20 = arith.addi %mul3A_18, %add3A_19 : i32
    "tpu.region"() ({
      %run_scoped3A_112 = tpu.sem_alloc : memref<!tpu.dma_semaphore, #tpu.memory_space<semaphore_mem>>
      %dma_start3A_113 = arith.constant 0 : i32
      %dma_start3A_114 = arith.constant 0 : i32
      %dma_start3A_115 = tpu.memref_slice %arg9[%dma_start3A_113, %dma_start3A_114] : memref<128x128xf32, #tpu.memory_space<vmem>> -> memref<120x128xf32, #tpu.memory_space<vmem>>
      %dma_start3A_116 = arith.constant 0 : i32
      %dma_start3A_117 = tpu.memref_slice %arg11[%add3A_20, %dma_start3A_116] : memref<10112x128xf32, #tpu.memory_space<vmem_shared>> -> memref<120x128xf32, #tpu.memory_space<vmem_shared>>
      %dma_start3A_118 = arith.constant 0 : i32
      %dma_start3A_119 = tpu.memref_slice %arg11[%add3A_20, %dma_start3A_118] : memref<10112x128xf32, #tpu.memory_space<vmem_shared>> -> memref<120x128xf32, #tpu.memory_space<vmem_shared>>
      %dma_start3A_120 = arith.constant 0 : i32
      %dma_start3A_121 = arith.constant 0 : i32
      %dma_start3A_122 = tpu.memref_slice %arg9[%dma_start3A_120, %dma_start3A_121] : memref<128x128xf32, #tpu.memory_space<vmem>> -> memref<120x128xf32, #tpu.memory_space<vmem>>
      tpu.enqueue_dma source(%dma_start3A_122 : memref<120x128xf32, #tpu.memory_space<vmem>>) target(%dma_start3A_119 : memref<120x128xf32, #tpu.memory_space<vmem_shared>>) target_semaphore(%run_scoped3A_112 : memref<!tpu.dma_semaphore, #tpu.memory_space<semaphore_mem>>)
      %dma_wait3A_123 = arith.constant 0 : i32
      %dma_wait3A_124 = arith.constant 0 : i32
      %dma_wait3A_125 = tpu.memref_slice %arg9[%dma_wait3A_123, %dma_wait3A_124] : memref<128x128xf32, #tpu.memory_space<vmem>> -> memref<120x128xf32, #tpu.memory_space<vmem>>
      %dma_wait3A_126 = arith.constant 0 : i32
      %dma_wait3A_127 = tpu.memref_slice %arg11[%add3A_20, %dma_wait3A_126] : memref<10112x128xf32, #tpu.memory_space<vmem_shared>> -> memref<120x128xf32, #tpu.memory_space<vmem_shared>>
      %dma_wait3A_128 = arith.constant 0 : i32
      %dma_wait3A_129 = tpu.memref_slice %arg11[%add3A_20, %dma_wait3A_128] : memref<10112x128xf32, #tpu.memory_space<vmem_shared>> -> memref<120x128xf32, #tpu.memory_space<vmem_shared>>
      %dma_wait3A_130 = arith.constant 0 : i32
      %dma_wait3A_131 = arith.constant 0 : i32
      %dma_wait3A_132 = tpu.memref_slice %arg9[%dma_wait3A_130, %dma_wait3A_131] : memref<128x128xf32, #tpu.memory_space<vmem>> -> memref<120x128xf32, #tpu.memory_space<vmem>>
      tpu.wait_dma2 semaphore(%run_scoped3A_112 : memref<!tpu.dma_semaphore, #tpu.memory_space<semaphore_mem>>) src(%dma_wait3A_132 : memref<120x128xf32, #tpu.memory_space<vmem>>) dst(%dma_wait3A_129 : memref<120x128xf32, #tpu.memory_space<vmem_shared>>)
      tpu.yield
    }) : () -> ()
    %barrier3A = arith.constant 0 : index
    tpu.barrier barrier_id(%barrier3A)
    "tpu.region"() ({
      %run_scoped3A_112 = tpu.sem_alloc : memref<!tpu.dma_semaphore, #tpu.memory_space<semaphore_mem>>
      %dma_start3A_113 = arith.constant 0 : i32
      %dma_start3A_114 = arith.constant 0 : i32
      %dma_start3A_115 = tpu.memref_slice %arg3[%add3A, %dma_start3A_113, %dma_start3A_114] : memref<32x80x128xi32, #tpu.memory_space<hbm>> -> memref<1x40x128xi32, #tpu.memory_space<hbm>>
      %dma_start3A_116 = tpu.memref_squeeze %dma_start3A_115 : memref<1x40x128xi32, #tpu.memory_space<hbm>> -> memref<40x128xi32, #tpu.memory_space<hbm>>
      %dma_start3A_117 = arith.constant 0 : i32
      %dma_start3A_118 = arith.constant 0 : i32
      %dma_start3A_119 = tpu.memref_slice %arg3[%add3A, %dma_start3A_117, %dma_start3A_118] : memref<32x80x128xi32, #tpu.memory_space<hbm>> -> memref<1x40x128xi32, #tpu.memory_space<hbm>>
      %dma_start3A_120 = tpu.memref_squeeze %dma_start3A_119 : memref<1x40x128xi32, #tpu.memory_space<hbm>> -> memref<40x128xi32, #tpu.memory_space<hbm>>
      tpu.enqueue_dma source(%dma_start3A_120 : memref<40x128xi32, #tpu.memory_space<hbm>>) target(%arg7 : memref<40x128xi32, #tpu.memory_space<vmem>>) target_semaphore(%run_scoped3A_112 : memref<!tpu.dma_semaphore, #tpu.memory_space<semaphore_mem>>)
      %dma_wait3A_121 = arith.constant 0 : i32
      %dma_wait3A_122 = arith.constant 0 : i32
      %dma_wait3A_123 = tpu.memref_slice %arg3[%add3A, %dma_wait3A_121, %dma_wait3A_122] : memref<32x80x128xi32, #tpu.memory_space<hbm>> -> memref<1x40x128xi32, #tpu.memory_space<hbm>>
      %dma_wait3A_124 = tpu.memref_squeeze %dma_wait3A_123 : memref<1x40x128xi32, #tpu.memory_space<hbm>> -> memref<40x128xi32, #tpu.memory_space<hbm>>
      %dma_wait3A_125 = arith.constant 0 : i32
      %dma_wait3A_126 = arith.constant 0 : i32
      %dma_wait3A_127 = tpu.memref_slice %arg3[%add3A, %dma_wait3A_125, %dma_wait3A_126] : memref<32x80x128xi32, #tpu.memory_space<hbm>> -> memref<1x40x128xi32, #tpu.memory_space<hbm>>
      %dma_wait3A_128 = tpu.memref_squeeze %dma_wait3A_127 : memref<1x40x128xi32, #tpu.memory_space<hbm>> -> memref<40x128xi32, #tpu.memory_space<hbm>>
      tpu.wait_dma2 semaphore(%run_scoped3A_112 : memref<!tpu.dma_semaphore, #tpu.memory_space<semaphore_mem>>) src(%dma_wait3A_128 : memref<40x128xi32, #tpu.memory_space<hbm>>) dst(%arg7 : memref<40x128xi32, #tpu.memory_space<vmem>>)
      tpu.yield
    }) : () -> ()
    "tpu.region"() ({
      %run_scoped3A_112 = tpu.sem_alloc : memref<!tpu.dma_semaphore, #tpu.memory_space<semaphore_mem>>
      %dma_start3A_113 = arith.constant 0 : i32
      %dma_start3A_114 = arith.constant 0 : i32
      %dma_start3A_115 = tpu.memref_slice %arg4[%add3A, %dma_start3A_113, %dma_start3A_114] : memref<32x80x128xi32, #tpu.memory_space<hbm>> -> memref<1x40x128xi32, #tpu.memory_space<hbm>>
      %dma_start3A_116 = tpu.memref_squeeze %dma_start3A_115 : memref<1x40x128xi32, #tpu.memory_space<hbm>> -> memref<40x128xi32, #tpu.memory_space<hbm>>
      %dma_start3A_117 = arith.constant 0 : i32
      %dma_start3A_118 = arith.constant 0 : i32
      %dma_start3A_119 = tpu.memref_slice %arg4[%add3A, %dma_start3A_117, %dma_start3A_118] : memref<32x80x128xi32, #tpu.memory_space<hbm>> -> memref<1x40x128xi32, #tpu.memory_space<hbm>>
      %dma_start3A_120 = tpu.memref_squeeze %dma_start3A_119 : memref<1x40x128xi32, #tpu.memory_space<hbm>> -> memref<40x128xi32, #tpu.memory_space<hbm>>
      tpu.enqueue_dma source(%dma_start3A_120 : memref<40x128xi32, #tpu.memory_space<hbm>>) target(%arg8 : memref<40x128xi32, #tpu.memory_space<vmem>>) target_semaphore(%run_scoped3A_112 : memref<!tpu.dma_semaphore, #tpu.memory_space<semaphore_mem>>)
      %dma_wait3A_121 = arith.constant 0 : i32
      %dma_wait3A_122 = arith.constant 0 : i32
      %dma_wait3A_123 = tpu.memref_slice %arg4[%add3A, %dma_wait3A_121, %dma_wait3A_122] : memref<32x80x128xi32, #tpu.memory_space<hbm>> -> memref<1x40x128xi32, #tpu.memory_space<hbm>>
      %dma_wait3A_124 = tpu.memref_squeeze %dma_wait3A_123 : memref<1x40x128xi32, #tpu.memory_space<hbm>> -> memref<40x128xi32, #tpu.memory_space<hbm>>
      %dma_wait3A_125 = arith.constant 0 : i32
      %dma_wait3A_126 = arith.constant 0 : i32
      %dma_wait3A_127 = tpu.memref_slice %arg4[%add3A, %dma_wait3A_125, %dma_wait3A_126] : memref<32x80x128xi32, #tpu.memory_space<hbm>> -> memref<1x40x128xi32, #tpu.memory_space<hbm>>
      %dma_wait3A_128 = tpu.memref_squeeze %dma_wait3A_127 : memref<1x40x128xi32, #tpu.memory_space<hbm>> -> memref<40x128xi32, #tpu.memory_space<hbm>>
      tpu.wait_dma2 semaphore(%run_scoped3A_112 : memref<!tpu.dma_semaphore, #tpu.memory_space<semaphore_mem>>) src(%dma_wait3A_128 : memref<40x128xi32, #tpu.memory_space<hbm>>) dst(%arg8 : memref<40x128xi32, #tpu.memory_space<vmem>>)
      tpu.yield
    }) : () -> ()
    %dma_start3A = arith.constant 0 : i32
    %dma_start3A_21 = arith.constant 0 : i32
    %dma_start3A_22 = tpu.memref_slice %arg7[%dma_start3A, %dma_start3A_21] : memref<40x128xi32, #tpu.memory_space<vmem>> -> memref<1x128xi32, #tpu.memory_space<vmem>>
    %dma_start3A_23 = tpu.memref_squeeze %dma_start3A_22 : memref<1x128xi32, #tpu.memory_space<vmem>> -> memref<128xi32, #tpu.memory_space<vmem>>
    %dma_start3A_24 = arith.constant 0 : i32
    %dma_start3A_25 = arith.constant 0 : i32
    %dma_start3A_26 = tpu.memref_slice %arg2[%dma_start3A_24, %dma_start3A_25] : memref<10000x128xf32, #tpu.memory_space<hbm>> -> memref<10000x128xf32, #tpu.memory_space<hbm>>
    tpu.enqueue_indirect_dma source(%dma_start3A_26 : memref<10000x128xf32, #tpu.memory_space<hbm>>) target(%arg9 : memref<128x128xf32, #tpu.memory_space<vmem>>) offsets(%dma_start3A_23 : memref<128xi32, #tpu.memory_space<vmem>>) semaphore(%arg12 : memref<!tpu.dma_semaphore, #tpu.memory_space<semaphore_mem>>)
    %scan3A = arith.constant 0 : i32
    %scan3A_27 = arith.constant 0 : i32
    %scan3A_28 = arith.constant 19 : i32
    %scan3A_29 = arith.addi %scan3A_27, %scan3A_28 : i32
    %scan3A_30 = arith.constant 1 : i32
    scf.for %scan3A_112 = %scan3A_27 to %scan3A_29 step %scan3A_30  : i32 {
      %mul3A_113 = arith.constant 2 : i32
      %mul3A_114 = arith.muli %mul3A_113, %scan3A_112 : i32
      %add3A_115 = arith.constant 1 : i32
      %add3A_116 = arith.addi %mul3A_114, %add3A_115 : i32
      %dma_start3A_117 = arith.constant 0 : i32
      %dma_start3A_118 = tpu.memref_slice %arg7[%add3A_116, %dma_start3A_117] : memref<40x128xi32, #tpu.memory_space<vmem>> -> memref<1x128xi32, #tpu.memory_space<vmem>>
      %dma_start3A_119 = tpu.memref_squeeze %dma_start3A_118 : memref<1x128xi32, #tpu.memory_space<vmem>> -> memref<128xi32, #tpu.memory_space<vmem>>
      %dma_start3A_120 = arith.constant 0 : i32
      %dma_start3A_121 = arith.constant 0 : i32
      %dma_start3A_122 = tpu.memref_slice %arg2[%dma_start3A_120, %dma_start3A_121] : memref<10000x128xf32, #tpu.memory_space<hbm>> -> memref<10000x128xf32, #tpu.memory_space<hbm>>
      tpu.enqueue_indirect_dma source(%dma_start3A_122 : memref<10000x128xf32, #tpu.memory_space<hbm>>) target(%arg10 : memref<128x128xf32, #tpu.memory_space<vmem>>) offsets(%dma_start3A_119 : memref<128xi32, #tpu.memory_space<vmem>>) semaphore(%arg13 : memref<!tpu.dma_semaphore, #tpu.memory_space<semaphore_mem>>)
      %dma_wait3A_123 = arith.constant 0 : i32
      %dma_wait3A_124 = tpu.memref_slice %arg7[%mul3A_114, %dma_wait3A_123] : memref<40x128xi32, #tpu.memory_space<vmem>> -> memref<1x128xi32, #tpu.memory_space<vmem>>
      %dma_wait3A_125 = tpu.memref_squeeze %dma_wait3A_124 : memref<1x128xi32, #tpu.memory_space<vmem>> -> memref<128xi32, #tpu.memory_space<vmem>>
      %dma_wait3A_126 = arith.constant 0 : i32
      %dma_wait3A_127 = arith.constant 0 : i32
      %dma_wait3A_128 = tpu.memref_slice %arg2[%dma_wait3A_126, %dma_wait3A_127] : memref<10000x128xf32, #tpu.memory_space<hbm>> -> memref<10000x128xf32, #tpu.memory_space<hbm>>
      tpu.wait_indirect_dma semaphore(%arg12 : memref<!tpu.dma_semaphore, #tpu.memory_space<semaphore_mem>>) src(%dma_wait3A_128 : memref<10000x128xf32, #tpu.memory_space<hbm>>) dst(%arg9 : memref<128x128xf32, #tpu.memory_space<vmem>>)
      "tpu.region"() ({
        %run_scoped3A_147 = tpu.sem_alloc : memref<!tpu.dma_semaphore, #tpu.memory_space<semaphore_mem>>
        %dma_start3A_148 = arith.constant 0 : i32
        %dma_start3A_149 = tpu.memref_slice %arg8[%mul3A_114, %dma_start3A_148] : memref<40x128xi32, #tpu.memory_space<vmem>> -> memref<1x128xi32, #tpu.memory_space<vmem>>
        %dma_start3A_150 = tpu.memref_squeeze %dma_start3A_149 : memref<1x128xi32, #tpu.memory_space<vmem>> -> memref<128xi32, #tpu.memory_space<vmem>>
        %dma_start3A_151 = arith.constant 0 : i32
        %dma_start3A_152 = arith.constant 0 : i32
        %dma_start3A_153 = tpu.memref_slice %arg11[%dma_start3A_151, %dma_start3A_152] : memref<10112x128xf32, #tpu.memory_space<vmem_shared>> -> memref<10112x128xf32, #tpu.memory_space<vmem_shared>>
        tpu.enqueue_indirect_dma source(%arg9 : memref<128x128xf32, #tpu.memory_space<vmem>>) target(%dma_start3A_153 : memref<10112x128xf32, #tpu.memory_space<vmem_shared>>) offsets(%dma_start3A_150 : memref<128xi32, #tpu.memory_space<vmem>>) semaphore(%run_scoped3A_147 : memref<!tpu.dma_semaphore, #tpu.memory_space<semaphore_mem>>) {add = true}
        %dma_wait3A_154 = arith.constant 0 : i32
        %dma_wait3A_155 = tpu.memref_slice %arg8[%mul3A_114, %dma_wait3A_154] : memref<40x128xi32, #tpu.memory_space<vmem>> -> memref<1x128xi32, #tpu.memory_space<vmem>>
        %dma_wait3A_156 = tpu.memref_squeeze %dma_wait3A_155 : memref<1x128xi32, #tpu.memory_space<vmem>> -> memref<128xi32, #tpu.memory_space<vmem>>
        %dma_wait3A_157 = arith.constant 0 : i32
        %dma_wait3A_158 = arith.constant 0 : i32
        %dma_wait3A_159 = tpu.memref_slice %arg11[%dma_wait3A_157, %dma_wait3A_158] : memref<10112x128xf32, #tpu.memory_space<vmem_shared>> -> memref<10112x128xf32, #tpu.memory_space<vmem_shared>>
        tpu.wait_indirect_dma semaphore(%run_scoped3A_147 : memref<!tpu.dma_semaphore, #tpu.memory_space<semaphore_mem>>) src(%arg9 : memref<128x128xf32, #tpu.memory_space<vmem>>) dst(%dma_wait3A_159 : memref<10112x128xf32, #tpu.memory_space<vmem_shared>>)
        tpu.yield
      }) : () -> ()
      %add3A_129 = arith.constant 2 : i32
      %add3A_130 = arith.addi %mul3A_114, %add3A_129 : i32
      %dma_start3A_131 = arith.constant 0 : i32
      %dma_start3A_132 = tpu.memref_slice %arg7[%add3A_130, %dma_start3A_131] : memref<40x128xi32, #tpu.memory_space<vmem>> -> memref<1x128xi32, #tpu.memory_space<vmem>>
      %dma_start3A_133 = tpu.memref_squeeze %dma_start3A_132 : memref<1x128xi32, #tpu.memory_space<vmem>> -> memref<128xi32, #tpu.memory_space<vmem>>
      %dma_start3A_134 = arith.constant 0 : i32
      %dma_start3A_135 = arith.constant 0 : i32
      %dma_start3A_136 = tpu.memref_slice %arg2[%dma_start3A_134, %dma_start3A_135] : memref<10000x128xf32, #tpu.memory_space<hbm>> -> memref<10000x128xf32, #tpu.memory_space<hbm>>
      tpu.enqueue_indirect_dma source(%dma_start3A_136 : memref<10000x128xf32, #tpu.memory_space<hbm>>) target(%arg9 : memref<128x128xf32, #tpu.memory_space<vmem>>) offsets(%dma_start3A_133 : memref<128xi32, #tpu.memory_space<vmem>>) semaphore(%arg12 : memref<!tpu.dma_semaphore, #tpu.memory_space<semaphore_mem>>)
      %add3A_137 = arith.constant 1 : i32
      %add3A_138 = arith.addi %mul3A_114, %add3A_137 : i32
      %dma_wait3A_139 = arith.constant 0 : i32
      %dma_wait3A_140 = tpu.memref_slice %arg7[%add3A_138, %dma_wait3A_139] : memref<40x128xi32, #tpu.memory_space<vmem>> -> memref<1x128xi32, #tpu.memory_space<vmem>>
      %dma_wait3A_141 = tpu.memref_squeeze %dma_wait3A_140 : memref<1x128xi32, #tpu.memory_space<vmem>> -> memref<128xi32, #tpu.memory_space<vmem>>
      %dma_wait3A_142 = arith.constant 0 : i32
      %dma_wait3A_143 = arith.constant 0 : i32
      %dma_wait3A_144 = tpu.memref_slice %arg2[%dma_wait3A_142, %dma_wait3A_143] : memref<10000x128xf32, #tpu.memory_space<hbm>> -> memref<10000x128xf32, #tpu.memory_space<hbm>>
      tpu.wait_indirect_dma semaphore(%arg13 : memref<!tpu.dma_semaphore, #tpu.memory_space<semaphore_mem>>) src(%dma_wait3A_144 : memref<10000x128xf32, #tpu.memory_space<hbm>>) dst(%arg10 : memref<128x128xf32, #tpu.memory_space<vmem>>)
      %add3A_145 = arith.constant 1 : i32
      %add3A_146 = arith.addi %mul3A_114, %add3A_145 : i32
      "tpu.region"() ({
        %run_scoped3A_147 = tpu.sem_alloc : memref<!tpu.dma_semaphore, #tpu.memory_space<semaphore_mem>>
        %dma_start3A_148 = arith.constant 0 : i32
        %dma_start3A_149 = tpu.memref_slice %arg8[%add3A_146, %dma_start3A_148] : memref<40x128xi32, #tpu.memory_space<vmem>> -> memref<1x128xi32, #tpu.memory_space<vmem>>
        %dma_start3A_150 = tpu.memref_squeeze %dma_start3A_149 : memref<1x128xi32, #tpu.memory_space<vmem>> -> memref<128xi32, #tpu.memory_space<vmem>>
        %dma_start3A_151 = arith.constant 0 : i32
        %dma_start3A_152 = arith.constant 0 : i32
        %dma_start3A_153 = tpu.memref_slice %arg11[%dma_start3A_151, %dma_start3A_152] : memref<10112x128xf32, #tpu.memory_space<vmem_shared>> -> memref<10112x128xf32, #tpu.memory_space<vmem_shared>>
        tpu.enqueue_indirect_dma source(%arg10 : memref<128x128xf32, #tpu.memory_space<vmem>>) target(%dma_start3A_153 : memref<10112x128xf32, #tpu.memory_space<vmem_shared>>) offsets(%dma_start3A_150 : memref<128xi32, #tpu.memory_space<vmem>>) semaphore(%run_scoped3A_147 : memref<!tpu.dma_semaphore, #tpu.memory_space<semaphore_mem>>) {add = true}
        %dma_wait3A_154 = arith.constant 0 : i32
        %dma_wait3A_155 = tpu.memref_slice %arg8[%add3A_146, %dma_wait3A_154] : memref<40x128xi32, #tpu.memory_space<vmem>> -> memref<1x128xi32, #tpu.memory_space<vmem>>
        %dma_wait3A_156 = tpu.memref_squeeze %dma_wait3A_155 : memref<1x128xi32, #tpu.memory_space<vmem>> -> memref<128xi32, #tpu.memory_space<vmem>>
        %dma_wait3A_157 = arith.constant 0 : i32
        %dma_wait3A_158 = arith.constant 0 : i32
        %dma_wait3A_159 = tpu.memref_slice %arg11[%dma_wait3A_157, %dma_wait3A_158] : memref<10112x128xf32, #tpu.memory_space<vmem_shared>> -> memref<10112x128xf32, #tpu.memory_space<vmem_shared>>
        tpu.wait_indirect_dma semaphore(%run_scoped3A_147 : memref<!tpu.dma_semaphore, #tpu.memory_space<semaphore_mem>>) src(%arg10 : memref<128x128xf32, #tpu.memory_space<vmem>>) dst(%dma_wait3A_159 : memref<10112x128xf32, #tpu.memory_space<vmem_shared>>)
        tpu.yield
      }) : () -> ()
    }
    %scan3A_31 = arith.constant 19 : i32
    %dma_start3A_32 = arith.constant 39 : i32
    %dma_start3A_33 = arith.constant 0 : i32
    %dma_start3A_34 = tpu.memref_slice %arg7[%dma_start3A_32, %dma_start3A_33] : memref<40x128xi32, #tpu.memory_space<vmem>> -> memref<1x128xi32, #tpu.memory_space<vmem>>
    %dma_start3A_35 = tpu.memref_squeeze %dma_start3A_34 : memref<1x128xi32, #tpu.memory_space<vmem>> -> memref<128xi32, #tpu.memory_space<vmem>>
    %dma_start3A_36 = arith.constant 0 : i32
    %dma_start3A_37 = arith.constant 0 : i32
    %dma_start3A_38 = tpu.memref_slice %arg2[%dma_start3A_36, %dma_start3A_37] : memref<10000x128xf32, #tpu.memory_space<hbm>> -> memref<10000x128xf32, #tpu.memory_space<hbm>>
    tpu.enqueue_indirect_dma source(%dma_start3A_38 : memref<10000x128xf32, #tpu.memory_space<hbm>>) target(%arg10 : memref<128x128xf32, #tpu.memory_space<vmem>>) offsets(%dma_start3A_35 : memref<128xi32, #tpu.memory_space<vmem>>) semaphore(%arg13 : memref<!tpu.dma_semaphore, #tpu.memory_space<semaphore_mem>>)
    %dma_wait3A = arith.constant 38 : i32
    %dma_wait3A_39 = arith.constant 0 : i32
    %dma_wait3A_40 = tpu.memref_slice %arg7[%dma_wait3A, %dma_wait3A_39] : memref<40x128xi32, #tpu.memory_space<vmem>> -> memref<1x128xi32, #tpu.memory_space<vmem>>
    %dma_wait3A_41 = tpu.memref_squeeze %dma_wait3A_40 : memref<1x128xi32, #tpu.memory_space<vmem>> -> memref<128xi32, #tpu.memory_space<vmem>>
    %dma_wait3A_42 = arith.constant 0 : i32
    %dma_wait3A_43 = arith.constant 0 : i32
    %dma_wait3A_44 = tpu.memref_slice %arg2[%dma_wait3A_42, %dma_wait3A_43] : memref<10000x128xf32, #tpu.memory_space<hbm>> -> memref<10000x128xf32, #tpu.memory_space<hbm>>
    tpu.wait_indirect_dma semaphore(%arg12 : memref<!tpu.dma_semaphore, #tpu.memory_space<semaphore_mem>>) src(%dma_wait3A_44 : memref<10000x128xf32, #tpu.memory_space<hbm>>) dst(%arg9 : memref<128x128xf32, #tpu.memory_space<vmem>>)
    %run_scoped3A = arith.constant 38 : i32
    "tpu.region"() ({
      %run_scoped3A_112 = tpu.sem_alloc : memref<!tpu.dma_semaphore, #tpu.memory_space<semaphore_mem>>
      %dma_start3A_113 = arith.constant 0 : i32
      %dma_start3A_114 = tpu.memref_slice %arg8[%run_scoped3A, %dma_start3A_113] : memref<40x128xi32, #tpu.memory_space<vmem>> -> memref<1x128xi32, #tpu.memory_space<vmem>>
      %dma_start3A_115 = tpu.memref_squeeze %dma_start3A_114 : memref<1x128xi32, #tpu.memory_space<vmem>> -> memref<128xi32, #tpu.memory_space<vmem>>
      %dma_start3A_116 = arith.constant 0 : i32
      %dma_start3A_117 = arith.constant 0 : i32
      %dma_start3A_118 = tpu.memref_slice %arg11[%dma_start3A_116, %dma_start3A_117] : memref<10112x128xf32, #tpu.memory_space<vmem_shared>> -> memref<10112x128xf32, #tpu.memory_space<vmem_shared>>
      tpu.enqueue_indirect_dma source(%arg9 : memref<128x128xf32, #tpu.memory_space<vmem>>) target(%dma_start3A_118 : memref<10112x128xf32, #tpu.memory_space<vmem_shared>>) offsets(%dma_start3A_115 : memref<128xi32, #tpu.memory_space<vmem>>) semaphore(%run_scoped3A_112 : memref<!tpu.dma_semaphore, #tpu.memory_space<semaphore_mem>>) {add = true}
      %dma_wait3A_119 = arith.constant 0 : i32
      %dma_wait3A_120 = tpu.memref_slice %arg8[%run_scoped3A, %dma_wait3A_119] : memref<40x128xi32, #tpu.memory_space<vmem>> -> memref<1x128xi32, #tpu.memory_space<vmem>>
      %dma_wait3A_121 = tpu.memref_squeeze %dma_wait3A_120 : memref<1x128xi32, #tpu.memory_space<vmem>> -> memref<128xi32, #tpu.memory_space<vmem>>
      %dma_wait3A_122 = arith.constant 0 : i32
      %dma_wait3A_123 = arith.constant 0 : i32
      %dma_wait3A_124 = tpu.memref_slice %arg11[%dma_wait3A_122, %dma_wait3A_123] : memref<10112x128xf32, #tpu.memory_space<vmem_shared>> -> memref<10112x128xf32, #tpu.memory_space<vmem_shared>>
      tpu.wait_indirect_dma semaphore(%run_scoped3A_112 : memref<!tpu.dma_semaphore, #tpu.memory_space<semaphore_mem>>) src(%arg9 : memref<128x128xf32, #tpu.memory_space<vmem>>) dst(%dma_wait3A_124 : memref<10112x128xf32, #tpu.memory_space<vmem_shared>>)
      tpu.yield
    }) : () -> ()
    %dma_wait3A_45 = arith.constant 39 : i32
    %dma_wait3A_46 = arith.constant 0 : i32
    %dma_wait3A_47 = tpu.memref_slice %arg7[%dma_wait3A_45, %dma_wait3A_46] : memref<40x128xi32, #tpu.memory_space<vmem>> -> memref<1x128xi32, #tpu.memory_space<vmem>>
    %dma_wait3A_48 = tpu.memref_squeeze %dma_wait3A_47 : memref<1x128xi32, #tpu.memory_space<vmem>> -> memref<128xi32, #tpu.memory_space<vmem>>
    %dma_wait3A_49 = arith.constant 0 : i32
    %dma_wait3A_50 = arith.constant 0 : i32
    %dma_wait3A_51 = tpu.memref_slice %arg2[%dma_wait3A_49, %dma_wait3A_50] : memref<10000x128xf32, #tpu.memory_space<hbm>> -> memref<10000x128xf32, #tpu.memory_space<hbm>>
    tpu.wait_indirect_dma semaphore(%arg13 : memref<!tpu.dma_semaphore, #tpu.memory_space<semaphore_mem>>) src(%dma_wait3A_51 : memref<10000x128xf32, #tpu.memory_space<hbm>>) dst(%arg10 : memref<128x128xf32, #tpu.memory_space<vmem>>)
    %run_scoped3A_52 = arith.constant 39 : i32
    "tpu.region"() ({
      %run_scoped3A_112 = tpu.sem_alloc : memref<!tpu.dma_semaphore, #tpu.memory_space<semaphore_mem>>
      %dma_start3A_113 = arith.constant 0 : i32
      %dma_start3A_114 = tpu.memref_slice %arg8[%run_scoped3A_52, %dma_start3A_113] : memref<40x128xi32, #tpu.memory_space<vmem>> -> memref<1x128xi32, #tpu.memory_space<vmem>>
      %dma_start3A_115 = tpu.memref_squeeze %dma_start3A_114 : memref<1x128xi32, #tpu.memory_space<vmem>> -> memref<128xi32, #tpu.memory_space<vmem>>
      %dma_start3A_116 = arith.constant 0 : i32
      %dma_start3A_117 = arith.constant 0 : i32
      %dma_start3A_118 = tpu.memref_slice %arg11[%dma_start3A_116, %dma_start3A_117] : memref<10112x128xf32, #tpu.memory_space<vmem_shared>> -> memref<10112x128xf32, #tpu.memory_space<vmem_shared>>
      tpu.enqueue_indirect_dma source(%arg10 : memref<128x128xf32, #tpu.memory_space<vmem>>) target(%dma_start3A_118 : memref<10112x128xf32, #tpu.memory_space<vmem_shared>>) offsets(%dma_start3A_115 : memref<128xi32, #tpu.memory_space<vmem>>) semaphore(%run_scoped3A_112 : memref<!tpu.dma_semaphore, #tpu.memory_space<semaphore_mem>>) {add = true}
      %dma_wait3A_119 = arith.constant 0 : i32
      %dma_wait3A_120 = tpu.memref_slice %arg8[%run_scoped3A_52, %dma_wait3A_119] : memref<40x128xi32, #tpu.memory_space<vmem>> -> memref<1x128xi32, #tpu.memory_space<vmem>>
      %dma_wait3A_121 = tpu.memref_squeeze %dma_wait3A_120 : memref<1x128xi32, #tpu.memory_space<vmem>> -> memref<128xi32, #tpu.memory_space<vmem>>
      %dma_wait3A_122 = arith.constant 0 : i32
      %dma_wait3A_123 = arith.constant 0 : i32
      %dma_wait3A_124 = tpu.memref_slice %arg11[%dma_wait3A_122, %dma_wait3A_123] : memref<10112x128xf32, #tpu.memory_space<vmem_shared>> -> memref<10112x128xf32, #tpu.memory_space<vmem_shared>>
      tpu.wait_indirect_dma semaphore(%run_scoped3A_112 : memref<!tpu.dma_semaphore, #tpu.memory_space<semaphore_mem>>) src(%arg10 : memref<128x128xf32, #tpu.memory_space<vmem>>) dst(%dma_wait3A_124 : memref<10112x128xf32, #tpu.memory_space<vmem_shared>>)
      tpu.yield
    }) : () -> ()
    "tpu.region"() ({
      %run_scoped3A_112 = tpu.sem_alloc : memref<!tpu.dma_semaphore, #tpu.memory_space<semaphore_mem>>
      %dma_start3A_113 = arith.constant 40 : i32
      %dma_start3A_114 = arith.constant 0 : i32
      %dma_start3A_115 = tpu.memref_slice %arg3[%add3A, %dma_start3A_113, %dma_start3A_114] : memref<32x80x128xi32, #tpu.memory_space<hbm>> -> memref<1x40x128xi32, #tpu.memory_space<hbm>>
      %dma_start3A_116 = tpu.memref_squeeze %dma_start3A_115 : memref<1x40x128xi32, #tpu.memory_space<hbm>> -> memref<40x128xi32, #tpu.memory_space<hbm>>
      %dma_start3A_117 = arith.constant 40 : i32
      %dma_start3A_118 = arith.constant 0 : i32
      %dma_start3A_119 = tpu.memref_slice %arg3[%add3A, %dma_start3A_117, %dma_start3A_118] : memref<32x80x128xi32, #tpu.memory_space<hbm>> -> memref<1x40x128xi32, #tpu.memory_space<hbm>>
      %dma_start3A_120 = tpu.memref_squeeze %dma_start3A_119 : memref<1x40x128xi32, #tpu.memory_space<hbm>> -> memref<40x128xi32, #tpu.memory_space<hbm>>
      tpu.enqueue_dma source(%dma_start3A_120 : memref<40x128xi32, #tpu.memory_space<hbm>>) target(%arg7 : memref<40x128xi32, #tpu.memory_space<vmem>>) target_semaphore(%run_scoped3A_112 : memref<!tpu.dma_semaphore, #tpu.memory_space<semaphore_mem>>)
      %dma_wait3A_121 = arith.constant 40 : i32
      %dma_wait3A_122 = arith.constant 0 : i32
      %dma_wait3A_123 = tpu.memref_slice %arg3[%add3A, %dma_wait3A_121, %dma_wait3A_122] : memref<32x80x128xi32, #tpu.memory_space<hbm>> -> memref<1x40x128xi32, #tpu.memory_space<hbm>>
      %dma_wait3A_124 = tpu.memref_squeeze %dma_wait3A_123 : memref<1x40x128xi32, #tpu.memory_space<hbm>> -> memref<40x128xi32, #tpu.memory_space<hbm>>
      %dma_wait3A_125 = arith.constant 40 : i32
      %dma_wait3A_126 = arith.constant 0 : i32
      %dma_wait3A_127 = tpu.memref_slice %arg3[%add3A, %dma_wait3A_125, %dma_wait3A_126] : memref<32x80x128xi32, #tpu.memory_space<hbm>> -> memref<1x40x128xi32, #tpu.memory_space<hbm>>
      %dma_wait3A_128 = tpu.memref_squeeze %dma_wait3A_127 : memref<1x40x128xi32, #tpu.memory_space<hbm>> -> memref<40x128xi32, #tpu.memory_space<hbm>>
      tpu.wait_dma2 semaphore(%run_scoped3A_112 : memref<!tpu.dma_semaphore, #tpu.memory_space<semaphore_mem>>) src(%dma_wait3A_128 : memref<40x128xi32, #tpu.memory_space<hbm>>) dst(%arg7 : memref<40x128xi32, #tpu.memory_space<vmem>>)
      tpu.yield
    }) : () -> ()
    "tpu.region"() ({
      %run_scoped3A_112 = tpu.sem_alloc : memref<!tpu.dma_semaphore, #tpu.memory_space<semaphore_mem>>
      %dma_start3A_113 = arith.constant 40 : i32
      %dma_start3A_114 = arith.constant 0 : i32
      %dma_start3A_115 = tpu.memref_slice %arg4[%add3A, %dma_start3A_113, %dma_start3A_114] : memref<32x80x128xi32, #tpu.memory_space<hbm>> -> memref<1x40x128xi32, #tpu.memory_space<hbm>>
      %dma_start3A_116 = tpu.memref_squeeze %dma_start3A_115 : memref<1x40x128xi32, #tpu.memory_space<hbm>> -> memref<40x128xi32, #tpu.memory_space<hbm>>
      %dma_start3A_117 = arith.constant 40 : i32
      %dma_start3A_118 = arith.constant 0 : i32
      %dma_start3A_119 = tpu.memref_slice %arg4[%add3A, %dma_start3A_117, %dma_start3A_118] : memref<32x80x128xi32, #tpu.memory_space<hbm>> -> memref<1x40x128xi32, #tpu.memory_space<hbm>>
      %dma_start3A_120 = tpu.memref_squeeze %dma_start3A_119 : memref<1x40x128xi32, #tpu.memory_space<hbm>> -> memref<40x128xi32, #tpu.memory_space<hbm>>
      tpu.enqueue_dma source(%dma_start3A_120 : memref<40x128xi32, #tpu.memory_space<hbm>>) target(%arg8 : memref<40x128xi32, #tpu.memory_space<vmem>>) target_semaphore(%run_scoped3A_112 : memref<!tpu.dma_semaphore, #tpu.memory_space<semaphore_mem>>)
      %dma_wait3A_121 = arith.constant 40 : i32
      %dma_wait3A_122 = arith.constant 0 : i32
      %dma_wait3A_123 = tpu.memref_slice %arg4[%add3A, %dma_wait3A_121, %dma_wait3A_122] : memref<32x80x128xi32, #tpu.memory_space<hbm>> -> memref<1x40x128xi32, #tpu.memory_space<hbm>>
      %dma_wait3A_124 = tpu.memref_squeeze %dma_wait3A_123 : memref<1x40x128xi32, #tpu.memory_space<hbm>> -> memref<40x128xi32, #tpu.memory_space<hbm>>
      %dma_wait3A_125 = arith.constant 40 : i32
      %dma_wait3A_126 = arith.constant 0 : i32
      %dma_wait3A_127 = tpu.memref_slice %arg4[%add3A, %dma_wait3A_125, %dma_wait3A_126] : memref<32x80x128xi32, #tpu.memory_space<hbm>> -> memref<1x40x128xi32, #tpu.memory_space<hbm>>
      %dma_wait3A_128 = tpu.memref_squeeze %dma_wait3A_127 : memref<1x40x128xi32, #tpu.memory_space<hbm>> -> memref<40x128xi32, #tpu.memory_space<hbm>>
      tpu.wait_dma2 semaphore(%run_scoped3A_112 : memref<!tpu.dma_semaphore, #tpu.memory_space<semaphore_mem>>) src(%dma_wait3A_128 : memref<40x128xi32, #tpu.memory_space<hbm>>) dst(%arg8 : memref<40x128xi32, #tpu.memory_space<vmem>>)
      tpu.yield
    }) : () -> ()
    %dma_start3A_53 = arith.constant 0 : i32
    %dma_start3A_54 = arith.constant 0 : i32
    %dma_start3A_55 = tpu.memref_slice %arg7[%dma_start3A_53, %dma_start3A_54] : memref<40x128xi32, #tpu.memory_space<vmem>> -> memref<1x128xi32, #tpu.memory_space<vmem>>
    %dma_start3A_56 = tpu.memref_squeeze %dma_start3A_55 : memref<1x128xi32, #tpu.memory_space<vmem>> -> memref<128xi32, #tpu.memory_space<vmem>>
    %dma_start3A_57 = arith.constant 0 : i32
    %dma_start3A_58 = arith.constant 0 : i32
    %dma_start3A_59 = tpu.memref_slice %arg2[%dma_start3A_57, %dma_start3A_58] : memref<10000x128xf32, #tpu.memory_space<hbm>> -> memref<10000x128xf32, #tpu.memory_space<hbm>>
    tpu.enqueue_indirect_dma source(%dma_start3A_59 : memref<10000x128xf32, #tpu.memory_space<hbm>>) target(%arg9 : memref<128x128xf32, #tpu.memory_space<vmem>>) offsets(%dma_start3A_56 : memref<128xi32, #tpu.memory_space<vmem>>) semaphore(%arg12 : memref<!tpu.dma_semaphore, #tpu.memory_space<semaphore_mem>>)
    %scan3A_60 = arith.constant 0 : i32
    %scan3A_61 = arith.constant 0 : i32
    %scan3A_62 = arith.constant 19 : i32
    %scan3A_63 = arith.addi %scan3A_61, %scan3A_62 : i32
    %scan3A_64 = arith.constant 1 : i32
    scf.for %scan3A_112 = %scan3A_61 to %scan3A_63 step %scan3A_64  : i32 {
      %mul3A_113 = arith.constant 2 : i32
      %mul3A_114 = arith.muli %mul3A_113, %scan3A_112 : i32
      %add3A_115 = arith.constant 1 : i32
      %add3A_116 = arith.addi %mul3A_114, %add3A_115 : i32
      %dma_start3A_117 = arith.constant 0 : i32
      %dma_start3A_118 = tpu.memref_slice %arg7[%add3A_116, %dma_start3A_117] : memref<40x128xi32, #tpu.memory_space<vmem>> -> memref<1x128xi32, #tpu.memory_space<vmem>>
      %dma_start3A_119 = tpu.memref_squeeze %dma_start3A_118 : memref<1x128xi32, #tpu.memory_space<vmem>> -> memref<128xi32, #tpu.memory_space<vmem>>
      %dma_start3A_120 = arith.constant 0 : i32
      %dma_start3A_121 = arith.constant 0 : i32
      %dma_start3A_122 = tpu.memref_slice %arg2[%dma_start3A_120, %dma_start3A_121] : memref<10000x128xf32, #tpu.memory_space<hbm>> -> memref<10000x128xf32, #tpu.memory_space<hbm>>
      tpu.enqueue_indirect_dma source(%dma_start3A_122 : memref<10000x128xf32, #tpu.memory_space<hbm>>) target(%arg10 : memref<128x128xf32, #tpu.memory_space<vmem>>) offsets(%dma_start3A_119 : memref<128xi32, #tpu.memory_space<vmem>>) semaphore(%arg13 : memref<!tpu.dma_semaphore, #tpu.memory_space<semaphore_mem>>)
      %dma_wait3A_123 = arith.constant 0 : i32
      %dma_wait3A_124 = tpu.memref_slice %arg7[%mul3A_114, %dma_wait3A_123] : memref<40x128xi32, #tpu.memory_space<vmem>> -> memref<1x128xi32, #tpu.memory_space<vmem>>
      %dma_wait3A_125 = tpu.memref_squeeze %dma_wait3A_124 : memref<1x128xi32, #tpu.memory_space<vmem>> -> memref<128xi32, #tpu.memory_space<vmem>>
      %dma_wait3A_126 = arith.constant 0 : i32
      %dma_wait3A_127 = arith.constant 0 : i32
      %dma_wait3A_128 = tpu.memref_slice %arg2[%dma_wait3A_126, %dma_wait3A_127] : memref<10000x128xf32, #tpu.memory_space<hbm>> -> memref<10000x128xf32, #tpu.memory_space<hbm>>
      tpu.wait_indirect_dma semaphore(%arg12 : memref<!tpu.dma_semaphore, #tpu.memory_space<semaphore_mem>>) src(%dma_wait3A_128 : memref<10000x128xf32, #tpu.memory_space<hbm>>) dst(%arg9 : memref<128x128xf32, #tpu.memory_space<vmem>>)
      "tpu.region"() ({
        %run_scoped3A_147 = tpu.sem_alloc : memref<!tpu.dma_semaphore, #tpu.memory_space<semaphore_mem>>
        %dma_start3A_148 = arith.constant 0 : i32
        %dma_start3A_149 = tpu.memref_slice %arg8[%mul3A_114, %dma_start3A_148] : memref<40x128xi32, #tpu.memory_space<vmem>> -> memref<1x128xi32, #tpu.memory_space<vmem>>
        %dma_start3A_150 = tpu.memref_squeeze %dma_start3A_149 : memref<1x128xi32, #tpu.memory_space<vmem>> -> memref<128xi32, #tpu.memory_space<vmem>>
        %dma_start3A_151 = arith.constant 0 : i32
        %dma_start3A_152 = arith.constant 0 : i32
        %dma_start3A_153 = tpu.memref_slice %arg11[%dma_start3A_151, %dma_start3A_152] : memref<10112x128xf32, #tpu.memory_space<vmem_shared>> -> memref<10112x128xf32, #tpu.memory_space<vmem_shared>>
        tpu.enqueue_indirect_dma source(%arg9 : memref<128x128xf32, #tpu.memory_space<vmem>>) target(%dma_start3A_153 : memref<10112x128xf32, #tpu.memory_space<vmem_shared>>) offsets(%dma_start3A_150 : memref<128xi32, #tpu.memory_space<vmem>>) semaphore(%run_scoped3A_147 : memref<!tpu.dma_semaphore, #tpu.memory_space<semaphore_mem>>) {add = true}
        %dma_wait3A_154 = arith.constant 0 : i32
        %dma_wait3A_155 = tpu.memref_slice %arg8[%mul3A_114, %dma_wait3A_154] : memref<40x128xi32, #tpu.memory_space<vmem>> -> memref<1x128xi32, #tpu.memory_space<vmem>>
        %dma_wait3A_156 = tpu.memref_squeeze %dma_wait3A_155 : memref<1x128xi32, #tpu.memory_space<vmem>> -> memref<128xi32, #tpu.memory_space<vmem>>
        %dma_wait3A_157 = arith.constant 0 : i32
        %dma_wait3A_158 = arith.constant 0 : i32
        %dma_wait3A_159 = tpu.memref_slice %arg11[%dma_wait3A_157, %dma_wait3A_158] : memref<10112x128xf32, #tpu.memory_space<vmem_shared>> -> memref<10112x128xf32, #tpu.memory_space<vmem_shared>>
        tpu.wait_indirect_dma semaphore(%run_scoped3A_147 : memref<!tpu.dma_semaphore, #tpu.memory_space<semaphore_mem>>) src(%arg9 : memref<128x128xf32, #tpu.memory_space<vmem>>) dst(%dma_wait3A_159 : memref<10112x128xf32, #tpu.memory_space<vmem_shared>>)
        tpu.yield
      }) : () -> ()
      %add3A_129 = arith.constant 2 : i32
      %add3A_130 = arith.addi %mul3A_114, %add3A_129 : i32
      %dma_start3A_131 = arith.constant 0 : i32
      %dma_start3A_132 = tpu.memref_slice %arg7[%add3A_130, %dma_start3A_131] : memref<40x128xi32, #tpu.memory_space<vmem>> -> memref<1x128xi32, #tpu.memory_space<vmem>>
      %dma_start3A_133 = tpu.memref_squeeze %dma_start3A_132 : memref<1x128xi32, #tpu.memory_space<vmem>> -> memref<128xi32, #tpu.memory_space<vmem>>
      %dma_start3A_134 = arith.constant 0 : i32
      %dma_start3A_135 = arith.constant 0 : i32
      %dma_start3A_136 = tpu.memref_slice %arg2[%dma_start3A_134, %dma_start3A_135] : memref<10000x128xf32, #tpu.memory_space<hbm>> -> memref<10000x128xf32, #tpu.memory_space<hbm>>
      tpu.enqueue_indirect_dma source(%dma_start3A_136 : memref<10000x128xf32, #tpu.memory_space<hbm>>) target(%arg9 : memref<128x128xf32, #tpu.memory_space<vmem>>) offsets(%dma_start3A_133 : memref<128xi32, #tpu.memory_space<vmem>>) semaphore(%arg12 : memref<!tpu.dma_semaphore, #tpu.memory_space<semaphore_mem>>)
      %add3A_137 = arith.constant 1 : i32
      %add3A_138 = arith.addi %mul3A_114, %add3A_137 : i32
      %dma_wait3A_139 = arith.constant 0 : i32
      %dma_wait3A_140 = tpu.memref_slice %arg7[%add3A_138, %dma_wait3A_139] : memref<40x128xi32, #tpu.memory_space<vmem>> -> memref<1x128xi32, #tpu.memory_space<vmem>>
      %dma_wait3A_141 = tpu.memref_squeeze %dma_wait3A_140 : memref<1x128xi32, #tpu.memory_space<vmem>> -> memref<128xi32, #tpu.memory_space<vmem>>
      %dma_wait3A_142 = arith.constant 0 : i32
      %dma_wait3A_143 = arith.constant 0 : i32
      %dma_wait3A_144 = tpu.memref_slice %arg2[%dma_wait3A_142, %dma_wait3A_143] : memref<10000x128xf32, #tpu.memory_space<hbm>> -> memref<10000x128xf32, #tpu.memory_space<hbm>>
      tpu.wait_indirect_dma semaphore(%arg13 : memref<!tpu.dma_semaphore, #tpu.memory_space<semaphore_mem>>) src(%dma_wait3A_144 : memref<10000x128xf32, #tpu.memory_space<hbm>>) dst(%arg10 : memref<128x128xf32, #tpu.memory_space<vmem>>)
      %add3A_145 = arith.constant 1 : i32
      %add3A_146 = arith.addi %mul3A_114, %add3A_145 : i32
      "tpu.region"() ({
        %run_scoped3A_147 = tpu.sem_alloc : memref<!tpu.dma_semaphore, #tpu.memory_space<semaphore_mem>>
        %dma_start3A_148 = arith.constant 0 : i32
        %dma_start3A_149 = tpu.memref_slice %arg8[%add3A_146, %dma_start3A_148] : memref<40x128xi32, #tpu.memory_space<vmem>> -> memref<1x128xi32, #tpu.memory_space<vmem>>
        %dma_start3A_150 = tpu.memref_squeeze %dma_start3A_149 : memref<1x128xi32, #tpu.memory_space<vmem>> -> memref<128xi32, #tpu.memory_space<vmem>>
        %dma_start3A_151 = arith.constant 0 : i32
        %dma_start3A_152 = arith.constant 0 : i32
        %dma_start3A_153 = tpu.memref_slice %arg11[%dma_start3A_151, %dma_start3A_152] : memref<10112x128xf32, #tpu.memory_space<vmem_shared>> -> memref<10112x128xf32, #tpu.memory_space<vmem_shared>>
        tpu.enqueue_indirect_dma source(%arg10 : memref<128x128xf32, #tpu.memory_space<vmem>>) target(%dma_start3A_153 : memref<10112x128xf32, #tpu.memory_space<vmem_shared>>) offsets(%dma_start3A_150 : memref<128xi32, #tpu.memory_space<vmem>>) semaphore(%run_scoped3A_147 : memref<!tpu.dma_semaphore, #tpu.memory_space<semaphore_mem>>) {add = true}
        %dma_wait3A_154 = arith.constant 0 : i32
        %dma_wait3A_155 = tpu.memref_slice %arg8[%add3A_146, %dma_wait3A_154] : memref<40x128xi32, #tpu.memory_space<vmem>> -> memref<1x128xi32, #tpu.memory_space<vmem>>
        %dma_wait3A_156 = tpu.memref_squeeze %dma_wait3A_155 : memref<1x128xi32, #tpu.memory_space<vmem>> -> memref<128xi32, #tpu.memory_space<vmem>>
        %dma_wait3A_157 = arith.constant 0 : i32
        %dma_wait3A_158 = arith.constant 0 : i32
        %dma_wait3A_159 = tpu.memref_slice %arg11[%dma_wait3A_157, %dma_wait3A_158] : memref<10112x128xf32, #tpu.memory_space<vmem_shared>> -> memref<10112x128xf32, #tpu.memory_space<vmem_shared>>
        tpu.wait_indirect_dma semaphore(%run_scoped3A_147 : memref<!tpu.dma_semaphore, #tpu.memory_space<semaphore_mem>>) src(%arg10 : memref<128x128xf32, #tpu.memory_space<vmem>>) dst(%dma_wait3A_159 : memref<10112x128xf32, #tpu.memory_space<vmem_shared>>)
        tpu.yield
      }) : () -> ()
    }
    %scan3A_65 = arith.constant 19 : i32
    %dma_start3A_66 = arith.constant 39 : i32
    %dma_start3A_67 = arith.constant 0 : i32
    %dma_start3A_68 = tpu.memref_slice %arg7[%dma_start3A_66, %dma_start3A_67] : memref<40x128xi32, #tpu.memory_space<vmem>> -> memref<1x128xi32, #tpu.memory_space<vmem>>
    %dma_start3A_69 = tpu.memref_squeeze %dma_start3A_68 : memref<1x128xi32, #tpu.memory_space<vmem>> -> memref<128xi32, #tpu.memory_space<vmem>>
    %dma_start3A_70 = arith.constant 0 : i32
    %dma_start3A_71 = arith.constant 0 : i32
    %dma_start3A_72 = tpu.memref_slice %arg2[%dma_start3A_70, %dma_start3A_71] : memref<10000x128xf32, #tpu.memory_space<hbm>> -> memref<10000x128xf32, #tpu.memory_space<hbm>>
    tpu.enqueue_indirect_dma source(%dma_start3A_72 : memref<10000x128xf32, #tpu.memory_space<hbm>>) target(%arg10 : memref<128x128xf32, #tpu.memory_space<vmem>>) offsets(%dma_start3A_69 : memref<128xi32, #tpu.memory_space<vmem>>) semaphore(%arg13 : memref<!tpu.dma_semaphore, #tpu.memory_space<semaphore_mem>>)
    %dma_wait3A_73 = arith.constant 38 : i32
    %dma_wait3A_74 = arith.constant 0 : i32
    %dma_wait3A_75 = tpu.memref_slice %arg7[%dma_wait3A_73, %dma_wait3A_74] : memref<40x128xi32, #tpu.memory_space<vmem>> -> memref<1x128xi32, #tpu.memory_space<vmem>>
    %dma_wait3A_76 = tpu.memref_squeeze %dma_wait3A_75 : memref<1x128xi32, #tpu.memory_space<vmem>> -> memref<128xi32, #tpu.memory_space<vmem>>
    %dma_wait3A_77 = arith.constant 0 : i32
    %dma_wait3A_78 = arith.constant 0 : i32
    %dma_wait3A_79 = tpu.memref_slice %arg2[%dma_wait3A_77, %dma_wait3A_78] : memref<10000x128xf32, #tpu.memory_space<hbm>> -> memref<10000x128xf32, #tpu.memory_space<hbm>>
    tpu.wait_indirect_dma semaphore(%arg12 : memref<!tpu.dma_semaphore, #tpu.memory_space<semaphore_mem>>) src(%dma_wait3A_79 : memref<10000x128xf32, #tpu.memory_space<hbm>>) dst(%arg9 : memref<128x128xf32, #tpu.memory_space<vmem>>)
    %run_scoped3A_80 = arith.constant 38 : i32
    "tpu.region"() ({
      %run_scoped3A_112 = tpu.sem_alloc : memref<!tpu.dma_semaphore, #tpu.memory_space<semaphore_mem>>
      %dma_start3A_113 = arith.constant 0 : i32
      %dma_start3A_114 = tpu.memref_slice %arg8[%run_scoped3A_80, %dma_start3A_113] : memref<40x128xi32, #tpu.memory_space<vmem>> -> memref<1x128xi32, #tpu.memory_space<vmem>>
      %dma_start3A_115 = tpu.memref_squeeze %dma_start3A_114 : memref<1x128xi32, #tpu.memory_space<vmem>> -> memref<128xi32, #tpu.memory_space<vmem>>
      %dma_start3A_116 = arith.constant 0 : i32
      %dma_start3A_117 = arith.constant 0 : i32
      %dma_start3A_118 = tpu.memref_slice %arg11[%dma_start3A_116, %dma_start3A_117] : memref<10112x128xf32, #tpu.memory_space<vmem_shared>> -> memref<10112x128xf32, #tpu.memory_space<vmem_shared>>
      tpu.enqueue_indirect_dma source(%arg9 : memref<128x128xf32, #tpu.memory_space<vmem>>) target(%dma_start3A_118 : memref<10112x128xf32, #tpu.memory_space<vmem_shared>>) offsets(%dma_start3A_115 : memref<128xi32, #tpu.memory_space<vmem>>) semaphore(%run_scoped3A_112 : memref<!tpu.dma_semaphore, #tpu.memory_space<semaphore_mem>>) {add = true}
      %dma_wait3A_119 = arith.constant 0 : i32
      %dma_wait3A_120 = tpu.memref_slice %arg8[%run_scoped3A_80, %dma_wait3A_119] : memref<40x128xi32, #tpu.memory_space<vmem>> -> memref<1x128xi32, #tpu.memory_space<vmem>>
      %dma_wait3A_121 = tpu.memref_squeeze %dma_wait3A_120 : memref<1x128xi32, #tpu.memory_space<vmem>> -> memref<128xi32, #tpu.memory_space<vmem>>
      %dma_wait3A_122 = arith.constant 0 : i32
      %dma_wait3A_123 = arith.constant 0 : i32
      %dma_wait3A_124 = tpu.memref_slice %arg11[%dma_wait3A_122, %dma_wait3A_123] : memref<10112x128xf32, #tpu.memory_space<vmem_shared>> -> memref<10112x128xf32, #tpu.memory_space<vmem_shared>>
      tpu.wait_indirect_dma semaphore(%run_scoped3A_112 : memref<!tpu.dma_semaphore, #tpu.memory_space<semaphore_mem>>) src(%arg9 : memref<128x128xf32, #tpu.memory_space<vmem>>) dst(%dma_wait3A_124 : memref<10112x128xf32, #tpu.memory_space<vmem_shared>>)
      tpu.yield
    }) : () -> ()
    %dma_wait3A_81 = arith.constant 39 : i32
    %dma_wait3A_82 = arith.constant 0 : i32
    %dma_wait3A_83 = tpu.memref_slice %arg7[%dma_wait3A_81, %dma_wait3A_82] : memref<40x128xi32, #tpu.memory_space<vmem>> -> memref<1x128xi32, #tpu.memory_space<vmem>>
    %dma_wait3A_84 = tpu.memref_squeeze %dma_wait3A_83 : memref<1x128xi32, #tpu.memory_space<vmem>> -> memref<128xi32, #tpu.memory_space<vmem>>
    %dma_wait3A_85 = arith.constant 0 : i32
    %dma_wait3A_86 = arith.constant 0 : i32
    %dma_wait3A_87 = tpu.memref_slice %arg2[%dma_wait3A_85, %dma_wait3A_86] : memref<10000x128xf32, #tpu.memory_space<hbm>> -> memref<10000x128xf32, #tpu.memory_space<hbm>>
    tpu.wait_indirect_dma semaphore(%arg13 : memref<!tpu.dma_semaphore, #tpu.memory_space<semaphore_mem>>) src(%dma_wait3A_87 : memref<10000x128xf32, #tpu.memory_space<hbm>>) dst(%arg10 : memref<128x128xf32, #tpu.memory_space<vmem>>)
    %run_scoped3A_88 = arith.constant 39 : i32
    "tpu.region"() ({
      %run_scoped3A_112 = tpu.sem_alloc : memref<!tpu.dma_semaphore, #tpu.memory_space<semaphore_mem>>
      %dma_start3A_113 = arith.constant 0 : i32
      %dma_start3A_114 = tpu.memref_slice %arg8[%run_scoped3A_88, %dma_start3A_113] : memref<40x128xi32, #tpu.memory_space<vmem>> -> memref<1x128xi32, #tpu.memory_space<vmem>>
      %dma_start3A_115 = tpu.memref_squeeze %dma_start3A_114 : memref<1x128xi32, #tpu.memory_space<vmem>> -> memref<128xi32, #tpu.memory_space<vmem>>
      %dma_start3A_116 = arith.constant 0 : i32
      %dma_start3A_117 = arith.constant 0 : i32
      %dma_start3A_118 = tpu.memref_slice %arg11[%dma_start3A_116, %dma_start3A_117] : memref<10112x128xf32, #tpu.memory_space<vmem_shared>> -> memref<10112x128xf32, #tpu.memory_space<vmem_shared>>
      tpu.enqueue_indirect_dma source(%arg10 : memref<128x128xf32, #tpu.memory_space<vmem>>) target(%dma_start3A_118 : memref<10112x128xf32, #tpu.memory_space<vmem_shared>>) offsets(%dma_start3A_115 : memref<128xi32, #tpu.memory_space<vmem>>) semaphore(%run_scoped3A_112 : memref<!tpu.dma_semaphore, #tpu.memory_space<semaphore_mem>>) {add = true}
      %dma_wait3A_119 = arith.constant 0 : i32
      %dma_wait3A_120 = tpu.memref_slice %arg8[%run_scoped3A_88, %dma_wait3A_119] : memref<40x128xi32, #tpu.memory_space<vmem>> -> memref<1x128xi32, #tpu.memory_space<vmem>>
      %dma_wait3A_121 = tpu.memref_squeeze %dma_wait3A_120 : memref<1x128xi32, #tpu.memory_space<vmem>> -> memref<128xi32, #tpu.memory_space<vmem>>
      %dma_wait3A_122 = arith.constant 0 : i32
      %dma_wait3A_123 = arith.constant 0 : i32
      %dma_wait3A_124 = tpu.memref_slice %arg11[%dma_wait3A_122, %dma_wait3A_123] : memref<10112x128xf32, #tpu.memory_space<vmem_shared>> -> memref<10112x128xf32, #tpu.memory_space<vmem_shared>>
      tpu.wait_indirect_dma semaphore(%run_scoped3A_112 : memref<!tpu.dma_semaphore, #tpu.memory_space<semaphore_mem>>) src(%arg10 : memref<128x128xf32, #tpu.memory_space<vmem>>) dst(%dma_wait3A_124 : memref<10112x128xf32, #tpu.memory_space<vmem_shared>>)
      tpu.yield
    }) : () -> ()
    %barrier3A_89 = arith.constant 0 : index
    tpu.barrier barrier_id(%barrier3A_89)
    %mul3A_90 = arith.constant 632 : i32
    %mul3A_91 = arith.muli %arg1, %mul3A_90 : i32
    %add3A_92 = arith.constant 0 : i32
    %add3A_93 = arith.addi %mul3A_91, %add3A_92 : i32
    "tpu.region"() ({
      %run_scoped3A_112 = tpu.sem_alloc : memref<!tpu.dma_semaphore, #tpu.memory_space<semaphore_mem>>
      %dma_start3A_113 = arith.constant 0 : i32
      %dma_start3A_114 = tpu.memref_slice %arg11[%add3A_93, %dma_start3A_113] : memref<10112x128xf32, #tpu.memory_space<vmem_shared>> -> memref<128x128xf32, #tpu.memory_space<vmem_shared>>
      %dma_start3A_115 = arith.constant 0 : i32
      %dma_start3A_116 = tpu.memref_slice %arg11[%add3A_93, %dma_start3A_115] : memref<10112x128xf32, #tpu.memory_space<vmem_shared>> -> memref<128x128xf32, #tpu.memory_space<vmem_shared>>
      tpu.enqueue_dma source(%dma_start3A_116 : memref<128x128xf32, #tpu.memory_space<vmem_shared>>) target(%arg9 : memref<128x128xf32, #tpu.memory_space<vmem>>) target_semaphore(%run_scoped3A_112 : memref<!tpu.dma_semaphore, #tpu.memory_space<semaphore_mem>>)
      %dma_wait3A_117 = arith.constant 0 : i32
      %dma_wait3A_118 = tpu.memref_slice %arg11[%add3A_93, %dma_wait3A_117] : memref<10112x128xf32, #tpu.memory_space<vmem_shared>> -> memref<128x128xf32, #tpu.memory_space<vmem_shared>>
      %dma_wait3A_119 = arith.constant 0 : i32
      %dma_wait3A_120 = tpu.memref_slice %arg11[%add3A_93, %dma_wait3A_119] : memref<10112x128xf32, #tpu.memory_space<vmem_shared>> -> memref<128x128xf32, #tpu.memory_space<vmem_shared>>
      tpu.wait_dma2 semaphore(%run_scoped3A_112 : memref<!tpu.dma_semaphore, #tpu.memory_space<semaphore_mem>>) src(%dma_wait3A_120 : memref<128x128xf32, #tpu.memory_space<vmem_shared>>) dst(%arg9 : memref<128x128xf32, #tpu.memory_space<vmem>>)
      tpu.yield
    }) : () -> ()
    %add3A_94 = arith.constant 0 : i32
    %add3A_95 = arith.addi %mul3A_91, %add3A_94 : i32
    "tpu.region"() ({
      %run_scoped3A_112 = tpu.sem_alloc : memref<!tpu.dma_semaphore, #tpu.memory_space<semaphore_mem>>
      %dma_start3A_113 = arith.constant 0 : i32
      %dma_start3A_114 = tpu.memref_slice %arg6[%arg0, %add3A_95, %dma_start3A_113] : memref<2x10112x128xf32, #tpu.memory_space<hbm>> -> memref<1x128x128xf32, #tpu.memory_space<hbm>>
      %dma_start3A_115 = tpu.memref_squeeze %dma_start3A_114 : memref<1x128x128xf32, #tpu.memory_space<hbm>> -> memref<128x128xf32, #tpu.memory_space<hbm>>
      %dma_start3A_116 = arith.constant 0 : i32
      %dma_start3A_117 = tpu.memref_slice %arg6[%arg0, %add3A_95, %dma_start3A_116] : memref<2x10112x128xf32, #tpu.memory_space<hbm>> -> memref<1x128x128xf32, #tpu.memory_space<hbm>>
      %dma_start3A_118 = tpu.memref_squeeze %dma_start3A_117 : memref<1x128x128xf32, #tpu.memory_space<hbm>> -> memref<128x128xf32, #tpu.memory_space<hbm>>
      tpu.enqueue_dma source(%arg9 : memref<128x128xf32, #tpu.memory_space<vmem>>) target(%dma_start3A_118 : memref<128x128xf32, #tpu.memory_space<hbm>>) target_semaphore(%run_scoped3A_112 : memref<!tpu.dma_semaphore, #tpu.memory_space<semaphore_mem>>)
      %dma_wait3A_119 = arith.constant 0 : i32
      %dma_wait3A_120 = tpu.memref_slice %arg6[%arg0, %add3A_95, %dma_wait3A_119] : memref<2x10112x128xf32, #tpu.memory_space<hbm>> -> memref<1x128x128xf32, #tpu.memory_space<hbm>>
      %dma_wait3A_121 = tpu.memref_squeeze %dma_wait3A_120 : memref<1x128x128xf32, #tpu.memory_space<hbm>> -> memref<128x128xf32, #tpu.memory_space<hbm>>
      %dma_wait3A_122 = arith.constant 0 : i32
      %dma_wait3A_123 = tpu.memref_slice %arg6[%arg0, %add3A_95, %dma_wait3A_122] : memref<2x10112x128xf32, #tpu.memory_space<hbm>> -> memref<1x128x128xf32, #tpu.memory_space<hbm>>
      %dma_wait3A_124 = tpu.memref_squeeze %dma_wait3A_123 : memref<1x128x128xf32, #tpu.memory_space<hbm>> -> memref<128x128xf32, #tpu.memory_space<hbm>>
      tpu.wait_dma2 semaphore(%run_scoped3A_112 : memref<!tpu.dma_semaphore, #tpu.memory_space<semaphore_mem>>) src(%arg9 : memref<128x128xf32, #tpu.memory_space<vmem>>) dst(%dma_wait3A_124 : memref<128x128xf32, #tpu.memory_space<hbm>>)
      tpu.yield
    }) : () -> ()
    %add3A_96 = arith.constant 128 : i32
    %add3A_97 = arith.addi %mul3A_91, %add3A_96 : i32
    "tpu.region"() ({
      %run_scoped3A_112 = tpu.sem_alloc : memref<!tpu.dma_semaphore, #tpu.memory_space<semaphore_mem>>
      %dma_start3A_113 = arith.constant 0 : i32
      %dma_start3A_114 = tpu.memref_slice %arg11[%add3A_97, %dma_start3A_113] : memref<10112x128xf32, #tpu.memory_space<vmem_shared>> -> memref<128x128xf32, #tpu.memory_space<vmem_shared>>
      %dma_start3A_115 = arith.constant 0 : i32
      %dma_start3A_116 = tpu.memref_slice %arg11[%add3A_97, %dma_start3A_115] : memref<10112x128xf32, #tpu.memory_space<vmem_shared>> -> memref<128x128xf32, #tpu.memory_space<vmem_shared>>
      tpu.enqueue_dma source(%dma_start3A_116 : memref<128x128xf32, #tpu.memory_space<vmem_shared>>) target(%arg9 : memref<128x128xf32, #tpu.memory_space<vmem>>) target_semaphore(%run_scoped3A_112 : memref<!tpu.dma_semaphore, #tpu.memory_space<semaphore_mem>>)
      %dma_wait3A_117 = arith.constant 0 : i32
      %dma_wait3A_118 = tpu.memref_slice %arg11[%add3A_97, %dma_wait3A_117] : memref<10112x128xf32, #tpu.memory_space<vmem_shared>> -> memref<128x128xf32, #tpu.memory_space<vmem_shared>>
      %dma_wait3A_119 = arith.constant 0 : i32
      %dma_wait3A_120 = tpu.memref_slice %arg11[%add3A_97, %dma_wait3A_119] : memref<10112x128xf32, #tpu.memory_space<vmem_shared>> -> memref<128x128xf32, #tpu.memory_space<vmem_shared>>
      tpu.wait_dma2 semaphore(%run_scoped3A_112 : memref<!tpu.dma_semaphore, #tpu.memory_space<semaphore_mem>>) src(%dma_wait3A_120 : memref<128x128xf32, #tpu.memory_space<vmem_shared>>) dst(%arg9 : memref<128x128xf32, #tpu.memory_space<vmem>>)
      tpu.yield
    }) : () -> ()
    %add3A_98 = arith.constant 128 : i32
    %add3A_99 = arith.addi %mul3A_91, %add3A_98 : i32
    "tpu.region"() ({
      %run_scoped3A_112 = tpu.sem_alloc : memref<!tpu.dma_semaphore, #tpu.memory_space<semaphore_mem>>
      %dma_start3A_113 = arith.constant 0 : i32
      %dma_start3A_114 = tpu.memref_slice %arg6[%arg0, %add3A_99, %dma_start3A_113] : memref<2x10112x128xf32, #tpu.memory_space<hbm>> -> memref<1x128x128xf32, #tpu.memory_space<hbm>>
      %dma_start3A_115 = tpu.memref_squeeze %dma_start3A_114 : memref<1x128x128xf32, #tpu.memory_space<hbm>> -> memref<128x128xf32, #tpu.memory_space<hbm>>
      %dma_start3A_116 = arith.constant 0 : i32
      %dma_start3A_117 = tpu.memref_slice %arg6[%arg0, %add3A_99, %dma_start3A_116] : memref<2x10112x128xf32, #tpu.memory_space<hbm>> -> memref<1x128x128xf32, #tpu.memory_space<hbm>>
      %dma_start3A_118 = tpu.memref_squeeze %dma_start3A_117 : memref<1x128x128xf32, #tpu.memory_space<hbm>> -> memref<128x128xf32, #tpu.memory_space<hbm>>
      tpu.enqueue_dma source(%arg9 : memref<128x128xf32, #tpu.memory_space<vmem>>) target(%dma_start3A_118 : memref<128x128xf32, #tpu.memory_space<hbm>>) target_semaphore(%run_scoped3A_112 : memref<!tpu.dma_semaphore, #tpu.memory_space<semaphore_mem>>)
      %dma_wait3A_119 = arith.constant 0 : i32
      %dma_wait3A_120 = tpu.memref_slice %arg6[%arg0, %add3A_99, %dma_wait3A_119] : memref<2x10112x128xf32, #tpu.memory_space<hbm>> -> memref<1x128x128xf32, #tpu.memory_space<hbm>>
      %dma_wait3A_121 = tpu.memref_squeeze %dma_wait3A_120 : memref<1x128x128xf32, #tpu.memory_space<hbm>> -> memref<128x128xf32, #tpu.memory_space<hbm>>
      %dma_wait3A_122 = arith.constant 0 : i32
      %dma_wait3A_123 = tpu.memref_slice %arg6[%arg0, %add3A_99, %dma_wait3A_122] : memref<2x10112x128xf32, #tpu.memory_space<hbm>> -> memref<1x128x128xf32, #tpu.memory_space<hbm>>
      %dma_wait3A_124 = tpu.memref_squeeze %dma_wait3A_123 : memref<1x128x128xf32, #tpu.memory_space<hbm>> -> memref<128x128xf32, #tpu.memory_space<hbm>>
      tpu.wait_dma2 semaphore(%run_scoped3A_112 : memref<!tpu.dma_semaphore, #tpu.memory_space<semaphore_mem>>) src(%arg9 : memref<128x128xf32, #tpu.memory_space<vmem>>) dst(%dma_wait3A_124 : memref<128x128xf32, #tpu.memory_space<hbm>>)
      tpu.yield
    }) : () -> ()
    %add3A_100 = arith.constant 256 : i32
    %add3A_101 = arith.addi %mul3A_91, %add3A_100 : i32
    "tpu.region"() ({
      %run_scoped3A_112 = tpu.sem_alloc : memref<!tpu.dma_semaphore, #tpu.memory_space<semaphore_mem>>
      %dma_start3A_113 = arith.constant 0 : i32
      %dma_start3A_114 = tpu.memref_slice %arg11[%add3A_101, %dma_start3A_113] : memref<10112x128xf32, #tpu.memory_space<vmem_shared>> -> memref<128x128xf32, #tpu.memory_space<vmem_shared>>
      %dma_start3A_115 = arith.constant 0 : i32
      %dma_start3A_116 = tpu.memref_slice %arg11[%add3A_101, %dma_start3A_115] : memref<10112x128xf32, #tpu.memory_space<vmem_shared>> -> memref<128x128xf32, #tpu.memory_space<vmem_shared>>
      tpu.enqueue_dma source(%dma_start3A_116 : memref<128x128xf32, #tpu.memory_space<vmem_shared>>) target(%arg9 : memref<128x128xf32, #tpu.memory_space<vmem>>) target_semaphore(%run_scoped3A_112 : memref<!tpu.dma_semaphore, #tpu.memory_space<semaphore_mem>>)
      %dma_wait3A_117 = arith.constant 0 : i32
      %dma_wait3A_118 = tpu.memref_slice %arg11[%add3A_101, %dma_wait3A_117] : memref<10112x128xf32, #tpu.memory_space<vmem_shared>> -> memref<128x128xf32, #tpu.memory_space<vmem_shared>>
      %dma_wait3A_119 = arith.constant 0 : i32
      %dma_wait3A_120 = tpu.memref_slice %arg11[%add3A_101, %dma_wait3A_119] : memref<10112x128xf32, #tpu.memory_space<vmem_shared>> -> memref<128x128xf32, #tpu.memory_space<vmem_shared>>
      tpu.wait_dma2 semaphore(%run_scoped3A_112 : memref<!tpu.dma_semaphore, #tpu.memory_space<semaphore_mem>>) src(%dma_wait3A_120 : memref<128x128xf32, #tpu.memory_space<vmem_shared>>) dst(%arg9 : memref<128x128xf32, #tpu.memory_space<vmem>>)
      tpu.yield
    }) : () -> ()
    %add3A_102 = arith.constant 256 : i32
    %add3A_103 = arith.addi %mul3A_91, %add3A_102 : i32
    "tpu.region"() ({
      %run_scoped3A_112 = tpu.sem_alloc : memref<!tpu.dma_semaphore, #tpu.memory_space<semaphore_mem>>
      %dma_start3A_113 = arith.constant 0 : i32
      %dma_start3A_114 = tpu.memref_slice %arg6[%arg0, %add3A_103, %dma_start3A_113] : memref<2x10112x128xf32, #tpu.memory_space<hbm>> -> memref<1x128x128xf32, #tpu.memory_space<hbm>>
      %dma_start3A_115 = tpu.memref_squeeze %dma_start3A_114 : memref<1x128x128xf32, #tpu.memory_space<hbm>> -> memref<128x128xf32, #tpu.memory_space<hbm>>
      %dma_start3A_116 = arith.constant 0 : i32
      %dma_start3A_117 = tpu.memref_slice %arg6[%arg0, %add3A_103, %dma_start3A_116] : memref<2x10112x128xf32, #tpu.memory_space<hbm>> -> memref<1x128x128xf32, #tpu.memory_space<hbm>>
      %dma_start3A_118 = tpu.memref_squeeze %dma_start3A_117 : memref<1x128x128xf32, #tpu.memory_space<hbm>> -> memref<128x128xf32, #tpu.memory_space<hbm>>
      tpu.enqueue_dma source(%arg9 : memref<128x128xf32, #tpu.memory_space<vmem>>) target(%dma_start3A_118 : memref<128x128xf32, #tpu.memory_space<hbm>>) target_semaphore(%run_scoped3A_112 : memref<!tpu.dma_semaphore, #tpu.memory_space<semaphore_mem>>)
      %dma_wait3A_119 = arith.constant 0 : i32
      %dma_wait3A_120 = tpu.memref_slice %arg6[%arg0, %add3A_103, %dma_wait3A_119] : memref<2x10112x128xf32, #tpu.memory_space<hbm>> -> memref<1x128x128xf32, #tpu.memory_space<hbm>>
      %dma_wait3A_121 = tpu.memref_squeeze %dma_wait3A_120 : memref<1x128x128xf32, #tpu.memory_space<hbm>> -> memref<128x128xf32, #tpu.memory_space<hbm>>
      %dma_wait3A_122 = arith.constant 0 : i32
      %dma_wait3A_123 = tpu.memref_slice %arg6[%arg0, %add3A_103, %dma_wait3A_122] : memref<2x10112x128xf32, #tpu.memory_space<hbm>> -> memref<1x128x128xf32, #tpu.memory_space<hbm>>
      %dma_wait3A_124 = tpu.memref_squeeze %dma_wait3A_123 : memref<1x128x128xf32, #tpu.memory_space<hbm>> -> memref<128x128xf32, #tpu.memory_space<hbm>>
      tpu.wait_dma2 semaphore(%run_scoped3A_112 : memref<!tpu.dma_semaphore, #tpu.memory_space<semaphore_mem>>) src(%arg9 : memref<128x128xf32, #tpu.memory_space<vmem>>) dst(%dma_wait3A_124 : memref<128x128xf32, #tpu.memory_space<hbm>>)
      tpu.yield
    }) : () -> ()
    %add3A_104 = arith.constant 384 : i32
    %add3A_105 = arith.addi %mul3A_91, %add3A_104 : i32
    "tpu.region"() ({
      %run_scoped3A_112 = tpu.sem_alloc : memref<!tpu.dma_semaphore, #tpu.memory_space<semaphore_mem>>
      %dma_start3A_113 = arith.constant 0 : i32
      %dma_start3A_114 = tpu.memref_slice %arg11[%add3A_105, %dma_start3A_113] : memref<10112x128xf32, #tpu.memory_space<vmem_shared>> -> memref<128x128xf32, #tpu.memory_space<vmem_shared>>
      %dma_start3A_115 = arith.constant 0 : i32
      %dma_start3A_116 = tpu.memref_slice %arg11[%add3A_105, %dma_start3A_115] : memref<10112x128xf32, #tpu.memory_space<vmem_shared>> -> memref<128x128xf32, #tpu.memory_space<vmem_shared>>
      tpu.enqueue_dma source(%dma_start3A_116 : memref<128x128xf32, #tpu.memory_space<vmem_shared>>) target(%arg9 : memref<128x128xf32, #tpu.memory_space<vmem>>) target_semaphore(%run_scoped3A_112 : memref<!tpu.dma_semaphore, #tpu.memory_space<semaphore_mem>>)
      %dma_wait3A_117 = arith.constant 0 : i32
      %dma_wait3A_118 = tpu.memref_slice %arg11[%add3A_105, %dma_wait3A_117] : memref<10112x128xf32, #tpu.memory_space<vmem_shared>> -> memref<128x128xf32, #tpu.memory_space<vmem_shared>>
      %dma_wait3A_119 = arith.constant 0 : i32
      %dma_wait3A_120 = tpu.memref_slice %arg11[%add3A_105, %dma_wait3A_119] : memref<10112x128xf32, #tpu.memory_space<vmem_shared>> -> memref<128x128xf32, #tpu.memory_space<vmem_shared>>
      tpu.wait_dma2 semaphore(%run_scoped3A_112 : memref<!tpu.dma_semaphore, #tpu.memory_space<semaphore_mem>>) src(%dma_wait3A_120 : memref<128x128xf32, #tpu.memory_space<vmem_shared>>) dst(%arg9 : memref<128x128xf32, #tpu.memory_space<vmem>>)
      tpu.yield
    }) : () -> ()
    %add3A_106 = arith.constant 384 : i32
    %add3A_107 = arith.addi %mul3A_91, %add3A_106 : i32
    "tpu.region"() ({
      %run_scoped3A_112 = tpu.sem_alloc : memref<!tpu.dma_semaphore, #tpu.memory_space<semaphore_mem>>
      %dma_start3A_113 = arith.constant 0 : i32
      %dma_start3A_114 = tpu.memref_slice %arg6[%arg0, %add3A_107, %dma_start3A_113] : memref<2x10112x128xf32, #tpu.memory_space<hbm>> -> memref<1x128x128xf32, #tpu.memory_space<hbm>>
      %dma_start3A_115 = tpu.memref_squeeze %dma_start3A_114 : memref<1x128x128xf32, #tpu.memory_space<hbm>> -> memref<128x128xf32, #tpu.memory_space<hbm>>
      %dma_start3A_116 = arith.constant 0 : i32
      %dma_start3A_117 = tpu.memref_slice %arg6[%arg0, %add3A_107, %dma_start3A_116] : memref<2x10112x128xf32, #tpu.memory_space<hbm>> -> memref<1x128x128xf32, #tpu.memory_space<hbm>>
      %dma_start3A_118 = tpu.memref_squeeze %dma_start3A_117 : memref<1x128x128xf32, #tpu.memory_space<hbm>> -> memref<128x128xf32, #tpu.memory_space<hbm>>
      tpu.enqueue_dma source(%arg9 : memref<128x128xf32, #tpu.memory_space<vmem>>) target(%dma_start3A_118 : memref<128x128xf32, #tpu.memory_space<hbm>>) target_semaphore(%run_scoped3A_112 : memref<!tpu.dma_semaphore, #tpu.memory_space<semaphore_mem>>)
      %dma_wait3A_119 = arith.constant 0 : i32
      %dma_wait3A_120 = tpu.memref_slice %arg6[%arg0, %add3A_107, %dma_wait3A_119] : memref<2x10112x128xf32, #tpu.memory_space<hbm>> -> memref<1x128x128xf32, #tpu.memory_space<hbm>>
      %dma_wait3A_121 = tpu.memref_squeeze %dma_wait3A_120 : memref<1x128x128xf32, #tpu.memory_space<hbm>> -> memref<128x128xf32, #tpu.memory_space<hbm>>
      %dma_wait3A_122 = arith.constant 0 : i32
      %dma_wait3A_123 = tpu.memref_slice %arg6[%arg0, %add3A_107, %dma_wait3A_122] : memref<2x10112x128xf32, #tpu.memory_space<hbm>> -> memref<1x128x128xf32, #tpu.memory_space<hbm>>
      %dma_wait3A_124 = tpu.memref_squeeze %dma_wait3A_123 : memref<1x128x128xf32, #tpu.memory_space<hbm>> -> memref<128x128xf32, #tpu.memory_space<hbm>>
      tpu.wait_dma2 semaphore(%run_scoped3A_112 : memref<!tpu.dma_semaphore, #tpu.memory_space<semaphore_mem>>) src(%arg9 : memref<128x128xf32, #tpu.memory_space<vmem>>) dst(%dma_wait3A_124 : memref<128x128xf32, #tpu.memory_space<hbm>>)
      tpu.yield
    }) : () -> ()
    %add3A_108 = arith.constant 512 : i32
    %add3A_109 = arith.addi %mul3A_91, %add3A_108 : i32
    "tpu.region"() ({
      %run_scoped3A_112 = tpu.sem_alloc : memref<!tpu.dma_semaphore, #tpu.memory_space<semaphore_mem>>
      %dma_start3A_113 = arith.constant 0 : i32
      %dma_start3A_114 = arith.constant 0 : i32
      %dma_start3A_115 = tpu.memref_slice %arg9[%dma_start3A_113, %dma_start3A_114] : memref<128x128xf32, #tpu.memory_space<vmem>> -> memref<120x128xf32, #tpu.memory_space<vmem>>
      %dma_start3A_116 = arith.constant 0 : i32
      %dma_start3A_117 = tpu.memref_slice %arg11[%add3A_109, %dma_start3A_116] : memref<10112x128xf32, #tpu.memory_space<vmem_shared>> -> memref<120x128xf32, #tpu.memory_space<vmem_shared>>
      %dma_start3A_118 = arith.constant 0 : i32
      %dma_start3A_119 = arith.constant 0 : i32
      %dma_start3A_120 = tpu.memref_slice %arg9[%dma_start3A_118, %dma_start3A_119] : memref<128x128xf32, #tpu.memory_space<vmem>> -> memref<120x128xf32, #tpu.memory_space<vmem>>
      %dma_start3A_121 = arith.constant 0 : i32
      %dma_start3A_122 = tpu.memref_slice %arg11[%add3A_109, %dma_start3A_121] : memref<10112x128xf32, #tpu.memory_space<vmem_shared>> -> memref<120x128xf32, #tpu.memory_space<vmem_shared>>
      tpu.enqueue_dma source(%dma_start3A_122 : memref<120x128xf32, #tpu.memory_space<vmem_shared>>) target(%dma_start3A_120 : memref<120x128xf32, #tpu.memory_space<vmem>>) target_semaphore(%run_scoped3A_112 : memref<!tpu.dma_semaphore, #tpu.memory_space<semaphore_mem>>)
      %dma_wait3A_123 = arith.constant 0 : i32
      %dma_wait3A_124 = arith.constant 0 : i32
      %dma_wait3A_125 = tpu.memref_slice %arg9[%dma_wait3A_123, %dma_wait3A_124] : memref<128x128xf32, #tpu.memory_space<vmem>> -> memref<120x128xf32, #tpu.memory_space<vmem>>
      %dma_wait3A_126 = arith.constant 0 : i32
      %dma_wait3A_127 = tpu.memref_slice %arg11[%add3A_109, %dma_wait3A_126] : memref<10112x128xf32, #tpu.memory_space<vmem_shared>> -> memref<120x128xf32, #tpu.memory_space<vmem_shared>>
      %dma_wait3A_128 = arith.constant 0 : i32
      %dma_wait3A_129 = arith.constant 0 : i32
      %dma_wait3A_130 = tpu.memref_slice %arg9[%dma_wait3A_128, %dma_wait3A_129] : memref<128x128xf32, #tpu.memory_space<vmem>> -> memref<120x128xf32, #tpu.memory_space<vmem>>
      %dma_wait3A_131 = arith.constant 0 : i32
      %dma_wait3A_132 = tpu.memref_slice %arg11[%add3A_109, %dma_wait3A_131] : memref<10112x128xf32, #tpu.memory_space<vmem_shared>> -> memref<120x128xf32, #tpu.memory_space<vmem_shared>>
      tpu.wait_dma2 semaphore(%run_scoped3A_112 : memref<!tpu.dma_semaphore, #tpu.memory_space<semaphore_mem>>) src(%dma_wait3A_132 : memref<120x128xf32, #tpu.memory_space<vmem_shared>>) dst(%dma_wait3A_130 : memref<120x128xf32, #tpu.memory_space<vmem>>)
      tpu.yield
    }) : () -> ()
    %add3A_110 = arith.constant 512 : i32
    %add3A_111 = arith.addi %mul3A_91, %add3A_110 : i32
    "tpu.region"() ({
      %run_scoped3A_112 = tpu.sem_alloc : memref<!tpu.dma_semaphore, #tpu.memory_space<semaphore_mem>>
      %dma_start3A_113 = arith.constant 0 : i32
      %dma_start3A_114 = arith.constant 0 : i32
      %dma_start3A_115 = tpu.memref_slice %arg9[%dma_start3A_113, %dma_start3A_114] : memref<128x128xf32, #tpu.memory_space<vmem>> -> memref<120x128xf32, #tpu.memory_space<vmem>>
      %dma_start3A_116 = arith.constant 0 : i32
      %dma_start3A_117 = tpu.memref_slice %arg6[%arg0, %add3A_111, %dma_start3A_116] : memref<2x10112x128xf32, #tpu.memory_space<hbm>> -> memref<1x120x128xf32, #tpu.memory_space<hbm>>
      %dma_start3A_118 = tpu.memref_squeeze %dma_start3A_117 : memref<1x120x128xf32, #tpu.memory_space<hbm>> -> memref<120x128xf32, #tpu.memory_space<hbm>>
      %dma_start3A_119 = arith.constant 0 : i32
      %dma_start3A_120 = tpu.memref_slice %arg6[%arg0, %add3A_111, %dma_start3A_119] : memref<2x10112x128xf32, #tpu.memory_space<hbm>> -> memref<1x120x128xf32, #tpu.memory_space<hbm>>
      %dma_start3A_121 = tpu.memref_squeeze %dma_start3A_120 : memref<1x120x128xf32, #tpu.memory_space<hbm>> -> memref<120x128xf32, #tpu.memory_space<hbm>>
      %dma_start3A_122 = arith.constant 0 : i32
      %dma_start3A_123 = arith.constant 0 : i32
      %dma_start3A_124 = tpu.memref_slice %arg9[%dma_start3A_122, %dma_start3A_123] : memref<128x128xf32, #tpu.memory_space<vmem>> -> memref<120x128xf32, #tpu.memory_space<vmem>>
      tpu.enqueue_dma source(%dma_start3A_124 : memref<120x128xf32, #tpu.memory_space<vmem>>) target(%dma_start3A_121 : memref<120x128xf32, #tpu.memory_space<hbm>>) target_semaphore(%run_scoped3A_112 : memref<!tpu.dma_semaphore, #tpu.memory_space<semaphore_mem>>)
      %dma_wait3A_125 = arith.constant 0 : i32
      %dma_wait3A_126 = arith.constant 0 : i32
      %dma_wait3A_127 = tpu.memref_slice %arg9[%dma_wait3A_125, %dma_wait3A_126] : memref<128x128xf32, #tpu.memory_space<vmem>> -> memref<120x128xf32, #tpu.memory_space<vmem>>
      %dma_wait3A_128 = arith.constant 0 : i32
      %dma_wait3A_129 = tpu.memref_slice %arg6[%arg0, %add3A_111, %dma_wait3A_128] : memref<2x10112x128xf32, #tpu.memory_space<hbm>> -> memref<1x120x128xf32, #tpu.memory_space<hbm>>
      %dma_wait3A_130 = tpu.memref_squeeze %dma_wait3A_129 : memref<1x120x128xf32, #tpu.memory_space<hbm>> -> memref<120x128xf32, #tpu.memory_space<hbm>>
      %dma_wait3A_131 = arith.constant 0 : i32
      %dma_wait3A_132 = tpu.memref_slice %arg6[%arg0, %add3A_111, %dma_wait3A_131] : memref<2x10112x128xf32, #tpu.memory_space<hbm>> -> memref<1x120x128xf32, #tpu.memory_space<hbm>>
      %dma_wait3A_133 = tpu.memref_squeeze %dma_wait3A_132 : memref<1x120x128xf32, #tpu.memory_space<hbm>> -> memref<120x128xf32, #tpu.memory_space<hbm>>
      %dma_wait3A_134 = arith.constant 0 : i32
      %dma_wait3A_135 = arith.constant 0 : i32
      %dma_wait3A_136 = tpu.memref_slice %arg9[%dma_wait3A_134, %dma_wait3A_135] : memref<128x128xf32, #tpu.memory_space<vmem>> -> memref<120x128xf32, #tpu.memory_space<vmem>>
      tpu.wait_dma2 semaphore(%run_scoped3A_112 : memref<!tpu.dma_semaphore, #tpu.memory_space<semaphore_mem>>) src(%dma_wait3A_136 : memref<120x128xf32, #tpu.memory_space<vmem>>) dst(%dma_wait3A_133 : memref<120x128xf32, #tpu.memory_space<hbm>>)
      tpu.yield
    }) : () -> ()
    return
  }
}

#map = affine_map<(d0, d1) -> (0, 0, 0)>
#map1 = affine_map<(d0, d1) -> (0, 0)>
module attributes {stable_mosaic.version = 14 : i64} {
  func.func @_deg_kernel(%arg0: i32, %arg1: i32, %arg2: memref<32x80x128xi32, #tpu.memory_space<hbm>>, %arg3: memref<128x128xf32, #tpu.memory_space<hbm>>, %arg4: memref<128x128xf32, #tpu.memory_space<hbm>>, %arg5: memref<2x10112x128xf32, #tpu.memory_space<hbm>>, %arg6: memref<80x128xi32, #tpu.memory_space<vmem>>, %arg7: memref<128x128xf32, #tpu.memory_space<vmem>>, %arg8: memref<10112x128xf32, #tpu.memory_space<vmem_shared>>) attributes {dimension_semantics = [#tpu.dimension_semantics<core_parallel>, #tpu.dimension_semantics<subcore_parallel>], iteration_bounds = array<i64: 2, 16>, scalar_prefetch = 0 : i64, scratch_operands = 3 : i64, tpu.core_type = #tpu.core_type<sc_vector_subcore>, window_params = [{transform_indices = #map}, {transform_indices = #map1}, {transform_indices = #map1}, {transform_indices = #map}]} {
    %mul3A = arith.constant 2 : i32
    %mul3A_0 = arith.muli %arg1, %mul3A : i32
    %add3A = arith.addi %mul3A_0, %arg0 : i32
    "tpu.region"() ({
      %run_scoped3A = tpu.sem_alloc : memref<!tpu.dma_semaphore, #tpu.memory_space<semaphore_mem>>
      tpu.enqueue_dma source(%arg4 : memref<128x128xf32, #tpu.memory_space<hbm>>) target(%arg7 : memref<128x128xf32, #tpu.memory_space<vmem>>) target_semaphore(%run_scoped3A : memref<!tpu.dma_semaphore, #tpu.memory_space<semaphore_mem>>)
      tpu.wait_dma2 semaphore(%run_scoped3A : memref<!tpu.dma_semaphore, #tpu.memory_space<semaphore_mem>>) src(%arg4 : memref<128x128xf32, #tpu.memory_space<hbm>>) dst(%arg7 : memref<128x128xf32, #tpu.memory_space<vmem>>)
      tpu.yield
    }) : () -> ()
    %mul3A_1 = arith.constant 632 : i32
    %mul3A_2 = arith.muli %arg1, %mul3A_1 : i32
    %add3A_3 = arith.constant 0 : i32
    %add3A_4 = arith.addi %mul3A_2, %add3A_3 : i32
    "tpu.region"() ({
      %run_scoped3A = tpu.sem_alloc : memref<!tpu.dma_semaphore, #tpu.memory_space<semaphore_mem>>
      %dma_start3A = arith.constant 0 : i32
      %dma_start3A_49 = tpu.memref_slice %arg8[%add3A_4, %dma_start3A] : memref<10112x128xf32, #tpu.memory_space<vmem_shared>> -> memref<128x128xf32, #tpu.memory_space<vmem_shared>>
      %dma_start3A_50 = arith.constant 0 : i32
      %dma_start3A_51 = tpu.memref_slice %arg8[%add3A_4, %dma_start3A_50] : memref<10112x128xf32, #tpu.memory_space<vmem_shared>> -> memref<128x128xf32, #tpu.memory_space<vmem_shared>>
      tpu.enqueue_dma source(%arg7 : memref<128x128xf32, #tpu.memory_space<vmem>>) target(%dma_start3A_51 : memref<128x128xf32, #tpu.memory_space<vmem_shared>>) target_semaphore(%run_scoped3A : memref<!tpu.dma_semaphore, #tpu.memory_space<semaphore_mem>>)
      %dma_wait3A = arith.constant 0 : i32
      %dma_wait3A_52 = tpu.memref_slice %arg8[%add3A_4, %dma_wait3A] : memref<10112x128xf32, #tpu.memory_space<vmem_shared>> -> memref<128x128xf32, #tpu.memory_space<vmem_shared>>
      %dma_wait3A_53 = arith.constant 0 : i32
      %dma_wait3A_54 = tpu.memref_slice %arg8[%add3A_4, %dma_wait3A_53] : memref<10112x128xf32, #tpu.memory_space<vmem_shared>> -> memref<128x128xf32, #tpu.memory_space<vmem_shared>>
      tpu.wait_dma2 semaphore(%run_scoped3A : memref<!tpu.dma_semaphore, #tpu.memory_space<semaphore_mem>>) src(%arg7 : memref<128x128xf32, #tpu.memory_space<vmem>>) dst(%dma_wait3A_54 : memref<128x128xf32, #tpu.memory_space<vmem_shared>>)
      tpu.yield
    }) : () -> ()
    %mul3A_5 = arith.constant 632 : i32
    %mul3A_6 = arith.muli %arg1, %mul3A_5 : i32
    %add3A_7 = arith.constant 128 : i32
    %add3A_8 = arith.addi %mul3A_6, %add3A_7 : i32
    "tpu.region"() ({
      %run_scoped3A = tpu.sem_alloc : memref<!tpu.dma_semaphore, #tpu.memory_space<semaphore_mem>>
      %dma_start3A = arith.constant 0 : i32
      %dma_start3A_49 = tpu.memref_slice %arg8[%add3A_8, %dma_start3A] : memref<10112x128xf32, #tpu.memory_space<vmem_shared>> -> memref<128x128xf32, #tpu.memory_space<vmem_shared>>
      %dma_start3A_50 = arith.constant 0 : i32
      %dma_start3A_51 = tpu.memref_slice %arg8[%add3A_8, %dma_start3A_50] : memref<10112x128xf32, #tpu.memory_space<vmem_shared>> -> memref<128x128xf32, #tpu.memory_space<vmem_shared>>
      tpu.enqueue_dma source(%arg7 : memref<128x128xf32, #tpu.memory_space<vmem>>) target(%dma_start3A_51 : memref<128x128xf32, #tpu.memory_space<vmem_shared>>) target_semaphore(%run_scoped3A : memref<!tpu.dma_semaphore, #tpu.memory_space<semaphore_mem>>)
      %dma_wait3A = arith.constant 0 : i32
      %dma_wait3A_52 = tpu.memref_slice %arg8[%add3A_8, %dma_wait3A] : memref<10112x128xf32, #tpu.memory_space<vmem_shared>> -> memref<128x128xf32, #tpu.memory_space<vmem_shared>>
      %dma_wait3A_53 = arith.constant 0 : i32
      %dma_wait3A_54 = tpu.memref_slice %arg8[%add3A_8, %dma_wait3A_53] : memref<10112x128xf32, #tpu.memory_space<vmem_shared>> -> memref<128x128xf32, #tpu.memory_space<vmem_shared>>
      tpu.wait_dma2 semaphore(%run_scoped3A : memref<!tpu.dma_semaphore, #tpu.memory_space<semaphore_mem>>) src(%arg7 : memref<128x128xf32, #tpu.memory_space<vmem>>) dst(%dma_wait3A_54 : memref<128x128xf32, #tpu.memory_space<vmem_shared>>)
      tpu.yield
    }) : () -> ()
    %mul3A_9 = arith.constant 632 : i32
    %mul3A_10 = arith.muli %arg1, %mul3A_9 : i32
    %add3A_11 = arith.constant 256 : i32
    %add3A_12 = arith.addi %mul3A_10, %add3A_11 : i32
    "tpu.region"() ({
      %run_scoped3A = tpu.sem_alloc : memref<!tpu.dma_semaphore, #tpu.memory_space<semaphore_mem>>
      %dma_start3A = arith.constant 0 : i32
      %dma_start3A_49 = tpu.memref_slice %arg8[%add3A_12, %dma_start3A] : memref<10112x128xf32, #tpu.memory_space<vmem_shared>> -> memref<128x128xf32, #tpu.memory_space<vmem_shared>>
      %dma_start3A_50 = arith.constant 0 : i32
      %dma_start3A_51 = tpu.memref_slice %arg8[%add3A_12, %dma_start3A_50] : memref<10112x128xf32, #tpu.memory_space<vmem_shared>> -> memref<128x128xf32, #tpu.memory_space<vmem_shared>>
      tpu.enqueue_dma source(%arg7 : memref<128x128xf32, #tpu.memory_space<vmem>>) target(%dma_start3A_51 : memref<128x128xf32, #tpu.memory_space<vmem_shared>>) target_semaphore(%run_scoped3A : memref<!tpu.dma_semaphore, #tpu.memory_space<semaphore_mem>>)
      %dma_wait3A = arith.constant 0 : i32
      %dma_wait3A_52 = tpu.memref_slice %arg8[%add3A_12, %dma_wait3A] : memref<10112x128xf32, #tpu.memory_space<vmem_shared>> -> memref<128x128xf32, #tpu.memory_space<vmem_shared>>
      %dma_wait3A_53 = arith.constant 0 : i32
      %dma_wait3A_54 = tpu.memref_slice %arg8[%add3A_12, %dma_wait3A_53] : memref<10112x128xf32, #tpu.memory_space<vmem_shared>> -> memref<128x128xf32, #tpu.memory_space<vmem_shared>>
      tpu.wait_dma2 semaphore(%run_scoped3A : memref<!tpu.dma_semaphore, #tpu.memory_space<semaphore_mem>>) src(%arg7 : memref<128x128xf32, #tpu.memory_space<vmem>>) dst(%dma_wait3A_54 : memref<128x128xf32, #tpu.memory_space<vmem_shared>>)
      tpu.yield
    }) : () -> ()
    %mul3A_13 = arith.constant 632 : i32
    %mul3A_14 = arith.muli %arg1, %mul3A_13 : i32
    %add3A_15 = arith.constant 384 : i32
    %add3A_16 = arith.addi %mul3A_14, %add3A_15 : i32
    "tpu.region"() ({
      %run_scoped3A = tpu.sem_alloc : memref<!tpu.dma_semaphore, #tpu.memory_space<semaphore_mem>>
      %dma_start3A = arith.constant 0 : i32
      %dma_start3A_49 = tpu.memref_slice %arg8[%add3A_16, %dma_start3A] : memref<10112x128xf32, #tpu.memory_space<vmem_shared>> -> memref<128x128xf32, #tpu.memory_space<vmem_shared>>
      %dma_start3A_50 = arith.constant 0 : i32
      %dma_start3A_51 = tpu.memref_slice %arg8[%add3A_16, %dma_start3A_50] : memref<10112x128xf32, #tpu.memory_space<vmem_shared>> -> memref<128x128xf32, #tpu.memory_space<vmem_shared>>
      tpu.enqueue_dma source(%arg7 : memref<128x128xf32, #tpu.memory_space<vmem>>) target(%dma_start3A_51 : memref<128x128xf32, #tpu.memory_space<vmem_shared>>) target_semaphore(%run_scoped3A : memref<!tpu.dma_semaphore, #tpu.memory_space<semaphore_mem>>)
      %dma_wait3A = arith.constant 0 : i32
      %dma_wait3A_52 = tpu.memref_slice %arg8[%add3A_16, %dma_wait3A] : memref<10112x128xf32, #tpu.memory_space<vmem_shared>> -> memref<128x128xf32, #tpu.memory_space<vmem_shared>>
      %dma_wait3A_53 = arith.constant 0 : i32
      %dma_wait3A_54 = tpu.memref_slice %arg8[%add3A_16, %dma_wait3A_53] : memref<10112x128xf32, #tpu.memory_space<vmem_shared>> -> memref<128x128xf32, #tpu.memory_space<vmem_shared>>
      tpu.wait_dma2 semaphore(%run_scoped3A : memref<!tpu.dma_semaphore, #tpu.memory_space<semaphore_mem>>) src(%arg7 : memref<128x128xf32, #tpu.memory_space<vmem>>) dst(%dma_wait3A_54 : memref<128x128xf32, #tpu.memory_space<vmem_shared>>)
      tpu.yield
    }) : () -> ()
    %mul3A_17 = arith.constant 632 : i32
    %mul3A_18 = arith.muli %arg1, %mul3A_17 : i32
    %add3A_19 = arith.constant 512 : i32
    %add3A_20 = arith.addi %mul3A_18, %add3A_19 : i32
    "tpu.region"() ({
      %run_scoped3A = tpu.sem_alloc : memref<!tpu.dma_semaphore, #tpu.memory_space<semaphore_mem>>
      %dma_start3A = arith.constant 0 : i32
      %dma_start3A_49 = arith.constant 0 : i32
      %dma_start3A_50 = tpu.memref_slice %arg7[%dma_start3A, %dma_start3A_49] : memref<128x128xf32, #tpu.memory_space<vmem>> -> memref<120x128xf32, #tpu.memory_space<vmem>>
      %dma_start3A_51 = arith.constant 0 : i32
      %dma_start3A_52 = tpu.memref_slice %arg8[%add3A_20, %dma_start3A_51] : memref<10112x128xf32, #tpu.memory_space<vmem_shared>> -> memref<120x128xf32, #tpu.memory_space<vmem_shared>>
      %dma_start3A_53 = arith.constant 0 : i32
      %dma_start3A_54 = tpu.memref_slice %arg8[%add3A_20, %dma_start3A_53] : memref<10112x128xf32, #tpu.memory_space<vmem_shared>> -> memref<120x128xf32, #tpu.memory_space<vmem_shared>>
      %dma_start3A_55 = arith.constant 0 : i32
      %dma_start3A_56 = arith.constant 0 : i32
      %dma_start3A_57 = tpu.memref_slice %arg7[%dma_start3A_55, %dma_start3A_56] : memref<128x128xf32, #tpu.memory_space<vmem>> -> memref<120x128xf32, #tpu.memory_space<vmem>>
      tpu.enqueue_dma source(%dma_start3A_57 : memref<120x128xf32, #tpu.memory_space<vmem>>) target(%dma_start3A_54 : memref<120x128xf32, #tpu.memory_space<vmem_shared>>) target_semaphore(%run_scoped3A : memref<!tpu.dma_semaphore, #tpu.memory_space<semaphore_mem>>)
      %dma_wait3A = arith.constant 0 : i32
      %dma_wait3A_58 = arith.constant 0 : i32
      %dma_wait3A_59 = tpu.memref_slice %arg7[%dma_wait3A, %dma_wait3A_58] : memref<128x128xf32, #tpu.memory_space<vmem>> -> memref<120x128xf32, #tpu.memory_space<vmem>>
      %dma_wait3A_60 = arith.constant 0 : i32
      %dma_wait3A_61 = tpu.memref_slice %arg8[%add3A_20, %dma_wait3A_60] : memref<10112x128xf32, #tpu.memory_space<vmem_shared>> -> memref<120x128xf32, #tpu.memory_space<vmem_shared>>
      %dma_wait3A_62 = arith.constant 0 : i32
      %dma_wait3A_63 = tpu.memref_slice %arg8[%add3A_20, %dma_wait3A_62] : memref<10112x128xf32, #tpu.memory_space<vmem_shared>> -> memref<120x128xf32, #tpu.memory_space<vmem_shared>>
      %dma_wait3A_64 = arith.constant 0 : i32
      %dma_wait3A_65 = arith.constant 0 : i32
      %dma_wait3A_66 = tpu.memref_slice %arg7[%dma_wait3A_64, %dma_wait3A_65] : memref<128x128xf32, #tpu.memory_space<vmem>> -> memref<120x128xf32, #tpu.memory_space<vmem>>
      tpu.wait_dma2 semaphore(%run_scoped3A : memref<!tpu.dma_semaphore, #tpu.memory_space<semaphore_mem>>) src(%dma_wait3A_66 : memref<120x128xf32, #tpu.memory_space<vmem>>) dst(%dma_wait3A_63 : memref<120x128xf32, #tpu.memory_space<vmem_shared>>)
      tpu.yield
    }) : () -> ()
    %barrier3A = arith.constant 0 : index
    tpu.barrier barrier_id(%barrier3A)
    "tpu.region"() ({
      %run_scoped3A = tpu.sem_alloc : memref<!tpu.dma_semaphore, #tpu.memory_space<semaphore_mem>>
      %dma_start3A = arith.constant 0 : i32
      %dma_start3A_49 = arith.constant 0 : i32
      %dma_start3A_50 = tpu.memref_slice %arg2[%add3A, %dma_start3A, %dma_start3A_49] : memref<32x80x128xi32, #tpu.memory_space<hbm>> -> memref<1x80x128xi32, #tpu.memory_space<hbm>>
      %dma_start3A_51 = tpu.memref_squeeze %dma_start3A_50 : memref<1x80x128xi32, #tpu.memory_space<hbm>> -> memref<80x128xi32, #tpu.memory_space<hbm>>
      %dma_start3A_52 = arith.constant 0 : i32
      %dma_start3A_53 = arith.constant 0 : i32
      %dma_start3A_54 = tpu.memref_slice %arg2[%add3A, %dma_start3A_52, %dma_start3A_53] : memref<32x80x128xi32, #tpu.memory_space<hbm>> -> memref<1x80x128xi32, #tpu.memory_space<hbm>>
      %dma_start3A_55 = tpu.memref_squeeze %dma_start3A_54 : memref<1x80x128xi32, #tpu.memory_space<hbm>> -> memref<80x128xi32, #tpu.memory_space<hbm>>
      tpu.enqueue_dma source(%dma_start3A_55 : memref<80x128xi32, #tpu.memory_space<hbm>>) target(%arg6 : memref<80x128xi32, #tpu.memory_space<vmem>>) target_semaphore(%run_scoped3A : memref<!tpu.dma_semaphore, #tpu.memory_space<semaphore_mem>>)
      %dma_wait3A = arith.constant 0 : i32
      %dma_wait3A_56 = arith.constant 0 : i32
      %dma_wait3A_57 = tpu.memref_slice %arg2[%add3A, %dma_wait3A, %dma_wait3A_56] : memref<32x80x128xi32, #tpu.memory_space<hbm>> -> memref<1x80x128xi32, #tpu.memory_space<hbm>>
      %dma_wait3A_58 = tpu.memref_squeeze %dma_wait3A_57 : memref<1x80x128xi32, #tpu.memory_space<hbm>> -> memref<80x128xi32, #tpu.memory_space<hbm>>
      %dma_wait3A_59 = arith.constant 0 : i32
      %dma_wait3A_60 = arith.constant 0 : i32
      %dma_wait3A_61 = tpu.memref_slice %arg2[%add3A, %dma_wait3A_59, %dma_wait3A_60] : memref<32x80x128xi32, #tpu.memory_space<hbm>> -> memref<1x80x128xi32, #tpu.memory_space<hbm>>
      %dma_wait3A_62 = tpu.memref_squeeze %dma_wait3A_61 : memref<1x80x128xi32, #tpu.memory_space<hbm>> -> memref<80x128xi32, #tpu.memory_space<hbm>>
      tpu.wait_dma2 semaphore(%run_scoped3A : memref<!tpu.dma_semaphore, #tpu.memory_space<semaphore_mem>>) src(%dma_wait3A_62 : memref<80x128xi32, #tpu.memory_space<hbm>>) dst(%arg6 : memref<80x128xi32, #tpu.memory_space<vmem>>)
      tpu.yield
    }) : () -> ()
    "tpu.region"() ({
      %run_scoped3A = tpu.sem_alloc : memref<!tpu.dma_semaphore, #tpu.memory_space<semaphore_mem>>
      tpu.enqueue_dma source(%arg3 : memref<128x128xf32, #tpu.memory_space<hbm>>) target(%arg7 : memref<128x128xf32, #tpu.memory_space<vmem>>) target_semaphore(%run_scoped3A : memref<!tpu.dma_semaphore, #tpu.memory_space<semaphore_mem>>)
      tpu.wait_dma2 semaphore(%run_scoped3A : memref<!tpu.dma_semaphore, #tpu.memory_space<semaphore_mem>>) src(%arg3 : memref<128x128xf32, #tpu.memory_space<hbm>>) dst(%arg7 : memref<128x128xf32, #tpu.memory_space<vmem>>)
      tpu.yield
    }) : () -> ()
    %scan3A = arith.constant 0 : i32
    %scan3A_21 = arith.constant 0 : i32
    %scan3A_22 = arith.constant 80 : i32
    %scan3A_23 = arith.addi %scan3A_21, %scan3A_22 : i32
    %scan3A_24 = arith.constant 1 : i32
    scf.for %scan3A_49 = %scan3A_21 to %scan3A_23 step %scan3A_24  : i32 {
      "tpu.region"() ({
        %run_scoped3A = tpu.sem_alloc : memref<!tpu.dma_semaphore, #tpu.memory_space<semaphore_mem>>
        %dma_start3A = arith.constant 0 : i32
        %dma_start3A_50 = tpu.memref_slice %arg6[%scan3A_49, %dma_start3A] : memref<80x128xi32, #tpu.memory_space<vmem>> -> memref<1x128xi32, #tpu.memory_space<vmem>>
        %dma_start3A_51 = tpu.memref_squeeze %dma_start3A_50 : memref<1x128xi32, #tpu.memory_space<vmem>> -> memref<128xi32, #tpu.memory_space<vmem>>
        %dma_start3A_52 = arith.constant 0 : i32
        %dma_start3A_53 = arith.constant 0 : i32
        %dma_start3A_54 = tpu.memref_slice %arg8[%dma_start3A_52, %dma_start3A_53] : memref<10112x128xf32, #tpu.memory_space<vmem_shared>> -> memref<10112x128xf32, #tpu.memory_space<vmem_shared>>
        tpu.enqueue_indirect_dma source(%arg7 : memref<128x128xf32, #tpu.memory_space<vmem>>) target(%dma_start3A_54 : memref<10112x128xf32, #tpu.memory_space<vmem_shared>>) offsets(%dma_start3A_51 : memref<128xi32, #tpu.memory_space<vmem>>) semaphore(%run_scoped3A : memref<!tpu.dma_semaphore, #tpu.memory_space<semaphore_mem>>) {add = true}
        %dma_wait3A = arith.constant 0 : i32
        %dma_wait3A_55 = tpu.memref_slice %arg6[%scan3A_49, %dma_wait3A] : memref<80x128xi32, #tpu.memory_space<vmem>> -> memref<1x128xi32, #tpu.memory_space<vmem>>
        %dma_wait3A_56 = tpu.memref_squeeze %dma_wait3A_55 : memref<1x128xi32, #tpu.memory_space<vmem>> -> memref<128xi32, #tpu.memory_space<vmem>>
        %dma_wait3A_57 = arith.constant 0 : i32
        %dma_wait3A_58 = arith.constant 0 : i32
        %dma_wait3A_59 = tpu.memref_slice %arg8[%dma_wait3A_57, %dma_wait3A_58] : memref<10112x128xf32, #tpu.memory_space<vmem_shared>> -> memref<10112x128xf32, #tpu.memory_space<vmem_shared>>
        tpu.wait_indirect_dma semaphore(%run_scoped3A : memref<!tpu.dma_semaphore, #tpu.memory_space<semaphore_mem>>) src(%arg7 : memref<128x128xf32, #tpu.memory_space<vmem>>) dst(%dma_wait3A_59 : memref<10112x128xf32, #tpu.memory_space<vmem_shared>>)
        tpu.yield
      }) : () -> ()
    }
    %scan3A_25 = arith.constant 80 : i32
    %barrier3A_26 = arith.constant 0 : index
    tpu.barrier barrier_id(%barrier3A_26)
    %mul3A_27 = arith.constant 632 : i32
    %mul3A_28 = arith.muli %arg1, %mul3A_27 : i32
    %add3A_29 = arith.constant 0 : i32
    %add3A_30 = arith.addi %mul3A_28, %add3A_29 : i32
    "tpu.region"() ({
      %run_scoped3A = tpu.sem_alloc : memref<!tpu.dma_semaphore, #tpu.memory_space<semaphore_mem>>
      %dma_start3A = arith.constant 0 : i32
      %dma_start3A_49 = tpu.memref_slice %arg8[%add3A_30, %dma_start3A] : memref<10112x128xf32, #tpu.memory_space<vmem_shared>> -> memref<128x128xf32, #tpu.memory_space<vmem_shared>>
      %dma_start3A_50 = arith.constant 0 : i32
      %dma_start3A_51 = tpu.memref_slice %arg8[%add3A_30, %dma_start3A_50] : memref<10112x128xf32, #tpu.memory_space<vmem_shared>> -> memref<128x128xf32, #tpu.memory_space<vmem_shared>>
      tpu.enqueue_dma source(%dma_start3A_51 : memref<128x128xf32, #tpu.memory_space<vmem_shared>>) target(%arg7 : memref<128x128xf32, #tpu.memory_space<vmem>>) target_semaphore(%run_scoped3A : memref<!tpu.dma_semaphore, #tpu.memory_space<semaphore_mem>>)
      %dma_wait3A = arith.constant 0 : i32
      %dma_wait3A_52 = tpu.memref_slice %arg8[%add3A_30, %dma_wait3A] : memref<10112x128xf32, #tpu.memory_space<vmem_shared>> -> memref<128x128xf32, #tpu.memory_space<vmem_shared>>
      %dma_wait3A_53 = arith.constant 0 : i32
      %dma_wait3A_54 = tpu.memref_slice %arg8[%add3A_30, %dma_wait3A_53] : memref<10112x128xf32, #tpu.memory_space<vmem_shared>> -> memref<128x128xf32, #tpu.memory_space<vmem_shared>>
      tpu.wait_dma2 semaphore(%run_scoped3A : memref<!tpu.dma_semaphore, #tpu.memory_space<semaphore_mem>>) src(%dma_wait3A_54 : memref<128x128xf32, #tpu.memory_space<vmem_shared>>) dst(%arg7 : memref<128x128xf32, #tpu.memory_space<vmem>>)
      tpu.yield
    }) : () -> ()
    %add3A_31 = arith.constant 0 : i32
    %add3A_32 = arith.addi %mul3A_28, %add3A_31 : i32
    "tpu.region"() ({
      %run_scoped3A = tpu.sem_alloc : memref<!tpu.dma_semaphore, #tpu.memory_space<semaphore_mem>>
      %dma_start3A = arith.constant 0 : i32
      %dma_start3A_49 = tpu.memref_slice %arg5[%arg0, %add3A_32, %dma_start3A] : memref<2x10112x128xf32, #tpu.memory_space<hbm>> -> memref<1x128x128xf32, #tpu.memory_space<hbm>>
      %dma_start3A_50 = tpu.memref_squeeze %dma_start3A_49 : memref<1x128x128xf32, #tpu.memory_space<hbm>> -> memref<128x128xf32, #tpu.memory_space<hbm>>
      %dma_start3A_51 = arith.constant 0 : i32
      %dma_start3A_52 = tpu.memref_slice %arg5[%arg0, %add3A_32, %dma_start3A_51] : memref<2x10112x128xf32, #tpu.memory_space<hbm>> -> memref<1x128x128xf32, #tpu.memory_space<hbm>>
      %dma_start3A_53 = tpu.memref_squeeze %dma_start3A_52 : memref<1x128x128xf32, #tpu.memory_space<hbm>> -> memref<128x128xf32, #tpu.memory_space<hbm>>
      tpu.enqueue_dma source(%arg7 : memref<128x128xf32, #tpu.memory_space<vmem>>) target(%dma_start3A_53 : memref<128x128xf32, #tpu.memory_space<hbm>>) target_semaphore(%run_scoped3A : memref<!tpu.dma_semaphore, #tpu.memory_space<semaphore_mem>>)
      %dma_wait3A = arith.constant 0 : i32
      %dma_wait3A_54 = tpu.memref_slice %arg5[%arg0, %add3A_32, %dma_wait3A] : memref<2x10112x128xf32, #tpu.memory_space<hbm>> -> memref<1x128x128xf32, #tpu.memory_space<hbm>>
      %dma_wait3A_55 = tpu.memref_squeeze %dma_wait3A_54 : memref<1x128x128xf32, #tpu.memory_space<hbm>> -> memref<128x128xf32, #tpu.memory_space<hbm>>
      %dma_wait3A_56 = arith.constant 0 : i32
      %dma_wait3A_57 = tpu.memref_slice %arg5[%arg0, %add3A_32, %dma_wait3A_56] : memref<2x10112x128xf32, #tpu.memory_space<hbm>> -> memref<1x128x128xf32, #tpu.memory_space<hbm>>
      %dma_wait3A_58 = tpu.memref_squeeze %dma_wait3A_57 : memref<1x128x128xf32, #tpu.memory_space<hbm>> -> memref<128x128xf32, #tpu.memory_space<hbm>>
      tpu.wait_dma2 semaphore(%run_scoped3A : memref<!tpu.dma_semaphore, #tpu.memory_space<semaphore_mem>>) src(%arg7 : memref<128x128xf32, #tpu.memory_space<vmem>>) dst(%dma_wait3A_58 : memref<128x128xf32, #tpu.memory_space<hbm>>)
      tpu.yield
    }) : () -> ()
    %add3A_33 = arith.constant 128 : i32
    %add3A_34 = arith.addi %mul3A_28, %add3A_33 : i32
    "tpu.region"() ({
      %run_scoped3A = tpu.sem_alloc : memref<!tpu.dma_semaphore, #tpu.memory_space<semaphore_mem>>
      %dma_start3A = arith.constant 0 : i32
      %dma_start3A_49 = tpu.memref_slice %arg8[%add3A_34, %dma_start3A] : memref<10112x128xf32, #tpu.memory_space<vmem_shared>> -> memref<128x128xf32, #tpu.memory_space<vmem_shared>>
      %dma_start3A_50 = arith.constant 0 : i32
      %dma_start3A_51 = tpu.memref_slice %arg8[%add3A_34, %dma_start3A_50] : memref<10112x128xf32, #tpu.memory_space<vmem_shared>> -> memref<128x128xf32, #tpu.memory_space<vmem_shared>>
      tpu.enqueue_dma source(%dma_start3A_51 : memref<128x128xf32, #tpu.memory_space<vmem_shared>>) target(%arg7 : memref<128x128xf32, #tpu.memory_space<vmem>>) target_semaphore(%run_scoped3A : memref<!tpu.dma_semaphore, #tpu.memory_space<semaphore_mem>>)
      %dma_wait3A = arith.constant 0 : i32
      %dma_wait3A_52 = tpu.memref_slice %arg8[%add3A_34, %dma_wait3A] : memref<10112x128xf32, #tpu.memory_space<vmem_shared>> -> memref<128x128xf32, #tpu.memory_space<vmem_shared>>
      %dma_wait3A_53 = arith.constant 0 : i32
      %dma_wait3A_54 = tpu.memref_slice %arg8[%add3A_34, %dma_wait3A_53] : memref<10112x128xf32, #tpu.memory_space<vmem_shared>> -> memref<128x128xf32, #tpu.memory_space<vmem_shared>>
      tpu.wait_dma2 semaphore(%run_scoped3A : memref<!tpu.dma_semaphore, #tpu.memory_space<semaphore_mem>>) src(%dma_wait3A_54 : memref<128x128xf32, #tpu.memory_space<vmem_shared>>) dst(%arg7 : memref<128x128xf32, #tpu.memory_space<vmem>>)
      tpu.yield
    }) : () -> ()
    %add3A_35 = arith.constant 128 : i32
    %add3A_36 = arith.addi %mul3A_28, %add3A_35 : i32
    "tpu.region"() ({
      %run_scoped3A = tpu.sem_alloc : memref<!tpu.dma_semaphore, #tpu.memory_space<semaphore_mem>>
      %dma_start3A = arith.constant 0 : i32
      %dma_start3A_49 = tpu.memref_slice %arg5[%arg0, %add3A_36, %dma_start3A] : memref<2x10112x128xf32, #tpu.memory_space<hbm>> -> memref<1x128x128xf32, #tpu.memory_space<hbm>>
      %dma_start3A_50 = tpu.memref_squeeze %dma_start3A_49 : memref<1x128x128xf32, #tpu.memory_space<hbm>> -> memref<128x128xf32, #tpu.memory_space<hbm>>
      %dma_start3A_51 = arith.constant 0 : i32
      %dma_start3A_52 = tpu.memref_slice %arg5[%arg0, %add3A_36, %dma_start3A_51] : memref<2x10112x128xf32, #tpu.memory_space<hbm>> -> memref<1x128x128xf32, #tpu.memory_space<hbm>>
      %dma_start3A_53 = tpu.memref_squeeze %dma_start3A_52 : memref<1x128x128xf32, #tpu.memory_space<hbm>> -> memref<128x128xf32, #tpu.memory_space<hbm>>
      tpu.enqueue_dma source(%arg7 : memref<128x128xf32, #tpu.memory_space<vmem>>) target(%dma_start3A_53 : memref<128x128xf32, #tpu.memory_space<hbm>>) target_semaphore(%run_scoped3A : memref<!tpu.dma_semaphore, #tpu.memory_space<semaphore_mem>>)
      %dma_wait3A = arith.constant 0 : i32
      %dma_wait3A_54 = tpu.memref_slice %arg5[%arg0, %add3A_36, %dma_wait3A] : memref<2x10112x128xf32, #tpu.memory_space<hbm>> -> memref<1x128x128xf32, #tpu.memory_space<hbm>>
      %dma_wait3A_55 = tpu.memref_squeeze %dma_wait3A_54 : memref<1x128x128xf32, #tpu.memory_space<hbm>> -> memref<128x128xf32, #tpu.memory_space<hbm>>
      %dma_wait3A_56 = arith.constant 0 : i32
      %dma_wait3A_57 = tpu.memref_slice %arg5[%arg0, %add3A_36, %dma_wait3A_56] : memref<2x10112x128xf32, #tpu.memory_space<hbm>> -> memref<1x128x128xf32, #tpu.memory_space<hbm>>
      %dma_wait3A_58 = tpu.memref_squeeze %dma_wait3A_57 : memref<1x128x128xf32, #tpu.memory_space<hbm>> -> memref<128x128xf32, #tpu.memory_space<hbm>>
      tpu.wait_dma2 semaphore(%run_scoped3A : memref<!tpu.dma_semaphore, #tpu.memory_space<semaphore_mem>>) src(%arg7 : memref<128x128xf32, #tpu.memory_space<vmem>>) dst(%dma_wait3A_58 : memref<128x128xf32, #tpu.memory_space<hbm>>)
      tpu.yield
    }) : () -> ()
    %add3A_37 = arith.constant 256 : i32
    %add3A_38 = arith.addi %mul3A_28, %add3A_37 : i32
    "tpu.region"() ({
      %run_scoped3A = tpu.sem_alloc : memref<!tpu.dma_semaphore, #tpu.memory_space<semaphore_mem>>
      %dma_start3A = arith.constant 0 : i32
      %dma_start3A_49 = tpu.memref_slice %arg8[%add3A_38, %dma_start3A] : memref<10112x128xf32, #tpu.memory_space<vmem_shared>> -> memref<128x128xf32, #tpu.memory_space<vmem_shared>>
      %dma_start3A_50 = arith.constant 0 : i32
      %dma_start3A_51 = tpu.memref_slice %arg8[%add3A_38, %dma_start3A_50] : memref<10112x128xf32, #tpu.memory_space<vmem_shared>> -> memref<128x128xf32, #tpu.memory_space<vmem_shared>>
      tpu.enqueue_dma source(%dma_start3A_51 : memref<128x128xf32, #tpu.memory_space<vmem_shared>>) target(%arg7 : memref<128x128xf32, #tpu.memory_space<vmem>>) target_semaphore(%run_scoped3A : memref<!tpu.dma_semaphore, #tpu.memory_space<semaphore_mem>>)
      %dma_wait3A = arith.constant 0 : i32
      %dma_wait3A_52 = tpu.memref_slice %arg8[%add3A_38, %dma_wait3A] : memref<10112x128xf32, #tpu.memory_space<vmem_shared>> -> memref<128x128xf32, #tpu.memory_space<vmem_shared>>
      %dma_wait3A_53 = arith.constant 0 : i32
      %dma_wait3A_54 = tpu.memref_slice %arg8[%add3A_38, %dma_wait3A_53] : memref<10112x128xf32, #tpu.memory_space<vmem_shared>> -> memref<128x128xf32, #tpu.memory_space<vmem_shared>>
      tpu.wait_dma2 semaphore(%run_scoped3A : memref<!tpu.dma_semaphore, #tpu.memory_space<semaphore_mem>>) src(%dma_wait3A_54 : memref<128x128xf32, #tpu.memory_space<vmem_shared>>) dst(%arg7 : memref<128x128xf32, #tpu.memory_space<vmem>>)
      tpu.yield
    }) : () -> ()
    %add3A_39 = arith.constant 256 : i32
    %add3A_40 = arith.addi %mul3A_28, %add3A_39 : i32
    "tpu.region"() ({
      %run_scoped3A = tpu.sem_alloc : memref<!tpu.dma_semaphore, #tpu.memory_space<semaphore_mem>>
      %dma_start3A = arith.constant 0 : i32
      %dma_start3A_49 = tpu.memref_slice %arg5[%arg0, %add3A_40, %dma_start3A] : memref<2x10112x128xf32, #tpu.memory_space<hbm>> -> memref<1x128x128xf32, #tpu.memory_space<hbm>>
      %dma_start3A_50 = tpu.memref_squeeze %dma_start3A_49 : memref<1x128x128xf32, #tpu.memory_space<hbm>> -> memref<128x128xf32, #tpu.memory_space<hbm>>
      %dma_start3A_51 = arith.constant 0 : i32
      %dma_start3A_52 = tpu.memref_slice %arg5[%arg0, %add3A_40, %dma_start3A_51] : memref<2x10112x128xf32, #tpu.memory_space<hbm>> -> memref<1x128x128xf32, #tpu.memory_space<hbm>>
      %dma_start3A_53 = tpu.memref_squeeze %dma_start3A_52 : memref<1x128x128xf32, #tpu.memory_space<hbm>> -> memref<128x128xf32, #tpu.memory_space<hbm>>
      tpu.enqueue_dma source(%arg7 : memref<128x128xf32, #tpu.memory_space<vmem>>) target(%dma_start3A_53 : memref<128x128xf32, #tpu.memory_space<hbm>>) target_semaphore(%run_scoped3A : memref<!tpu.dma_semaphore, #tpu.memory_space<semaphore_mem>>)
      %dma_wait3A = arith.constant 0 : i32
      %dma_wait3A_54 = tpu.memref_slice %arg5[%arg0, %add3A_40, %dma_wait3A] : memref<2x10112x128xf32, #tpu.memory_space<hbm>> -> memref<1x128x128xf32, #tpu.memory_space<hbm>>
      %dma_wait3A_55 = tpu.memref_squeeze %dma_wait3A_54 : memref<1x128x128xf32, #tpu.memory_space<hbm>> -> memref<128x128xf32, #tpu.memory_space<hbm>>
      %dma_wait3A_56 = arith.constant 0 : i32
      %dma_wait3A_57 = tpu.memref_slice %arg5[%arg0, %add3A_40, %dma_wait3A_56] : memref<2x10112x128xf32, #tpu.memory_space<hbm>> -> memref<1x128x128xf32, #tpu.memory_space<hbm>>
      %dma_wait3A_58 = tpu.memref_squeeze %dma_wait3A_57 : memref<1x128x128xf32, #tpu.memory_space<hbm>> -> memref<128x128xf32, #tpu.memory_space<hbm>>
      tpu.wait_dma2 semaphore(%run_scoped3A : memref<!tpu.dma_semaphore, #tpu.memory_space<semaphore_mem>>) src(%arg7 : memref<128x128xf32, #tpu.memory_space<vmem>>) dst(%dma_wait3A_58 : memref<128x128xf32, #tpu.memory_space<hbm>>)
      tpu.yield
    }) : () -> ()
    %add3A_41 = arith.constant 384 : i32
    %add3A_42 = arith.addi %mul3A_28, %add3A_41 : i32
    "tpu.region"() ({
      %run_scoped3A = tpu.sem_alloc : memref<!tpu.dma_semaphore, #tpu.memory_space<semaphore_mem>>
      %dma_start3A = arith.constant 0 : i32
      %dma_start3A_49 = tpu.memref_slice %arg8[%add3A_42, %dma_start3A] : memref<10112x128xf32, #tpu.memory_space<vmem_shared>> -> memref<128x128xf32, #tpu.memory_space<vmem_shared>>
      %dma_start3A_50 = arith.constant 0 : i32
      %dma_start3A_51 = tpu.memref_slice %arg8[%add3A_42, %dma_start3A_50] : memref<10112x128xf32, #tpu.memory_space<vmem_shared>> -> memref<128x128xf32, #tpu.memory_space<vmem_shared>>
      tpu.enqueue_dma source(%dma_start3A_51 : memref<128x128xf32, #tpu.memory_space<vmem_shared>>) target(%arg7 : memref<128x128xf32, #tpu.memory_space<vmem>>) target_semaphore(%run_scoped3A : memref<!tpu.dma_semaphore, #tpu.memory_space<semaphore_mem>>)
      %dma_wait3A = arith.constant 0 : i32
      %dma_wait3A_52 = tpu.memref_slice %arg8[%add3A_42, %dma_wait3A] : memref<10112x128xf32, #tpu.memory_space<vmem_shared>> -> memref<128x128xf32, #tpu.memory_space<vmem_shared>>
      %dma_wait3A_53 = arith.constant 0 : i32
      %dma_wait3A_54 = tpu.memref_slice %arg8[%add3A_42, %dma_wait3A_53] : memref<10112x128xf32, #tpu.memory_space<vmem_shared>> -> memref<128x128xf32, #tpu.memory_space<vmem_shared>>
      tpu.wait_dma2 semaphore(%run_scoped3A : memref<!tpu.dma_semaphore, #tpu.memory_space<semaphore_mem>>) src(%dma_wait3A_54 : memref<128x128xf32, #tpu.memory_space<vmem_shared>>) dst(%arg7 : memref<128x128xf32, #tpu.memory_space<vmem>>)
      tpu.yield
    }) : () -> ()
    %add3A_43 = arith.constant 384 : i32
    %add3A_44 = arith.addi %mul3A_28, %add3A_43 : i32
    "tpu.region"() ({
      %run_scoped3A = tpu.sem_alloc : memref<!tpu.dma_semaphore, #tpu.memory_space<semaphore_mem>>
      %dma_start3A = arith.constant 0 : i32
      %dma_start3A_49 = tpu.memref_slice %arg5[%arg0, %add3A_44, %dma_start3A] : memref<2x10112x128xf32, #tpu.memory_space<hbm>> -> memref<1x128x128xf32, #tpu.memory_space<hbm>>
      %dma_start3A_50 = tpu.memref_squeeze %dma_start3A_49 : memref<1x128x128xf32, #tpu.memory_space<hbm>> -> memref<128x128xf32, #tpu.memory_space<hbm>>
      %dma_start3A_51 = arith.constant 0 : i32
      %dma_start3A_52 = tpu.memref_slice %arg5[%arg0, %add3A_44, %dma_start3A_51] : memref<2x10112x128xf32, #tpu.memory_space<hbm>> -> memref<1x128x128xf32, #tpu.memory_space<hbm>>
      %dma_start3A_53 = tpu.memref_squeeze %dma_start3A_52 : memref<1x128x128xf32, #tpu.memory_space<hbm>> -> memref<128x128xf32, #tpu.memory_space<hbm>>
      tpu.enqueue_dma source(%arg7 : memref<128x128xf32, #tpu.memory_space<vmem>>) target(%dma_start3A_53 : memref<128x128xf32, #tpu.memory_space<hbm>>) target_semaphore(%run_scoped3A : memref<!tpu.dma_semaphore, #tpu.memory_space<semaphore_mem>>)
      %dma_wait3A = arith.constant 0 : i32
      %dma_wait3A_54 = tpu.memref_slice %arg5[%arg0, %add3A_44, %dma_wait3A] : memref<2x10112x128xf32, #tpu.memory_space<hbm>> -> memref<1x128x128xf32, #tpu.memory_space<hbm>>
      %dma_wait3A_55 = tpu.memref_squeeze %dma_wait3A_54 : memref<1x128x128xf32, #tpu.memory_space<hbm>> -> memref<128x128xf32, #tpu.memory_space<hbm>>
      %dma_wait3A_56 = arith.constant 0 : i32
      %dma_wait3A_57 = tpu.memref_slice %arg5[%arg0, %add3A_44, %dma_wait3A_56] : memref<2x10112x128xf32, #tpu.memory_space<hbm>> -> memref<1x128x128xf32, #tpu.memory_space<hbm>>
      %dma_wait3A_58 = tpu.memref_squeeze %dma_wait3A_57 : memref<1x128x128xf32, #tpu.memory_space<hbm>> -> memref<128x128xf32, #tpu.memory_space<hbm>>
      tpu.wait_dma2 semaphore(%run_scoped3A : memref<!tpu.dma_semaphore, #tpu.memory_space<semaphore_mem>>) src(%arg7 : memref<128x128xf32, #tpu.memory_space<vmem>>) dst(%dma_wait3A_58 : memref<128x128xf32, #tpu.memory_space<hbm>>)
      tpu.yield
    }) : () -> ()
    %add3A_45 = arith.constant 512 : i32
    %add3A_46 = arith.addi %mul3A_28, %add3A_45 : i32
    "tpu.region"() ({
      %run_scoped3A = tpu.sem_alloc : memref<!tpu.dma_semaphore, #tpu.memory_space<semaphore_mem>>
      %dma_start3A = arith.constant 0 : i32
      %dma_start3A_49 = arith.constant 0 : i32
      %dma_start3A_50 = tpu.memref_slice %arg7[%dma_start3A, %dma_start3A_49] : memref<128x128xf32, #tpu.memory_space<vmem>> -> memref<120x128xf32, #tpu.memory_space<vmem>>
      %dma_start3A_51 = arith.constant 0 : i32
      %dma_start3A_52 = tpu.memref_slice %arg8[%add3A_46, %dma_start3A_51] : memref<10112x128xf32, #tpu.memory_space<vmem_shared>> -> memref<120x128xf32, #tpu.memory_space<vmem_shared>>
      %dma_start3A_53 = arith.constant 0 : i32
      %dma_start3A_54 = arith.constant 0 : i32
      %dma_start3A_55 = tpu.memref_slice %arg7[%dma_start3A_53, %dma_start3A_54] : memref<128x128xf32, #tpu.memory_space<vmem>> -> memref<120x128xf32, #tpu.memory_space<vmem>>
      %dma_start3A_56 = arith.constant 0 : i32
      %dma_start3A_57 = tpu.memref_slice %arg8[%add3A_46, %dma_start3A_56] : memref<10112x128xf32, #tpu.memory_space<vmem_shared>> -> memref<120x128xf32, #tpu.memory_space<vmem_shared>>
      tpu.enqueue_dma source(%dma_start3A_57 : memref<120x128xf32, #tpu.memory_space<vmem_shared>>) target(%dma_start3A_55 : memref<120x128xf32, #tpu.memory_space<vmem>>) target_semaphore(%run_scoped3A : memref<!tpu.dma_semaphore, #tpu.memory_space<semaphore_mem>>)
      %dma_wait3A = arith.constant 0 : i32
      %dma_wait3A_58 = arith.constant 0 : i32
      %dma_wait3A_59 = tpu.memref_slice %arg7[%dma_wait3A, %dma_wait3A_58] : memref<128x128xf32, #tpu.memory_space<vmem>> -> memref<120x128xf32, #tpu.memory_space<vmem>>
      %dma_wait3A_60 = arith.constant 0 : i32
      %dma_wait3A_61 = tpu.memref_slice %arg8[%add3A_46, %dma_wait3A_60] : memref<10112x128xf32, #tpu.memory_space<vmem_shared>> -> memref<120x128xf32, #tpu.memory_space<vmem_shared>>
      %dma_wait3A_62 = arith.constant 0 : i32
      %dma_wait3A_63 = arith.constant 0 : i32
      %dma_wait3A_64 = tpu.memref_slice %arg7[%dma_wait3A_62, %dma_wait3A_63] : memref<128x128xf32, #tpu.memory_space<vmem>> -> memref<120x128xf32, #tpu.memory_space<vmem>>
      %dma_wait3A_65 = arith.constant 0 : i32
      %dma_wait3A_66 = tpu.memref_slice %arg8[%add3A_46, %dma_wait3A_65] : memref<10112x128xf32, #tpu.memory_space<vmem_shared>> -> memref<120x128xf32, #tpu.memory_space<vmem_shared>>
      tpu.wait_dma2 semaphore(%run_scoped3A : memref<!tpu.dma_semaphore, #tpu.memory_space<semaphore_mem>>) src(%dma_wait3A_66 : memref<120x128xf32, #tpu.memory_space<vmem_shared>>) dst(%dma_wait3A_64 : memref<120x128xf32, #tpu.memory_space<vmem>>)
      tpu.yield
    }) : () -> ()
    %add3A_47 = arith.constant 512 : i32
    %add3A_48 = arith.addi %mul3A_28, %add3A_47 : i32
    "tpu.region"() ({
      %run_scoped3A = tpu.sem_alloc : memref<!tpu.dma_semaphore, #tpu.memory_space<semaphore_mem>>
      %dma_start3A = arith.constant 0 : i32
      %dma_start3A_49 = arith.constant 0 : i32
      %dma_start3A_50 = tpu.memref_slice %arg7[%dma_start3A, %dma_start3A_49] : memref<128x128xf32, #tpu.memory_space<vmem>> -> memref<120x128xf32, #tpu.memory_space<vmem>>
      %dma_start3A_51 = arith.constant 0 : i32
      %dma_start3A_52 = tpu.memref_slice %arg5[%arg0, %add3A_48, %dma_start3A_51] : memref<2x10112x128xf32, #tpu.memory_space<hbm>> -> memref<1x120x128xf32, #tpu.memory_space<hbm>>
      %dma_start3A_53 = tpu.memref_squeeze %dma_start3A_52 : memref<1x120x128xf32, #tpu.memory_space<hbm>> -> memref<120x128xf32, #tpu.memory_space<hbm>>
      %dma_start3A_54 = arith.constant 0 : i32
      %dma_start3A_55 = tpu.memref_slice %arg5[%arg0, %add3A_48, %dma_start3A_54] : memref<2x10112x128xf32, #tpu.memory_space<hbm>> -> memref<1x120x128xf32, #tpu.memory_space<hbm>>
      %dma_start3A_56 = tpu.memref_squeeze %dma_start3A_55 : memref<1x120x128xf32, #tpu.memory_space<hbm>> -> memref<120x128xf32, #tpu.memory_space<hbm>>
      %dma_start3A_57 = arith.constant 0 : i32
      %dma_start3A_58 = arith.constant 0 : i32
      %dma_start3A_59 = tpu.memref_slice %arg7[%dma_start3A_57, %dma_start3A_58] : memref<128x128xf32, #tpu.memory_space<vmem>> -> memref<120x128xf32, #tpu.memory_space<vmem>>
      tpu.enqueue_dma source(%dma_start3A_59 : memref<120x128xf32, #tpu.memory_space<vmem>>) target(%dma_start3A_56 : memref<120x128xf32, #tpu.memory_space<hbm>>) target_semaphore(%run_scoped3A : memref<!tpu.dma_semaphore, #tpu.memory_space<semaphore_mem>>)
      %dma_wait3A = arith.constant 0 : i32
      %dma_wait3A_60 = arith.constant 0 : i32
      %dma_wait3A_61 = tpu.memref_slice %arg7[%dma_wait3A, %dma_wait3A_60] : memref<128x128xf32, #tpu.memory_space<vmem>> -> memref<120x128xf32, #tpu.memory_space<vmem>>
      %dma_wait3A_62 = arith.constant 0 : i32
      %dma_wait3A_63 = tpu.memref_slice %arg5[%arg0, %add3A_48, %dma_wait3A_62] : memref<2x10112x128xf32, #tpu.memory_space<hbm>> -> memref<1x120x128xf32, #tpu.memory_space<hbm>>
      %dma_wait3A_64 = tpu.memref_squeeze %dma_wait3A_63 : memref<1x120x128xf32, #tpu.memory_space<hbm>> -> memref<120x128xf32, #tpu.memory_space<hbm>>
      %dma_wait3A_65 = arith.constant 0 : i32
      %dma_wait3A_66 = tpu.memref_slice %arg5[%arg0, %add3A_48, %dma_wait3A_65] : memref<2x10112x128xf32, #tpu.memory_space<hbm>> -> memref<1x120x128xf32, #tpu.memory_space<hbm>>
      %dma_wait3A_67 = tpu.memref_squeeze %dma_wait3A_66 : memref<1x120x128xf32, #tpu.memory_space<hbm>> -> memref<120x128xf32, #tpu.memory_space<hbm>>
      %dma_wait3A_68 = arith.constant 0 : i32
      %dma_wait3A_69 = arith.constant 0 : i32
      %dma_wait3A_70 = tpu.memref_slice %arg7[%dma_wait3A_68, %dma_wait3A_69] : memref<128x128xf32, #tpu.memory_space<vmem>> -> memref<120x128xf32, #tpu.memory_space<vmem>>
      tpu.wait_dma2 semaphore(%run_scoped3A : memref<!tpu.dma_semaphore, #tpu.memory_space<semaphore_mem>>) src(%dma_wait3A_70 : memref<120x128xf32, #tpu.memory_space<vmem>>) dst(%dma_wait3A_67 : memref<120x128xf32, #tpu.memory_space<hbm>>)
      tpu.yield
    }) : () -> ()
    return
  }
}

#map = affine_map<(d0, d1) -> (0, 0)>
#map1 = affine_map<(d0, d1) -> (0, 0, 0)>
module attributes {stable_mosaic.version = 14 : i64} {
  func.func @_scat_kernel(%arg0: i32, %arg1: i32, %arg2: memref<10000x128xf32, #tpu.memory_space<hbm>>, %arg3: memref<32x80x128xi32, #tpu.memory_space<hbm>>, %arg4: memref<32x80x128xi32, #tpu.memory_space<hbm>>, %arg5: memref<128x128xf32, #tpu.memory_space<hbm>>, %arg6: memref<2x10112x128xf32, #tpu.memory_space<hbm>>, %arg7: memref<40x128xi32, #tpu.memory_space<vmem>>, %arg8: memref<40x128xi32, #tpu.memory_space<vmem>>, %arg9: memref<128x128xf32, #tpu.memory_space<vmem>>, %arg10: memref<128x128xf32, #tpu.memory_space<vmem>>, %arg11: memref<10112x128xf32, #tpu.memory_space<vmem_shared>>, %arg12: memref<!tpu.dma_semaphore, #tpu.memory_space<semaphore_mem>>, %arg13: memref<!tpu.dma_semaphore, #tpu.memory_space<semaphore_mem>>) attributes {dimension_semantics = [#tpu.dimension_semantics<core_parallel>, #tpu.dimension_semantics<subcore_parallel>], iteration_bounds = array<i64: 2, 16>, scalar_prefetch = 0 : i64, scratch_operands = 7 : i64, tpu.core_type = #tpu.core_type<sc_vector_subcore>, window_params = [{transform_indices = #map}, {transform_indices = #map1}, {transform_indices = #map1}, {transform_indices = #map}, {transform_indices = #map1}]} {
    %mul3A = arith.constant 2 : i32
    %mul3A_0 = arith.muli %arg1, %mul3A : i32
    %add3A = arith.addi %mul3A_0, %arg0 : i32
    "tpu.region"() ({
      %run_scoped3A_112 = tpu.sem_alloc : memref<!tpu.dma_semaphore, #tpu.memory_space<semaphore_mem>>
      tpu.enqueue_dma source(%arg5 : memref<128x128xf32, #tpu.memory_space<hbm>>) target(%arg9 : memref<128x128xf32, #tpu.memory_space<vmem>>) target_semaphore(%run_scoped3A_112 : memref<!tpu.dma_semaphore, #tpu.memory_space<semaphore_mem>>)
      tpu.wait_dma2 semaphore(%run_scoped3A_112 : memref<!tpu.dma_semaphore, #tpu.memory_space<semaphore_mem>>) src(%arg5 : memref<128x128xf32, #tpu.memory_space<hbm>>) dst(%arg9 : memref<128x128xf32, #tpu.memory_space<vmem>>)
      tpu.yield
    }) : () -> ()
    %mul3A_1 = arith.constant 632 : i32
    %mul3A_2 = arith.muli %arg1, %mul3A_1 : i32
    %add3A_3 = arith.constant 0 : i32
    %add3A_4 = arith.addi %mul3A_2, %add3A_3 : i32
    "tpu.region"() ({
      %run_scoped3A_112 = tpu.sem_alloc : memref<!tpu.dma_semaphore, #tpu.memory_space<semaphore_mem>>
      %dma_start3A_113 = arith.constant 0 : i32
      %dma_start3A_114 = tpu.memref_slice %arg11[%add3A_4, %dma_start3A_113] : memref<10112x128xf32, #tpu.memory_space<vmem_shared>> -> memref<128x128xf32, #tpu.memory_space<vmem_shared>>
      %dma_start3A_115 = arith.constant 0 : i32
      %dma_start3A_116 = tpu.memref_slice %arg11[%add3A_4, %dma_start3A_115] : memref<10112x128xf32, #tpu.memory_space<vmem_shared>> -> memref<128x128xf32, #tpu.memory_space<vmem_shared>>
      tpu.enqueue_dma source(%arg9 : memref<128x128xf32, #tpu.memory_space<vmem>>) target(%dma_start3A_116 : memref<128x128xf32, #tpu.memory_space<vmem_shared>>) target_semaphore(%run_scoped3A_112 : memref<!tpu.dma_semaphore, #tpu.memory_space<semaphore_mem>>)
      %dma_wait3A_117 = arith.constant 0 : i32
      %dma_wait3A_118 = tpu.memref_slice %arg11[%add3A_4, %dma_wait3A_117] : memref<10112x128xf32, #tpu.memory_space<vmem_shared>> -> memref<128x128xf32, #tpu.memory_space<vmem_shared>>
      %dma_wait3A_119 = arith.constant 0 : i32
      %dma_wait3A_120 = tpu.memref_slice %arg11[%add3A_4, %dma_wait3A_119] : memref<10112x128xf32, #tpu.memory_space<vmem_shared>> -> memref<128x128xf32, #tpu.memory_space<vmem_shared>>
      tpu.wait_dma2 semaphore(%run_scoped3A_112 : memref<!tpu.dma_semaphore, #tpu.memory_space<semaphore_mem>>) src(%arg9 : memref<128x128xf32, #tpu.memory_space<vmem>>) dst(%dma_wait3A_120 : memref<128x128xf32, #tpu.memory_space<vmem_shared>>)
      tpu.yield
    }) : () -> ()
    %mul3A_5 = arith.constant 632 : i32
    %mul3A_6 = arith.muli %arg1, %mul3A_5 : i32
    %add3A_7 = arith.constant 128 : i32
    %add3A_8 = arith.addi %mul3A_6, %add3A_7 : i32
    "tpu.region"() ({
      %run_scoped3A_112 = tpu.sem_alloc : memref<!tpu.dma_semaphore, #tpu.memory_space<semaphore_mem>>
      %dma_start3A_113 = arith.constant 0 : i32
      %dma_start3A_114 = tpu.memref_slice %arg11[%add3A_8, %dma_start3A_113] : memref<10112x128xf32, #tpu.memory_space<vmem_shared>> -> memref<128x128xf32, #tpu.memory_space<vmem_shared>>
      %dma_start3A_115 = arith.constant 0 : i32
      %dma_start3A_116 = tpu.memref_slice %arg11[%add3A_8, %dma_start3A_115] : memref<10112x128xf32, #tpu.memory_space<vmem_shared>> -> memref<128x128xf32, #tpu.memory_space<vmem_shared>>
      tpu.enqueue_dma source(%arg9 : memref<128x128xf32, #tpu.memory_space<vmem>>) target(%dma_start3A_116 : memref<128x128xf32, #tpu.memory_space<vmem_shared>>) target_semaphore(%run_scoped3A_112 : memref<!tpu.dma_semaphore, #tpu.memory_space<semaphore_mem>>)
      %dma_wait3A_117 = arith.constant 0 : i32
      %dma_wait3A_118 = tpu.memref_slice %arg11[%add3A_8, %dma_wait3A_117] : memref<10112x128xf32, #tpu.memory_space<vmem_shared>> -> memref<128x128xf32, #tpu.memory_space<vmem_shared>>
      %dma_wait3A_119 = arith.constant 0 : i32
      %dma_wait3A_120 = tpu.memref_slice %arg11[%add3A_8, %dma_wait3A_119] : memref<10112x128xf32, #tpu.memory_space<vmem_shared>> -> memref<128x128xf32, #tpu.memory_space<vmem_shared>>
      tpu.wait_dma2 semaphore(%run_scoped3A_112 : memref<!tpu.dma_semaphore, #tpu.memory_space<semaphore_mem>>) src(%arg9 : memref<128x128xf32, #tpu.memory_space<vmem>>) dst(%dma_wait3A_120 : memref<128x128xf32, #tpu.memory_space<vmem_shared>>)
      tpu.yield
    }) : () -> ()
    %mul3A_9 = arith.constant 632 : i32
    %mul3A_10 = arith.muli %arg1, %mul3A_9 : i32
    %add3A_11 = arith.constant 256 : i32
    %add3A_12 = arith.addi %mul3A_10, %add3A_11 : i32
    "tpu.region"() ({
      %run_scoped3A_112 = tpu.sem_alloc : memref<!tpu.dma_semaphore, #tpu.memory_space<semaphore_mem>>
      %dma_start3A_113 = arith.constant 0 : i32
      %dma_start3A_114 = tpu.memref_slice %arg11[%add3A_12, %dma_start3A_113] : memref<10112x128xf32, #tpu.memory_space<vmem_shared>> -> memref<128x128xf32, #tpu.memory_space<vmem_shared>>
      %dma_start3A_115 = arith.constant 0 : i32
      %dma_start3A_116 = tpu.memref_slice %arg11[%add3A_12, %dma_start3A_115] : memref<10112x128xf32, #tpu.memory_space<vmem_shared>> -> memref<128x128xf32, #tpu.memory_space<vmem_shared>>
      tpu.enqueue_dma source(%arg9 : memref<128x128xf32, #tpu.memory_space<vmem>>) target(%dma_start3A_116 : memref<128x128xf32, #tpu.memory_space<vmem_shared>>) target_semaphore(%run_scoped3A_112 : memref<!tpu.dma_semaphore, #tpu.memory_space<semaphore_mem>>)
      %dma_wait3A_117 = arith.constant 0 : i32
      %dma_wait3A_118 = tpu.memref_slice %arg11[%add3A_12, %dma_wait3A_117] : memref<10112x128xf32, #tpu.memory_space<vmem_shared>> -> memref<128x128xf32, #tpu.memory_space<vmem_shared>>
      %dma_wait3A_119 = arith.constant 0 : i32
      %dma_wait3A_120 = tpu.memref_slice %arg11[%add3A_12, %dma_wait3A_119] : memref<10112x128xf32, #tpu.memory_space<vmem_shared>> -> memref<128x128xf32, #tpu.memory_space<vmem_shared>>
      tpu.wait_dma2 semaphore(%run_scoped3A_112 : memref<!tpu.dma_semaphore, #tpu.memory_space<semaphore_mem>>) src(%arg9 : memref<128x128xf32, #tpu.memory_space<vmem>>) dst(%dma_wait3A_120 : memref<128x128xf32, #tpu.memory_space<vmem_shared>>)
      tpu.yield
    }) : () -> ()
    %mul3A_13 = arith.constant 632 : i32
    %mul3A_14 = arith.muli %arg1, %mul3A_13 : i32
    %add3A_15 = arith.constant 384 : i32
    %add3A_16 = arith.addi %mul3A_14, %add3A_15 : i32
    "tpu.region"() ({
      %run_scoped3A_112 = tpu.sem_alloc : memref<!tpu.dma_semaphore, #tpu.memory_space<semaphore_mem>>
      %dma_start3A_113 = arith.constant 0 : i32
      %dma_start3A_114 = tpu.memref_slice %arg11[%add3A_16, %dma_start3A_113] : memref<10112x128xf32, #tpu.memory_space<vmem_shared>> -> memref<128x128xf32, #tpu.memory_space<vmem_shared>>
      %dma_start3A_115 = arith.constant 0 : i32
      %dma_start3A_116 = tpu.memref_slice %arg11[%add3A_16, %dma_start3A_115] : memref<10112x128xf32, #tpu.memory_space<vmem_shared>> -> memref<128x128xf32, #tpu.memory_space<vmem_shared>>
      tpu.enqueue_dma source(%arg9 : memref<128x128xf32, #tpu.memory_space<vmem>>) target(%dma_start3A_116 : memref<128x128xf32, #tpu.memory_space<vmem_shared>>) target_semaphore(%run_scoped3A_112 : memref<!tpu.dma_semaphore, #tpu.memory_space<semaphore_mem>>)
      %dma_wait3A_117 = arith.constant 0 : i32
      %dma_wait3A_118 = tpu.memref_slice %arg11[%add3A_16, %dma_wait3A_117] : memref<10112x128xf32, #tpu.memory_space<vmem_shared>> -> memref<128x128xf32, #tpu.memory_space<vmem_shared>>
      %dma_wait3A_119 = arith.constant 0 : i32
      %dma_wait3A_120 = tpu.memref_slice %arg11[%add3A_16, %dma_wait3A_119] : memref<10112x128xf32, #tpu.memory_space<vmem_shared>> -> memref<128x128xf32, #tpu.memory_space<vmem_shared>>
      tpu.wait_dma2 semaphore(%run_scoped3A_112 : memref<!tpu.dma_semaphore, #tpu.memory_space<semaphore_mem>>) src(%arg9 : memref<128x128xf32, #tpu.memory_space<vmem>>) dst(%dma_wait3A_120 : memref<128x128xf32, #tpu.memory_space<vmem_shared>>)
      tpu.yield
    }) : () -> ()
    %mul3A_17 = arith.constant 632 : i32
    %mul3A_18 = arith.muli %arg1, %mul3A_17 : i32
    %add3A_19 = arith.constant 512 : i32
    %add3A_20 = arith.addi %mul3A_18, %add3A_19 : i32
    "tpu.region"() ({
      %run_scoped3A_112 = tpu.sem_alloc : memref<!tpu.dma_semaphore, #tpu.memory_space<semaphore_mem>>
      %dma_start3A_113 = arith.constant 0 : i32
      %dma_start3A_114 = arith.constant 0 : i32
      %dma_start3A_115 = tpu.memref_slice %arg9[%dma_start3A_113, %dma_start3A_114] : memref<128x128xf32, #tpu.memory_space<vmem>> -> memref<120x128xf32, #tpu.memory_space<vmem>>
      %dma_start3A_116 = arith.constant 0 : i32
      %dma_start3A_117 = tpu.memref_slice %arg11[%add3A_20, %dma_start3A_116] : memref<10112x128xf32, #tpu.memory_space<vmem_shared>> -> memref<120x128xf32, #tpu.memory_space<vmem_shared>>
      %dma_start3A_118 = arith.constant 0 : i32
      %dma_start3A_119 = tpu.memref_slice %arg11[%add3A_20, %dma_start3A_118] : memref<10112x128xf32, #tpu.memory_space<vmem_shared>> -> memref<120x128xf32, #tpu.memory_space<vmem_shared>>
      %dma_start3A_120 = arith.constant 0 : i32
      %dma_start3A_121 = arith.constant 0 : i32
      %dma_start3A_122 = tpu.memref_slice %arg9[%dma_start3A_120, %dma_start3A_121] : memref<128x128xf32, #tpu.memory_space<vmem>> -> memref<120x128xf32, #tpu.memory_space<vmem>>
      tpu.enqueue_dma source(%dma_start3A_122 : memref<120x128xf32, #tpu.memory_space<vmem>>) target(%dma_start3A_119 : memref<120x128xf32, #tpu.memory_space<vmem_shared>>) target_semaphore(%run_scoped3A_112 : memref<!tpu.dma_semaphore, #tpu.memory_space<semaphore_mem>>)
      %dma_wait3A_123 = arith.constant 0 : i32
      %dma_wait3A_124 = arith.constant 0 : i32
      %dma_wait3A_125 = tpu.memref_slice %arg9[%dma_wait3A_123, %dma_wait3A_124] : memref<128x128xf32, #tpu.memory_space<vmem>> -> memref<120x128xf32, #tpu.memory_space<vmem>>
      %dma_wait3A_126 = arith.constant 0 : i32
      %dma_wait3A_127 = tpu.memref_slice %arg11[%add3A_20, %dma_wait3A_126] : memref<10112x128xf32, #tpu.memory_space<vmem_shared>> -> memref<120x128xf32, #tpu.memory_space<vmem_shared>>
      %dma_wait3A_128 = arith.constant 0 : i32
      %dma_wait3A_129 = tpu.memref_slice %arg11[%add3A_20, %dma_wait3A_128] : memref<10112x128xf32, #tpu.memory_space<vmem_shared>> -> memref<120x128xf32, #tpu.memory_space<vmem_shared>>
      %dma_wait3A_130 = arith.constant 0 : i32
      %dma_wait3A_131 = arith.constant 0 : i32
      %dma_wait3A_132 = tpu.memref_slice %arg9[%dma_wait3A_130, %dma_wait3A_131] : memref<128x128xf32, #tpu.memory_space<vmem>> -> memref<120x128xf32, #tpu.memory_space<vmem>>
      tpu.wait_dma2 semaphore(%run_scoped3A_112 : memref<!tpu.dma_semaphore, #tpu.memory_space<semaphore_mem>>) src(%dma_wait3A_132 : memref<120x128xf32, #tpu.memory_space<vmem>>) dst(%dma_wait3A_129 : memref<120x128xf32, #tpu.memory_space<vmem_shared>>)
      tpu.yield
    }) : () -> ()
    %barrier3A = arith.constant 0 : index
    tpu.barrier barrier_id(%barrier3A)
    "tpu.region"() ({
      %run_scoped3A_112 = tpu.sem_alloc : memref<!tpu.dma_semaphore, #tpu.memory_space<semaphore_mem>>
      %dma_start3A_113 = arith.constant 0 : i32
      %dma_start3A_114 = arith.constant 0 : i32
      %dma_start3A_115 = tpu.memref_slice %arg3[%add3A, %dma_start3A_113, %dma_start3A_114] : memref<32x80x128xi32, #tpu.memory_space<hbm>> -> memref<1x40x128xi32, #tpu.memory_space<hbm>>
      %dma_start3A_116 = tpu.memref_squeeze %dma_start3A_115 : memref<1x40x128xi32, #tpu.memory_space<hbm>> -> memref<40x128xi32, #tpu.memory_space<hbm>>
      %dma_start3A_117 = arith.constant 0 : i32
      %dma_start3A_118 = arith.constant 0 : i32
      %dma_start3A_119 = tpu.memref_slice %arg3[%add3A, %dma_start3A_117, %dma_start3A_118] : memref<32x80x128xi32, #tpu.memory_space<hbm>> -> memref<1x40x128xi32, #tpu.memory_space<hbm>>
      %dma_start3A_120 = tpu.memref_squeeze %dma_start3A_119 : memref<1x40x128xi32, #tpu.memory_space<hbm>> -> memref<40x128xi32, #tpu.memory_space<hbm>>
      tpu.enqueue_dma source(%dma_start3A_120 : memref<40x128xi32, #tpu.memory_space<hbm>>) target(%arg7 : memref<40x128xi32, #tpu.memory_space<vmem>>) target_semaphore(%run_scoped3A_112 : memref<!tpu.dma_semaphore, #tpu.memory_space<semaphore_mem>>)
      %dma_wait3A_121 = arith.constant 0 : i32
      %dma_wait3A_122 = arith.constant 0 : i32
      %dma_wait3A_123 = tpu.memref_slice %arg3[%add3A, %dma_wait3A_121, %dma_wait3A_122] : memref<32x80x128xi32, #tpu.memory_space<hbm>> -> memref<1x40x128xi32, #tpu.memory_space<hbm>>
      %dma_wait3A_124 = tpu.memref_squeeze %dma_wait3A_123 : memref<1x40x128xi32, #tpu.memory_space<hbm>> -> memref<40x128xi32, #tpu.memory_space<hbm>>
      %dma_wait3A_125 = arith.constant 0 : i32
      %dma_wait3A_126 = arith.constant 0 : i32
      %dma_wait3A_127 = tpu.memref_slice %arg3[%add3A, %dma_wait3A_125, %dma_wait3A_126] : memref<32x80x128xi32, #tpu.memory_space<hbm>> -> memref<1x40x128xi32, #tpu.memory_space<hbm>>
      %dma_wait3A_128 = tpu.memref_squeeze %dma_wait3A_127 : memref<1x40x128xi32, #tpu.memory_space<hbm>> -> memref<40x128xi32, #tpu.memory_space<hbm>>
      tpu.wait_dma2 semaphore(%run_scoped3A_112 : memref<!tpu.dma_semaphore, #tpu.memory_space<semaphore_mem>>) src(%dma_wait3A_128 : memref<40x128xi32, #tpu.memory_space<hbm>>) dst(%arg7 : memref<40x128xi32, #tpu.memory_space<vmem>>)
      tpu.yield
    }) : () -> ()
    "tpu.region"() ({
      %run_scoped3A_112 = tpu.sem_alloc : memref<!tpu.dma_semaphore, #tpu.memory_space<semaphore_mem>>
      %dma_start3A_113 = arith.constant 0 : i32
      %dma_start3A_114 = arith.constant 0 : i32
      %dma_start3A_115 = tpu.memref_slice %arg4[%add3A, %dma_start3A_113, %dma_start3A_114] : memref<32x80x128xi32, #tpu.memory_space<hbm>> -> memref<1x40x128xi32, #tpu.memory_space<hbm>>
      %dma_start3A_116 = tpu.memref_squeeze %dma_start3A_115 : memref<1x40x128xi32, #tpu.memory_space<hbm>> -> memref<40x128xi32, #tpu.memory_space<hbm>>
      %dma_start3A_117 = arith.constant 0 : i32
      %dma_start3A_118 = arith.constant 0 : i32
      %dma_start3A_119 = tpu.memref_slice %arg4[%add3A, %dma_start3A_117, %dma_start3A_118] : memref<32x80x128xi32, #tpu.memory_space<hbm>> -> memref<1x40x128xi32, #tpu.memory_space<hbm>>
      %dma_start3A_120 = tpu.memref_squeeze %dma_start3A_119 : memref<1x40x128xi32, #tpu.memory_space<hbm>> -> memref<40x128xi32, #tpu.memory_space<hbm>>
      tpu.enqueue_dma source(%dma_start3A_120 : memref<40x128xi32, #tpu.memory_space<hbm>>) target(%arg8 : memref<40x128xi32, #tpu.memory_space<vmem>>) target_semaphore(%run_scoped3A_112 : memref<!tpu.dma_semaphore, #tpu.memory_space<semaphore_mem>>)
      %dma_wait3A_121 = arith.constant 0 : i32
      %dma_wait3A_122 = arith.constant 0 : i32
      %dma_wait3A_123 = tpu.memref_slice %arg4[%add3A, %dma_wait3A_121, %dma_wait3A_122] : memref<32x80x128xi32, #tpu.memory_space<hbm>> -> memref<1x40x128xi32, #tpu.memory_space<hbm>>
      %dma_wait3A_124 = tpu.memref_squeeze %dma_wait3A_123 : memref<1x40x128xi32, #tpu.memory_space<hbm>> -> memref<40x128xi32, #tpu.memory_space<hbm>>
      %dma_wait3A_125 = arith.constant 0 : i32
      %dma_wait3A_126 = arith.constant 0 : i32
      %dma_wait3A_127 = tpu.memref_slice %arg4[%add3A, %dma_wait3A_125, %dma_wait3A_126] : memref<32x80x128xi32, #tpu.memory_space<hbm>> -> memref<1x40x128xi32, #tpu.memory_space<hbm>>
      %dma_wait3A_128 = tpu.memref_squeeze %dma_wait3A_127 : memref<1x40x128xi32, #tpu.memory_space<hbm>> -> memref<40x128xi32, #tpu.memory_space<hbm>>
      tpu.wait_dma2 semaphore(%run_scoped3A_112 : memref<!tpu.dma_semaphore, #tpu.memory_space<semaphore_mem>>) src(%dma_wait3A_128 : memref<40x128xi32, #tpu.memory_space<hbm>>) dst(%arg8 : memref<40x128xi32, #tpu.memory_space<vmem>>)
      tpu.yield
    }) : () -> ()
    %dma_start3A = arith.constant 0 : i32
    %dma_start3A_21 = arith.constant 0 : i32
    %dma_start3A_22 = tpu.memref_slice %arg7[%dma_start3A, %dma_start3A_21] : memref<40x128xi32, #tpu.memory_space<vmem>> -> memref<1x128xi32, #tpu.memory_space<vmem>>
    %dma_start3A_23 = tpu.memref_squeeze %dma_start3A_22 : memref<1x128xi32, #tpu.memory_space<vmem>> -> memref<128xi32, #tpu.memory_space<vmem>>
    %dma_start3A_24 = arith.constant 0 : i32
    %dma_start3A_25 = arith.constant 0 : i32
    %dma_start3A_26 = tpu.memref_slice %arg2[%dma_start3A_24, %dma_start3A_25] : memref<10000x128xf32, #tpu.memory_space<hbm>> -> memref<10000x128xf32, #tpu.memory_space<hbm>>
    tpu.enqueue_indirect_dma source(%dma_start3A_26 : memref<10000x128xf32, #tpu.memory_space<hbm>>) target(%arg9 : memref<128x128xf32, #tpu.memory_space<vmem>>) offsets(%dma_start3A_23 : memref<128xi32, #tpu.memory_space<vmem>>) semaphore(%arg12 : memref<!tpu.dma_semaphore, #tpu.memory_space<semaphore_mem>>)
    %scan3A = arith.constant 0 : i32
    %scan3A_27 = arith.constant 0 : i32
    %scan3A_28 = arith.constant 19 : i32
    %scan3A_29 = arith.addi %scan3A_27, %scan3A_28 : i32
    %scan3A_30 = arith.constant 1 : i32
    scf.for %scan3A_112 = %scan3A_27 to %scan3A_29 step %scan3A_30  : i32 {
      %mul3A_113 = arith.constant 2 : i32
      %mul3A_114 = arith.muli %mul3A_113, %scan3A_112 : i32
      %add3A_115 = arith.constant 1 : i32
      %add3A_116 = arith.addi %mul3A_114, %add3A_115 : i32
      %dma_start3A_117 = arith.constant 0 : i32
      %dma_start3A_118 = tpu.memref_slice %arg7[%add3A_116, %dma_start3A_117] : memref<40x128xi32, #tpu.memory_space<vmem>> -> memref<1x128xi32, #tpu.memory_space<vmem>>
      %dma_start3A_119 = tpu.memref_squeeze %dma_start3A_118 : memref<1x128xi32, #tpu.memory_space<vmem>> -> memref<128xi32, #tpu.memory_space<vmem>>
      %dma_start3A_120 = arith.constant 0 : i32
      %dma_start3A_121 = arith.constant 0 : i32
      %dma_start3A_122 = tpu.memref_slice %arg2[%dma_start3A_120, %dma_start3A_121] : memref<10000x128xf32, #tpu.memory_space<hbm>> -> memref<10000x128xf32, #tpu.memory_space<hbm>>
      tpu.enqueue_indirect_dma source(%dma_start3A_122 : memref<10000x128xf32, #tpu.memory_space<hbm>>) target(%arg10 : memref<128x128xf32, #tpu.memory_space<vmem>>) offsets(%dma_start3A_119 : memref<128xi32, #tpu.memory_space<vmem>>) semaphore(%arg13 : memref<!tpu.dma_semaphore, #tpu.memory_space<semaphore_mem>>)
      %dma_wait3A_123 = arith.constant 0 : i32
      %dma_wait3A_124 = tpu.memref_slice %arg7[%mul3A_114, %dma_wait3A_123] : memref<40x128xi32, #tpu.memory_space<vmem>> -> memref<1x128xi32, #tpu.memory_space<vmem>>
      %dma_wait3A_125 = tpu.memref_squeeze %dma_wait3A_124 : memref<1x128xi32, #tpu.memory_space<vmem>> -> memref<128xi32, #tpu.memory_space<vmem>>
      %dma_wait3A_126 = arith.constant 0 : i32
      %dma_wait3A_127 = arith.constant 0 : i32
      %dma_wait3A_128 = tpu.memref_slice %arg2[%dma_wait3A_126, %dma_wait3A_127] : memref<10000x128xf32, #tpu.memory_space<hbm>> -> memref<10000x128xf32, #tpu.memory_space<hbm>>
      tpu.wait_indirect_dma semaphore(%arg12 : memref<!tpu.dma_semaphore, #tpu.memory_space<semaphore_mem>>) src(%dma_wait3A_128 : memref<10000x128xf32, #tpu.memory_space<hbm>>) dst(%arg9 : memref<128x128xf32, #tpu.memory_space<vmem>>)
      "tpu.region"() ({
        %run_scoped3A_147 = tpu.sem_alloc : memref<!tpu.dma_semaphore, #tpu.memory_space<semaphore_mem>>
        %dma_start3A_148 = arith.constant 0 : i32
        %dma_start3A_149 = tpu.memref_slice %arg8[%mul3A_114, %dma_start3A_148] : memref<40x128xi32, #tpu.memory_space<vmem>> -> memref<1x128xi32, #tpu.memory_space<vmem>>
        %dma_start3A_150 = tpu.memref_squeeze %dma_start3A_149 : memref<1x128xi32, #tpu.memory_space<vmem>> -> memref<128xi32, #tpu.memory_space<vmem>>
        %dma_start3A_151 = arith.constant 0 : i32
        %dma_start3A_152 = arith.constant 0 : i32
        %dma_start3A_153 = tpu.memref_slice %arg11[%dma_start3A_151, %dma_start3A_152] : memref<10112x128xf32, #tpu.memory_space<vmem_shared>> -> memref<10112x128xf32, #tpu.memory_space<vmem_shared>>
        tpu.enqueue_indirect_dma source(%arg9 : memref<128x128xf32, #tpu.memory_space<vmem>>) target(%dma_start3A_153 : memref<10112x128xf32, #tpu.memory_space<vmem_shared>>) offsets(%dma_start3A_150 : memref<128xi32, #tpu.memory_space<vmem>>) semaphore(%run_scoped3A_147 : memref<!tpu.dma_semaphore, #tpu.memory_space<semaphore_mem>>) {add = true}
        %dma_wait3A_154 = arith.constant 0 : i32
        %dma_wait3A_155 = tpu.memref_slice %arg8[%mul3A_114, %dma_wait3A_154] : memref<40x128xi32, #tpu.memory_space<vmem>> -> memref<1x128xi32, #tpu.memory_space<vmem>>
        %dma_wait3A_156 = tpu.memref_squeeze %dma_wait3A_155 : memref<1x128xi32, #tpu.memory_space<vmem>> -> memref<128xi32, #tpu.memory_space<vmem>>
        %dma_wait3A_157 = arith.constant 0 : i32
        %dma_wait3A_158 = arith.constant 0 : i32
        %dma_wait3A_159 = tpu.memref_slice %arg11[%dma_wait3A_157, %dma_wait3A_158] : memref<10112x128xf32, #tpu.memory_space<vmem_shared>> -> memref<10112x128xf32, #tpu.memory_space<vmem_shared>>
        tpu.wait_indirect_dma semaphore(%run_scoped3A_147 : memref<!tpu.dma_semaphore, #tpu.memory_space<semaphore_mem>>) src(%arg9 : memref<128x128xf32, #tpu.memory_space<vmem>>) dst(%dma_wait3A_159 : memref<10112x128xf32, #tpu.memory_space<vmem_shared>>)
        tpu.yield
      }) : () -> ()
      %add3A_129 = arith.constant 2 : i32
      %add3A_130 = arith.addi %mul3A_114, %add3A_129 : i32
      %dma_start3A_131 = arith.constant 0 : i32
      %dma_start3A_132 = tpu.memref_slice %arg7[%add3A_130, %dma_start3A_131] : memref<40x128xi32, #tpu.memory_space<vmem>> -> memref<1x128xi32, #tpu.memory_space<vmem>>
      %dma_start3A_133 = tpu.memref_squeeze %dma_start3A_132 : memref<1x128xi32, #tpu.memory_space<vmem>> -> memref<128xi32, #tpu.memory_space<vmem>>
      %dma_start3A_134 = arith.constant 0 : i32
      %dma_start3A_135 = arith.constant 0 : i32
      %dma_start3A_136 = tpu.memref_slice %arg2[%dma_start3A_134, %dma_start3A_135] : memref<10000x128xf32, #tpu.memory_space<hbm>> -> memref<10000x128xf32, #tpu.memory_space<hbm>>
      tpu.enqueue_indirect_dma source(%dma_start3A_136 : memref<10000x128xf32, #tpu.memory_space<hbm>>) target(%arg9 : memref<128x128xf32, #tpu.memory_space<vmem>>) offsets(%dma_start3A_133 : memref<128xi32, #tpu.memory_space<vmem>>) semaphore(%arg12 : memref<!tpu.dma_semaphore, #tpu.memory_space<semaphore_mem>>)
      %add3A_137 = arith.constant 1 : i32
      %add3A_138 = arith.addi %mul3A_114, %add3A_137 : i32
      %dma_wait3A_139 = arith.constant 0 : i32
      %dma_wait3A_140 = tpu.memref_slice %arg7[%add3A_138, %dma_wait3A_139] : memref<40x128xi32, #tpu.memory_space<vmem>> -> memref<1x128xi32, #tpu.memory_space<vmem>>
      %dma_wait3A_141 = tpu.memref_squeeze %dma_wait3A_140 : memref<1x128xi32, #tpu.memory_space<vmem>> -> memref<128xi32, #tpu.memory_space<vmem>>
      %dma_wait3A_142 = arith.constant 0 : i32
      %dma_wait3A_143 = arith.constant 0 : i32
      %dma_wait3A_144 = tpu.memref_slice %arg2[%dma_wait3A_142, %dma_wait3A_143] : memref<10000x128xf32, #tpu.memory_space<hbm>> -> memref<10000x128xf32, #tpu.memory_space<hbm>>
      tpu.wait_indirect_dma semaphore(%arg13 : memref<!tpu.dma_semaphore, #tpu.memory_space<semaphore_mem>>) src(%dma_wait3A_144 : memref<10000x128xf32, #tpu.memory_space<hbm>>) dst(%arg10 : memref<128x128xf32, #tpu.memory_space<vmem>>)
      %add3A_145 = arith.constant 1 : i32
      %add3A_146 = arith.addi %mul3A_114, %add3A_145 : i32
      "tpu.region"() ({
        %run_scoped3A_147 = tpu.sem_alloc : memref<!tpu.dma_semaphore, #tpu.memory_space<semaphore_mem>>
        %dma_start3A_148 = arith.constant 0 : i32
        %dma_start3A_149 = tpu.memref_slice %arg8[%add3A_146, %dma_start3A_148] : memref<40x128xi32, #tpu.memory_space<vmem>> -> memref<1x128xi32, #tpu.memory_space<vmem>>
        %dma_start3A_150 = tpu.memref_squeeze %dma_start3A_149 : memref<1x128xi32, #tpu.memory_space<vmem>> -> memref<128xi32, #tpu.memory_space<vmem>>
        %dma_start3A_151 = arith.constant 0 : i32
        %dma_start3A_152 = arith.constant 0 : i32
        %dma_start3A_153 = tpu.memref_slice %arg11[%dma_start3A_151, %dma_start3A_152] : memref<10112x128xf32, #tpu.memory_space<vmem_shared>> -> memref<10112x128xf32, #tpu.memory_space<vmem_shared>>
        tpu.enqueue_indirect_dma source(%arg10 : memref<128x128xf32, #tpu.memory_space<vmem>>) target(%dma_start3A_153 : memref<10112x128xf32, #tpu.memory_space<vmem_shared>>) offsets(%dma_start3A_150 : memref<128xi32, #tpu.memory_space<vmem>>) semaphore(%run_scoped3A_147 : memref<!tpu.dma_semaphore, #tpu.memory_space<semaphore_mem>>) {add = true}
        %dma_wait3A_154 = arith.constant 0 : i32
        %dma_wait3A_155 = tpu.memref_slice %arg8[%add3A_146, %dma_wait3A_154] : memref<40x128xi32, #tpu.memory_space<vmem>> -> memref<1x128xi32, #tpu.memory_space<vmem>>
        %dma_wait3A_156 = tpu.memref_squeeze %dma_wait3A_155 : memref<1x128xi32, #tpu.memory_space<vmem>> -> memref<128xi32, #tpu.memory_space<vmem>>
        %dma_wait3A_157 = arith.constant 0 : i32
        %dma_wait3A_158 = arith.constant 0 : i32
        %dma_wait3A_159 = tpu.memref_slice %arg11[%dma_wait3A_157, %dma_wait3A_158] : memref<10112x128xf32, #tpu.memory_space<vmem_shared>> -> memref<10112x128xf32, #tpu.memory_space<vmem_shared>>
        tpu.wait_indirect_dma semaphore(%run_scoped3A_147 : memref<!tpu.dma_semaphore, #tpu.memory_space<semaphore_mem>>) src(%arg10 : memref<128x128xf32, #tpu.memory_space<vmem>>) dst(%dma_wait3A_159 : memref<10112x128xf32, #tpu.memory_space<vmem_shared>>)
        tpu.yield
      }) : () -> ()
    }
    %scan3A_31 = arith.constant 19 : i32
    %dma_start3A_32 = arith.constant 39 : i32
    %dma_start3A_33 = arith.constant 0 : i32
    %dma_start3A_34 = tpu.memref_slice %arg7[%dma_start3A_32, %dma_start3A_33] : memref<40x128xi32, #tpu.memory_space<vmem>> -> memref<1x128xi32, #tpu.memory_space<vmem>>
    %dma_start3A_35 = tpu.memref_squeeze %dma_start3A_34 : memref<1x128xi32, #tpu.memory_space<vmem>> -> memref<128xi32, #tpu.memory_space<vmem>>
    %dma_start3A_36 = arith.constant 0 : i32
    %dma_start3A_37 = arith.constant 0 : i32
    %dma_start3A_38 = tpu.memref_slice %arg2[%dma_start3A_36, %dma_start3A_37] : memref<10000x128xf32, #tpu.memory_space<hbm>> -> memref<10000x128xf32, #tpu.memory_space<hbm>>
    tpu.enqueue_indirect_dma source(%dma_start3A_38 : memref<10000x128xf32, #tpu.memory_space<hbm>>) target(%arg10 : memref<128x128xf32, #tpu.memory_space<vmem>>) offsets(%dma_start3A_35 : memref<128xi32, #tpu.memory_space<vmem>>) semaphore(%arg13 : memref<!tpu.dma_semaphore, #tpu.memory_space<semaphore_mem>>)
    %dma_wait3A = arith.constant 38 : i32
    %dma_wait3A_39 = arith.constant 0 : i32
    %dma_wait3A_40 = tpu.memref_slice %arg7[%dma_wait3A, %dma_wait3A_39] : memref<40x128xi32, #tpu.memory_space<vmem>> -> memref<1x128xi32, #tpu.memory_space<vmem>>
    %dma_wait3A_41 = tpu.memref_squeeze %dma_wait3A_40 : memref<1x128xi32, #tpu.memory_space<vmem>> -> memref<128xi32, #tpu.memory_space<vmem>>
    %dma_wait3A_42 = arith.constant 0 : i32
    %dma_wait3A_43 = arith.constant 0 : i32
    %dma_wait3A_44 = tpu.memref_slice %arg2[%dma_wait3A_42, %dma_wait3A_43] : memref<10000x128xf32, #tpu.memory_space<hbm>> -> memref<10000x128xf32, #tpu.memory_space<hbm>>
    tpu.wait_indirect_dma semaphore(%arg12 : memref<!tpu.dma_semaphore, #tpu.memory_space<semaphore_mem>>) src(%dma_wait3A_44 : memref<10000x128xf32, #tpu.memory_space<hbm>>) dst(%arg9 : memref<128x128xf32, #tpu.memory_space<vmem>>)
    %run_scoped3A = arith.constant 38 : i32
    "tpu.region"() ({
      %run_scoped3A_112 = tpu.sem_alloc : memref<!tpu.dma_semaphore, #tpu.memory_space<semaphore_mem>>
      %dma_start3A_113 = arith.constant 0 : i32
      %dma_start3A_114 = tpu.memref_slice %arg8[%run_scoped3A, %dma_start3A_113] : memref<40x128xi32, #tpu.memory_space<vmem>> -> memref<1x128xi32, #tpu.memory_space<vmem>>
      %dma_start3A_115 = tpu.memref_squeeze %dma_start3A_114 : memref<1x128xi32, #tpu.memory_space<vmem>> -> memref<128xi32, #tpu.memory_space<vmem>>
      %dma_start3A_116 = arith.constant 0 : i32
      %dma_start3A_117 = arith.constant 0 : i32
      %dma_start3A_118 = tpu.memref_slice %arg11[%dma_start3A_116, %dma_start3A_117] : memref<10112x128xf32, #tpu.memory_space<vmem_shared>> -> memref<10112x128xf32, #tpu.memory_space<vmem_shared>>
      tpu.enqueue_indirect_dma source(%arg9 : memref<128x128xf32, #tpu.memory_space<vmem>>) target(%dma_start3A_118 : memref<10112x128xf32, #tpu.memory_space<vmem_shared>>) offsets(%dma_start3A_115 : memref<128xi32, #tpu.memory_space<vmem>>) semaphore(%run_scoped3A_112 : memref<!tpu.dma_semaphore, #tpu.memory_space<semaphore_mem>>) {add = true}
      %dma_wait3A_119 = arith.constant 0 : i32
      %dma_wait3A_120 = tpu.memref_slice %arg8[%run_scoped3A, %dma_wait3A_119] : memref<40x128xi32, #tpu.memory_space<vmem>> -> memref<1x128xi32, #tpu.memory_space<vmem>>
      %dma_wait3A_121 = tpu.memref_squeeze %dma_wait3A_120 : memref<1x128xi32, #tpu.memory_space<vmem>> -> memref<128xi32, #tpu.memory_space<vmem>>
      %dma_wait3A_122 = arith.constant 0 : i32
      %dma_wait3A_123 = arith.constant 0 : i32
      %dma_wait3A_124 = tpu.memref_slice %arg11[%dma_wait3A_122, %dma_wait3A_123] : memref<10112x128xf32, #tpu.memory_space<vmem_shared>> -> memref<10112x128xf32, #tpu.memory_space<vmem_shared>>
      tpu.wait_indirect_dma semaphore(%run_scoped3A_112 : memref<!tpu.dma_semaphore, #tpu.memory_space<semaphore_mem>>) src(%arg9 : memref<128x128xf32, #tpu.memory_space<vmem>>) dst(%dma_wait3A_124 : memref<10112x128xf32, #tpu.memory_space<vmem_shared>>)
      tpu.yield
    }) : () -> ()
    %dma_wait3A_45 = arith.constant 39 : i32
    %dma_wait3A_46 = arith.constant 0 : i32
    %dma_wait3A_47 = tpu.memref_slice %arg7[%dma_wait3A_45, %dma_wait3A_46] : memref<40x128xi32, #tpu.memory_space<vmem>> -> memref<1x128xi32, #tpu.memory_space<vmem>>
    %dma_wait3A_48 = tpu.memref_squeeze %dma_wait3A_47 : memref<1x128xi32, #tpu.memory_space<vmem>> -> memref<128xi32, #tpu.memory_space<vmem>>
    %dma_wait3A_49 = arith.constant 0 : i32
    %dma_wait3A_50 = arith.constant 0 : i32
    %dma_wait3A_51 = tpu.memref_slice %arg2[%dma_wait3A_49, %dma_wait3A_50] : memref<10000x128xf32, #tpu.memory_space<hbm>> -> memref<10000x128xf32, #tpu.memory_space<hbm>>
    tpu.wait_indirect_dma semaphore(%arg13 : memref<!tpu.dma_semaphore, #tpu.memory_space<semaphore_mem>>) src(%dma_wait3A_51 : memref<10000x128xf32, #tpu.memory_space<hbm>>) dst(%arg10 : memref<128x128xf32, #tpu.memory_space<vmem>>)
    %run_scoped3A_52 = arith.constant 39 : i32
    "tpu.region"() ({
      %run_scoped3A_112 = tpu.sem_alloc : memref<!tpu.dma_semaphore, #tpu.memory_space<semaphore_mem>>
      %dma_start3A_113 = arith.constant 0 : i32
      %dma_start3A_114 = tpu.memref_slice %arg8[%run_scoped3A_52, %dma_start3A_113] : memref<40x128xi32, #tpu.memory_space<vmem>> -> memref<1x128xi32, #tpu.memory_space<vmem>>
      %dma_start3A_115 = tpu.memref_squeeze %dma_start3A_114 : memref<1x128xi32, #tpu.memory_space<vmem>> -> memref<128xi32, #tpu.memory_space<vmem>>
      %dma_start3A_116 = arith.constant 0 : i32
      %dma_start3A_117 = arith.constant 0 : i32
      %dma_start3A_118 = tpu.memref_slice %arg11[%dma_start3A_116, %dma_start3A_117] : memref<10112x128xf32, #tpu.memory_space<vmem_shared>> -> memref<10112x128xf32, #tpu.memory_space<vmem_shared>>
      tpu.enqueue_indirect_dma source(%arg10 : memref<128x128xf32, #tpu.memory_space<vmem>>) target(%dma_start3A_118 : memref<10112x128xf32, #tpu.memory_space<vmem_shared>>) offsets(%dma_start3A_115 : memref<128xi32, #tpu.memory_space<vmem>>) semaphore(%run_scoped3A_112 : memref<!tpu.dma_semaphore, #tpu.memory_space<semaphore_mem>>) {add = true}
      %dma_wait3A_119 = arith.constant 0 : i32
      %dma_wait3A_120 = tpu.memref_slice %arg8[%run_scoped3A_52, %dma_wait3A_119] : memref<40x128xi32, #tpu.memory_space<vmem>> -> memref<1x128xi32, #tpu.memory_space<vmem>>
      %dma_wait3A_121 = tpu.memref_squeeze %dma_wait3A_120 : memref<1x128xi32, #tpu.memory_space<vmem>> -> memref<128xi32, #tpu.memory_space<vmem>>
      %dma_wait3A_122 = arith.constant 0 : i32
      %dma_wait3A_123 = arith.constant 0 : i32
      %dma_wait3A_124 = tpu.memref_slice %arg11[%dma_wait3A_122, %dma_wait3A_123] : memref<10112x128xf32, #tpu.memory_space<vmem_shared>> -> memref<10112x128xf32, #tpu.memory_space<vmem_shared>>
      tpu.wait_indirect_dma semaphore(%run_scoped3A_112 : memref<!tpu.dma_semaphore, #tpu.memory_space<semaphore_mem>>) src(%arg10 : memref<128x128xf32, #tpu.memory_space<vmem>>) dst(%dma_wait3A_124 : memref<10112x128xf32, #tpu.memory_space<vmem_shared>>)
      tpu.yield
    }) : () -> ()
    "tpu.region"() ({
      %run_scoped3A_112 = tpu.sem_alloc : memref<!tpu.dma_semaphore, #tpu.memory_space<semaphore_mem>>
      %dma_start3A_113 = arith.constant 40 : i32
      %dma_start3A_114 = arith.constant 0 : i32
      %dma_start3A_115 = tpu.memref_slice %arg3[%add3A, %dma_start3A_113, %dma_start3A_114] : memref<32x80x128xi32, #tpu.memory_space<hbm>> -> memref<1x40x128xi32, #tpu.memory_space<hbm>>
      %dma_start3A_116 = tpu.memref_squeeze %dma_start3A_115 : memref<1x40x128xi32, #tpu.memory_space<hbm>> -> memref<40x128xi32, #tpu.memory_space<hbm>>
      %dma_start3A_117 = arith.constant 40 : i32
      %dma_start3A_118 = arith.constant 0 : i32
      %dma_start3A_119 = tpu.memref_slice %arg3[%add3A, %dma_start3A_117, %dma_start3A_118] : memref<32x80x128xi32, #tpu.memory_space<hbm>> -> memref<1x40x128xi32, #tpu.memory_space<hbm>>
      %dma_start3A_120 = tpu.memref_squeeze %dma_start3A_119 : memref<1x40x128xi32, #tpu.memory_space<hbm>> -> memref<40x128xi32, #tpu.memory_space<hbm>>
      tpu.enqueue_dma source(%dma_start3A_120 : memref<40x128xi32, #tpu.memory_space<hbm>>) target(%arg7 : memref<40x128xi32, #tpu.memory_space<vmem>>) target_semaphore(%run_scoped3A_112 : memref<!tpu.dma_semaphore, #tpu.memory_space<semaphore_mem>>)
      %dma_wait3A_121 = arith.constant 40 : i32
      %dma_wait3A_122 = arith.constant 0 : i32
      %dma_wait3A_123 = tpu.memref_slice %arg3[%add3A, %dma_wait3A_121, %dma_wait3A_122] : memref<32x80x128xi32, #tpu.memory_space<hbm>> -> memref<1x40x128xi32, #tpu.memory_space<hbm>>
      %dma_wait3A_124 = tpu.memref_squeeze %dma_wait3A_123 : memref<1x40x128xi32, #tpu.memory_space<hbm>> -> memref<40x128xi32, #tpu.memory_space<hbm>>
      %dma_wait3A_125 = arith.constant 40 : i32
      %dma_wait3A_126 = arith.constant 0 : i32
      %dma_wait3A_127 = tpu.memref_slice %arg3[%add3A, %dma_wait3A_125, %dma_wait3A_126] : memref<32x80x128xi32, #tpu.memory_space<hbm>> -> memref<1x40x128xi32, #tpu.memory_space<hbm>>
      %dma_wait3A_128 = tpu.memref_squeeze %dma_wait3A_127 : memref<1x40x128xi32, #tpu.memory_space<hbm>> -> memref<40x128xi32, #tpu.memory_space<hbm>>
      tpu.wait_dma2 semaphore(%run_scoped3A_112 : memref<!tpu.dma_semaphore, #tpu.memory_space<semaphore_mem>>) src(%dma_wait3A_128 : memref<40x128xi32, #tpu.memory_space<hbm>>) dst(%arg7 : memref<40x128xi32, #tpu.memory_space<vmem>>)
      tpu.yield
    }) : () -> ()
    "tpu.region"() ({
      %run_scoped3A_112 = tpu.sem_alloc : memref<!tpu.dma_semaphore, #tpu.memory_space<semaphore_mem>>
      %dma_start3A_113 = arith.constant 40 : i32
      %dma_start3A_114 = arith.constant 0 : i32
      %dma_start3A_115 = tpu.memref_slice %arg4[%add3A, %dma_start3A_113, %dma_start3A_114] : memref<32x80x128xi32, #tpu.memory_space<hbm>> -> memref<1x40x128xi32, #tpu.memory_space<hbm>>
      %dma_start3A_116 = tpu.memref_squeeze %dma_start3A_115 : memref<1x40x128xi32, #tpu.memory_space<hbm>> -> memref<40x128xi32, #tpu.memory_space<hbm>>
      %dma_start3A_117 = arith.constant 40 : i32
      %dma_start3A_118 = arith.constant 0 : i32
      %dma_start3A_119 = tpu.memref_slice %arg4[%add3A, %dma_start3A_117, %dma_start3A_118] : memref<32x80x128xi32, #tpu.memory_space<hbm>> -> memref<1x40x128xi32, #tpu.memory_space<hbm>>
      %dma_start3A_120 = tpu.memref_squeeze %dma_start3A_119 : memref<1x40x128xi32, #tpu.memory_space<hbm>> -> memref<40x128xi32, #tpu.memory_space<hbm>>
      tpu.enqueue_dma source(%dma_start3A_120 : memref<40x128xi32, #tpu.memory_space<hbm>>) target(%arg8 : memref<40x128xi32, #tpu.memory_space<vmem>>) target_semaphore(%run_scoped3A_112 : memref<!tpu.dma_semaphore, #tpu.memory_space<semaphore_mem>>)
      %dma_wait3A_121 = arith.constant 40 : i32
      %dma_wait3A_122 = arith.constant 0 : i32
      %dma_wait3A_123 = tpu.memref_slice %arg4[%add3A, %dma_wait3A_121, %dma_wait3A_122] : memref<32x80x128xi32, #tpu.memory_space<hbm>> -> memref<1x40x128xi32, #tpu.memory_space<hbm>>
      %dma_wait3A_124 = tpu.memref_squeeze %dma_wait3A_123 : memref<1x40x128xi32, #tpu.memory_space<hbm>> -> memref<40x128xi32, #tpu.memory_space<hbm>>
      %dma_wait3A_125 = arith.constant 40 : i32
      %dma_wait3A_126 = arith.constant 0 : i32
      %dma_wait3A_127 = tpu.memref_slice %arg4[%add3A, %dma_wait3A_125, %dma_wait3A_126] : memref<32x80x128xi32, #tpu.memory_space<hbm>> -> memref<1x40x128xi32, #tpu.memory_space<hbm>>
      %dma_wait3A_128 = tpu.memref_squeeze %dma_wait3A_127 : memref<1x40x128xi32, #tpu.memory_space<hbm>> -> memref<40x128xi32, #tpu.memory_space<hbm>>
      tpu.wait_dma2 semaphore(%run_scoped3A_112 : memref<!tpu.dma_semaphore, #tpu.memory_space<semaphore_mem>>) src(%dma_wait3A_128 : memref<40x128xi32, #tpu.memory_space<hbm>>) dst(%arg8 : memref<40x128xi32, #tpu.memory_space<vmem>>)
      tpu.yield
    }) : () -> ()
    %dma_start3A_53 = arith.constant 0 : i32
    %dma_start3A_54 = arith.constant 0 : i32
    %dma_start3A_55 = tpu.memref_slice %arg7[%dma_start3A_53, %dma_start3A_54] : memref<40x128xi32, #tpu.memory_space<vmem>> -> memref<1x128xi32, #tpu.memory_space<vmem>>
    %dma_start3A_56 = tpu.memref_squeeze %dma_start3A_55 : memref<1x128xi32, #tpu.memory_space<vmem>> -> memref<128xi32, #tpu.memory_space<vmem>>
    %dma_start3A_57 = arith.constant 0 : i32
    %dma_start3A_58 = arith.constant 0 : i32
    %dma_start3A_59 = tpu.memref_slice %arg2[%dma_start3A_57, %dma_start3A_58] : memref<10000x128xf32, #tpu.memory_space<hbm>> -> memref<10000x128xf32, #tpu.memory_space<hbm>>
    tpu.enqueue_indirect_dma source(%dma_start3A_59 : memref<10000x128xf32, #tpu.memory_space<hbm>>) target(%arg9 : memref<128x128xf32, #tpu.memory_space<vmem>>) offsets(%dma_start3A_56 : memref<128xi32, #tpu.memory_space<vmem>>) semaphore(%arg12 : memref<!tpu.dma_semaphore, #tpu.memory_space<semaphore_mem>>)
    %scan3A_60 = arith.constant 0 : i32
    %scan3A_61 = arith.constant 0 : i32
    %scan3A_62 = arith.constant 19 : i32
    %scan3A_63 = arith.addi %scan3A_61, %scan3A_62 : i32
    %scan3A_64 = arith.constant 1 : i32
    scf.for %scan3A_112 = %scan3A_61 to %scan3A_63 step %scan3A_64  : i32 {
      %mul3A_113 = arith.constant 2 : i32
      %mul3A_114 = arith.muli %mul3A_113, %scan3A_112 : i32
      %add3A_115 = arith.constant 1 : i32
      %add3A_116 = arith.addi %mul3A_114, %add3A_115 : i32
      %dma_start3A_117 = arith.constant 0 : i32
      %dma_start3A_118 = tpu.memref_slice %arg7[%add3A_116, %dma_start3A_117] : memref<40x128xi32, #tpu.memory_space<vmem>> -> memref<1x128xi32, #tpu.memory_space<vmem>>
      %dma_start3A_119 = tpu.memref_squeeze %dma_start3A_118 : memref<1x128xi32, #tpu.memory_space<vmem>> -> memref<128xi32, #tpu.memory_space<vmem>>
      %dma_start3A_120 = arith.constant 0 : i32
      %dma_start3A_121 = arith.constant 0 : i32
      %dma_start3A_122 = tpu.memref_slice %arg2[%dma_start3A_120, %dma_start3A_121] : memref<10000x128xf32, #tpu.memory_space<hbm>> -> memref<10000x128xf32, #tpu.memory_space<hbm>>
      tpu.enqueue_indirect_dma source(%dma_start3A_122 : memref<10000x128xf32, #tpu.memory_space<hbm>>) target(%arg10 : memref<128x128xf32, #tpu.memory_space<vmem>>) offsets(%dma_start3A_119 : memref<128xi32, #tpu.memory_space<vmem>>) semaphore(%arg13 : memref<!tpu.dma_semaphore, #tpu.memory_space<semaphore_mem>>)
      %dma_wait3A_123 = arith.constant 0 : i32
      %dma_wait3A_124 = tpu.memref_slice %arg7[%mul3A_114, %dma_wait3A_123] : memref<40x128xi32, #tpu.memory_space<vmem>> -> memref<1x128xi32, #tpu.memory_space<vmem>>
      %dma_wait3A_125 = tpu.memref_squeeze %dma_wait3A_124 : memref<1x128xi32, #tpu.memory_space<vmem>> -> memref<128xi32, #tpu.memory_space<vmem>>
      %dma_wait3A_126 = arith.constant 0 : i32
      %dma_wait3A_127 = arith.constant 0 : i32
      %dma_wait3A_128 = tpu.memref_slice %arg2[%dma_wait3A_126, %dma_wait3A_127] : memref<10000x128xf32, #tpu.memory_space<hbm>> -> memref<10000x128xf32, #tpu.memory_space<hbm>>
      tpu.wait_indirect_dma semaphore(%arg12 : memref<!tpu.dma_semaphore, #tpu.memory_space<semaphore_mem>>) src(%dma_wait3A_128 : memref<10000x128xf32, #tpu.memory_space<hbm>>) dst(%arg9 : memref<128x128xf32, #tpu.memory_space<vmem>>)
      "tpu.region"() ({
        %run_scoped3A_147 = tpu.sem_alloc : memref<!tpu.dma_semaphore, #tpu.memory_space<semaphore_mem>>
        %dma_start3A_148 = arith.constant 0 : i32
        %dma_start3A_149 = tpu.memref_slice %arg8[%mul3A_114, %dma_start3A_148] : memref<40x128xi32, #tpu.memory_space<vmem>> -> memref<1x128xi32, #tpu.memory_space<vmem>>
        %dma_start3A_150 = tpu.memref_squeeze %dma_start3A_149 : memref<1x128xi32, #tpu.memory_space<vmem>> -> memref<128xi32, #tpu.memory_space<vmem>>
        %dma_start3A_151 = arith.constant 0 : i32
        %dma_start3A_152 = arith.constant 0 : i32
        %dma_start3A_153 = tpu.memref_slice %arg11[%dma_start3A_151, %dma_start3A_152] : memref<10112x128xf32, #tpu.memory_space<vmem_shared>> -> memref<10112x128xf32, #tpu.memory_space<vmem_shared>>
        tpu.enqueue_indirect_dma source(%arg9 : memref<128x128xf32, #tpu.memory_space<vmem>>) target(%dma_start3A_153 : memref<10112x128xf32, #tpu.memory_space<vmem_shared>>) offsets(%dma_start3A_150 : memref<128xi32, #tpu.memory_space<vmem>>) semaphore(%run_scoped3A_147 : memref<!tpu.dma_semaphore, #tpu.memory_space<semaphore_mem>>) {add = true}
        %dma_wait3A_154 = arith.constant 0 : i32
        %dma_wait3A_155 = tpu.memref_slice %arg8[%mul3A_114, %dma_wait3A_154] : memref<40x128xi32, #tpu.memory_space<vmem>> -> memref<1x128xi32, #tpu.memory_space<vmem>>
        %dma_wait3A_156 = tpu.memref_squeeze %dma_wait3A_155 : memref<1x128xi32, #tpu.memory_space<vmem>> -> memref<128xi32, #tpu.memory_space<vmem>>
        %dma_wait3A_157 = arith.constant 0 : i32
        %dma_wait3A_158 = arith.constant 0 : i32
        %dma_wait3A_159 = tpu.memref_slice %arg11[%dma_wait3A_157, %dma_wait3A_158] : memref<10112x128xf32, #tpu.memory_space<vmem_shared>> -> memref<10112x128xf32, #tpu.memory_space<vmem_shared>>
        tpu.wait_indirect_dma semaphore(%run_scoped3A_147 : memref<!tpu.dma_semaphore, #tpu.memory_space<semaphore_mem>>) src(%arg9 : memref<128x128xf32, #tpu.memory_space<vmem>>) dst(%dma_wait3A_159 : memref<10112x128xf32, #tpu.memory_space<vmem_shared>>)
        tpu.yield
      }) : () -> ()
      %add3A_129 = arith.constant 2 : i32
      %add3A_130 = arith.addi %mul3A_114, %add3A_129 : i32
      %dma_start3A_131 = arith.constant 0 : i32
      %dma_start3A_132 = tpu.memref_slice %arg7[%add3A_130, %dma_start3A_131] : memref<40x128xi32, #tpu.memory_space<vmem>> -> memref<1x128xi32, #tpu.memory_space<vmem>>
      %dma_start3A_133 = tpu.memref_squeeze %dma_start3A_132 : memref<1x128xi32, #tpu.memory_space<vmem>> -> memref<128xi32, #tpu.memory_space<vmem>>
      %dma_start3A_134 = arith.constant 0 : i32
      %dma_start3A_135 = arith.constant 0 : i32
      %dma_start3A_136 = tpu.memref_slice %arg2[%dma_start3A_134, %dma_start3A_135] : memref<10000x128xf32, #tpu.memory_space<hbm>> -> memref<10000x128xf32, #tpu.memory_space<hbm>>
      tpu.enqueue_indirect_dma source(%dma_start3A_136 : memref<10000x128xf32, #tpu.memory_space<hbm>>) target(%arg9 : memref<128x128xf32, #tpu.memory_space<vmem>>) offsets(%dma_start3A_133 : memref<128xi32, #tpu.memory_space<vmem>>) semaphore(%arg12 : memref<!tpu.dma_semaphore, #tpu.memory_space<semaphore_mem>>)
      %add3A_137 = arith.constant 1 : i32
      %add3A_138 = arith.addi %mul3A_114, %add3A_137 : i32
      %dma_wait3A_139 = arith.constant 0 : i32
      %dma_wait3A_140 = tpu.memref_slice %arg7[%add3A_138, %dma_wait3A_139] : memref<40x128xi32, #tpu.memory_space<vmem>> -> memref<1x128xi32, #tpu.memory_space<vmem>>
      %dma_wait3A_141 = tpu.memref_squeeze %dma_wait3A_140 : memref<1x128xi32, #tpu.memory_space<vmem>> -> memref<128xi32, #tpu.memory_space<vmem>>
      %dma_wait3A_142 = arith.constant 0 : i32
      %dma_wait3A_143 = arith.constant 0 : i32
      %dma_wait3A_144 = tpu.memref_slice %arg2[%dma_wait3A_142, %dma_wait3A_143] : memref<10000x128xf32, #tpu.memory_space<hbm>> -> memref<10000x128xf32, #tpu.memory_space<hbm>>
      tpu.wait_indirect_dma semaphore(%arg13 : memref<!tpu.dma_semaphore, #tpu.memory_space<semaphore_mem>>) src(%dma_wait3A_144 : memref<10000x128xf32, #tpu.memory_space<hbm>>) dst(%arg10 : memref<128x128xf32, #tpu.memory_space<vmem>>)
      %add3A_145 = arith.constant 1 : i32
      %add3A_146 = arith.addi %mul3A_114, %add3A_145 : i32
      "tpu.region"() ({
        %run_scoped3A_147 = tpu.sem_alloc : memref<!tpu.dma_semaphore, #tpu.memory_space<semaphore_mem>>
        %dma_start3A_148 = arith.constant 0 : i32
        %dma_start3A_149 = tpu.memref_slice %arg8[%add3A_146, %dma_start3A_148] : memref<40x128xi32, #tpu.memory_space<vmem>> -> memref<1x128xi32, #tpu.memory_space<vmem>>
        %dma_start3A_150 = tpu.memref_squeeze %dma_start3A_149 : memref<1x128xi32, #tpu.memory_space<vmem>> -> memref<128xi32, #tpu.memory_space<vmem>>
        %dma_start3A_151 = arith.constant 0 : i32
        %dma_start3A_152 = arith.constant 0 : i32
        %dma_start3A_153 = tpu.memref_slice %arg11[%dma_start3A_151, %dma_start3A_152] : memref<10112x128xf32, #tpu.memory_space<vmem_shared>> -> memref<10112x128xf32, #tpu.memory_space<vmem_shared>>
        tpu.enqueue_indirect_dma source(%arg10 : memref<128x128xf32, #tpu.memory_space<vmem>>) target(%dma_start3A_153 : memref<10112x128xf32, #tpu.memory_space<vmem_shared>>) offsets(%dma_start3A_150 : memref<128xi32, #tpu.memory_space<vmem>>) semaphore(%run_scoped3A_147 : memref<!tpu.dma_semaphore, #tpu.memory_space<semaphore_mem>>) {add = true}
        %dma_wait3A_154 = arith.constant 0 : i32
        %dma_wait3A_155 = tpu.memref_slice %arg8[%add3A_146, %dma_wait3A_154] : memref<40x128xi32, #tpu.memory_space<vmem>> -> memref<1x128xi32, #tpu.memory_space<vmem>>
        %dma_wait3A_156 = tpu.memref_squeeze %dma_wait3A_155 : memref<1x128xi32, #tpu.memory_space<vmem>> -> memref<128xi32, #tpu.memory_space<vmem>>
        %dma_wait3A_157 = arith.constant 0 : i32
        %dma_wait3A_158 = arith.constant 0 : i32
        %dma_wait3A_159 = tpu.memref_slice %arg11[%dma_wait3A_157, %dma_wait3A_158] : memref<10112x128xf32, #tpu.memory_space<vmem_shared>> -> memref<10112x128xf32, #tpu.memory_space<vmem_shared>>
        tpu.wait_indirect_dma semaphore(%run_scoped3A_147 : memref<!tpu.dma_semaphore, #tpu.memory_space<semaphore_mem>>) src(%arg10 : memref<128x128xf32, #tpu.memory_space<vmem>>) dst(%dma_wait3A_159 : memref<10112x128xf32, #tpu.memory_space<vmem_shared>>)
        tpu.yield
      }) : () -> ()
    }
    %scan3A_65 = arith.constant 19 : i32
    %dma_start3A_66 = arith.constant 39 : i32
    %dma_start3A_67 = arith.constant 0 : i32
    %dma_start3A_68 = tpu.memref_slice %arg7[%dma_start3A_66, %dma_start3A_67] : memref<40x128xi32, #tpu.memory_space<vmem>> -> memref<1x128xi32, #tpu.memory_space<vmem>>
    %dma_start3A_69 = tpu.memref_squeeze %dma_start3A_68 : memref<1x128xi32, #tpu.memory_space<vmem>> -> memref<128xi32, #tpu.memory_space<vmem>>
    %dma_start3A_70 = arith.constant 0 : i32
    %dma_start3A_71 = arith.constant 0 : i32
    %dma_start3A_72 = tpu.memref_slice %arg2[%dma_start3A_70, %dma_start3A_71] : memref<10000x128xf32, #tpu.memory_space<hbm>> -> memref<10000x128xf32, #tpu.memory_space<hbm>>
    tpu.enqueue_indirect_dma source(%dma_start3A_72 : memref<10000x128xf32, #tpu.memory_space<hbm>>) target(%arg10 : memref<128x128xf32, #tpu.memory_space<vmem>>) offsets(%dma_start3A_69 : memref<128xi32, #tpu.memory_space<vmem>>) semaphore(%arg13 : memref<!tpu.dma_semaphore, #tpu.memory_space<semaphore_mem>>)
    %dma_wait3A_73 = arith.constant 38 : i32
    %dma_wait3A_74 = arith.constant 0 : i32
    %dma_wait3A_75 = tpu.memref_slice %arg7[%dma_wait3A_73, %dma_wait3A_74] : memref<40x128xi32, #tpu.memory_space<vmem>> -> memref<1x128xi32, #tpu.memory_space<vmem>>
    %dma_wait3A_76 = tpu.memref_squeeze %dma_wait3A_75 : memref<1x128xi32, #tpu.memory_space<vmem>> -> memref<128xi32, #tpu.memory_space<vmem>>
    %dma_wait3A_77 = arith.constant 0 : i32
    %dma_wait3A_78 = arith.constant 0 : i32
    %dma_wait3A_79 = tpu.memref_slice %arg2[%dma_wait3A_77, %dma_wait3A_78] : memref<10000x128xf32, #tpu.memory_space<hbm>> -> memref<10000x128xf32, #tpu.memory_space<hbm>>
    tpu.wait_indirect_dma semaphore(%arg12 : memref<!tpu.dma_semaphore, #tpu.memory_space<semaphore_mem>>) src(%dma_wait3A_79 : memref<10000x128xf32, #tpu.memory_space<hbm>>) dst(%arg9 : memref<128x128xf32, #tpu.memory_space<vmem>>)
    %run_scoped3A_80 = arith.constant 38 : i32
    "tpu.region"() ({
      %run_scoped3A_112 = tpu.sem_alloc : memref<!tpu.dma_semaphore, #tpu.memory_space<semaphore_mem>>
      %dma_start3A_113 = arith.constant 0 : i32
      %dma_start3A_114 = tpu.memref_slice %arg8[%run_scoped3A_80, %dma_start3A_113] : memref<40x128xi32, #tpu.memory_space<vmem>> -> memref<1x128xi32, #tpu.memory_space<vmem>>
      %dma_start3A_115 = tpu.memref_squeeze %dma_start3A_114 : memref<1x128xi32, #tpu.memory_space<vmem>> -> memref<128xi32, #tpu.memory_space<vmem>>
      %dma_start3A_116 = arith.constant 0 : i32
      %dma_start3A_117 = arith.constant 0 : i32
      %dma_start3A_118 = tpu.memref_slice %arg11[%dma_start3A_116, %dma_start3A_117] : memref<10112x128xf32, #tpu.memory_space<vmem_shared>> -> memref<10112x128xf32, #tpu.memory_space<vmem_shared>>
      tpu.enqueue_indirect_dma source(%arg9 : memref<128x128xf32, #tpu.memory_space<vmem>>) target(%dma_start3A_118 : memref<10112x128xf32, #tpu.memory_space<vmem_shared>>) offsets(%dma_start3A_115 : memref<128xi32, #tpu.memory_space<vmem>>) semaphore(%run_scoped3A_112 : memref<!tpu.dma_semaphore, #tpu.memory_space<semaphore_mem>>) {add = true}
      %dma_wait3A_119 = arith.constant 0 : i32
      %dma_wait3A_120 = tpu.memref_slice %arg8[%run_scoped3A_80, %dma_wait3A_119] : memref<40x128xi32, #tpu.memory_space<vmem>> -> memref<1x128xi32, #tpu.memory_space<vmem>>
      %dma_wait3A_121 = tpu.memref_squeeze %dma_wait3A_120 : memref<1x128xi32, #tpu.memory_space<vmem>> -> memref<128xi32, #tpu.memory_space<vmem>>
      %dma_wait3A_122 = arith.constant 0 : i32
      %dma_wait3A_123 = arith.constant 0 : i32
      %dma_wait3A_124 = tpu.memref_slice %arg11[%dma_wait3A_122, %dma_wait3A_123] : memref<10112x128xf32, #tpu.memory_space<vmem_shared>> -> memref<10112x128xf32, #tpu.memory_space<vmem_shared>>
      tpu.wait_indirect_dma semaphore(%run_scoped3A_112 : memref<!tpu.dma_semaphore, #tpu.memory_space<semaphore_mem>>) src(%arg9 : memref<128x128xf32, #tpu.memory_space<vmem>>) dst(%dma_wait3A_124 : memref<10112x128xf32, #tpu.memory_space<vmem_shared>>)
      tpu.yield
    }) : () -> ()
    %dma_wait3A_81 = arith.constant 39 : i32
    %dma_wait3A_82 = arith.constant 0 : i32
    %dma_wait3A_83 = tpu.memref_slice %arg7[%dma_wait3A_81, %dma_wait3A_82] : memref<40x128xi32, #tpu.memory_space<vmem>> -> memref<1x128xi32, #tpu.memory_space<vmem>>
    %dma_wait3A_84 = tpu.memref_squeeze %dma_wait3A_83 : memref<1x128xi32, #tpu.memory_space<vmem>> -> memref<128xi32, #tpu.memory_space<vmem>>
    %dma_wait3A_85 = arith.constant 0 : i32
    %dma_wait3A_86 = arith.constant 0 : i32
    %dma_wait3A_87 = tpu.memref_slice %arg2[%dma_wait3A_85, %dma_wait3A_86] : memref<10000x128xf32, #tpu.memory_space<hbm>> -> memref<10000x128xf32, #tpu.memory_space<hbm>>
    tpu.wait_indirect_dma semaphore(%arg13 : memref<!tpu.dma_semaphore, #tpu.memory_space<semaphore_mem>>) src(%dma_wait3A_87 : memref<10000x128xf32, #tpu.memory_space<hbm>>) dst(%arg10 : memref<128x128xf32, #tpu.memory_space<vmem>>)
    %run_scoped3A_88 = arith.constant 39 : i32
    "tpu.region"() ({
      %run_scoped3A_112 = tpu.sem_alloc : memref<!tpu.dma_semaphore, #tpu.memory_space<semaphore_mem>>
      %dma_start3A_113 = arith.constant 0 : i32
      %dma_start3A_114 = tpu.memref_slice %arg8[%run_scoped3A_88, %dma_start3A_113] : memref<40x128xi32, #tpu.memory_space<vmem>> -> memref<1x128xi32, #tpu.memory_space<vmem>>
      %dma_start3A_115 = tpu.memref_squeeze %dma_start3A_114 : memref<1x128xi32, #tpu.memory_space<vmem>> -> memref<128xi32, #tpu.memory_space<vmem>>
      %dma_start3A_116 = arith.constant 0 : i32
      %dma_start3A_117 = arith.constant 0 : i32
      %dma_start3A_118 = tpu.memref_slice %arg11[%dma_start3A_116, %dma_start3A_117] : memref<10112x128xf32, #tpu.memory_space<vmem_shared>> -> memref<10112x128xf32, #tpu.memory_space<vmem_shared>>
      tpu.enqueue_indirect_dma source(%arg10 : memref<128x128xf32, #tpu.memory_space<vmem>>) target(%dma_start3A_118 : memref<10112x128xf32, #tpu.memory_space<vmem_shared>>) offsets(%dma_start3A_115 : memref<128xi32, #tpu.memory_space<vmem>>) semaphore(%run_scoped3A_112 : memref<!tpu.dma_semaphore, #tpu.memory_space<semaphore_mem>>) {add = true}
      %dma_wait3A_119 = arith.constant 0 : i32
      %dma_wait3A_120 = tpu.memref_slice %arg8[%run_scoped3A_88, %dma_wait3A_119] : memref<40x128xi32, #tpu.memory_space<vmem>> -> memref<1x128xi32, #tpu.memory_space<vmem>>
      %dma_wait3A_121 = tpu.memref_squeeze %dma_wait3A_120 : memref<1x128xi32, #tpu.memory_space<vmem>> -> memref<128xi32, #tpu.memory_space<vmem>>
      %dma_wait3A_122 = arith.constant 0 : i32
      %dma_wait3A_123 = arith.constant 0 : i32
      %dma_wait3A_124 = tpu.memref_slice %arg11[%dma_wait3A_122, %dma_wait3A_123] : memref<10112x128xf32, #tpu.memory_space<vmem_shared>> -> memref<10112x128xf32, #tpu.memory_space<vmem_shared>>
      tpu.wait_indirect_dma semaphore(%run_scoped3A_112 : memref<!tpu.dma_semaphore, #tpu.memory_space<semaphore_mem>>) src(%arg10 : memref<128x128xf32, #tpu.memory_space<vmem>>) dst(%dma_wait3A_124 : memref<10112x128xf32, #tpu.memory_space<vmem_shared>>)
      tpu.yield
    }) : () -> ()
    %barrier3A_89 = arith.constant 0 : index
    tpu.barrier barrier_id(%barrier3A_89)
    %mul3A_90 = arith.constant 632 : i32
    %mul3A_91 = arith.muli %arg1, %mul3A_90 : i32
    %add3A_92 = arith.constant 0 : i32
    %add3A_93 = arith.addi %mul3A_91, %add3A_92 : i32
    "tpu.region"() ({
      %run_scoped3A_112 = tpu.sem_alloc : memref<!tpu.dma_semaphore, #tpu.memory_space<semaphore_mem>>
      %dma_start3A_113 = arith.constant 0 : i32
      %dma_start3A_114 = tpu.memref_slice %arg11[%add3A_93, %dma_start3A_113] : memref<10112x128xf32, #tpu.memory_space<vmem_shared>> -> memref<128x128xf32, #tpu.memory_space<vmem_shared>>
      %dma_start3A_115 = arith.constant 0 : i32
      %dma_start3A_116 = tpu.memref_slice %arg11[%add3A_93, %dma_start3A_115] : memref<10112x128xf32, #tpu.memory_space<vmem_shared>> -> memref<128x128xf32, #tpu.memory_space<vmem_shared>>
      tpu.enqueue_dma source(%dma_start3A_116 : memref<128x128xf32, #tpu.memory_space<vmem_shared>>) target(%arg9 : memref<128x128xf32, #tpu.memory_space<vmem>>) target_semaphore(%run_scoped3A_112 : memref<!tpu.dma_semaphore, #tpu.memory_space<semaphore_mem>>)
      %dma_wait3A_117 = arith.constant 0 : i32
      %dma_wait3A_118 = tpu.memref_slice %arg11[%add3A_93, %dma_wait3A_117] : memref<10112x128xf32, #tpu.memory_space<vmem_shared>> -> memref<128x128xf32, #tpu.memory_space<vmem_shared>>
      %dma_wait3A_119 = arith.constant 0 : i32
      %dma_wait3A_120 = tpu.memref_slice %arg11[%add3A_93, %dma_wait3A_119] : memref<10112x128xf32, #tpu.memory_space<vmem_shared>> -> memref<128x128xf32, #tpu.memory_space<vmem_shared>>
      tpu.wait_dma2 semaphore(%run_scoped3A_112 : memref<!tpu.dma_semaphore, #tpu.memory_space<semaphore_mem>>) src(%dma_wait3A_120 : memref<128x128xf32, #tpu.memory_space<vmem_shared>>) dst(%arg9 : memref<128x128xf32, #tpu.memory_space<vmem>>)
      tpu.yield
    }) : () -> ()
    %add3A_94 = arith.constant 0 : i32
    %add3A_95 = arith.addi %mul3A_91, %add3A_94 : i32
    "tpu.region"() ({
      %run_scoped3A_112 = tpu.sem_alloc : memref<!tpu.dma_semaphore, #tpu.memory_space<semaphore_mem>>
      %dma_start3A_113 = arith.constant 0 : i32
      %dma_start3A_114 = tpu.memref_slice %arg6[%arg0, %add3A_95, %dma_start3A_113] : memref<2x10112x128xf32, #tpu.memory_space<hbm>> -> memref<1x128x128xf32, #tpu.memory_space<hbm>>
      %dma_start3A_115 = tpu.memref_squeeze %dma_start3A_114 : memref<1x128x128xf32, #tpu.memory_space<hbm>> -> memref<128x128xf32, #tpu.memory_space<hbm>>
      %dma_start3A_116 = arith.constant 0 : i32
      %dma_start3A_117 = tpu.memref_slice %arg6[%arg0, %add3A_95, %dma_start3A_116] : memref<2x10112x128xf32, #tpu.memory_space<hbm>> -> memref<1x128x128xf32, #tpu.memory_space<hbm>>
      %dma_start3A_118 = tpu.memref_squeeze %dma_start3A_117 : memref<1x128x128xf32, #tpu.memory_space<hbm>> -> memref<128x128xf32, #tpu.memory_space<hbm>>
      tpu.enqueue_dma source(%arg9 : memref<128x128xf32, #tpu.memory_space<vmem>>) target(%dma_start3A_118 : memref<128x128xf32, #tpu.memory_space<hbm>>) target_semaphore(%run_scoped3A_112 : memref<!tpu.dma_semaphore, #tpu.memory_space<semaphore_mem>>)
      %dma_wait3A_119 = arith.constant 0 : i32
      %dma_wait3A_120 = tpu.memref_slice %arg6[%arg0, %add3A_95, %dma_wait3A_119] : memref<2x10112x128xf32, #tpu.memory_space<hbm>> -> memref<1x128x128xf32, #tpu.memory_space<hbm>>
      %dma_wait3A_121 = tpu.memref_squeeze %dma_wait3A_120 : memref<1x128x128xf32, #tpu.memory_space<hbm>> -> memref<128x128xf32, #tpu.memory_space<hbm>>
      %dma_wait3A_122 = arith.constant 0 : i32
      %dma_wait3A_123 = tpu.memref_slice %arg6[%arg0, %add3A_95, %dma_wait3A_122] : memref<2x10112x128xf32, #tpu.memory_space<hbm>> -> memref<1x128x128xf32, #tpu.memory_space<hbm>>
      %dma_wait3A_124 = tpu.memref_squeeze %dma_wait3A_123 : memref<1x128x128xf32, #tpu.memory_space<hbm>> -> memref<128x128xf32, #tpu.memory_space<hbm>>
      tpu.wait_dma2 semaphore(%run_scoped3A_112 : memref<!tpu.dma_semaphore, #tpu.memory_space<semaphore_mem>>) src(%arg9 : memref<128x128xf32, #tpu.memory_space<vmem>>) dst(%dma_wait3A_124 : memref<128x128xf32, #tpu.memory_space<hbm>>)
      tpu.yield
    }) : () -> ()
    %add3A_96 = arith.constant 128 : i32
    %add3A_97 = arith.addi %mul3A_91, %add3A_96 : i32
    "tpu.region"() ({
      %run_scoped3A_112 = tpu.sem_alloc : memref<!tpu.dma_semaphore, #tpu.memory_space<semaphore_mem>>
      %dma_start3A_113 = arith.constant 0 : i32
      %dma_start3A_114 = tpu.memref_slice %arg11[%add3A_97, %dma_start3A_113] : memref<10112x128xf32, #tpu.memory_space<vmem_shared>> -> memref<128x128xf32, #tpu.memory_space<vmem_shared>>
      %dma_start3A_115 = arith.constant 0 : i32
      %dma_start3A_116 = tpu.memref_slice %arg11[%add3A_97, %dma_start3A_115] : memref<10112x128xf32, #tpu.memory_space<vmem_shared>> -> memref<128x128xf32, #tpu.memory_space<vmem_shared>>
      tpu.enqueue_dma source(%dma_start3A_116 : memref<128x128xf32, #tpu.memory_space<vmem_shared>>) target(%arg9 : memref<128x128xf32, #tpu.memory_space<vmem>>) target_semaphore(%run_scoped3A_112 : memref<!tpu.dma_semaphore, #tpu.memory_space<semaphore_mem>>)
      %dma_wait3A_117 = arith.constant 0 : i32
      %dma_wait3A_118 = tpu.memref_slice %arg11[%add3A_97, %dma_wait3A_117] : memref<10112x128xf32, #tpu.memory_space<vmem_shared>> -> memref<128x128xf32, #tpu.memory_space<vmem_shared>>
      %dma_wait3A_119 = arith.constant 0 : i32
      %dma_wait3A_120 = tpu.memref_slice %arg11[%add3A_97, %dma_wait3A_119] : memref<10112x128xf32, #tpu.memory_space<vmem_shared>> -> memref<128x128xf32, #tpu.memory_space<vmem_shared>>
      tpu.wait_dma2 semaphore(%run_scoped3A_112 : memref<!tpu.dma_semaphore, #tpu.memory_space<semaphore_mem>>) src(%dma_wait3A_120 : memref<128x128xf32, #tpu.memory_space<vmem_shared>>) dst(%arg9 : memref<128x128xf32, #tpu.memory_space<vmem>>)
      tpu.yield
    }) : () -> ()
    %add3A_98 = arith.constant 128 : i32
    %add3A_99 = arith.addi %mul3A_91, %add3A_98 : i32
    "tpu.region"() ({
      %run_scoped3A_112 = tpu.sem_alloc : memref<!tpu.dma_semaphore, #tpu.memory_space<semaphore_mem>>
      %dma_start3A_113 = arith.constant 0 : i32
      %dma_start3A_114 = tpu.memref_slice %arg6[%arg0, %add3A_99, %dma_start3A_113] : memref<2x10112x128xf32, #tpu.memory_space<hbm>> -> memref<1x128x128xf32, #tpu.memory_space<hbm>>
      %dma_start3A_115 = tpu.memref_squeeze %dma_start3A_114 : memref<1x128x128xf32, #tpu.memory_space<hbm>> -> memref<128x128xf32, #tpu.memory_space<hbm>>
      %dma_start3A_116 = arith.constant 0 : i32
      %dma_start3A_117 = tpu.memref_slice %arg6[%arg0, %add3A_99, %dma_start3A_116] : memref<2x10112x128xf32, #tpu.memory_space<hbm>> -> memref<1x128x128xf32, #tpu.memory_space<hbm>>
      %dma_start3A_118 = tpu.memref_squeeze %dma_start3A_117 : memref<1x128x128xf32, #tpu.memory_space<hbm>> -> memref<128x128xf32, #tpu.memory_space<hbm>>
      tpu.enqueue_dma source(%arg9 : memref<128x128xf32, #tpu.memory_space<vmem>>) target(%dma_start3A_118 : memref<128x128xf32, #tpu.memory_space<hbm>>) target_semaphore(%run_scoped3A_112 : memref<!tpu.dma_semaphore, #tpu.memory_space<semaphore_mem>>)
      %dma_wait3A_119 = arith.constant 0 : i32
      %dma_wait3A_120 = tpu.memref_slice %arg6[%arg0, %add3A_99, %dma_wait3A_119] : memref<2x10112x128xf32, #tpu.memory_space<hbm>> -> memref<1x128x128xf32, #tpu.memory_space<hbm>>
      %dma_wait3A_121 = tpu.memref_squeeze %dma_wait3A_120 : memref<1x128x128xf32, #tpu.memory_space<hbm>> -> memref<128x128xf32, #tpu.memory_space<hbm>>
      %dma_wait3A_122 = arith.constant 0 : i32
      %dma_wait3A_123 = tpu.memref_slice %arg6[%arg0, %add3A_99, %dma_wait3A_122] : memref<2x10112x128xf32, #tpu.memory_space<hbm>> -> memref<1x128x128xf32, #tpu.memory_space<hbm>>
      %dma_wait3A_124 = tpu.memref_squeeze %dma_wait3A_123 : memref<1x128x128xf32, #tpu.memory_space<hbm>> -> memref<128x128xf32, #tpu.memory_space<hbm>>
      tpu.wait_dma2 semaphore(%run_scoped3A_112 : memref<!tpu.dma_semaphore, #tpu.memory_space<semaphore_mem>>) src(%arg9 : memref<128x128xf32, #tpu.memory_space<vmem>>) dst(%dma_wait3A_124 : memref<128x128xf32, #tpu.memory_space<hbm>>)
      tpu.yield
    }) : () -> ()
    %add3A_100 = arith.constant 256 : i32
    %add3A_101 = arith.addi %mul3A_91, %add3A_100 : i32
    "tpu.region"() ({
      %run_scoped3A_112 = tpu.sem_alloc : memref<!tpu.dma_semaphore, #tpu.memory_space<semaphore_mem>>
      %dma_start3A_113 = arith.constant 0 : i32
      %dma_start3A_114 = tpu.memref_slice %arg11[%add3A_101, %dma_start3A_113] : memref<10112x128xf32, #tpu.memory_space<vmem_shared>> -> memref<128x128xf32, #tpu.memory_space<vmem_shared>>
      %dma_start3A_115 = arith.constant 0 : i32
      %dma_start3A_116 = tpu.memref_slice %arg11[%add3A_101, %dma_start3A_115] : memref<10112x128xf32, #tpu.memory_space<vmem_shared>> -> memref<128x128xf32, #tpu.memory_space<vmem_shared>>
      tpu.enqueue_dma source(%dma_start3A_116 : memref<128x128xf32, #tpu.memory_space<vmem_shared>>) target(%arg9 : memref<128x128xf32, #tpu.memory_space<vmem>>) target_semaphore(%run_scoped3A_112 : memref<!tpu.dma_semaphore, #tpu.memory_space<semaphore_mem>>)
      %dma_wait3A_117 = arith.constant 0 : i32
      %dma_wait3A_118 = tpu.memref_slice %arg11[%add3A_101, %dma_wait3A_117] : memref<10112x128xf32, #tpu.memory_space<vmem_shared>> -> memref<128x128xf32, #tpu.memory_space<vmem_shared>>
      %dma_wait3A_119 = arith.constant 0 : i32
      %dma_wait3A_120 = tpu.memref_slice %arg11[%add3A_101, %dma_wait3A_119] : memref<10112x128xf32, #tpu.memory_space<vmem_shared>> -> memref<128x128xf32, #tpu.memory_space<vmem_shared>>
      tpu.wait_dma2 semaphore(%run_scoped3A_112 : memref<!tpu.dma_semaphore, #tpu.memory_space<semaphore_mem>>) src(%dma_wait3A_120 : memref<128x128xf32, #tpu.memory_space<vmem_shared>>) dst(%arg9 : memref<128x128xf32, #tpu.memory_space<vmem>>)
      tpu.yield
    }) : () -> ()
    %add3A_102 = arith.constant 256 : i32
    %add3A_103 = arith.addi %mul3A_91, %add3A_102 : i32
    "tpu.region"() ({
      %run_scoped3A_112 = tpu.sem_alloc : memref<!tpu.dma_semaphore, #tpu.memory_space<semaphore_mem>>
      %dma_start3A_113 = arith.constant 0 : i32
      %dma_start3A_114 = tpu.memref_slice %arg6[%arg0, %add3A_103, %dma_start3A_113] : memref<2x10112x128xf32, #tpu.memory_space<hbm>> -> memref<1x128x128xf32, #tpu.memory_space<hbm>>
      %dma_start3A_115 = tpu.memref_squeeze %dma_start3A_114 : memref<1x128x128xf32, #tpu.memory_space<hbm>> -> memref<128x128xf32, #tpu.memory_space<hbm>>
      %dma_start3A_116 = arith.constant 0 : i32
      %dma_start3A_117 = tpu.memref_slice %arg6[%arg0, %add3A_103, %dma_start3A_116] : memref<2x10112x128xf32, #tpu.memory_space<hbm>> -> memref<1x128x128xf32, #tpu.memory_space<hbm>>
      %dma_start3A_118 = tpu.memref_squeeze %dma_start3A_117 : memref<1x128x128xf32, #tpu.memory_space<hbm>> -> memref<128x128xf32, #tpu.memory_space<hbm>>
      tpu.enqueue_dma source(%arg9 : memref<128x128xf32, #tpu.memory_space<vmem>>) target(%dma_start3A_118 : memref<128x128xf32, #tpu.memory_space<hbm>>) target_semaphore(%run_scoped3A_112 : memref<!tpu.dma_semaphore, #tpu.memory_space<semaphore_mem>>)
      %dma_wait3A_119 = arith.constant 0 : i32
      %dma_wait3A_120 = tpu.memref_slice %arg6[%arg0, %add3A_103, %dma_wait3A_119] : memref<2x10112x128xf32, #tpu.memory_space<hbm>> -> memref<1x128x128xf32, #tpu.memory_space<hbm>>
      %dma_wait3A_121 = tpu.memref_squeeze %dma_wait3A_120 : memref<1x128x128xf32, #tpu.memory_space<hbm>> -> memref<128x128xf32, #tpu.memory_space<hbm>>
      %dma_wait3A_122 = arith.constant 0 : i32
      %dma_wait3A_123 = tpu.memref_slice %arg6[%arg0, %add3A_103, %dma_wait3A_122] : memref<2x10112x128xf32, #tpu.memory_space<hbm>> -> memref<1x128x128xf32, #tpu.memory_space<hbm>>
      %dma_wait3A_124 = tpu.memref_squeeze %dma_wait3A_123 : memref<1x128x128xf32, #tpu.memory_space<hbm>> -> memref<128x128xf32, #tpu.memory_space<hbm>>
      tpu.wait_dma2 semaphore(%run_scoped3A_112 : memref<!tpu.dma_semaphore, #tpu.memory_space<semaphore_mem>>) src(%arg9 : memref<128x128xf32, #tpu.memory_space<vmem>>) dst(%dma_wait3A_124 : memref<128x128xf32, #tpu.memory_space<hbm>>)
      tpu.yield
    }) : () -> ()
    %add3A_104 = arith.constant 384 : i32
    %add3A_105 = arith.addi %mul3A_91, %add3A_104 : i32
    "tpu.region"() ({
      %run_scoped3A_112 = tpu.sem_alloc : memref<!tpu.dma_semaphore, #tpu.memory_space<semaphore_mem>>
      %dma_start3A_113 = arith.constant 0 : i32
      %dma_start3A_114 = tpu.memref_slice %arg11[%add3A_105, %dma_start3A_113] : memref<10112x128xf32, #tpu.memory_space<vmem_shared>> -> memref<128x128xf32, #tpu.memory_space<vmem_shared>>
      %dma_start3A_115 = arith.constant 0 : i32
      %dma_start3A_116 = tpu.memref_slice %arg11[%add3A_105, %dma_start3A_115] : memref<10112x128xf32, #tpu.memory_space<vmem_shared>> -> memref<128x128xf32, #tpu.memory_space<vmem_shared>>
      tpu.enqueue_dma source(%dma_start3A_116 : memref<128x128xf32, #tpu.memory_space<vmem_shared>>) target(%arg9 : memref<128x128xf32, #tpu.memory_space<vmem>>) target_semaphore(%run_scoped3A_112 : memref<!tpu.dma_semaphore, #tpu.memory_space<semaphore_mem>>)
      %dma_wait3A_117 = arith.constant 0 : i32
      %dma_wait3A_118 = tpu.memref_slice %arg11[%add3A_105, %dma_wait3A_117] : memref<10112x128xf32, #tpu.memory_space<vmem_shared>> -> memref<128x128xf32, #tpu.memory_space<vmem_shared>>
      %dma_wait3A_119 = arith.constant 0 : i32
      %dma_wait3A_120 = tpu.memref_slice %arg11[%add3A_105, %dma_wait3A_119] : memref<10112x128xf32, #tpu.memory_space<vmem_shared>> -> memref<128x128xf32, #tpu.memory_space<vmem_shared>>
      tpu.wait_dma2 semaphore(%run_scoped3A_112 : memref<!tpu.dma_semaphore, #tpu.memory_space<semaphore_mem>>) src(%dma_wait3A_120 : memref<128x128xf32, #tpu.memory_space<vmem_shared>>) dst(%arg9 : memref<128x128xf32, #tpu.memory_space<vmem>>)
      tpu.yield
    }) : () -> ()
    %add3A_106 = arith.constant 384 : i32
    %add3A_107 = arith.addi %mul3A_91, %add3A_106 : i32
    "tpu.region"() ({
      %run_scoped3A_112 = tpu.sem_alloc : memref<!tpu.dma_semaphore, #tpu.memory_space<semaphore_mem>>
      %dma_start3A_113 = arith.constant 0 : i32
      %dma_start3A_114 = tpu.memref_slice %arg6[%arg0, %add3A_107, %dma_start3A_113] : memref<2x10112x128xf32, #tpu.memory_space<hbm>> -> memref<1x128x128xf32, #tpu.memory_space<hbm>>
      %dma_start3A_115 = tpu.memref_squeeze %dma_start3A_114 : memref<1x128x128xf32, #tpu.memory_space<hbm>> -> memref<128x128xf32, #tpu.memory_space<hbm>>
      %dma_start3A_116 = arith.constant 0 : i32
      %dma_start3A_117 = tpu.memref_slice %arg6[%arg0, %add3A_107, %dma_start3A_116] : memref<2x10112x128xf32, #tpu.memory_space<hbm>> -> memref<1x128x128xf32, #tpu.memory_space<hbm>>
      %dma_start3A_118 = tpu.memref_squeeze %dma_start3A_117 : memref<1x128x128xf32, #tpu.memory_space<hbm>> -> memref<128x128xf32, #tpu.memory_space<hbm>>
      tpu.enqueue_dma source(%arg9 : memref<128x128xf32, #tpu.memory_space<vmem>>) target(%dma_start3A_118 : memref<128x128xf32, #tpu.memory_space<hbm>>) target_semaphore(%run_scoped3A_112 : memref<!tpu.dma_semaphore, #tpu.memory_space<semaphore_mem>>)
      %dma_wait3A_119 = arith.constant 0 : i32
      %dma_wait3A_120 = tpu.memref_slice %arg6[%arg0, %add3A_107, %dma_wait3A_119] : memref<2x10112x128xf32, #tpu.memory_space<hbm>> -> memref<1x128x128xf32, #tpu.memory_space<hbm>>
      %dma_wait3A_121 = tpu.memref_squeeze %dma_wait3A_120 : memref<1x128x128xf32, #tpu.memory_space<hbm>> -> memref<128x128xf32, #tpu.memory_space<hbm>>
      %dma_wait3A_122 = arith.constant 0 : i32
      %dma_wait3A_123 = tpu.memref_slice %arg6[%arg0, %add3A_107, %dma_wait3A_122] : memref<2x10112x128xf32, #tpu.memory_space<hbm>> -> memref<1x128x128xf32, #tpu.memory_space<hbm>>
      %dma_wait3A_124 = tpu.memref_squeeze %dma_wait3A_123 : memref<1x128x128xf32, #tpu.memory_space<hbm>> -> memref<128x128xf32, #tpu.memory_space<hbm>>
      tpu.wait_dma2 semaphore(%run_scoped3A_112 : memref<!tpu.dma_semaphore, #tpu.memory_space<semaphore_mem>>) src(%arg9 : memref<128x128xf32, #tpu.memory_space<vmem>>) dst(%dma_wait3A_124 : memref<128x128xf32, #tpu.memory_space<hbm>>)
      tpu.yield
    }) : () -> ()
    %add3A_108 = arith.constant 512 : i32
    %add3A_109 = arith.addi %mul3A_91, %add3A_108 : i32
    "tpu.region"() ({
      %run_scoped3A_112 = tpu.sem_alloc : memref<!tpu.dma_semaphore, #tpu.memory_space<semaphore_mem>>
      %dma_start3A_113 = arith.constant 0 : i32
      %dma_start3A_114 = arith.constant 0 : i32
      %dma_start3A_115 = tpu.memref_slice %arg9[%dma_start3A_113, %dma_start3A_114] : memref<128x128xf32, #tpu.memory_space<vmem>> -> memref<120x128xf32, #tpu.memory_space<vmem>>
      %dma_start3A_116 = arith.constant 0 : i32
      %dma_start3A_117 = tpu.memref_slice %arg11[%add3A_109, %dma_start3A_116] : memref<10112x128xf32, #tpu.memory_space<vmem_shared>> -> memref<120x128xf32, #tpu.memory_space<vmem_shared>>
      %dma_start3A_118 = arith.constant 0 : i32
      %dma_start3A_119 = arith.constant 0 : i32
      %dma_start3A_120 = tpu.memref_slice %arg9[%dma_start3A_118, %dma_start3A_119] : memref<128x128xf32, #tpu.memory_space<vmem>> -> memref<120x128xf32, #tpu.memory_space<vmem>>
      %dma_start3A_121 = arith.constant 0 : i32
      %dma_start3A_122 = tpu.memref_slice %arg11[%add3A_109, %dma_start3A_121] : memref<10112x128xf32, #tpu.memory_space<vmem_shared>> -> memref<120x128xf32, #tpu.memory_space<vmem_shared>>
      tpu.enqueue_dma source(%dma_start3A_122 : memref<120x128xf32, #tpu.memory_space<vmem_shared>>) target(%dma_start3A_120 : memref<120x128xf32, #tpu.memory_space<vmem>>) target_semaphore(%run_scoped3A_112 : memref<!tpu.dma_semaphore, #tpu.memory_space<semaphore_mem>>)
      %dma_wait3A_123 = arith.constant 0 : i32
      %dma_wait3A_124 = arith.constant 0 : i32
      %dma_wait3A_125 = tpu.memref_slice %arg9[%dma_wait3A_123, %dma_wait3A_124] : memref<128x128xf32, #tpu.memory_space<vmem>> -> memref<120x128xf32, #tpu.memory_space<vmem>>
      %dma_wait3A_126 = arith.constant 0 : i32
      %dma_wait3A_127 = tpu.memref_slice %arg11[%add3A_109, %dma_wait3A_126] : memref<10112x128xf32, #tpu.memory_space<vmem_shared>> -> memref<120x128xf32, #tpu.memory_space<vmem_shared>>
      %dma_wait3A_128 = arith.constant 0 : i32
      %dma_wait3A_129 = arith.constant 0 : i32
      %dma_wait3A_130 = tpu.memref_slice %arg9[%dma_wait3A_128, %dma_wait3A_129] : memref<128x128xf32, #tpu.memory_space<vmem>> -> memref<120x128xf32, #tpu.memory_space<vmem>>
      %dma_wait3A_131 = arith.constant 0 : i32
      %dma_wait3A_132 = tpu.memref_slice %arg11[%add3A_109, %dma_wait3A_131] : memref<10112x128xf32, #tpu.memory_space<vmem_shared>> -> memref<120x128xf32, #tpu.memory_space<vmem_shared>>
      tpu.wait_dma2 semaphore(%run_scoped3A_112 : memref<!tpu.dma_semaphore, #tpu.memory_space<semaphore_mem>>) src(%dma_wait3A_132 : memref<120x128xf32, #tpu.memory_space<vmem_shared>>) dst(%dma_wait3A_130 : memref<120x128xf32, #tpu.memory_space<vmem>>)
      tpu.yield
    }) : () -> ()
    %add3A_110 = arith.constant 512 : i32
    %add3A_111 = arith.addi %mul3A_91, %add3A_110 : i32
    "tpu.region"() ({
      %run_scoped3A_112 = tpu.sem_alloc : memref<!tpu.dma_semaphore, #tpu.memory_space<semaphore_mem>>
      %dma_start3A_113 = arith.constant 0 : i32
      %dma_start3A_114 = arith.constant 0 : i32
      %dma_start3A_115 = tpu.memref_slice %arg9[%dma_start3A_113, %dma_start3A_114] : memref<128x128xf32, #tpu.memory_space<vmem>> -> memref<120x128xf32, #tpu.memory_space<vmem>>
      %dma_start3A_116 = arith.constant 0 : i32
      %dma_start3A_117 = tpu.memref_slice %arg6[%arg0, %add3A_111, %dma_start3A_116] : memref<2x10112x128xf32, #tpu.memory_space<hbm>> -> memref<1x120x128xf32, #tpu.memory_space<hbm>>
      %dma_start3A_118 = tpu.memref_squeeze %dma_start3A_117 : memref<1x120x128xf32, #tpu.memory_space<hbm>> -> memref<120x128xf32, #tpu.memory_space<hbm>>
      %dma_start3A_119 = arith.constant 0 : i32
      %dma_start3A_120 = tpu.memref_slice %arg6[%arg0, %add3A_111, %dma_start3A_119] : memref<2x10112x128xf32, #tpu.memory_space<hbm>> -> memref<1x120x128xf32, #tpu.memory_space<hbm>>
      %dma_start3A_121 = tpu.memref_squeeze %dma_start3A_120 : memref<1x120x128xf32, #tpu.memory_space<hbm>> -> memref<120x128xf32, #tpu.memory_space<hbm>>
      %dma_start3A_122 = arith.constant 0 : i32
      %dma_start3A_123 = arith.constant 0 : i32
      %dma_start3A_124 = tpu.memref_slice %arg9[%dma_start3A_122, %dma_start3A_123] : memref<128x128xf32, #tpu.memory_space<vmem>> -> memref<120x128xf32, #tpu.memory_space<vmem>>
      tpu.enqueue_dma source(%dma_start3A_124 : memref<120x128xf32, #tpu.memory_space<vmem>>) target(%dma_start3A_121 : memref<120x128xf32, #tpu.memory_space<hbm>>) target_semaphore(%run_scoped3A_112 : memref<!tpu.dma_semaphore, #tpu.memory_space<semaphore_mem>>)
      %dma_wait3A_125 = arith.constant 0 : i32
      %dma_wait3A_126 = arith.constant 0 : i32
      %dma_wait3A_127 = tpu.memref_slice %arg9[%dma_wait3A_125, %dma_wait3A_126] : memref<128x128xf32, #tpu.memory_space<vmem>> -> memref<120x128xf32, #tpu.memory_space<vmem>>
      %dma_wait3A_128 = arith.constant 0 : i32
      %dma_wait3A_129 = tpu.memref_slice %arg6[%arg0, %add3A_111, %dma_wait3A_128] : memref<2x10112x128xf32, #tpu.memory_space<hbm>> -> memref<1x120x128xf32, #tpu.memory_space<hbm>>
      %dma_wait3A_130 = tpu.memref_squeeze %dma_wait3A_129 : memref<1x120x128xf32, #tpu.memory_space<hbm>> -> memref<120x128xf32, #tpu.memory_space<hbm>>
      %dma_wait3A_131 = arith.constant 0 : i32
      %dma_wait3A_132 = tpu.memref_slice %arg6[%arg0, %add3A_111, %dma_wait3A_131] : memref<2x10112x128xf32, #tpu.memory_space<hbm>> -> memref<1x120x128xf32, #tpu.memory_space<hbm>>
      %dma_wait3A_133 = tpu.memref_squeeze %dma_wait3A_132 : memref<1x120x128xf32, #tpu.memory_space<hbm>> -> memref<120x128xf32, #tpu.memory_space<hbm>>
      %dma_wait3A_134 = arith.constant 0 : i32
      %dma_wait3A_135 = arith.constant 0 : i32
      %dma_wait3A_136 = tpu.memref_slice %arg9[%dma_wait3A_134, %dma_wait3A_135] : memref<128x128xf32, #tpu.memory_space<vmem>> -> memref<120x128xf32, #tpu.memory_space<vmem>>
      tpu.wait_dma2 semaphore(%run_scoped3A_112 : memref<!tpu.dma_semaphore, #tpu.memory_space<semaphore_mem>>) src(%dma_wait3A_136 : memref<120x128xf32, #tpu.memory_space<vmem>>) dst(%dma_wait3A_133 : memref<120x128xf32, #tpu.memory_space<hbm>>)
      tpu.yield
    }) : () -> ()
    return
  }
}

#map = affine_map<(d0, d1) -> (0, 0)>
#map1 = affine_map<(d0, d1) -> (0, 0, 0)>
module attributes {stable_mosaic.version = 14 : i64} {
  func.func @_scat_kernel(%arg0: i32, %arg1: i32, %arg2: memref<10000x128xf32, #tpu.memory_space<hbm>>, %arg3: memref<32x80x128xi32, #tpu.memory_space<hbm>>, %arg4: memref<32x80x128xi32, #tpu.memory_space<hbm>>, %arg5: memref<128x128xf32, #tpu.memory_space<hbm>>, %arg6: memref<2x10112x128xf32, #tpu.memory_space<hbm>>, %arg7: memref<40x128xi32, #tpu.memory_space<vmem>>, %arg8: memref<40x128xi32, #tpu.memory_space<vmem>>, %arg9: memref<128x128xf32, #tpu.memory_space<vmem>>, %arg10: memref<128x128xf32, #tpu.memory_space<vmem>>, %arg11: memref<10112x128xf32, #tpu.memory_space<vmem_shared>>, %arg12: memref<!tpu.dma_semaphore, #tpu.memory_space<semaphore_mem>>, %arg13: memref<!tpu.dma_semaphore, #tpu.memory_space<semaphore_mem>>) attributes {dimension_semantics = [#tpu.dimension_semantics<core_parallel>, #tpu.dimension_semantics<subcore_parallel>], iteration_bounds = array<i64: 2, 16>, scalar_prefetch = 0 : i64, scratch_operands = 7 : i64, tpu.core_type = #tpu.core_type<sc_vector_subcore>, window_params = [{transform_indices = #map}, {transform_indices = #map1}, {transform_indices = #map1}, {transform_indices = #map}, {transform_indices = #map1}]} {
    %mul3A = arith.constant 2 : i32
    %mul3A_0 = arith.muli %arg1, %mul3A : i32
    %add3A = arith.addi %mul3A_0, %arg0 : i32
    "tpu.region"() ({
      %run_scoped3A_112 = tpu.sem_alloc : memref<!tpu.dma_semaphore, #tpu.memory_space<semaphore_mem>>
      tpu.enqueue_dma source(%arg5 : memref<128x128xf32, #tpu.memory_space<hbm>>) target(%arg9 : memref<128x128xf32, #tpu.memory_space<vmem>>) target_semaphore(%run_scoped3A_112 : memref<!tpu.dma_semaphore, #tpu.memory_space<semaphore_mem>>)
      tpu.wait_dma2 semaphore(%run_scoped3A_112 : memref<!tpu.dma_semaphore, #tpu.memory_space<semaphore_mem>>) src(%arg5 : memref<128x128xf32, #tpu.memory_space<hbm>>) dst(%arg9 : memref<128x128xf32, #tpu.memory_space<vmem>>)
      tpu.yield
    }) : () -> ()
    %mul3A_1 = arith.constant 632 : i32
    %mul3A_2 = arith.muli %arg1, %mul3A_1 : i32
    %add3A_3 = arith.constant 0 : i32
    %add3A_4 = arith.addi %mul3A_2, %add3A_3 : i32
    "tpu.region"() ({
      %run_scoped3A_112 = tpu.sem_alloc : memref<!tpu.dma_semaphore, #tpu.memory_space<semaphore_mem>>
      %dma_start3A_113 = arith.constant 0 : i32
      %dma_start3A_114 = tpu.memref_slice %arg11[%add3A_4, %dma_start3A_113] : memref<10112x128xf32, #tpu.memory_space<vmem_shared>> -> memref<128x128xf32, #tpu.memory_space<vmem_shared>>
      %dma_start3A_115 = arith.constant 0 : i32
      %dma_start3A_116 = tpu.memref_slice %arg11[%add3A_4, %dma_start3A_115] : memref<10112x128xf32, #tpu.memory_space<vmem_shared>> -> memref<128x128xf32, #tpu.memory_space<vmem_shared>>
      tpu.enqueue_dma source(%arg9 : memref<128x128xf32, #tpu.memory_space<vmem>>) target(%dma_start3A_116 : memref<128x128xf32, #tpu.memory_space<vmem_shared>>) target_semaphore(%run_scoped3A_112 : memref<!tpu.dma_semaphore, #tpu.memory_space<semaphore_mem>>)
      %dma_wait3A_117 = arith.constant 0 : i32
      %dma_wait3A_118 = tpu.memref_slice %arg11[%add3A_4, %dma_wait3A_117] : memref<10112x128xf32, #tpu.memory_space<vmem_shared>> -> memref<128x128xf32, #tpu.memory_space<vmem_shared>>
      %dma_wait3A_119 = arith.constant 0 : i32
      %dma_wait3A_120 = tpu.memref_slice %arg11[%add3A_4, %dma_wait3A_119] : memref<10112x128xf32, #tpu.memory_space<vmem_shared>> -> memref<128x128xf32, #tpu.memory_space<vmem_shared>>
      tpu.wait_dma2 semaphore(%run_scoped3A_112 : memref<!tpu.dma_semaphore, #tpu.memory_space<semaphore_mem>>) src(%arg9 : memref<128x128xf32, #tpu.memory_space<vmem>>) dst(%dma_wait3A_120 : memref<128x128xf32, #tpu.memory_space<vmem_shared>>)
      tpu.yield
    }) : () -> ()
    %mul3A_5 = arith.constant 632 : i32
    %mul3A_6 = arith.muli %arg1, %mul3A_5 : i32
    %add3A_7 = arith.constant 128 : i32
    %add3A_8 = arith.addi %mul3A_6, %add3A_7 : i32
    "tpu.region"() ({
      %run_scoped3A_112 = tpu.sem_alloc : memref<!tpu.dma_semaphore, #tpu.memory_space<semaphore_mem>>
      %dma_start3A_113 = arith.constant 0 : i32
      %dma_start3A_114 = tpu.memref_slice %arg11[%add3A_8, %dma_start3A_113] : memref<10112x128xf32, #tpu.memory_space<vmem_shared>> -> memref<128x128xf32, #tpu.memory_space<vmem_shared>>
      %dma_start3A_115 = arith.constant 0 : i32
      %dma_start3A_116 = tpu.memref_slice %arg11[%add3A_8, %dma_start3A_115] : memref<10112x128xf32, #tpu.memory_space<vmem_shared>> -> memref<128x128xf32, #tpu.memory_space<vmem_shared>>
      tpu.enqueue_dma source(%arg9 : memref<128x128xf32, #tpu.memory_space<vmem>>) target(%dma_start3A_116 : memref<128x128xf32, #tpu.memory_space<vmem_shared>>) target_semaphore(%run_scoped3A_112 : memref<!tpu.dma_semaphore, #tpu.memory_space<semaphore_mem>>)
      %dma_wait3A_117 = arith.constant 0 : i32
      %dma_wait3A_118 = tpu.memref_slice %arg11[%add3A_8, %dma_wait3A_117] : memref<10112x128xf32, #tpu.memory_space<vmem_shared>> -> memref<128x128xf32, #tpu.memory_space<vmem_shared>>
      %dma_wait3A_119 = arith.constant 0 : i32
      %dma_wait3A_120 = tpu.memref_slice %arg11[%add3A_8, %dma_wait3A_119] : memref<10112x128xf32, #tpu.memory_space<vmem_shared>> -> memref<128x128xf32, #tpu.memory_space<vmem_shared>>
      tpu.wait_dma2 semaphore(%run_scoped3A_112 : memref<!tpu.dma_semaphore, #tpu.memory_space<semaphore_mem>>) src(%arg9 : memref<128x128xf32, #tpu.memory_space<vmem>>) dst(%dma_wait3A_120 : memref<128x128xf32, #tpu.memory_space<vmem_shared>>)
      tpu.yield
    }) : () -> ()
    %mul3A_9 = arith.constant 632 : i32
    %mul3A_10 = arith.muli %arg1, %mul3A_9 : i32
    %add3A_11 = arith.constant 256 : i32
    %add3A_12 = arith.addi %mul3A_10, %add3A_11 : i32
    "tpu.region"() ({
      %run_scoped3A_112 = tpu.sem_alloc : memref<!tpu.dma_semaphore, #tpu.memory_space<semaphore_mem>>
      %dma_start3A_113 = arith.constant 0 : i32
      %dma_start3A_114 = tpu.memref_slice %arg11[%add3A_12, %dma_start3A_113] : memref<10112x128xf32, #tpu.memory_space<vmem_shared>> -> memref<128x128xf32, #tpu.memory_space<vmem_shared>>
      %dma_start3A_115 = arith.constant 0 : i32
      %dma_start3A_116 = tpu.memref_slice %arg11[%add3A_12, %dma_start3A_115] : memref<10112x128xf32, #tpu.memory_space<vmem_shared>> -> memref<128x128xf32, #tpu.memory_space<vmem_shared>>
      tpu.enqueue_dma source(%arg9 : memref<128x128xf32, #tpu.memory_space<vmem>>) target(%dma_start3A_116 : memref<128x128xf32, #tpu.memory_space<vmem_shared>>) target_semaphore(%run_scoped3A_112 : memref<!tpu.dma_semaphore, #tpu.memory_space<semaphore_mem>>)
      %dma_wait3A_117 = arith.constant 0 : i32
      %dma_wait3A_118 = tpu.memref_slice %arg11[%add3A_12, %dma_wait3A_117] : memref<10112x128xf32, #tpu.memory_space<vmem_shared>> -> memref<128x128xf32, #tpu.memory_space<vmem_shared>>
      %dma_wait3A_119 = arith.constant 0 : i32
      %dma_wait3A_120 = tpu.memref_slice %arg11[%add3A_12, %dma_wait3A_119] : memref<10112x128xf32, #tpu.memory_space<vmem_shared>> -> memref<128x128xf32, #tpu.memory_space<vmem_shared>>
      tpu.wait_dma2 semaphore(%run_scoped3A_112 : memref<!tpu.dma_semaphore, #tpu.memory_space<semaphore_mem>>) src(%arg9 : memref<128x128xf32, #tpu.memory_space<vmem>>) dst(%dma_wait3A_120 : memref<128x128xf32, #tpu.memory_space<vmem_shared>>)
      tpu.yield
    }) : () -> ()
    %mul3A_13 = arith.constant 632 : i32
    %mul3A_14 = arith.muli %arg1, %mul3A_13 : i32
    %add3A_15 = arith.constant 384 : i32
    %add3A_16 = arith.addi %mul3A_14, %add3A_15 : i32
    "tpu.region"() ({
      %run_scoped3A_112 = tpu.sem_alloc : memref<!tpu.dma_semaphore, #tpu.memory_space<semaphore_mem>>
      %dma_start3A_113 = arith.constant 0 : i32
      %dma_start3A_114 = tpu.memref_slice %arg11[%add3A_16, %dma_start3A_113] : memref<10112x128xf32, #tpu.memory_space<vmem_shared>> -> memref<128x128xf32, #tpu.memory_space<vmem_shared>>
      %dma_start3A_115 = arith.constant 0 : i32
      %dma_start3A_116 = tpu.memref_slice %arg11[%add3A_16, %dma_start3A_115] : memref<10112x128xf32, #tpu.memory_space<vmem_shared>> -> memref<128x128xf32, #tpu.memory_space<vmem_shared>>
      tpu.enqueue_dma source(%arg9 : memref<128x128xf32, #tpu.memory_space<vmem>>) target(%dma_start3A_116 : memref<128x128xf32, #tpu.memory_space<vmem_shared>>) target_semaphore(%run_scoped3A_112 : memref<!tpu.dma_semaphore, #tpu.memory_space<semaphore_mem>>)
      %dma_wait3A_117 = arith.constant 0 : i32
      %dma_wait3A_118 = tpu.memref_slice %arg11[%add3A_16, %dma_wait3A_117] : memref<10112x128xf32, #tpu.memory_space<vmem_shared>> -> memref<128x128xf32, #tpu.memory_space<vmem_shared>>
      %dma_wait3A_119 = arith.constant 0 : i32
      %dma_wait3A_120 = tpu.memref_slice %arg11[%add3A_16, %dma_wait3A_119] : memref<10112x128xf32, #tpu.memory_space<vmem_shared>> -> memref<128x128xf32, #tpu.memory_space<vmem_shared>>
      tpu.wait_dma2 semaphore(%run_scoped3A_112 : memref<!tpu.dma_semaphore, #tpu.memory_space<semaphore_mem>>) src(%arg9 : memref<128x128xf32, #tpu.memory_space<vmem>>) dst(%dma_wait3A_120 : memref<128x128xf32, #tpu.memory_space<vmem_shared>>)
      tpu.yield
    }) : () -> ()
    %mul3A_17 = arith.constant 632 : i32
    %mul3A_18 = arith.muli %arg1, %mul3A_17 : i32
    %add3A_19 = arith.constant 512 : i32
    %add3A_20 = arith.addi %mul3A_18, %add3A_19 : i32
    "tpu.region"() ({
      %run_scoped3A_112 = tpu.sem_alloc : memref<!tpu.dma_semaphore, #tpu.memory_space<semaphore_mem>>
      %dma_start3A_113 = arith.constant 0 : i32
      %dma_start3A_114 = arith.constant 0 : i32
      %dma_start3A_115 = tpu.memref_slice %arg9[%dma_start3A_113, %dma_start3A_114] : memref<128x128xf32, #tpu.memory_space<vmem>> -> memref<120x128xf32, #tpu.memory_space<vmem>>
      %dma_start3A_116 = arith.constant 0 : i32
      %dma_start3A_117 = tpu.memref_slice %arg11[%add3A_20, %dma_start3A_116] : memref<10112x128xf32, #tpu.memory_space<vmem_shared>> -> memref<120x128xf32, #tpu.memory_space<vmem_shared>>
      %dma_start3A_118 = arith.constant 0 : i32
      %dma_start3A_119 = tpu.memref_slice %arg11[%add3A_20, %dma_start3A_118] : memref<10112x128xf32, #tpu.memory_space<vmem_shared>> -> memref<120x128xf32, #tpu.memory_space<vmem_shared>>
      %dma_start3A_120 = arith.constant 0 : i32
      %dma_start3A_121 = arith.constant 0 : i32
      %dma_start3A_122 = tpu.memref_slice %arg9[%dma_start3A_120, %dma_start3A_121] : memref<128x128xf32, #tpu.memory_space<vmem>> -> memref<120x128xf32, #tpu.memory_space<vmem>>
      tpu.enqueue_dma source(%dma_start3A_122 : memref<120x128xf32, #tpu.memory_space<vmem>>) target(%dma_start3A_119 : memref<120x128xf32, #tpu.memory_space<vmem_shared>>) target_semaphore(%run_scoped3A_112 : memref<!tpu.dma_semaphore, #tpu.memory_space<semaphore_mem>>)
      %dma_wait3A_123 = arith.constant 0 : i32
      %dma_wait3A_124 = arith.constant 0 : i32
      %dma_wait3A_125 = tpu.memref_slice %arg9[%dma_wait3A_123, %dma_wait3A_124] : memref<128x128xf32, #tpu.memory_space<vmem>> -> memref<120x128xf32, #tpu.memory_space<vmem>>
      %dma_wait3A_126 = arith.constant 0 : i32
      %dma_wait3A_127 = tpu.memref_slice %arg11[%add3A_20, %dma_wait3A_126] : memref<10112x128xf32, #tpu.memory_space<vmem_shared>> -> memref<120x128xf32, #tpu.memory_space<vmem_shared>>
      %dma_wait3A_128 = arith.constant 0 : i32
      %dma_wait3A_129 = tpu.memref_slice %arg11[%add3A_20, %dma_wait3A_128] : memref<10112x128xf32, #tpu.memory_space<vmem_shared>> -> memref<120x128xf32, #tpu.memory_space<vmem_shared>>
      %dma_wait3A_130 = arith.constant 0 : i32
      %dma_wait3A_131 = arith.constant 0 : i32
      %dma_wait3A_132 = tpu.memref_slice %arg9[%dma_wait3A_130, %dma_wait3A_131] : memref<128x128xf32, #tpu.memory_space<vmem>> -> memref<120x128xf32, #tpu.memory_space<vmem>>
      tpu.wait_dma2 semaphore(%run_scoped3A_112 : memref<!tpu.dma_semaphore, #tpu.memory_space<semaphore_mem>>) src(%dma_wait3A_132 : memref<120x128xf32, #tpu.memory_space<vmem>>) dst(%dma_wait3A_129 : memref<120x128xf32, #tpu.memory_space<vmem_shared>>)
      tpu.yield
    }) : () -> ()
    %barrier3A = arith.constant 0 : index
    tpu.barrier barrier_id(%barrier3A)
    "tpu.region"() ({
      %run_scoped3A_112 = tpu.sem_alloc : memref<!tpu.dma_semaphore, #tpu.memory_space<semaphore_mem>>
      %dma_start3A_113 = arith.constant 0 : i32
      %dma_start3A_114 = arith.constant 0 : i32
      %dma_start3A_115 = tpu.memref_slice %arg3[%add3A, %dma_start3A_113, %dma_start3A_114] : memref<32x80x128xi32, #tpu.memory_space<hbm>> -> memref<1x40x128xi32, #tpu.memory_space<hbm>>
      %dma_start3A_116 = tpu.memref_squeeze %dma_start3A_115 : memref<1x40x128xi32, #tpu.memory_space<hbm>> -> memref<40x128xi32, #tpu.memory_space<hbm>>
      %dma_start3A_117 = arith.constant 0 : i32
      %dma_start3A_118 = arith.constant 0 : i32
      %dma_start3A_119 = tpu.memref_slice %arg3[%add3A, %dma_start3A_117, %dma_start3A_118] : memref<32x80x128xi32, #tpu.memory_space<hbm>> -> memref<1x40x128xi32, #tpu.memory_space<hbm>>
      %dma_start3A_120 = tpu.memref_squeeze %dma_start3A_119 : memref<1x40x128xi32, #tpu.memory_space<hbm>> -> memref<40x128xi32, #tpu.memory_space<hbm>>
      tpu.enqueue_dma source(%dma_start3A_120 : memref<40x128xi32, #tpu.memory_space<hbm>>) target(%arg7 : memref<40x128xi32, #tpu.memory_space<vmem>>) target_semaphore(%run_scoped3A_112 : memref<!tpu.dma_semaphore, #tpu.memory_space<semaphore_mem>>)
      %dma_wait3A_121 = arith.constant 0 : i32
      %dma_wait3A_122 = arith.constant 0 : i32
      %dma_wait3A_123 = tpu.memref_slice %arg3[%add3A, %dma_wait3A_121, %dma_wait3A_122] : memref<32x80x128xi32, #tpu.memory_space<hbm>> -> memref<1x40x128xi32, #tpu.memory_space<hbm>>
      %dma_wait3A_124 = tpu.memref_squeeze %dma_wait3A_123 : memref<1x40x128xi32, #tpu.memory_space<hbm>> -> memref<40x128xi32, #tpu.memory_space<hbm>>
      %dma_wait3A_125 = arith.constant 0 : i32
      %dma_wait3A_126 = arith.constant 0 : i32
      %dma_wait3A_127 = tpu.memref_slice %arg3[%add3A, %dma_wait3A_125, %dma_wait3A_126] : memref<32x80x128xi32, #tpu.memory_space<hbm>> -> memref<1x40x128xi32, #tpu.memory_space<hbm>>
      %dma_wait3A_128 = tpu.memref_squeeze %dma_wait3A_127 : memref<1x40x128xi32, #tpu.memory_space<hbm>> -> memref<40x128xi32, #tpu.memory_space<hbm>>
      tpu.wait_dma2 semaphore(%run_scoped3A_112 : memref<!tpu.dma_semaphore, #tpu.memory_space<semaphore_mem>>) src(%dma_wait3A_128 : memref<40x128xi32, #tpu.memory_space<hbm>>) dst(%arg7 : memref<40x128xi32, #tpu.memory_space<vmem>>)
      tpu.yield
    }) : () -> ()
    "tpu.region"() ({
      %run_scoped3A_112 = tpu.sem_alloc : memref<!tpu.dma_semaphore, #tpu.memory_space<semaphore_mem>>
      %dma_start3A_113 = arith.constant 0 : i32
      %dma_start3A_114 = arith.constant 0 : i32
      %dma_start3A_115 = tpu.memref_slice %arg4[%add3A, %dma_start3A_113, %dma_start3A_114] : memref<32x80x128xi32, #tpu.memory_space<hbm>> -> memref<1x40x128xi32, #tpu.memory_space<hbm>>
      %dma_start3A_116 = tpu.memref_squeeze %dma_start3A_115 : memref<1x40x128xi32, #tpu.memory_space<hbm>> -> memref<40x128xi32, #tpu.memory_space<hbm>>
      %dma_start3A_117 = arith.constant 0 : i32
      %dma_start3A_118 = arith.constant 0 : i32
      %dma_start3A_119 = tpu.memref_slice %arg4[%add3A, %dma_start3A_117, %dma_start3A_118] : memref<32x80x128xi32, #tpu.memory_space<hbm>> -> memref<1x40x128xi32, #tpu.memory_space<hbm>>
      %dma_start3A_120 = tpu.memref_squeeze %dma_start3A_119 : memref<1x40x128xi32, #tpu.memory_space<hbm>> -> memref<40x128xi32, #tpu.memory_space<hbm>>
      tpu.enqueue_dma source(%dma_start3A_120 : memref<40x128xi32, #tpu.memory_space<hbm>>) target(%arg8 : memref<40x128xi32, #tpu.memory_space<vmem>>) target_semaphore(%run_scoped3A_112 : memref<!tpu.dma_semaphore, #tpu.memory_space<semaphore_mem>>)
      %dma_wait3A_121 = arith.constant 0 : i32
      %dma_wait3A_122 = arith.constant 0 : i32
      %dma_wait3A_123 = tpu.memref_slice %arg4[%add3A, %dma_wait3A_121, %dma_wait3A_122] : memref<32x80x128xi32, #tpu.memory_space<hbm>> -> memref<1x40x128xi32, #tpu.memory_space<hbm>>
      %dma_wait3A_124 = tpu.memref_squeeze %dma_wait3A_123 : memref<1x40x128xi32, #tpu.memory_space<hbm>> -> memref<40x128xi32, #tpu.memory_space<hbm>>
      %dma_wait3A_125 = arith.constant 0 : i32
      %dma_wait3A_126 = arith.constant 0 : i32
      %dma_wait3A_127 = tpu.memref_slice %arg4[%add3A, %dma_wait3A_125, %dma_wait3A_126] : memref<32x80x128xi32, #tpu.memory_space<hbm>> -> memref<1x40x128xi32, #tpu.memory_space<hbm>>
      %dma_wait3A_128 = tpu.memref_squeeze %dma_wait3A_127 : memref<1x40x128xi32, #tpu.memory_space<hbm>> -> memref<40x128xi32, #tpu.memory_space<hbm>>
      tpu.wait_dma2 semaphore(%run_scoped3A_112 : memref<!tpu.dma_semaphore, #tpu.memory_space<semaphore_mem>>) src(%dma_wait3A_128 : memref<40x128xi32, #tpu.memory_space<hbm>>) dst(%arg8 : memref<40x128xi32, #tpu.memory_space<vmem>>)
      tpu.yield
    }) : () -> ()
    %dma_start3A = arith.constant 0 : i32
    %dma_start3A_21 = arith.constant 0 : i32
    %dma_start3A_22 = tpu.memref_slice %arg7[%dma_start3A, %dma_start3A_21] : memref<40x128xi32, #tpu.memory_space<vmem>> -> memref<1x128xi32, #tpu.memory_space<vmem>>
    %dma_start3A_23 = tpu.memref_squeeze %dma_start3A_22 : memref<1x128xi32, #tpu.memory_space<vmem>> -> memref<128xi32, #tpu.memory_space<vmem>>
    %dma_start3A_24 = arith.constant 0 : i32
    %dma_start3A_25 = arith.constant 0 : i32
    %dma_start3A_26 = tpu.memref_slice %arg2[%dma_start3A_24, %dma_start3A_25] : memref<10000x128xf32, #tpu.memory_space<hbm>> -> memref<10000x128xf32, #tpu.memory_space<hbm>>
    tpu.enqueue_indirect_dma source(%dma_start3A_26 : memref<10000x128xf32, #tpu.memory_space<hbm>>) target(%arg9 : memref<128x128xf32, #tpu.memory_space<vmem>>) offsets(%dma_start3A_23 : memref<128xi32, #tpu.memory_space<vmem>>) semaphore(%arg12 : memref<!tpu.dma_semaphore, #tpu.memory_space<semaphore_mem>>)
    %scan3A = arith.constant 0 : i32
    %scan3A_27 = arith.constant 0 : i32
    %scan3A_28 = arith.constant 19 : i32
    %scan3A_29 = arith.addi %scan3A_27, %scan3A_28 : i32
    %scan3A_30 = arith.constant 1 : i32
    scf.for %scan3A_112 = %scan3A_27 to %scan3A_29 step %scan3A_30  : i32 {
      %mul3A_113 = arith.constant 2 : i32
      %mul3A_114 = arith.muli %mul3A_113, %scan3A_112 : i32
      %add3A_115 = arith.constant 1 : i32
      %add3A_116 = arith.addi %mul3A_114, %add3A_115 : i32
      %dma_start3A_117 = arith.constant 0 : i32
      %dma_start3A_118 = tpu.memref_slice %arg7[%add3A_116, %dma_start3A_117] : memref<40x128xi32, #tpu.memory_space<vmem>> -> memref<1x128xi32, #tpu.memory_space<vmem>>
      %dma_start3A_119 = tpu.memref_squeeze %dma_start3A_118 : memref<1x128xi32, #tpu.memory_space<vmem>> -> memref<128xi32, #tpu.memory_space<vmem>>
      %dma_start3A_120 = arith.constant 0 : i32
      %dma_start3A_121 = arith.constant 0 : i32
      %dma_start3A_122 = tpu.memref_slice %arg2[%dma_start3A_120, %dma_start3A_121] : memref<10000x128xf32, #tpu.memory_space<hbm>> -> memref<10000x128xf32, #tpu.memory_space<hbm>>
      tpu.enqueue_indirect_dma source(%dma_start3A_122 : memref<10000x128xf32, #tpu.memory_space<hbm>>) target(%arg10 : memref<128x128xf32, #tpu.memory_space<vmem>>) offsets(%dma_start3A_119 : memref<128xi32, #tpu.memory_space<vmem>>) semaphore(%arg13 : memref<!tpu.dma_semaphore, #tpu.memory_space<semaphore_mem>>)
      %dma_wait3A_123 = arith.constant 0 : i32
      %dma_wait3A_124 = tpu.memref_slice %arg7[%mul3A_114, %dma_wait3A_123] : memref<40x128xi32, #tpu.memory_space<vmem>> -> memref<1x128xi32, #tpu.memory_space<vmem>>
      %dma_wait3A_125 = tpu.memref_squeeze %dma_wait3A_124 : memref<1x128xi32, #tpu.memory_space<vmem>> -> memref<128xi32, #tpu.memory_space<vmem>>
      %dma_wait3A_126 = arith.constant 0 : i32
      %dma_wait3A_127 = arith.constant 0 : i32
      %dma_wait3A_128 = tpu.memref_slice %arg2[%dma_wait3A_126, %dma_wait3A_127] : memref<10000x128xf32, #tpu.memory_space<hbm>> -> memref<10000x128xf32, #tpu.memory_space<hbm>>
      tpu.wait_indirect_dma semaphore(%arg12 : memref<!tpu.dma_semaphore, #tpu.memory_space<semaphore_mem>>) src(%dma_wait3A_128 : memref<10000x128xf32, #tpu.memory_space<hbm>>) dst(%arg9 : memref<128x128xf32, #tpu.memory_space<vmem>>)
      "tpu.region"() ({
        %run_scoped3A_147 = tpu.sem_alloc : memref<!tpu.dma_semaphore, #tpu.memory_space<semaphore_mem>>
        %dma_start3A_148 = arith.constant 0 : i32
        %dma_start3A_149 = tpu.memref_slice %arg8[%mul3A_114, %dma_start3A_148] : memref<40x128xi32, #tpu.memory_space<vmem>> -> memref<1x128xi32, #tpu.memory_space<vmem>>
        %dma_start3A_150 = tpu.memref_squeeze %dma_start3A_149 : memref<1x128xi32, #tpu.memory_space<vmem>> -> memref<128xi32, #tpu.memory_space<vmem>>
        %dma_start3A_151 = arith.constant 0 : i32
        %dma_start3A_152 = arith.constant 0 : i32
        %dma_start3A_153 = tpu.memref_slice %arg11[%dma_start3A_151, %dma_start3A_152] : memref<10112x128xf32, #tpu.memory_space<vmem_shared>> -> memref<10112x128xf32, #tpu.memory_space<vmem_shared>>
        tpu.enqueue_indirect_dma source(%arg9 : memref<128x128xf32, #tpu.memory_space<vmem>>) target(%dma_start3A_153 : memref<10112x128xf32, #tpu.memory_space<vmem_shared>>) offsets(%dma_start3A_150 : memref<128xi32, #tpu.memory_space<vmem>>) semaphore(%run_scoped3A_147 : memref<!tpu.dma_semaphore, #tpu.memory_space<semaphore_mem>>) {add = true}
        %dma_wait3A_154 = arith.constant 0 : i32
        %dma_wait3A_155 = tpu.memref_slice %arg8[%mul3A_114, %dma_wait3A_154] : memref<40x128xi32, #tpu.memory_space<vmem>> -> memref<1x128xi32, #tpu.memory_space<vmem>>
        %dma_wait3A_156 = tpu.memref_squeeze %dma_wait3A_155 : memref<1x128xi32, #tpu.memory_space<vmem>> -> memref<128xi32, #tpu.memory_space<vmem>>
        %dma_wait3A_157 = arith.constant 0 : i32
        %dma_wait3A_158 = arith.constant 0 : i32
        %dma_wait3A_159 = tpu.memref_slice %arg11[%dma_wait3A_157, %dma_wait3A_158] : memref<10112x128xf32, #tpu.memory_space<vmem_shared>> -> memref<10112x128xf32, #tpu.memory_space<vmem_shared>>
        tpu.wait_indirect_dma semaphore(%run_scoped3A_147 : memref<!tpu.dma_semaphore, #tpu.memory_space<semaphore_mem>>) src(%arg9 : memref<128x128xf32, #tpu.memory_space<vmem>>) dst(%dma_wait3A_159 : memref<10112x128xf32, #tpu.memory_space<vmem_shared>>)
        tpu.yield
      }) : () -> ()
      %add3A_129 = arith.constant 2 : i32
      %add3A_130 = arith.addi %mul3A_114, %add3A_129 : i32
      %dma_start3A_131 = arith.constant 0 : i32
      %dma_start3A_132 = tpu.memref_slice %arg7[%add3A_130, %dma_start3A_131] : memref<40x128xi32, #tpu.memory_space<vmem>> -> memref<1x128xi32, #tpu.memory_space<vmem>>
      %dma_start3A_133 = tpu.memref_squeeze %dma_start3A_132 : memref<1x128xi32, #tpu.memory_space<vmem>> -> memref<128xi32, #tpu.memory_space<vmem>>
      %dma_start3A_134 = arith.constant 0 : i32
      %dma_start3A_135 = arith.constant 0 : i32
      %dma_start3A_136 = tpu.memref_slice %arg2[%dma_start3A_134, %dma_start3A_135] : memref<10000x128xf32, #tpu.memory_space<hbm>> -> memref<10000x128xf32, #tpu.memory_space<hbm>>
      tpu.enqueue_indirect_dma source(%dma_start3A_136 : memref<10000x128xf32, #tpu.memory_space<hbm>>) target(%arg9 : memref<128x128xf32, #tpu.memory_space<vmem>>) offsets(%dma_start3A_133 : memref<128xi32, #tpu.memory_space<vmem>>) semaphore(%arg12 : memref<!tpu.dma_semaphore, #tpu.memory_space<semaphore_mem>>)
      %add3A_137 = arith.constant 1 : i32
      %add3A_138 = arith.addi %mul3A_114, %add3A_137 : i32
      %dma_wait3A_139 = arith.constant 0 : i32
      %dma_wait3A_140 = tpu.memref_slice %arg7[%add3A_138, %dma_wait3A_139] : memref<40x128xi32, #tpu.memory_space<vmem>> -> memref<1x128xi32, #tpu.memory_space<vmem>>
      %dma_wait3A_141 = tpu.memref_squeeze %dma_wait3A_140 : memref<1x128xi32, #tpu.memory_space<vmem>> -> memref<128xi32, #tpu.memory_space<vmem>>
      %dma_wait3A_142 = arith.constant 0 : i32
      %dma_wait3A_143 = arith.constant 0 : i32
      %dma_wait3A_144 = tpu.memref_slice %arg2[%dma_wait3A_142, %dma_wait3A_143] : memref<10000x128xf32, #tpu.memory_space<hbm>> -> memref<10000x128xf32, #tpu.memory_space<hbm>>
      tpu.wait_indirect_dma semaphore(%arg13 : memref<!tpu.dma_semaphore, #tpu.memory_space<semaphore_mem>>) src(%dma_wait3A_144 : memref<10000x128xf32, #tpu.memory_space<hbm>>) dst(%arg10 : memref<128x128xf32, #tpu.memory_space<vmem>>)
      %add3A_145 = arith.constant 1 : i32
      %add3A_146 = arith.addi %mul3A_114, %add3A_145 : i32
      "tpu.region"() ({
        %run_scoped3A_147 = tpu.sem_alloc : memref<!tpu.dma_semaphore, #tpu.memory_space<semaphore_mem>>
        %dma_start3A_148 = arith.constant 0 : i32
        %dma_start3A_149 = tpu.memref_slice %arg8[%add3A_146, %dma_start3A_148] : memref<40x128xi32, #tpu.memory_space<vmem>> -> memref<1x128xi32, #tpu.memory_space<vmem>>
        %dma_start3A_150 = tpu.memref_squeeze %dma_start3A_149 : memref<1x128xi32, #tpu.memory_space<vmem>> -> memref<128xi32, #tpu.memory_space<vmem>>
        %dma_start3A_151 = arith.constant 0 : i32
        %dma_start3A_152 = arith.constant 0 : i32
        %dma_start3A_153 = tpu.memref_slice %arg11[%dma_start3A_151, %dma_start3A_152] : memref<10112x128xf32, #tpu.memory_space<vmem_shared>> -> memref<10112x128xf32, #tpu.memory_space<vmem_shared>>
        tpu.enqueue_indirect_dma source(%arg10 : memref<128x128xf32, #tpu.memory_space<vmem>>) target(%dma_start3A_153 : memref<10112x128xf32, #tpu.memory_space<vmem_shared>>) offsets(%dma_start3A_150 : memref<128xi32, #tpu.memory_space<vmem>>) semaphore(%run_scoped3A_147 : memref<!tpu.dma_semaphore, #tpu.memory_space<semaphore_mem>>) {add = true}
        %dma_wait3A_154 = arith.constant 0 : i32
        %dma_wait3A_155 = tpu.memref_slice %arg8[%add3A_146, %dma_wait3A_154] : memref<40x128xi32, #tpu.memory_space<vmem>> -> memref<1x128xi32, #tpu.memory_space<vmem>>
        %dma_wait3A_156 = tpu.memref_squeeze %dma_wait3A_155 : memref<1x128xi32, #tpu.memory_space<vmem>> -> memref<128xi32, #tpu.memory_space<vmem>>
        %dma_wait3A_157 = arith.constant 0 : i32
        %dma_wait3A_158 = arith.constant 0 : i32
        %dma_wait3A_159 = tpu.memref_slice %arg11[%dma_wait3A_157, %dma_wait3A_158] : memref<10112x128xf32, #tpu.memory_space<vmem_shared>> -> memref<10112x128xf32, #tpu.memory_space<vmem_shared>>
        tpu.wait_indirect_dma semaphore(%run_scoped3A_147 : memref<!tpu.dma_semaphore, #tpu.memory_space<semaphore_mem>>) src(%arg10 : memref<128x128xf32, #tpu.memory_space<vmem>>) dst(%dma_wait3A_159 : memref<10112x128xf32, #tpu.memory_space<vmem_shared>>)
        tpu.yield
      }) : () -> ()
    }
    %scan3A_31 = arith.constant 19 : i32
    %dma_start3A_32 = arith.constant 39 : i32
    %dma_start3A_33 = arith.constant 0 : i32
    %dma_start3A_34 = tpu.memref_slice %arg7[%dma_start3A_32, %dma_start3A_33] : memref<40x128xi32, #tpu.memory_space<vmem>> -> memref<1x128xi32, #tpu.memory_space<vmem>>
    %dma_start3A_35 = tpu.memref_squeeze %dma_start3A_34 : memref<1x128xi32, #tpu.memory_space<vmem>> -> memref<128xi32, #tpu.memory_space<vmem>>
    %dma_start3A_36 = arith.constant 0 : i32
    %dma_start3A_37 = arith.constant 0 : i32
    %dma_start3A_38 = tpu.memref_slice %arg2[%dma_start3A_36, %dma_start3A_37] : memref<10000x128xf32, #tpu.memory_space<hbm>> -> memref<10000x128xf32, #tpu.memory_space<hbm>>
    tpu.enqueue_indirect_dma source(%dma_start3A_38 : memref<10000x128xf32, #tpu.memory_space<hbm>>) target(%arg10 : memref<128x128xf32, #tpu.memory_space<vmem>>) offsets(%dma_start3A_35 : memref<128xi32, #tpu.memory_space<vmem>>) semaphore(%arg13 : memref<!tpu.dma_semaphore, #tpu.memory_space<semaphore_mem>>)
    %dma_wait3A = arith.constant 38 : i32
    %dma_wait3A_39 = arith.constant 0 : i32
    %dma_wait3A_40 = tpu.memref_slice %arg7[%dma_wait3A, %dma_wait3A_39] : memref<40x128xi32, #tpu.memory_space<vmem>> -> memref<1x128xi32, #tpu.memory_space<vmem>>
    %dma_wait3A_41 = tpu.memref_squeeze %dma_wait3A_40 : memref<1x128xi32, #tpu.memory_space<vmem>> -> memref<128xi32, #tpu.memory_space<vmem>>
    %dma_wait3A_42 = arith.constant 0 : i32
    %dma_wait3A_43 = arith.constant 0 : i32
    %dma_wait3A_44 = tpu.memref_slice %arg2[%dma_wait3A_42, %dma_wait3A_43] : memref<10000x128xf32, #tpu.memory_space<hbm>> -> memref<10000x128xf32, #tpu.memory_space<hbm>>
    tpu.wait_indirect_dma semaphore(%arg12 : memref<!tpu.dma_semaphore, #tpu.memory_space<semaphore_mem>>) src(%dma_wait3A_44 : memref<10000x128xf32, #tpu.memory_space<hbm>>) dst(%arg9 : memref<128x128xf32, #tpu.memory_space<vmem>>)
    %run_scoped3A = arith.constant 38 : i32
    "tpu.region"() ({
      %run_scoped3A_112 = tpu.sem_alloc : memref<!tpu.dma_semaphore, #tpu.memory_space<semaphore_mem>>
      %dma_start3A_113 = arith.constant 0 : i32
      %dma_start3A_114 = tpu.memref_slice %arg8[%run_scoped3A, %dma_start3A_113] : memref<40x128xi32, #tpu.memory_space<vmem>> -> memref<1x128xi32, #tpu.memory_space<vmem>>
      %dma_start3A_115 = tpu.memref_squeeze %dma_start3A_114 : memref<1x128xi32, #tpu.memory_space<vmem>> -> memref<128xi32, #tpu.memory_space<vmem>>
      %dma_start3A_116 = arith.constant 0 : i32
      %dma_start3A_117 = arith.constant 0 : i32
      %dma_start3A_118 = tpu.memref_slice %arg11[%dma_start3A_116, %dma_start3A_117] : memref<10112x128xf32, #tpu.memory_space<vmem_shared>> -> memref<10112x128xf32, #tpu.memory_space<vmem_shared>>
      tpu.enqueue_indirect_dma source(%arg9 : memref<128x128xf32, #tpu.memory_space<vmem>>) target(%dma_start3A_118 : memref<10112x128xf32, #tpu.memory_space<vmem_shared>>) offsets(%dma_start3A_115 : memref<128xi32, #tpu.memory_space<vmem>>) semaphore(%run_scoped3A_112 : memref<!tpu.dma_semaphore, #tpu.memory_space<semaphore_mem>>) {add = true}
      %dma_wait3A_119 = arith.constant 0 : i32
      %dma_wait3A_120 = tpu.memref_slice %arg8[%run_scoped3A, %dma_wait3A_119] : memref<40x128xi32, #tpu.memory_space<vmem>> -> memref<1x128xi32, #tpu.memory_space<vmem>>
      %dma_wait3A_121 = tpu.memref_squeeze %dma_wait3A_120 : memref<1x128xi32, #tpu.memory_space<vmem>> -> memref<128xi32, #tpu.memory_space<vmem>>
      %dma_wait3A_122 = arith.constant 0 : i32
      %dma_wait3A_123 = arith.constant 0 : i32
      %dma_wait3A_124 = tpu.memref_slice %arg11[%dma_wait3A_122, %dma_wait3A_123] : memref<10112x128xf32, #tpu.memory_space<vmem_shared>> -> memref<10112x128xf32, #tpu.memory_space<vmem_shared>>
      tpu.wait_indirect_dma semaphore(%run_scoped3A_112 : memref<!tpu.dma_semaphore, #tpu.memory_space<semaphore_mem>>) src(%arg9 : memref<128x128xf32, #tpu.memory_space<vmem>>) dst(%dma_wait3A_124 : memref<10112x128xf32, #tpu.memory_space<vmem_shared>>)
      tpu.yield
    }) : () -> ()
    %dma_wait3A_45 = arith.constant 39 : i32
    %dma_wait3A_46 = arith.constant 0 : i32
    %dma_wait3A_47 = tpu.memref_slice %arg7[%dma_wait3A_45, %dma_wait3A_46] : memref<40x128xi32, #tpu.memory_space<vmem>> -> memref<1x128xi32, #tpu.memory_space<vmem>>
    %dma_wait3A_48 = tpu.memref_squeeze %dma_wait3A_47 : memref<1x128xi32, #tpu.memory_space<vmem>> -> memref<128xi32, #tpu.memory_space<vmem>>
    %dma_wait3A_49 = arith.constant 0 : i32
    %dma_wait3A_50 = arith.constant 0 : i32
    %dma_wait3A_51 = tpu.memref_slice %arg2[%dma_wait3A_49, %dma_wait3A_50] : memref<10000x128xf32, #tpu.memory_space<hbm>> -> memref<10000x128xf32, #tpu.memory_space<hbm>>
    tpu.wait_indirect_dma semaphore(%arg13 : memref<!tpu.dma_semaphore, #tpu.memory_space<semaphore_mem>>) src(%dma_wait3A_51 : memref<10000x128xf32, #tpu.memory_space<hbm>>) dst(%arg10 : memref<128x128xf32, #tpu.memory_space<vmem>>)
    %run_scoped3A_52 = arith.constant 39 : i32
    "tpu.region"() ({
      %run_scoped3A_112 = tpu.sem_alloc : memref<!tpu.dma_semaphore, #tpu.memory_space<semaphore_mem>>
      %dma_start3A_113 = arith.constant 0 : i32
      %dma_start3A_114 = tpu.memref_slice %arg8[%run_scoped3A_52, %dma_start3A_113] : memref<40x128xi32, #tpu.memory_space<vmem>> -> memref<1x128xi32, #tpu.memory_space<vmem>>
      %dma_start3A_115 = tpu.memref_squeeze %dma_start3A_114 : memref<1x128xi32, #tpu.memory_space<vmem>> -> memref<128xi32, #tpu.memory_space<vmem>>
      %dma_start3A_116 = arith.constant 0 : i32
      %dma_start3A_117 = arith.constant 0 : i32
      %dma_start3A_118 = tpu.memref_slice %arg11[%dma_start3A_116, %dma_start3A_117] : memref<10112x128xf32, #tpu.memory_space<vmem_shared>> -> memref<10112x128xf32, #tpu.memory_space<vmem_shared>>
      tpu.enqueue_indirect_dma source(%arg10 : memref<128x128xf32, #tpu.memory_space<vmem>>) target(%dma_start3A_118 : memref<10112x128xf32, #tpu.memory_space<vmem_shared>>) offsets(%dma_start3A_115 : memref<128xi32, #tpu.memory_space<vmem>>) semaphore(%run_scoped3A_112 : memref<!tpu.dma_semaphore, #tpu.memory_space<semaphore_mem>>) {add = true}
      %dma_wait3A_119 = arith.constant 0 : i32
      %dma_wait3A_120 = tpu.memref_slice %arg8[%run_scoped3A_52, %dma_wait3A_119] : memref<40x128xi32, #tpu.memory_space<vmem>> -> memref<1x128xi32, #tpu.memory_space<vmem>>
      %dma_wait3A_121 = tpu.memref_squeeze %dma_wait3A_120 : memref<1x128xi32, #tpu.memory_space<vmem>> -> memref<128xi32, #tpu.memory_space<vmem>>
      %dma_wait3A_122 = arith.constant 0 : i32
      %dma_wait3A_123 = arith.constant 0 : i32
      %dma_wait3A_124 = tpu.memref_slice %arg11[%dma_wait3A_122, %dma_wait3A_123] : memref<10112x128xf32, #tpu.memory_space<vmem_shared>> -> memref<10112x128xf32, #tpu.memory_space<vmem_shared>>
      tpu.wait_indirect_dma semaphore(%run_scoped3A_112 : memref<!tpu.dma_semaphore, #tpu.memory_space<semaphore_mem>>) src(%arg10 : memref<128x128xf32, #tpu.memory_space<vmem>>) dst(%dma_wait3A_124 : memref<10112x128xf32, #tpu.memory_space<vmem_shared>>)
      tpu.yield
    }) : () -> ()
    "tpu.region"() ({
      %run_scoped3A_112 = tpu.sem_alloc : memref<!tpu.dma_semaphore, #tpu.memory_space<semaphore_mem>>
      %dma_start3A_113 = arith.constant 40 : i32
      %dma_start3A_114 = arith.constant 0 : i32
      %dma_start3A_115 = tpu.memref_slice %arg3[%add3A, %dma_start3A_113, %dma_start3A_114] : memref<32x80x128xi32, #tpu.memory_space<hbm>> -> memref<1x40x128xi32, #tpu.memory_space<hbm>>
      %dma_start3A_116 = tpu.memref_squeeze %dma_start3A_115 : memref<1x40x128xi32, #tpu.memory_space<hbm>> -> memref<40x128xi32, #tpu.memory_space<hbm>>
      %dma_start3A_117 = arith.constant 40 : i32
      %dma_start3A_118 = arith.constant 0 : i32
      %dma_start3A_119 = tpu.memref_slice %arg3[%add3A, %dma_start3A_117, %dma_start3A_118] : memref<32x80x128xi32, #tpu.memory_space<hbm>> -> memref<1x40x128xi32, #tpu.memory_space<hbm>>
      %dma_start3A_120 = tpu.memref_squeeze %dma_start3A_119 : memref<1x40x128xi32, #tpu.memory_space<hbm>> -> memref<40x128xi32, #tpu.memory_space<hbm>>
      tpu.enqueue_dma source(%dma_start3A_120 : memref<40x128xi32, #tpu.memory_space<hbm>>) target(%arg7 : memref<40x128xi32, #tpu.memory_space<vmem>>) target_semaphore(%run_scoped3A_112 : memref<!tpu.dma_semaphore, #tpu.memory_space<semaphore_mem>>)
      %dma_wait3A_121 = arith.constant 40 : i32
      %dma_wait3A_122 = arith.constant 0 : i32
      %dma_wait3A_123 = tpu.memref_slice %arg3[%add3A, %dma_wait3A_121, %dma_wait3A_122] : memref<32x80x128xi32, #tpu.memory_space<hbm>> -> memref<1x40x128xi32, #tpu.memory_space<hbm>>
      %dma_wait3A_124 = tpu.memref_squeeze %dma_wait3A_123 : memref<1x40x128xi32, #tpu.memory_space<hbm>> -> memref<40x128xi32, #tpu.memory_space<hbm>>
      %dma_wait3A_125 = arith.constant 40 : i32
      %dma_wait3A_126 = arith.constant 0 : i32
      %dma_wait3A_127 = tpu.memref_slice %arg3[%add3A, %dma_wait3A_125, %dma_wait3A_126] : memref<32x80x128xi32, #tpu.memory_space<hbm>> -> memref<1x40x128xi32, #tpu.memory_space<hbm>>
      %dma_wait3A_128 = tpu.memref_squeeze %dma_wait3A_127 : memref<1x40x128xi32, #tpu.memory_space<hbm>> -> memref<40x128xi32, #tpu.memory_space<hbm>>
      tpu.wait_dma2 semaphore(%run_scoped3A_112 : memref<!tpu.dma_semaphore, #tpu.memory_space<semaphore_mem>>) src(%dma_wait3A_128 : memref<40x128xi32, #tpu.memory_space<hbm>>) dst(%arg7 : memref<40x128xi32, #tpu.memory_space<vmem>>)
      tpu.yield
    }) : () -> ()
    "tpu.region"() ({
      %run_scoped3A_112 = tpu.sem_alloc : memref<!tpu.dma_semaphore, #tpu.memory_space<semaphore_mem>>
      %dma_start3A_113 = arith.constant 40 : i32
      %dma_start3A_114 = arith.constant 0 : i32
      %dma_start3A_115 = tpu.memref_slice %arg4[%add3A, %dma_start3A_113, %dma_start3A_114] : memref<32x80x128xi32, #tpu.memory_space<hbm>> -> memref<1x40x128xi32, #tpu.memory_space<hbm>>
      %dma_start3A_116 = tpu.memref_squeeze %dma_start3A_115 : memref<1x40x128xi32, #tpu.memory_space<hbm>> -> memref<40x128xi32, #tpu.memory_space<hbm>>
      %dma_start3A_117 = arith.constant 40 : i32
      %dma_start3A_118 = arith.constant 0 : i32
      %dma_start3A_119 = tpu.memref_slice %arg4[%add3A, %dma_start3A_117, %dma_start3A_118] : memref<32x80x128xi32, #tpu.memory_space<hbm>> -> memref<1x40x128xi32, #tpu.memory_space<hbm>>
      %dma_start3A_120 = tpu.memref_squeeze %dma_start3A_119 : memref<1x40x128xi32, #tpu.memory_space<hbm>> -> memref<40x128xi32, #tpu.memory_space<hbm>>
      tpu.enqueue_dma source(%dma_start3A_120 : memref<40x128xi32, #tpu.memory_space<hbm>>) target(%arg8 : memref<40x128xi32, #tpu.memory_space<vmem>>) target_semaphore(%run_scoped3A_112 : memref<!tpu.dma_semaphore, #tpu.memory_space<semaphore_mem>>)
      %dma_wait3A_121 = arith.constant 40 : i32
      %dma_wait3A_122 = arith.constant 0 : i32
      %dma_wait3A_123 = tpu.memref_slice %arg4[%add3A, %dma_wait3A_121, %dma_wait3A_122] : memref<32x80x128xi32, #tpu.memory_space<hbm>> -> memref<1x40x128xi32, #tpu.memory_space<hbm>>
      %dma_wait3A_124 = tpu.memref_squeeze %dma_wait3A_123 : memref<1x40x128xi32, #tpu.memory_space<hbm>> -> memref<40x128xi32, #tpu.memory_space<hbm>>
      %dma_wait3A_125 = arith.constant 40 : i32
      %dma_wait3A_126 = arith.constant 0 : i32
      %dma_wait3A_127 = tpu.memref_slice %arg4[%add3A, %dma_wait3A_125, %dma_wait3A_126] : memref<32x80x128xi32, #tpu.memory_space<hbm>> -> memref<1x40x128xi32, #tpu.memory_space<hbm>>
      %dma_wait3A_128 = tpu.memref_squeeze %dma_wait3A_127 : memref<1x40x128xi32, #tpu.memory_space<hbm>> -> memref<40x128xi32, #tpu.memory_space<hbm>>
      tpu.wait_dma2 semaphore(%run_scoped3A_112 : memref<!tpu.dma_semaphore, #tpu.memory_space<semaphore_mem>>) src(%dma_wait3A_128 : memref<40x128xi32, #tpu.memory_space<hbm>>) dst(%arg8 : memref<40x128xi32, #tpu.memory_space<vmem>>)
      tpu.yield
    }) : () -> ()
    %dma_start3A_53 = arith.constant 0 : i32
    %dma_start3A_54 = arith.constant 0 : i32
    %dma_start3A_55 = tpu.memref_slice %arg7[%dma_start3A_53, %dma_start3A_54] : memref<40x128xi32, #tpu.memory_space<vmem>> -> memref<1x128xi32, #tpu.memory_space<vmem>>
    %dma_start3A_56 = tpu.memref_squeeze %dma_start3A_55 : memref<1x128xi32, #tpu.memory_space<vmem>> -> memref<128xi32, #tpu.memory_space<vmem>>
    %dma_start3A_57 = arith.constant 0 : i32
    %dma_start3A_58 = arith.constant 0 : i32
    %dma_start3A_59 = tpu.memref_slice %arg2[%dma_start3A_57, %dma_start3A_58] : memref<10000x128xf32, #tpu.memory_space<hbm>> -> memref<10000x128xf32, #tpu.memory_space<hbm>>
    tpu.enqueue_indirect_dma source(%dma_start3A_59 : memref<10000x128xf32, #tpu.memory_space<hbm>>) target(%arg9 : memref<128x128xf32, #tpu.memory_space<vmem>>) offsets(%dma_start3A_56 : memref<128xi32, #tpu.memory_space<vmem>>) semaphore(%arg12 : memref<!tpu.dma_semaphore, #tpu.memory_space<semaphore_mem>>)
    %scan3A_60 = arith.constant 0 : i32
    %scan3A_61 = arith.constant 0 : i32
    %scan3A_62 = arith.constant 19 : i32
    %scan3A_63 = arith.addi %scan3A_61, %scan3A_62 : i32
    %scan3A_64 = arith.constant 1 : i32
    scf.for %scan3A_112 = %scan3A_61 to %scan3A_63 step %scan3A_64  : i32 {
      %mul3A_113 = arith.constant 2 : i32
      %mul3A_114 = arith.muli %mul3A_113, %scan3A_112 : i32
      %add3A_115 = arith.constant 1 : i32
      %add3A_116 = arith.addi %mul3A_114, %add3A_115 : i32
      %dma_start3A_117 = arith.constant 0 : i32
      %dma_start3A_118 = tpu.memref_slice %arg7[%add3A_116, %dma_start3A_117] : memref<40x128xi32, #tpu.memory_space<vmem>> -> memref<1x128xi32, #tpu.memory_space<vmem>>
      %dma_start3A_119 = tpu.memref_squeeze %dma_start3A_118 : memref<1x128xi32, #tpu.memory_space<vmem>> -> memref<128xi32, #tpu.memory_space<vmem>>
      %dma_start3A_120 = arith.constant 0 : i32
      %dma_start3A_121 = arith.constant 0 : i32
      %dma_start3A_122 = tpu.memref_slice %arg2[%dma_start3A_120, %dma_start3A_121] : memref<10000x128xf32, #tpu.memory_space<hbm>> -> memref<10000x128xf32, #tpu.memory_space<hbm>>
      tpu.enqueue_indirect_dma source(%dma_start3A_122 : memref<10000x128xf32, #tpu.memory_space<hbm>>) target(%arg10 : memref<128x128xf32, #tpu.memory_space<vmem>>) offsets(%dma_start3A_119 : memref<128xi32, #tpu.memory_space<vmem>>) semaphore(%arg13 : memref<!tpu.dma_semaphore, #tpu.memory_space<semaphore_mem>>)
      %dma_wait3A_123 = arith.constant 0 : i32
      %dma_wait3A_124 = tpu.memref_slice %arg7[%mul3A_114, %dma_wait3A_123] : memref<40x128xi32, #tpu.memory_space<vmem>> -> memref<1x128xi32, #tpu.memory_space<vmem>>
      %dma_wait3A_125 = tpu.memref_squeeze %dma_wait3A_124 : memref<1x128xi32, #tpu.memory_space<vmem>> -> memref<128xi32, #tpu.memory_space<vmem>>
      %dma_wait3A_126 = arith.constant 0 : i32
      %dma_wait3A_127 = arith.constant 0 : i32
      %dma_wait3A_128 = tpu.memref_slice %arg2[%dma_wait3A_126, %dma_wait3A_127] : memref<10000x128xf32, #tpu.memory_space<hbm>> -> memref<10000x128xf32, #tpu.memory_space<hbm>>
      tpu.wait_indirect_dma semaphore(%arg12 : memref<!tpu.dma_semaphore, #tpu.memory_space<semaphore_mem>>) src(%dma_wait3A_128 : memref<10000x128xf32, #tpu.memory_space<hbm>>) dst(%arg9 : memref<128x128xf32, #tpu.memory_space<vmem>>)
      "tpu.region"() ({
        %run_scoped3A_147 = tpu.sem_alloc : memref<!tpu.dma_semaphore, #tpu.memory_space<semaphore_mem>>
        %dma_start3A_148 = arith.constant 0 : i32
        %dma_start3A_149 = tpu.memref_slice %arg8[%mul3A_114, %dma_start3A_148] : memref<40x128xi32, #tpu.memory_space<vmem>> -> memref<1x128xi32, #tpu.memory_space<vmem>>
        %dma_start3A_150 = tpu.memref_squeeze %dma_start3A_149 : memref<1x128xi32, #tpu.memory_space<vmem>> -> memref<128xi32, #tpu.memory_space<vmem>>
        %dma_start3A_151 = arith.constant 0 : i32
        %dma_start3A_152 = arith.constant 0 : i32
        %dma_start3A_153 = tpu.memref_slice %arg11[%dma_start3A_151, %dma_start3A_152] : memref<10112x128xf32, #tpu.memory_space<vmem_shared>> -> memref<10112x128xf32, #tpu.memory_space<vmem_shared>>
        tpu.enqueue_indirect_dma source(%arg9 : memref<128x128xf32, #tpu.memory_space<vmem>>) target(%dma_start3A_153 : memref<10112x128xf32, #tpu.memory_space<vmem_shared>>) offsets(%dma_start3A_150 : memref<128xi32, #tpu.memory_space<vmem>>) semaphore(%run_scoped3A_147 : memref<!tpu.dma_semaphore, #tpu.memory_space<semaphore_mem>>) {add = true}
        %dma_wait3A_154 = arith.constant 0 : i32
        %dma_wait3A_155 = tpu.memref_slice %arg8[%mul3A_114, %dma_wait3A_154] : memref<40x128xi32, #tpu.memory_space<vmem>> -> memref<1x128xi32, #tpu.memory_space<vmem>>
        %dma_wait3A_156 = tpu.memref_squeeze %dma_wait3A_155 : memref<1x128xi32, #tpu.memory_space<vmem>> -> memref<128xi32, #tpu.memory_space<vmem>>
        %dma_wait3A_157 = arith.constant 0 : i32
        %dma_wait3A_158 = arith.constant 0 : i32
        %dma_wait3A_159 = tpu.memref_slice %arg11[%dma_wait3A_157, %dma_wait3A_158] : memref<10112x128xf32, #tpu.memory_space<vmem_shared>> -> memref<10112x128xf32, #tpu.memory_space<vmem_shared>>
        tpu.wait_indirect_dma semaphore(%run_scoped3A_147 : memref<!tpu.dma_semaphore, #tpu.memory_space<semaphore_mem>>) src(%arg9 : memref<128x128xf32, #tpu.memory_space<vmem>>) dst(%dma_wait3A_159 : memref<10112x128xf32, #tpu.memory_space<vmem_shared>>)
        tpu.yield
      }) : () -> ()
      %add3A_129 = arith.constant 2 : i32
      %add3A_130 = arith.addi %mul3A_114, %add3A_129 : i32
      %dma_start3A_131 = arith.constant 0 : i32
      %dma_start3A_132 = tpu.memref_slice %arg7[%add3A_130, %dma_start3A_131] : memref<40x128xi32, #tpu.memory_space<vmem>> -> memref<1x128xi32, #tpu.memory_space<vmem>>
      %dma_start3A_133 = tpu.memref_squeeze %dma_start3A_132 : memref<1x128xi32, #tpu.memory_space<vmem>> -> memref<128xi32, #tpu.memory_space<vmem>>
      %dma_start3A_134 = arith.constant 0 : i32
      %dma_start3A_135 = arith.constant 0 : i32
      %dma_start3A_136 = tpu.memref_slice %arg2[%dma_start3A_134, %dma_start3A_135] : memref<10000x128xf32, #tpu.memory_space<hbm>> -> memref<10000x128xf32, #tpu.memory_space<hbm>>
      tpu.enqueue_indirect_dma source(%dma_start3A_136 : memref<10000x128xf32, #tpu.memory_space<hbm>>) target(%arg9 : memref<128x128xf32, #tpu.memory_space<vmem>>) offsets(%dma_start3A_133 : memref<128xi32, #tpu.memory_space<vmem>>) semaphore(%arg12 : memref<!tpu.dma_semaphore, #tpu.memory_space<semaphore_mem>>)
      %add3A_137 = arith.constant 1 : i32
      %add3A_138 = arith.addi %mul3A_114, %add3A_137 : i32
      %dma_wait3A_139 = arith.constant 0 : i32
      %dma_wait3A_140 = tpu.memref_slice %arg7[%add3A_138, %dma_wait3A_139] : memref<40x128xi32, #tpu.memory_space<vmem>> -> memref<1x128xi32, #tpu.memory_space<vmem>>
      %dma_wait3A_141 = tpu.memref_squeeze %dma_wait3A_140 : memref<1x128xi32, #tpu.memory_space<vmem>> -> memref<128xi32, #tpu.memory_space<vmem>>
      %dma_wait3A_142 = arith.constant 0 : i32
      %dma_wait3A_143 = arith.constant 0 : i32
      %dma_wait3A_144 = tpu.memref_slice %arg2[%dma_wait3A_142, %dma_wait3A_143] : memref<10000x128xf32, #tpu.memory_space<hbm>> -> memref<10000x128xf32, #tpu.memory_space<hbm>>
      tpu.wait_indirect_dma semaphore(%arg13 : memref<!tpu.dma_semaphore, #tpu.memory_space<semaphore_mem>>) src(%dma_wait3A_144 : memref<10000x128xf32, #tpu.memory_space<hbm>>) dst(%arg10 : memref<128x128xf32, #tpu.memory_space<vmem>>)
      %add3A_145 = arith.constant 1 : i32
      %add3A_146 = arith.addi %mul3A_114, %add3A_145 : i32
      "tpu.region"() ({
        %run_scoped3A_147 = tpu.sem_alloc : memref<!tpu.dma_semaphore, #tpu.memory_space<semaphore_mem>>
        %dma_start3A_148 = arith.constant 0 : i32
        %dma_start3A_149 = tpu.memref_slice %arg8[%add3A_146, %dma_start3A_148] : memref<40x128xi32, #tpu.memory_space<vmem>> -> memref<1x128xi32, #tpu.memory_space<vmem>>
        %dma_start3A_150 = tpu.memref_squeeze %dma_start3A_149 : memref<1x128xi32, #tpu.memory_space<vmem>> -> memref<128xi32, #tpu.memory_space<vmem>>
        %dma_start3A_151 = arith.constant 0 : i32
        %dma_start3A_152 = arith.constant 0 : i32
        %dma_start3A_153 = tpu.memref_slice %arg11[%dma_start3A_151, %dma_start3A_152] : memref<10112x128xf32, #tpu.memory_space<vmem_shared>> -> memref<10112x128xf32, #tpu.memory_space<vmem_shared>>
        tpu.enqueue_indirect_dma source(%arg10 : memref<128x128xf32, #tpu.memory_space<vmem>>) target(%dma_start3A_153 : memref<10112x128xf32, #tpu.memory_space<vmem_shared>>) offsets(%dma_start3A_150 : memref<128xi32, #tpu.memory_space<vmem>>) semaphore(%run_scoped3A_147 : memref<!tpu.dma_semaphore, #tpu.memory_space<semaphore_mem>>) {add = true}
        %dma_wait3A_154 = arith.constant 0 : i32
        %dma_wait3A_155 = tpu.memref_slice %arg8[%add3A_146, %dma_wait3A_154] : memref<40x128xi32, #tpu.memory_space<vmem>> -> memref<1x128xi32, #tpu.memory_space<vmem>>
        %dma_wait3A_156 = tpu.memref_squeeze %dma_wait3A_155 : memref<1x128xi32, #tpu.memory_space<vmem>> -> memref<128xi32, #tpu.memory_space<vmem>>
        %dma_wait3A_157 = arith.constant 0 : i32
        %dma_wait3A_158 = arith.constant 0 : i32
        %dma_wait3A_159 = tpu.memref_slice %arg11[%dma_wait3A_157, %dma_wait3A_158] : memref<10112x128xf32, #tpu.memory_space<vmem_shared>> -> memref<10112x128xf32, #tpu.memory_space<vmem_shared>>
        tpu.wait_indirect_dma semaphore(%run_scoped3A_147 : memref<!tpu.dma_semaphore, #tpu.memory_space<semaphore_mem>>) src(%arg10 : memref<128x128xf32, #tpu.memory_space<vmem>>) dst(%dma_wait3A_159 : memref<10112x128xf32, #tpu.memory_space<vmem_shared>>)
        tpu.yield
      }) : () -> ()
    }
    %scan3A_65 = arith.constant 19 : i32
    %dma_start3A_66 = arith.constant 39 : i32
    %dma_start3A_67 = arith.constant 0 : i32
    %dma_start3A_68 = tpu.memref_slice %arg7[%dma_start3A_66, %dma_start3A_67] : memref<40x128xi32, #tpu.memory_space<vmem>> -> memref<1x128xi32, #tpu.memory_space<vmem>>
    %dma_start3A_69 = tpu.memref_squeeze %dma_start3A_68 : memref<1x128xi32, #tpu.memory_space<vmem>> -> memref<128xi32, #tpu.memory_space<vmem>>
    %dma_start3A_70 = arith.constant 0 : i32
    %dma_start3A_71 = arith.constant 0 : i32
    %dma_start3A_72 = tpu.memref_slice %arg2[%dma_start3A_70, %dma_start3A_71] : memref<10000x128xf32, #tpu.memory_space<hbm>> -> memref<10000x128xf32, #tpu.memory_space<hbm>>
    tpu.enqueue_indirect_dma source(%dma_start3A_72 : memref<10000x128xf32, #tpu.memory_space<hbm>>) target(%arg10 : memref<128x128xf32, #tpu.memory_space<vmem>>) offsets(%dma_start3A_69 : memref<128xi32, #tpu.memory_space<vmem>>) semaphore(%arg13 : memref<!tpu.dma_semaphore, #tpu.memory_space<semaphore_mem>>)
    %dma_wait3A_73 = arith.constant 38 : i32
    %dma_wait3A_74 = arith.constant 0 : i32
    %dma_wait3A_75 = tpu.memref_slice %arg7[%dma_wait3A_73, %dma_wait3A_74] : memref<40x128xi32, #tpu.memory_space<vmem>> -> memref<1x128xi32, #tpu.memory_space<vmem>>
    %dma_wait3A_76 = tpu.memref_squeeze %dma_wait3A_75 : memref<1x128xi32, #tpu.memory_space<vmem>> -> memref<128xi32, #tpu.memory_space<vmem>>
    %dma_wait3A_77 = arith.constant 0 : i32
    %dma_wait3A_78 = arith.constant 0 : i32
    %dma_wait3A_79 = tpu.memref_slice %arg2[%dma_wait3A_77, %dma_wait3A_78] : memref<10000x128xf32, #tpu.memory_space<hbm>> -> memref<10000x128xf32, #tpu.memory_space<hbm>>
    tpu.wait_indirect_dma semaphore(%arg12 : memref<!tpu.dma_semaphore, #tpu.memory_space<semaphore_mem>>) src(%dma_wait3A_79 : memref<10000x128xf32, #tpu.memory_space<hbm>>) dst(%arg9 : memref<128x128xf32, #tpu.memory_space<vmem>>)
    %run_scoped3A_80 = arith.constant 38 : i32
    "tpu.region"() ({
      %run_scoped3A_112 = tpu.sem_alloc : memref<!tpu.dma_semaphore, #tpu.memory_space<semaphore_mem>>
      %dma_start3A_113 = arith.constant 0 : i32
      %dma_start3A_114 = tpu.memref_slice %arg8[%run_scoped3A_80, %dma_start3A_113] : memref<40x128xi32, #tpu.memory_space<vmem>> -> memref<1x128xi32, #tpu.memory_space<vmem>>
      %dma_start3A_115 = tpu.memref_squeeze %dma_start3A_114 : memref<1x128xi32, #tpu.memory_space<vmem>> -> memref<128xi32, #tpu.memory_space<vmem>>
      %dma_start3A_116 = arith.constant 0 : i32
      %dma_start3A_117 = arith.constant 0 : i32
      %dma_start3A_118 = tpu.memref_slice %arg11[%dma_start3A_116, %dma_start3A_117] : memref<10112x128xf32, #tpu.memory_space<vmem_shared>> -> memref<10112x128xf32, #tpu.memory_space<vmem_shared>>
      tpu.enqueue_indirect_dma source(%arg9 : memref<128x128xf32, #tpu.memory_space<vmem>>) target(%dma_start3A_118 : memref<10112x128xf32, #tpu.memory_space<vmem_shared>>) offsets(%dma_start3A_115 : memref<128xi32, #tpu.memory_space<vmem>>) semaphore(%run_scoped3A_112 : memref<!tpu.dma_semaphore, #tpu.memory_space<semaphore_mem>>) {add = true}
      %dma_wait3A_119 = arith.constant 0 : i32
      %dma_wait3A_120 = tpu.memref_slice %arg8[%run_scoped3A_80, %dma_wait3A_119] : memref<40x128xi32, #tpu.memory_space<vmem>> -> memref<1x128xi32, #tpu.memory_space<vmem>>
      %dma_wait3A_121 = tpu.memref_squeeze %dma_wait3A_120 : memref<1x128xi32, #tpu.memory_space<vmem>> -> memref<128xi32, #tpu.memory_space<vmem>>
      %dma_wait3A_122 = arith.constant 0 : i32
      %dma_wait3A_123 = arith.constant 0 : i32
      %dma_wait3A_124 = tpu.memref_slice %arg11[%dma_wait3A_122, %dma_wait3A_123] : memref<10112x128xf32, #tpu.memory_space<vmem_shared>> -> memref<10112x128xf32, #tpu.memory_space<vmem_shared>>
      tpu.wait_indirect_dma semaphore(%run_scoped3A_112 : memref<!tpu.dma_semaphore, #tpu.memory_space<semaphore_mem>>) src(%arg9 : memref<128x128xf32, #tpu.memory_space<vmem>>) dst(%dma_wait3A_124 : memref<10112x128xf32, #tpu.memory_space<vmem_shared>>)
      tpu.yield
    }) : () -> ()
    %dma_wait3A_81 = arith.constant 39 : i32
    %dma_wait3A_82 = arith.constant 0 : i32
    %dma_wait3A_83 = tpu.memref_slice %arg7[%dma_wait3A_81, %dma_wait3A_82] : memref<40x128xi32, #tpu.memory_space<vmem>> -> memref<1x128xi32, #tpu.memory_space<vmem>>
    %dma_wait3A_84 = tpu.memref_squeeze %dma_wait3A_83 : memref<1x128xi32, #tpu.memory_space<vmem>> -> memref<128xi32, #tpu.memory_space<vmem>>
    %dma_wait3A_85 = arith.constant 0 : i32
    %dma_wait3A_86 = arith.constant 0 : i32
    %dma_wait3A_87 = tpu.memref_slice %arg2[%dma_wait3A_85, %dma_wait3A_86] : memref<10000x128xf32, #tpu.memory_space<hbm>> -> memref<10000x128xf32, #tpu.memory_space<hbm>>
    tpu.wait_indirect_dma semaphore(%arg13 : memref<!tpu.dma_semaphore, #tpu.memory_space<semaphore_mem>>) src(%dma_wait3A_87 : memref<10000x128xf32, #tpu.memory_space<hbm>>) dst(%arg10 : memref<128x128xf32, #tpu.memory_space<vmem>>)
    %run_scoped3A_88 = arith.constant 39 : i32
    "tpu.region"() ({
      %run_scoped3A_112 = tpu.sem_alloc : memref<!tpu.dma_semaphore, #tpu.memory_space<semaphore_mem>>
      %dma_start3A_113 = arith.constant 0 : i32
      %dma_start3A_114 = tpu.memref_slice %arg8[%run_scoped3A_88, %dma_start3A_113] : memref<40x128xi32, #tpu.memory_space<vmem>> -> memref<1x128xi32, #tpu.memory_space<vmem>>
      %dma_start3A_115 = tpu.memref_squeeze %dma_start3A_114 : memref<1x128xi32, #tpu.memory_space<vmem>> -> memref<128xi32, #tpu.memory_space<vmem>>
      %dma_start3A_116 = arith.constant 0 : i32
      %dma_start3A_117 = arith.constant 0 : i32
      %dma_start3A_118 = tpu.memref_slice %arg11[%dma_start3A_116, %dma_start3A_117] : memref<10112x128xf32, #tpu.memory_space<vmem_shared>> -> memref<10112x128xf32, #tpu.memory_space<vmem_shared>>
      tpu.enqueue_indirect_dma source(%arg10 : memref<128x128xf32, #tpu.memory_space<vmem>>) target(%dma_start3A_118 : memref<10112x128xf32, #tpu.memory_space<vmem_shared>>) offsets(%dma_start3A_115 : memref<128xi32, #tpu.memory_space<vmem>>) semaphore(%run_scoped3A_112 : memref<!tpu.dma_semaphore, #tpu.memory_space<semaphore_mem>>) {add = true}
      %dma_wait3A_119 = arith.constant 0 : i32
      %dma_wait3A_120 = tpu.memref_slice %arg8[%run_scoped3A_88, %dma_wait3A_119] : memref<40x128xi32, #tpu.memory_space<vmem>> -> memref<1x128xi32, #tpu.memory_space<vmem>>
      %dma_wait3A_121 = tpu.memref_squeeze %dma_wait3A_120 : memref<1x128xi32, #tpu.memory_space<vmem>> -> memref<128xi32, #tpu.memory_space<vmem>>
      %dma_wait3A_122 = arith.constant 0 : i32
      %dma_wait3A_123 = arith.constant 0 : i32
      %dma_wait3A_124 = tpu.memref_slice %arg11[%dma_wait3A_122, %dma_wait3A_123] : memref<10112x128xf32, #tpu.memory_space<vmem_shared>> -> memref<10112x128xf32, #tpu.memory_space<vmem_shared>>
      tpu.wait_indirect_dma semaphore(%run_scoped3A_112 : memref<!tpu.dma_semaphore, #tpu.memory_space<semaphore_mem>>) src(%arg10 : memref<128x128xf32, #tpu.memory_space<vmem>>) dst(%dma_wait3A_124 : memref<10112x128xf32, #tpu.memory_space<vmem_shared>>)
      tpu.yield
    }) : () -> ()
    %barrier3A_89 = arith.constant 0 : index
    tpu.barrier barrier_id(%barrier3A_89)
    %mul3A_90 = arith.constant 632 : i32
    %mul3A_91 = arith.muli %arg1, %mul3A_90 : i32
    %add3A_92 = arith.constant 0 : i32
    %add3A_93 = arith.addi %mul3A_91, %add3A_92 : i32
    "tpu.region"() ({
      %run_scoped3A_112 = tpu.sem_alloc : memref<!tpu.dma_semaphore, #tpu.memory_space<semaphore_mem>>
      %dma_start3A_113 = arith.constant 0 : i32
      %dma_start3A_114 = tpu.memref_slice %arg11[%add3A_93, %dma_start3A_113] : memref<10112x128xf32, #tpu.memory_space<vmem_shared>> -> memref<128x128xf32, #tpu.memory_space<vmem_shared>>
      %dma_start3A_115 = arith.constant 0 : i32
      %dma_start3A_116 = tpu.memref_slice %arg11[%add3A_93, %dma_start3A_115] : memref<10112x128xf32, #tpu.memory_space<vmem_shared>> -> memref<128x128xf32, #tpu.memory_space<vmem_shared>>
      tpu.enqueue_dma source(%dma_start3A_116 : memref<128x128xf32, #tpu.memory_space<vmem_shared>>) target(%arg9 : memref<128x128xf32, #tpu.memory_space<vmem>>) target_semaphore(%run_scoped3A_112 : memref<!tpu.dma_semaphore, #tpu.memory_space<semaphore_mem>>)
      %dma_wait3A_117 = arith.constant 0 : i32
      %dma_wait3A_118 = tpu.memref_slice %arg11[%add3A_93, %dma_wait3A_117] : memref<10112x128xf32, #tpu.memory_space<vmem_shared>> -> memref<128x128xf32, #tpu.memory_space<vmem_shared>>
      %dma_wait3A_119 = arith.constant 0 : i32
      %dma_wait3A_120 = tpu.memref_slice %arg11[%add3A_93, %dma_wait3A_119] : memref<10112x128xf32, #tpu.memory_space<vmem_shared>> -> memref<128x128xf32, #tpu.memory_space<vmem_shared>>
      tpu.wait_dma2 semaphore(%run_scoped3A_112 : memref<!tpu.dma_semaphore, #tpu.memory_space<semaphore_mem>>) src(%dma_wait3A_120 : memref<128x128xf32, #tpu.memory_space<vmem_shared>>) dst(%arg9 : memref<128x128xf32, #tpu.memory_space<vmem>>)
      tpu.yield
    }) : () -> ()
    %add3A_94 = arith.constant 0 : i32
    %add3A_95 = arith.addi %mul3A_91, %add3A_94 : i32
    "tpu.region"() ({
      %run_scoped3A_112 = tpu.sem_alloc : memref<!tpu.dma_semaphore, #tpu.memory_space<semaphore_mem>>
      %dma_start3A_113 = arith.constant 0 : i32
      %dma_start3A_114 = tpu.memref_slice %arg6[%arg0, %add3A_95, %dma_start3A_113] : memref<2x10112x128xf32, #tpu.memory_space<hbm>> -> memref<1x128x128xf32, #tpu.memory_space<hbm>>
      %dma_start3A_115 = tpu.memref_squeeze %dma_start3A_114 : memref<1x128x128xf32, #tpu.memory_space<hbm>> -> memref<128x128xf32, #tpu.memory_space<hbm>>
      %dma_start3A_116 = arith.constant 0 : i32
      %dma_start3A_117 = tpu.memref_slice %arg6[%arg0, %add3A_95, %dma_start3A_116] : memref<2x10112x128xf32, #tpu.memory_space<hbm>> -> memref<1x128x128xf32, #tpu.memory_space<hbm>>
      %dma_start3A_118 = tpu.memref_squeeze %dma_start3A_117 : memref<1x128x128xf32, #tpu.memory_space<hbm>> -> memref<128x128xf32, #tpu.memory_space<hbm>>
      tpu.enqueue_dma source(%arg9 : memref<128x128xf32, #tpu.memory_space<vmem>>) target(%dma_start3A_118 : memref<128x128xf32, #tpu.memory_space<hbm>>) target_semaphore(%run_scoped3A_112 : memref<!tpu.dma_semaphore, #tpu.memory_space<semaphore_mem>>)
      %dma_wait3A_119 = arith.constant 0 : i32
      %dma_wait3A_120 = tpu.memref_slice %arg6[%arg0, %add3A_95, %dma_wait3A_119] : memref<2x10112x128xf32, #tpu.memory_space<hbm>> -> memref<1x128x128xf32, #tpu.memory_space<hbm>>
      %dma_wait3A_121 = tpu.memref_squeeze %dma_wait3A_120 : memref<1x128x128xf32, #tpu.memory_space<hbm>> -> memref<128x128xf32, #tpu.memory_space<hbm>>
      %dma_wait3A_122 = arith.constant 0 : i32
      %dma_wait3A_123 = tpu.memref_slice %arg6[%arg0, %add3A_95, %dma_wait3A_122] : memref<2x10112x128xf32, #tpu.memory_space<hbm>> -> memref<1x128x128xf32, #tpu.memory_space<hbm>>
      %dma_wait3A_124 = tpu.memref_squeeze %dma_wait3A_123 : memref<1x128x128xf32, #tpu.memory_space<hbm>> -> memref<128x128xf32, #tpu.memory_space<hbm>>
      tpu.wait_dma2 semaphore(%run_scoped3A_112 : memref<!tpu.dma_semaphore, #tpu.memory_space<semaphore_mem>>) src(%arg9 : memref<128x128xf32, #tpu.memory_space<vmem>>) dst(%dma_wait3A_124 : memref<128x128xf32, #tpu.memory_space<hbm>>)
      tpu.yield
    }) : () -> ()
    %add3A_96 = arith.constant 128 : i32
    %add3A_97 = arith.addi %mul3A_91, %add3A_96 : i32
    "tpu.region"() ({
      %run_scoped3A_112 = tpu.sem_alloc : memref<!tpu.dma_semaphore, #tpu.memory_space<semaphore_mem>>
      %dma_start3A_113 = arith.constant 0 : i32
      %dma_start3A_114 = tpu.memref_slice %arg11[%add3A_97, %dma_start3A_113] : memref<10112x128xf32, #tpu.memory_space<vmem_shared>> -> memref<128x128xf32, #tpu.memory_space<vmem_shared>>
      %dma_start3A_115 = arith.constant 0 : i32
      %dma_start3A_116 = tpu.memref_slice %arg11[%add3A_97, %dma_start3A_115] : memref<10112x128xf32, #tpu.memory_space<vmem_shared>> -> memref<128x128xf32, #tpu.memory_space<vmem_shared>>
      tpu.enqueue_dma source(%dma_start3A_116 : memref<128x128xf32, #tpu.memory_space<vmem_shared>>) target(%arg9 : memref<128x128xf32, #tpu.memory_space<vmem>>) target_semaphore(%run_scoped3A_112 : memref<!tpu.dma_semaphore, #tpu.memory_space<semaphore_mem>>)
      %dma_wait3A_117 = arith.constant 0 : i32
      %dma_wait3A_118 = tpu.memref_slice %arg11[%add3A_97, %dma_wait3A_117] : memref<10112x128xf32, #tpu.memory_space<vmem_shared>> -> memref<128x128xf32, #tpu.memory_space<vmem_shared>>
      %dma_wait3A_119 = arith.constant 0 : i32
      %dma_wait3A_120 = tpu.memref_slice %arg11[%add3A_97, %dma_wait3A_119] : memref<10112x128xf32, #tpu.memory_space<vmem_shared>> -> memref<128x128xf32, #tpu.memory_space<vmem_shared>>
      tpu.wait_dma2 semaphore(%run_scoped3A_112 : memref<!tpu.dma_semaphore, #tpu.memory_space<semaphore_mem>>) src(%dma_wait3A_120 : memref<128x128xf32, #tpu.memory_space<vmem_shared>>) dst(%arg9 : memref<128x128xf32, #tpu.memory_space<vmem>>)
      tpu.yield
    }) : () -> ()
    %add3A_98 = arith.constant 128 : i32
    %add3A_99 = arith.addi %mul3A_91, %add3A_98 : i32
    "tpu.region"() ({
      %run_scoped3A_112 = tpu.sem_alloc : memref<!tpu.dma_semaphore, #tpu.memory_space<semaphore_mem>>
      %dma_start3A_113 = arith.constant 0 : i32
      %dma_start3A_114 = tpu.memref_slice %arg6[%arg0, %add3A_99, %dma_start3A_113] : memref<2x10112x128xf32, #tpu.memory_space<hbm>> -> memref<1x128x128xf32, #tpu.memory_space<hbm>>
      %dma_start3A_115 = tpu.memref_squeeze %dma_start3A_114 : memref<1x128x128xf32, #tpu.memory_space<hbm>> -> memref<128x128xf32, #tpu.memory_space<hbm>>
      %dma_start3A_116 = arith.constant 0 : i32
      %dma_start3A_117 = tpu.memref_slice %arg6[%arg0, %add3A_99, %dma_start3A_116] : memref<2x10112x128xf32, #tpu.memory_space<hbm>> -> memref<1x128x128xf32, #tpu.memory_space<hbm>>
      %dma_start3A_118 = tpu.memref_squeeze %dma_start3A_117 : memref<1x128x128xf32, #tpu.memory_space<hbm>> -> memref<128x128xf32, #tpu.memory_space<hbm>>
      tpu.enqueue_dma source(%arg9 : memref<128x128xf32, #tpu.memory_space<vmem>>) target(%dma_start3A_118 : memref<128x128xf32, #tpu.memory_space<hbm>>) target_semaphore(%run_scoped3A_112 : memref<!tpu.dma_semaphore, #tpu.memory_space<semaphore_mem>>)
      %dma_wait3A_119 = arith.constant 0 : i32
      %dma_wait3A_120 = tpu.memref_slice %arg6[%arg0, %add3A_99, %dma_wait3A_119] : memref<2x10112x128xf32, #tpu.memory_space<hbm>> -> memref<1x128x128xf32, #tpu.memory_space<hbm>>
      %dma_wait3A_121 = tpu.memref_squeeze %dma_wait3A_120 : memref<1x128x128xf32, #tpu.memory_space<hbm>> -> memref<128x128xf32, #tpu.memory_space<hbm>>
      %dma_wait3A_122 = arith.constant 0 : i32
      %dma_wait3A_123 = tpu.memref_slice %arg6[%arg0, %add3A_99, %dma_wait3A_122] : memref<2x10112x128xf32, #tpu.memory_space<hbm>> -> memref<1x128x128xf32, #tpu.memory_space<hbm>>
      %dma_wait3A_124 = tpu.memref_squeeze %dma_wait3A_123 : memref<1x128x128xf32, #tpu.memory_space<hbm>> -> memref<128x128xf32, #tpu.memory_space<hbm>>
      tpu.wait_dma2 semaphore(%run_scoped3A_112 : memref<!tpu.dma_semaphore, #tpu.memory_space<semaphore_mem>>) src(%arg9 : memref<128x128xf32, #tpu.memory_space<vmem>>) dst(%dma_wait3A_124 : memref<128x128xf32, #tpu.memory_space<hbm>>)
      tpu.yield
    }) : () -> ()
    %add3A_100 = arith.constant 256 : i32
    %add3A_101 = arith.addi %mul3A_91, %add3A_100 : i32
    "tpu.region"() ({
      %run_scoped3A_112 = tpu.sem_alloc : memref<!tpu.dma_semaphore, #tpu.memory_space<semaphore_mem>>
      %dma_start3A_113 = arith.constant 0 : i32
      %dma_start3A_114 = tpu.memref_slice %arg11[%add3A_101, %dma_start3A_113] : memref<10112x128xf32, #tpu.memory_space<vmem_shared>> -> memref<128x128xf32, #tpu.memory_space<vmem_shared>>
      %dma_start3A_115 = arith.constant 0 : i32
      %dma_start3A_116 = tpu.memref_slice %arg11[%add3A_101, %dma_start3A_115] : memref<10112x128xf32, #tpu.memory_space<vmem_shared>> -> memref<128x128xf32, #tpu.memory_space<vmem_shared>>
      tpu.enqueue_dma source(%dma_start3A_116 : memref<128x128xf32, #tpu.memory_space<vmem_shared>>) target(%arg9 : memref<128x128xf32, #tpu.memory_space<vmem>>) target_semaphore(%run_scoped3A_112 : memref<!tpu.dma_semaphore, #tpu.memory_space<semaphore_mem>>)
      %dma_wait3A_117 = arith.constant 0 : i32
      %dma_wait3A_118 = tpu.memref_slice %arg11[%add3A_101, %dma_wait3A_117] : memref<10112x128xf32, #tpu.memory_space<vmem_shared>> -> memref<128x128xf32, #tpu.memory_space<vmem_shared>>
      %dma_wait3A_119 = arith.constant 0 : i32
      %dma_wait3A_120 = tpu.memref_slice %arg11[%add3A_101, %dma_wait3A_119] : memref<10112x128xf32, #tpu.memory_space<vmem_shared>> -> memref<128x128xf32, #tpu.memory_space<vmem_shared>>
      tpu.wait_dma2 semaphore(%run_scoped3A_112 : memref<!tpu.dma_semaphore, #tpu.memory_space<semaphore_mem>>) src(%dma_wait3A_120 : memref<128x128xf32, #tpu.memory_space<vmem_shared>>) dst(%arg9 : memref<128x128xf32, #tpu.memory_space<vmem>>)
      tpu.yield
    }) : () -> ()
    %add3A_102 = arith.constant 256 : i32
    %add3A_103 = arith.addi %mul3A_91, %add3A_102 : i32
    "tpu.region"() ({
      %run_scoped3A_112 = tpu.sem_alloc : memref<!tpu.dma_semaphore, #tpu.memory_space<semaphore_mem>>
      %dma_start3A_113 = arith.constant 0 : i32
      %dma_start3A_114 = tpu.memref_slice %arg6[%arg0, %add3A_103, %dma_start3A_113] : memref<2x10112x128xf32, #tpu.memory_space<hbm>> -> memref<1x128x128xf32, #tpu.memory_space<hbm>>
      %dma_start3A_115 = tpu.memref_squeeze %dma_start3A_114 : memref<1x128x128xf32, #tpu.memory_space<hbm>> -> memref<128x128xf32, #tpu.memory_space<hbm>>
      %dma_start3A_116 = arith.constant 0 : i32
      %dma_start3A_117 = tpu.memref_slice %arg6[%arg0, %add3A_103, %dma_start3A_116] : memref<2x10112x128xf32, #tpu.memory_space<hbm>> -> memref<1x128x128xf32, #tpu.memory_space<hbm>>
      %dma_start3A_118 = tpu.memref_squeeze %dma_start3A_117 : memref<1x128x128xf32, #tpu.memory_space<hbm>> -> memref<128x128xf32, #tpu.memory_space<hbm>>
      tpu.enqueue_dma source(%arg9 : memref<128x128xf32, #tpu.memory_space<vmem>>) target(%dma_start3A_118 : memref<128x128xf32, #tpu.memory_space<hbm>>) target_semaphore(%run_scoped3A_112 : memref<!tpu.dma_semaphore, #tpu.memory_space<semaphore_mem>>)
      %dma_wait3A_119 = arith.constant 0 : i32
      %dma_wait3A_120 = tpu.memref_slice %arg6[%arg0, %add3A_103, %dma_wait3A_119] : memref<2x10112x128xf32, #tpu.memory_space<hbm>> -> memref<1x128x128xf32, #tpu.memory_space<hbm>>
      %dma_wait3A_121 = tpu.memref_squeeze %dma_wait3A_120 : memref<1x128x128xf32, #tpu.memory_space<hbm>> -> memref<128x128xf32, #tpu.memory_space<hbm>>
      %dma_wait3A_122 = arith.constant 0 : i32
      %dma_wait3A_123 = tpu.memref_slice %arg6[%arg0, %add3A_103, %dma_wait3A_122] : memref<2x10112x128xf32, #tpu.memory_space<hbm>> -> memref<1x128x128xf32, #tpu.memory_space<hbm>>
      %dma_wait3A_124 = tpu.memref_squeeze %dma_wait3A_123 : memref<1x128x128xf32, #tpu.memory_space<hbm>> -> memref<128x128xf32, #tpu.memory_space<hbm>>
      tpu.wait_dma2 semaphore(%run_scoped3A_112 : memref<!tpu.dma_semaphore, #tpu.memory_space<semaphore_mem>>) src(%arg9 : memref<128x128xf32, #tpu.memory_space<vmem>>) dst(%dma_wait3A_124 : memref<128x128xf32, #tpu.memory_space<hbm>>)
      tpu.yield
    }) : () -> ()
    %add3A_104 = arith.constant 384 : i32
    %add3A_105 = arith.addi %mul3A_91, %add3A_104 : i32
    "tpu.region"() ({
      %run_scoped3A_112 = tpu.sem_alloc : memref<!tpu.dma_semaphore, #tpu.memory_space<semaphore_mem>>
      %dma_start3A_113 = arith.constant 0 : i32
      %dma_start3A_114 = tpu.memref_slice %arg11[%add3A_105, %dma_start3A_113] : memref<10112x128xf32, #tpu.memory_space<vmem_shared>> -> memref<128x128xf32, #tpu.memory_space<vmem_shared>>
      %dma_start3A_115 = arith.constant 0 : i32
      %dma_start3A_116 = tpu.memref_slice %arg11[%add3A_105, %dma_start3A_115] : memref<10112x128xf32, #tpu.memory_space<vmem_shared>> -> memref<128x128xf32, #tpu.memory_space<vmem_shared>>
      tpu.enqueue_dma source(%dma_start3A_116 : memref<128x128xf32, #tpu.memory_space<vmem_shared>>) target(%arg9 : memref<128x128xf32, #tpu.memory_space<vmem>>) target_semaphore(%run_scoped3A_112 : memref<!tpu.dma_semaphore, #tpu.memory_space<semaphore_mem>>)
      %dma_wait3A_117 = arith.constant 0 : i32
      %dma_wait3A_118 = tpu.memref_slice %arg11[%add3A_105, %dma_wait3A_117] : memref<10112x128xf32, #tpu.memory_space<vmem_shared>> -> memref<128x128xf32, #tpu.memory_space<vmem_shared>>
      %dma_wait3A_119 = arith.constant 0 : i32
      %dma_wait3A_120 = tpu.memref_slice %arg11[%add3A_105, %dma_wait3A_119] : memref<10112x128xf32, #tpu.memory_space<vmem_shared>> -> memref<128x128xf32, #tpu.memory_space<vmem_shared>>
      tpu.wait_dma2 semaphore(%run_scoped3A_112 : memref<!tpu.dma_semaphore, #tpu.memory_space<semaphore_mem>>) src(%dma_wait3A_120 : memref<128x128xf32, #tpu.memory_space<vmem_shared>>) dst(%arg9 : memref<128x128xf32, #tpu.memory_space<vmem>>)
      tpu.yield
    }) : () -> ()
    %add3A_106 = arith.constant 384 : i32
    %add3A_107 = arith.addi %mul3A_91, %add3A_106 : i32
    "tpu.region"() ({
      %run_scoped3A_112 = tpu.sem_alloc : memref<!tpu.dma_semaphore, #tpu.memory_space<semaphore_mem>>
      %dma_start3A_113 = arith.constant 0 : i32
      %dma_start3A_114 = tpu.memref_slice %arg6[%arg0, %add3A_107, %dma_start3A_113] : memref<2x10112x128xf32, #tpu.memory_space<hbm>> -> memref<1x128x128xf32, #tpu.memory_space<hbm>>
      %dma_start3A_115 = tpu.memref_squeeze %dma_start3A_114 : memref<1x128x128xf32, #tpu.memory_space<hbm>> -> memref<128x128xf32, #tpu.memory_space<hbm>>
      %dma_start3A_116 = arith.constant 0 : i32
      %dma_start3A_117 = tpu.memref_slice %arg6[%arg0, %add3A_107, %dma_start3A_116] : memref<2x10112x128xf32, #tpu.memory_space<hbm>> -> memref<1x128x128xf32, #tpu.memory_space<hbm>>
      %dma_start3A_118 = tpu.memref_squeeze %dma_start3A_117 : memref<1x128x128xf32, #tpu.memory_space<hbm>> -> memref<128x128xf32, #tpu.memory_space<hbm>>
      tpu.enqueue_dma source(%arg9 : memref<128x128xf32, #tpu.memory_space<vmem>>) target(%dma_start3A_118 : memref<128x128xf32, #tpu.memory_space<hbm>>) target_semaphore(%run_scoped3A_112 : memref<!tpu.dma_semaphore, #tpu.memory_space<semaphore_mem>>)
      %dma_wait3A_119 = arith.constant 0 : i32
      %dma_wait3A_120 = tpu.memref_slice %arg6[%arg0, %add3A_107, %dma_wait3A_119] : memref<2x10112x128xf32, #tpu.memory_space<hbm>> -> memref<1x128x128xf32, #tpu.memory_space<hbm>>
      %dma_wait3A_121 = tpu.memref_squeeze %dma_wait3A_120 : memref<1x128x128xf32, #tpu.memory_space<hbm>> -> memref<128x128xf32, #tpu.memory_space<hbm>>
      %dma_wait3A_122 = arith.constant 0 : i32
      %dma_wait3A_123 = tpu.memref_slice %arg6[%arg0, %add3A_107, %dma_wait3A_122] : memref<2x10112x128xf32, #tpu.memory_space<hbm>> -> memref<1x128x128xf32, #tpu.memory_space<hbm>>
      %dma_wait3A_124 = tpu.memref_squeeze %dma_wait3A_123 : memref<1x128x128xf32, #tpu.memory_space<hbm>> -> memref<128x128xf32, #tpu.memory_space<hbm>>
      tpu.wait_dma2 semaphore(%run_scoped3A_112 : memref<!tpu.dma_semaphore, #tpu.memory_space<semaphore_mem>>) src(%arg9 : memref<128x128xf32, #tpu.memory_space<vmem>>) dst(%dma_wait3A_124 : memref<128x128xf32, #tpu.memory_space<hbm>>)
      tpu.yield
    }) : () -> ()
    %add3A_108 = arith.constant 512 : i32
    %add3A_109 = arith.addi %mul3A_91, %add3A_108 : i32
    "tpu.region"() ({
      %run_scoped3A_112 = tpu.sem_alloc : memref<!tpu.dma_semaphore, #tpu.memory_space<semaphore_mem>>
      %dma_start3A_113 = arith.constant 0 : i32
      %dma_start3A_114 = arith.constant 0 : i32
      %dma_start3A_115 = tpu.memref_slice %arg9[%dma_start3A_113, %dma_start3A_114] : memref<128x128xf32, #tpu.memory_space<vmem>> -> memref<120x128xf32, #tpu.memory_space<vmem>>
      %dma_start3A_116 = arith.constant 0 : i32
      %dma_start3A_117 = tpu.memref_slice %arg11[%add3A_109, %dma_start3A_116] : memref<10112x128xf32, #tpu.memory_space<vmem_shared>> -> memref<120x128xf32, #tpu.memory_space<vmem_shared>>
      %dma_start3A_118 = arith.constant 0 : i32
      %dma_start3A_119 = arith.constant 0 : i32
      %dma_start3A_120 = tpu.memref_slice %arg9[%dma_start3A_118, %dma_start3A_119] : memref<128x128xf32, #tpu.memory_space<vmem>> -> memref<120x128xf32, #tpu.memory_space<vmem>>
      %dma_start3A_121 = arith.constant 0 : i32
      %dma_start3A_122 = tpu.memref_slice %arg11[%add3A_109, %dma_start3A_121] : memref<10112x128xf32, #tpu.memory_space<vmem_shared>> -> memref<120x128xf32, #tpu.memory_space<vmem_shared>>
      tpu.enqueue_dma source(%dma_start3A_122 : memref<120x128xf32, #tpu.memory_space<vmem_shared>>) target(%dma_start3A_120 : memref<120x128xf32, #tpu.memory_space<vmem>>) target_semaphore(%run_scoped3A_112 : memref<!tpu.dma_semaphore, #tpu.memory_space<semaphore_mem>>)
      %dma_wait3A_123 = arith.constant 0 : i32
      %dma_wait3A_124 = arith.constant 0 : i32
      %dma_wait3A_125 = tpu.memref_slice %arg9[%dma_wait3A_123, %dma_wait3A_124] : memref<128x128xf32, #tpu.memory_space<vmem>> -> memref<120x128xf32, #tpu.memory_space<vmem>>
      %dma_wait3A_126 = arith.constant 0 : i32
      %dma_wait3A_127 = tpu.memref_slice %arg11[%add3A_109, %dma_wait3A_126] : memref<10112x128xf32, #tpu.memory_space<vmem_shared>> -> memref<120x128xf32, #tpu.memory_space<vmem_shared>>
      %dma_wait3A_128 = arith.constant 0 : i32
      %dma_wait3A_129 = arith.constant 0 : i32
      %dma_wait3A_130 = tpu.memref_slice %arg9[%dma_wait3A_128, %dma_wait3A_129] : memref<128x128xf32, #tpu.memory_space<vmem>> -> memref<120x128xf32, #tpu.memory_space<vmem>>
      %dma_wait3A_131 = arith.constant 0 : i32
      %dma_wait3A_132 = tpu.memref_slice %arg11[%add3A_109, %dma_wait3A_131] : memref<10112x128xf32, #tpu.memory_space<vmem_shared>> -> memref<120x128xf32, #tpu.memory_space<vmem_shared>>
      tpu.wait_dma2 semaphore(%run_scoped3A_112 : memref<!tpu.dma_semaphore, #tpu.memory_space<semaphore_mem>>) src(%dma_wait3A_132 : memref<120x128xf32, #tpu.memory_space<vmem_shared>>) dst(%dma_wait3A_130 : memref<120x128xf32, #tpu.memory_space<vmem>>)
      tpu.yield
    }) : () -> ()
    %add3A_110 = arith.constant 512 : i32
    %add3A_111 = arith.addi %mul3A_91, %add3A_110 : i32
    "tpu.region"() ({
      %run_scoped3A_112 = tpu.sem_alloc : memref<!tpu.dma_semaphore, #tpu.memory_space<semaphore_mem>>
      %dma_start3A_113 = arith.constant 0 : i32
      %dma_start3A_114 = arith.constant 0 : i32
      %dma_start3A_115 = tpu.memref_slice %arg9[%dma_start3A_113, %dma_start3A_114] : memref<128x128xf32, #tpu.memory_space<vmem>> -> memref<120x128xf32, #tpu.memory_space<vmem>>
      %dma_start3A_116 = arith.constant 0 : i32
      %dma_start3A_117 = tpu.memref_slice %arg6[%arg0, %add3A_111, %dma_start3A_116] : memref<2x10112x128xf32, #tpu.memory_space<hbm>> -> memref<1x120x128xf32, #tpu.memory_space<hbm>>
      %dma_start3A_118 = tpu.memref_squeeze %dma_start3A_117 : memref<1x120x128xf32, #tpu.memory_space<hbm>> -> memref<120x128xf32, #tpu.memory_space<hbm>>
      %dma_start3A_119 = arith.constant 0 : i32
      %dma_start3A_120 = tpu.memref_slice %arg6[%arg0, %add3A_111, %dma_start3A_119] : memref<2x10112x128xf32, #tpu.memory_space<hbm>> -> memref<1x120x128xf32, #tpu.memory_space<hbm>>
      %dma_start3A_121 = tpu.memref_squeeze %dma_start3A_120 : memref<1x120x128xf32, #tpu.memory_space<hbm>> -> memref<120x128xf32, #tpu.memory_space<hbm>>
      %dma_start3A_122 = arith.constant 0 : i32
      %dma_start3A_123 = arith.constant 0 : i32
      %dma_start3A_124 = tpu.memref_slice %arg9[%dma_start3A_122, %dma_start3A_123] : memref<128x128xf32, #tpu.memory_space<vmem>> -> memref<120x128xf32, #tpu.memory_space<vmem>>
      tpu.enqueue_dma source(%dma_start3A_124 : memref<120x128xf32, #tpu.memory_space<vmem>>) target(%dma_start3A_121 : memref<120x128xf32, #tpu.memory_space<hbm>>) target_semaphore(%run_scoped3A_112 : memref<!tpu.dma_semaphore, #tpu.memory_space<semaphore_mem>>)
      %dma_wait3A_125 = arith.constant 0 : i32
      %dma_wait3A_126 = arith.constant 0 : i32
      %dma_wait3A_127 = tpu.memref_slice %arg9[%dma_wait3A_125, %dma_wait3A_126] : memref<128x128xf32, #tpu.memory_space<vmem>> -> memref<120x128xf32, #tpu.memory_space<vmem>>
      %dma_wait3A_128 = arith.constant 0 : i32
      %dma_wait3A_129 = tpu.memref_slice %arg6[%arg0, %add3A_111, %dma_wait3A_128] : memref<2x10112x128xf32, #tpu.memory_space<hbm>> -> memref<1x120x128xf32, #tpu.memory_space<hbm>>
      %dma_wait3A_130 = tpu.memref_squeeze %dma_wait3A_129 : memref<1x120x128xf32, #tpu.memory_space<hbm>> -> memref<120x128xf32, #tpu.memory_space<hbm>>
      %dma_wait3A_131 = arith.constant 0 : i32
      %dma_wait3A_132 = tpu.memref_slice %arg6[%arg0, %add3A_111, %dma_wait3A_131] : memref<2x10112x128xf32, #tpu.memory_space<hbm>> -> memref<1x120x128xf32, #tpu.memory_space<hbm>>
      %dma_wait3A_133 = tpu.memref_squeeze %dma_wait3A_132 : memref<1x120x128xf32, #tpu.memory_space<hbm>> -> memref<120x128xf32, #tpu.memory_space<hbm>>
      %dma_wait3A_134 = arith.constant 0 : i32
      %dma_wait3A_135 = arith.constant 0 : i32
      %dma_wait3A_136 = tpu.memref_slice %arg9[%dma_wait3A_134, %dma_wait3A_135] : memref<128x128xf32, #tpu.memory_space<vmem>> -> memref<120x128xf32, #tpu.memory_space<vmem>>
      tpu.wait_dma2 semaphore(%run_scoped3A_112 : memref<!tpu.dma_semaphore, #tpu.memory_space<semaphore_mem>>) src(%dma_wait3A_136 : memref<120x128xf32, #tpu.memory_space<vmem>>) dst(%dma_wait3A_133 : memref<120x128xf32, #tpu.memory_space<hbm>>)
      tpu.yield
    }) : () -> ()
    return
  }
}

module attributes {stable_mosaic.version = 14 : i64} {
  func.func @_tc_first_body(%arg0: i32, %arg1: memref<2x1000x128xf32, #tpu.memory_space<vmem>>, %arg2: memref<1000x128xf32, #tpu.memory_space<vmem>>, %arg3: memref<128x128xf32, #tpu.memory_space<vmem>>, %arg4: memref<1000x128xf32, #tpu.memory_space<vmem>>) attributes {dimension_semantics = [#tpu.dimension_semantics<arbitrary>], iteration_bounds = array<i64: 10>, scalar_prefetch = 0 : i64, scratch_operands = 0 : i64, tpu.core_type = #tpu.core_type<tc>, window_params = [{transform_indices = @transform_0, window_bounds = array<i64: 2, 1000, 128>}, {transform_indices = @transform_1, window_bounds = array<i64: 1000, 128>}, {pipeline_mode = #tpu.pipeline_mode<synchronous>, transform_indices = @transform_2, window_bounds = array<i64: 128, 128>}, {transform_indices = @transform_3, window_bounds = array<i64: 1000, 128>}]} {
    %get3A = arith.constant 0 : index
    %get3A_0 = arith.constant 0 : index
    %get3A_1 = arith.constant 0 : index
    %get3A_2 = vector.load %arg1[%get3A, %get3A_0, %get3A_1] : memref<2x1000x128xf32, #tpu.memory_space<vmem>>, vector<1x1000x128xf32>
    %get3A_3 = vector.shape_cast %get3A_2 : vector<1x1000x128xf32> to vector<1000x128xf32>
    %slice3A = vector.extract_strided_slice %get3A_3 {offsets = [0, 0], sizes = [1000, 1], strides = [1, 1]} : vector<1000x128xf32> to vector<1000x1xf32>
    %add3A = arith.constant 1.000000e+00 : f32
    %add3A_4 = vector.broadcast %add3A : f32 to vector<1000x1xf32>
    %add3A_5 = arith.addf %add3A_4, %slice3A : vector<1000x1xf32>
    %get3A_6 = arith.constant 1 : index
    %get3A_7 = arith.constant 0 : index
    %get3A_8 = arith.constant 0 : index
    %get3A_9 = vector.load %arg1[%get3A_6, %get3A_7, %get3A_8] : memref<2x1000x128xf32, #tpu.memory_space<vmem>>, vector<1x1000x128xf32>
    %get3A_10 = vector.shape_cast %get3A_9 : vector<1x1000x128xf32> to vector<1000x128xf32>
    %slice3A_11 = vector.extract_strided_slice %get3A_10 {offsets = [0, 0], sizes = [1000, 1], strides = [1, 1]} : vector<1000x128xf32> to vector<1000x1xf32>
    %add3A_12 = arith.addf %add3A_5, %slice3A_11 : vector<1000x1xf32>
    %rsqrt3A = math.rsqrt %add3A_12 : vector<1000x1xf32>
    %get3A_13 = arith.constant 0 : index
    %get3A_14 = arith.constant 0 : index
    %get3A_15 = vector.load %arg2[%get3A_13, %get3A_14] : memref<1000x128xf32, #tpu.memory_space<vmem>>, vector<1000x128xf32>
    %get3A_16 = arith.constant 0 : index
    %get3A_17 = arith.constant 0 : index
    %get3A_18 = vector.load %arg3[%get3A_16, %get3A_17] : memref<128x128xf32, #tpu.memory_space<vmem>>, vector<128x128xf32>
    %dot_general3A = arith.constant dense<0.000000e+00> : vector<1000x128xf32>
    %dot_general3A_19 = tpu.matmul %get3A_15, %get3A_18, %dot_general3A {dimension_numbers = #tpu.dot_dimension_numbers<[1], [0], [0], [1], [0, 0, 1, 1], [], []>, transpose_lhs_hint = false} : vector<1000x128xf32>, vector<128x128xf32>, vector<1000x128xf32> -> vector<1000x128xf32>
    %mul3A = vector.broadcast %rsqrt3A : vector<1000x1xf32> to vector<1000x128xf32>
    %mul3A_20 = arith.mulf %dot_general3A_19, %mul3A : vector<1000x128xf32>
    %swap3A = arith.constant 0 : index
    %swap3A_21 = arith.constant 0 : index
    %swap3A_22 = vector.load %arg4[%swap3A, %swap3A_21] : memref<1000x128xf32, #tpu.memory_space<vmem>>, vector<1000x128xf32>
    tpu.vector_store %arg4[%swap3A, %swap3A_21], %mul3A_20 {strides = array<i32>} : memref<1000x128xf32, #tpu.memory_space<vmem>>, vector<1000x128xf32>,
    return
  }
  func.func @transform_0(%arg0: i32) -> (i32, i32, i32) {
    %c0_i32 = arith.constant 0 : i32
    %c0_i32_0 = arith.constant 0 : i32
    %c0_i32_1 = arith.constant 0 : i32
    return %c0_i32, %arg0, %c0_i32_0 : i32, i32, i32
  }
  func.func @transform_1(%arg0: i32) -> (i32, i32) {
    %c0_i32 = arith.constant 0 : i32
    %c0_i32_0 = arith.constant 0 : i32
    return %arg0, %c0_i32 : i32, i32
  }
  func.func @transform_2(%arg0: i32) -> (i32, i32) {
    %c0_i32 = arith.constant 0 : i32
    %c0_i32_0 = arith.constant 0 : i32
    %c0_i32_1 = arith.constant 0 : i32
    return %c0_i32, %c0_i32_0 : i32, i32
  }
  func.func @transform_3(%arg0: i32) -> (i32, i32) {
    %c0_i32 = arith.constant 0 : i32
    %c0_i32_0 = arith.constant 0 : i32
    return %arg0, %c0_i32 : i32, i32
  }
}

module attributes {stable_mosaic.version = 14 : i64} {
  func.func @_tc_mid_body(%arg0: i32, %arg1: memref<2x1000x128xf32, #tpu.memory_space<vmem>>, %arg2: memref<2x1000x128xf32, #tpu.memory_space<vmem>>, %arg3: memref<1000x128xf32, #tpu.memory_space<vmem>>, %arg4: memref<8x128xf32, #tpu.memory_space<vmem>>, %arg5: memref<128x128xf32, #tpu.memory_space<vmem>>, %arg6: memref<1000x128xf32, #tpu.memory_space<vmem>>) attributes {dimension_semantics = [#tpu.dimension_semantics<arbitrary>], iteration_bounds = array<i64: 10>, scalar_prefetch = 0 : i64, scratch_operands = 0 : i64, tpu.core_type = #tpu.core_type<tc>, window_params = [{transform_indices = @transform_0, window_bounds = array<i64: 2, 1000, 128>}, {transform_indices = @transform_1, window_bounds = array<i64: 2, 1000, 128>}, {transform_indices = @transform_2, window_bounds = array<i64: 1000, 128>}, {pipeline_mode = #tpu.pipeline_mode<synchronous>, transform_indices = @transform_3, window_bounds = array<i64: 8, 128>}, {pipeline_mode = #tpu.pipeline_mode<synchronous>, transform_indices = @transform_4, window_bounds = array<i64: 128, 128>}, {transform_indices = @transform_5, window_bounds = array<i64: 1000, 128>}]} {
    %get3A = arith.constant 0 : index
    %get3A_0 = arith.constant 0 : index
    %get3A_1 = arith.constant 0 : index
    %get3A_2 = vector.load %arg1[%get3A, %get3A_0, %get3A_1] : memref<2x1000x128xf32, #tpu.memory_space<vmem>>, vector<1x1000x128xf32>
    %get3A_3 = vector.shape_cast %get3A_2 : vector<1x1000x128xf32> to vector<1000x128xf32>
    %slice3A = vector.extract_strided_slice %get3A_3 {offsets = [0, 0], sizes = [1000, 1], strides = [1, 1]} : vector<1000x128xf32> to vector<1000x1xf32>
    %add3A = arith.constant 1.000000e+00 : f32
    %add3A_4 = vector.broadcast %add3A : f32 to vector<1000x1xf32>
    %add3A_5 = arith.addf %add3A_4, %slice3A : vector<1000x1xf32>
    %get3A_6 = arith.constant 1 : index
    %get3A_7 = arith.constant 0 : index
    %get3A_8 = arith.constant 0 : index
    %get3A_9 = vector.load %arg1[%get3A_6, %get3A_7, %get3A_8] : memref<2x1000x128xf32, #tpu.memory_space<vmem>>, vector<1x1000x128xf32>
    %get3A_10 = vector.shape_cast %get3A_9 : vector<1x1000x128xf32> to vector<1000x128xf32>
    %slice3A_11 = vector.extract_strided_slice %get3A_10 {offsets = [0, 0], sizes = [1000, 1], strides = [1, 1]} : vector<1000x128xf32> to vector<1000x1xf32>
    %add3A_12 = arith.addf %add3A_5, %slice3A_11 : vector<1000x1xf32>
    %rsqrt3A = math.rsqrt %add3A_12 : vector<1000x1xf32>
    %get3A_13 = arith.constant 0 : index
    %get3A_14 = arith.constant 0 : index
    %get3A_15 = arith.constant 0 : index
    %get3A_16 = vector.load %arg2[%get3A_13, %get3A_14, %get3A_15] : memref<2x1000x128xf32, #tpu.memory_space<vmem>>, vector<1x1000x128xf32>
    %get3A_17 = vector.shape_cast %get3A_16 : vector<1x1000x128xf32> to vector<1000x128xf32>
    %get3A_18 = arith.constant 1 : index
    %get3A_19 = arith.constant 0 : index
    %get3A_20 = arith.constant 0 : index
    %get3A_21 = vector.load %arg2[%get3A_18, %get3A_19, %get3A_20] : memref<2x1000x128xf32, #tpu.memory_space<vmem>>, vector<1x1000x128xf32>
    %get3A_22 = vector.shape_cast %get3A_21 : vector<1x1000x128xf32> to vector<1000x128xf32>
    %add3A_23 = arith.addf %get3A_17, %get3A_22 : vector<1000x128xf32>
    %get3A_24 = arith.constant 0 : index
    %get3A_25 = arith.constant 0 : index
    %get3A_26 = vector.load %arg3[%get3A_24, %get3A_25] : memref<1000x128xf32, #tpu.memory_space<vmem>>, vector<1000x128xf32>
    %add3A_27 = arith.addf %add3A_23, %get3A_26 : vector<1000x128xf32>
    %mul3A = vector.broadcast %rsqrt3A : vector<1000x1xf32> to vector<1000x128xf32>
    %mul3A_28 = arith.mulf %mul3A, %add3A_27 : vector<1000x128xf32>
    %get3A_29 = arith.constant 0 : index
    %get3A_30 = arith.constant 0 : index
    %get3A_31 = vector.load %arg4[%get3A_29, %get3A_30] : memref<8x128xf32, #tpu.memory_space<vmem>>, vector<1x128xf32>
    %add3A_32 = vector.broadcast %get3A_31 : vector<1x128xf32> to vector<1000x128xf32>
    %add3A_33 = arith.addf %mul3A_28, %add3A_32 : vector<1000x128xf32>
    %max3A = arith.constant 0.000000e+00 : f32
    %max3A_34 = vector.broadcast %max3A : f32 to vector<1000x128xf32>
    %max3A_35 = arith.maximumf %add3A_33, %max3A_34 : vector<1000x128xf32>
    %get3A_36 = arith.constant 0 : index
    %get3A_37 = arith.constant 0 : index
    %get3A_38 = vector.load %arg5[%get3A_36, %get3A_37] : memref<128x128xf32, #tpu.memory_space<vmem>>, vector<128x128xf32>
    %dot_general3A = arith.constant dense<0.000000e+00> : vector<1000x128xf32>
    %dot_general3A_39 = tpu.matmul %max3A_35, %get3A_38, %dot_general3A {dimension_numbers = #tpu.dot_dimension_numbers<[1], [0], [0], [1], [0, 0, 1, 1], [], []>, transpose_lhs_hint = false} : vector<1000x128xf32>, vector<128x128xf32>, vector<1000x128xf32> -> vector<1000x128xf32>
    %mul3A_40 = vector.broadcast %rsqrt3A : vector<1000x1xf32> to vector<1000x128xf32>
    %mul3A_41 = arith.mulf %dot_general3A_39, %mul3A_40 : vector<1000x128xf32>
    %swap3A = arith.constant 0 : index
    %swap3A_42 = arith.constant 0 : index
    %swap3A_43 = vector.load %arg6[%swap3A, %swap3A_42] : memref<1000x128xf32, #tpu.memory_space<vmem>>, vector<1000x128xf32>
    tpu.vector_store %arg6[%swap3A, %swap3A_42], %mul3A_41 {strides = array<i32>} : memref<1000x128xf32, #tpu.memory_space<vmem>>, vector<1000x128xf32>,
    return
  }
  func.func @transform_0(%arg0: i32) -> (i32, i32, i32) {
    %c0_i32 = arith.constant 0 : i32
    %c0_i32_0 = arith.constant 0 : i32
    %c0_i32_1 = arith.constant 0 : i32
    return %c0_i32, %arg0, %c0_i32_0 : i32, i32, i32
  }
  func.func @transform_1(%arg0: i32) -> (i32, i32, i32) {
    %c0_i32 = arith.constant 0 : i32
    %c0_i32_0 = arith.constant 0 : i32
    %c0_i32_1 = arith.constant 0 : i32
    return %c0_i32, %arg0, %c0_i32_0 : i32, i32, i32
  }
  func.func @transform_2(%arg0: i32) -> (i32, i32) {
    %c0_i32 = arith.constant 0 : i32
    %c0_i32_0 = arith.constant 0 : i32
    return %arg0, %c0_i32 : i32, i32
  }
  func.func @transform_3(%arg0: i32) -> (i32, i32) {
    %c0_i32 = arith.constant 0 : i32
    %c0_i32_0 = arith.constant 0 : i32
    %c0_i32_1 = arith.constant 0 : i32
    return %c0_i32, %c0_i32_0 : i32, i32
  }
  func.func @transform_4(%arg0: i32) -> (i32, i32) {
    %c0_i32 = arith.constant 0 : i32
    %c0_i32_0 = arith.constant 0 : i32
    %c0_i32_1 = arith.constant 0 : i32
    return %c0_i32, %c0_i32_0 : i32, i32
  }
  func.func @transform_5(%arg0: i32) -> (i32, i32) {
    %c0_i32 = arith.constant 0 : i32
    %c0_i32_0 = arith.constant 0 : i32
    return %arg0, %c0_i32 : i32, i32
  }
}

module attributes {stable_mosaic.version = 14 : i64} {
  func.func @_tc_last_body(%arg0: i32, %arg1: memref<2x1000x128xf32, #tpu.memory_space<vmem>>, %arg2: memref<2x1000x128xf32, #tpu.memory_space<vmem>>, %arg3: memref<1000x128xf32, #tpu.memory_space<vmem>>, %arg4: memref<8x128xf32, #tpu.memory_space<vmem>>, %arg5: memref<128x128xf32, #tpu.memory_space<vmem>>, %arg6: memref<8x128xf32, #tpu.memory_space<vmem>>, %arg7: memref<128x128xf32, #tpu.memory_space<vmem>>, %arg8: memref<8x128xf32, #tpu.memory_space<vmem>>, %arg9: memref<1000x128xf32, #tpu.memory_space<vmem>>) attributes {dimension_semantics = [#tpu.dimension_semantics<arbitrary>], iteration_bounds = array<i64: 10>, scalar_prefetch = 0 : i64, scratch_operands = 0 : i64, tpu.core_type = #tpu.core_type<tc>, window_params = [{transform_indices = @transform_0, window_bounds = array<i64: 2, 1000, 128>}, {transform_indices = @transform_1, window_bounds = array<i64: 2, 1000, 128>}, {transform_indices = @transform_2, window_bounds = array<i64: 1000, 128>}, {pipeline_mode = #tpu.pipeline_mode<synchronous>, transform_indices = @transform_3, window_bounds = array<i64: 8, 128>}, {pipeline_mode = #tpu.pipeline_mode<synchronous>, transform_indices = @transform_4, window_bounds = array<i64: 128, 128>}, {pipeline_mode = #tpu.pipeline_mode<synchronous>, transform_indices = @transform_5, window_bounds = array<i64: 8, 128>}, {pipeline_mode = #tpu.pipeline_mode<synchronous>, transform_indices = @transform_6, window_bounds = array<i64: 128, 128>}, {pipeline_mode = #tpu.pipeline_mode<synchronous>, transform_indices = @transform_7, window_bounds = array<i64: 8, 128>}, {transform_indices = @transform_8, window_bounds = array<i64: 1000, 128>}]} {
    %get3A = arith.constant 0 : index
    %get3A_0 = arith.constant 0 : index
    %get3A_1 = arith.constant 0 : index
    %get3A_2 = vector.load %arg1[%get3A, %get3A_0, %get3A_1] : memref<2x1000x128xf32, #tpu.memory_space<vmem>>, vector<1x1000x128xf32>
    %get3A_3 = vector.shape_cast %get3A_2 : vector<1x1000x128xf32> to vector<1000x128xf32>
    %slice3A = vector.extract_strided_slice %get3A_3 {offsets = [0, 0], sizes = [1000, 1], strides = [1, 1]} : vector<1000x128xf32> to vector<1000x1xf32>
    %add3A = arith.constant 1.000000e+00 : f32
    %add3A_4 = vector.broadcast %add3A : f32 to vector<1000x1xf32>
    %add3A_5 = arith.addf %add3A_4, %slice3A : vector<1000x1xf32>
    %get3A_6 = arith.constant 1 : index
    %get3A_7 = arith.constant 0 : index
    %get3A_8 = arith.constant 0 : index
    %get3A_9 = vector.load %arg1[%get3A_6, %get3A_7, %get3A_8] : memref<2x1000x128xf32, #tpu.memory_space<vmem>>, vector<1x1000x128xf32>
    %get3A_10 = vector.shape_cast %get3A_9 : vector<1x1000x128xf32> to vector<1000x128xf32>
    %slice3A_11 = vector.extract_strided_slice %get3A_10 {offsets = [0, 0], sizes = [1000, 1], strides = [1, 1]} : vector<1000x128xf32> to vector<1000x1xf32>
    %add3A_12 = arith.addf %add3A_5, %slice3A_11 : vector<1000x1xf32>
    %rsqrt3A = math.rsqrt %add3A_12 : vector<1000x1xf32>
    %get3A_13 = arith.constant 0 : index
    %get3A_14 = arith.constant 0 : index
    %get3A_15 = arith.constant 0 : index
    %get3A_16 = vector.load %arg2[%get3A_13, %get3A_14, %get3A_15] : memref<2x1000x128xf32, #tpu.memory_space<vmem>>, vector<1x1000x128xf32>
    %get3A_17 = vector.shape_cast %get3A_16 : vector<1x1000x128xf32> to vector<1000x128xf32>
    %get3A_18 = arith.constant 1 : index
    %get3A_19 = arith.constant 0 : index
    %get3A_20 = arith.constant 0 : index
    %get3A_21 = vector.load %arg2[%get3A_18, %get3A_19, %get3A_20] : memref<2x1000x128xf32, #tpu.memory_space<vmem>>, vector<1x1000x128xf32>
    %get3A_22 = vector.shape_cast %get3A_21 : vector<1x1000x128xf32> to vector<1000x128xf32>
    %add3A_23 = arith.addf %get3A_17, %get3A_22 : vector<1000x128xf32>
    %get3A_24 = arith.constant 0 : index
    %get3A_25 = arith.constant 0 : index
    %get3A_26 = vector.load %arg3[%get3A_24, %get3A_25] : memref<1000x128xf32, #tpu.memory_space<vmem>>, vector<1000x128xf32>
    %add3A_27 = arith.addf %add3A_23, %get3A_26 : vector<1000x128xf32>
    %mul3A = vector.broadcast %rsqrt3A : vector<1000x1xf32> to vector<1000x128xf32>
    %mul3A_28 = arith.mulf %mul3A, %add3A_27 : vector<1000x128xf32>
    %get3A_29 = arith.constant 0 : index
    %get3A_30 = arith.constant 0 : index
    %get3A_31 = vector.load %arg4[%get3A_29, %get3A_30] : memref<8x128xf32, #tpu.memory_space<vmem>>, vector<1x128xf32>
    %add3A_32 = vector.broadcast %get3A_31 : vector<1x128xf32> to vector<1000x128xf32>
    %add3A_33 = arith.addf %mul3A_28, %add3A_32 : vector<1000x128xf32>
    %max3A = arith.constant 0.000000e+00 : f32
    %max3A_34 = vector.broadcast %max3A : f32 to vector<1000x128xf32>
    %max3A_35 = arith.maximumf %add3A_33, %max3A_34 : vector<1000x128xf32>
    %get3A_36 = arith.constant 0 : index
    %get3A_37 = arith.constant 0 : index
    %get3A_38 = vector.load %arg5[%get3A_36, %get3A_37] : memref<128x128xf32, #tpu.memory_space<vmem>>, vector<128x128xf32>
    %dot_general3A = arith.constant dense<0.000000e+00> : vector<1000x128xf32>
    %dot_general3A_39 = tpu.matmul %max3A_35, %get3A_38, %dot_general3A {dimension_numbers = #tpu.dot_dimension_numbers<[1], [0], [0], [1], [0, 0, 1, 1], [], []>, transpose_lhs_hint = false} : vector<1000x128xf32>, vector<128x128xf32>, vector<1000x128xf32> -> vector<1000x128xf32>
    %get3A_40 = arith.constant 0 : index
    %get3A_41 = arith.constant 0 : index
    %get3A_42 = vector.load %arg6[%get3A_40, %get3A_41] : memref<8x128xf32, #tpu.memory_space<vmem>>, vector<1x128xf32>
    %add3A_43 = vector.broadcast %get3A_42 : vector<1x128xf32> to vector<1000x128xf32>
    %add3A_44 = arith.addf %dot_general3A_39, %add3A_43 : vector<1000x128xf32>
    %max3A_45 = arith.constant 0.000000e+00 : f32
    %max3A_46 = vector.broadcast %max3A_45 : f32 to vector<1000x128xf32>
    %max3A_47 = arith.maximumf %add3A_44, %max3A_46 : vector<1000x128xf32>
    %get3A_48 = arith.constant 0 : index
    %get3A_49 = arith.constant 0 : index
    %get3A_50 = vector.load %arg7[%get3A_48, %get3A_49] : memref<128x128xf32, #tpu.memory_space<vmem>>, vector<128x128xf32>
    %dot_general3A_51 = arith.constant dense<0.000000e+00> : vector<1000x128xf32>
    %dot_general3A_52 = tpu.matmul %max3A_47, %get3A_50, %dot_general3A_51 {dimension_numbers = #tpu.dot_dimension_numbers<[1], [0], [0], [1], [0, 0, 1, 1], [], []>, transpose_lhs_hint = false} : vector<1000x128xf32>, vector<128x128xf32>, vector<1000x128xf32> -> vector<1000x128xf32>
    %get3A_53 = arith.constant 0 : index
    %get3A_54 = arith.constant 0 : index
    %get3A_55 = vector.load %arg8[%get3A_53, %get3A_54] : memref<8x128xf32, #tpu.memory_space<vmem>>, vector<1x128xf32>
    %add3A_56 = vector.broadcast %get3A_55 : vector<1x128xf32> to vector<1000x128xf32>
    %add3A_57 = arith.addf %dot_general3A_52, %add3A_56 : vector<1000x128xf32>
    %logistic3A = arith.negf %add3A_57 : vector<1000x128xf32>
    %logistic3A_58 = math.exp %logistic3A : vector<1000x128xf32>
    %logistic3A_59 = arith.constant 1.000000e+00 : f32
    %logistic3A_60 = vector.broadcast %logistic3A_59 : f32 to vector<1000x128xf32>
    %logistic3A_61 = arith.addf %logistic3A_60, %logistic3A_58 : vector<1000x128xf32>
    %logistic3A_62 = arith.divf %logistic3A_60, %logistic3A_61 : vector<1000x128xf32>
    %swap3A = arith.constant 0 : index
    %swap3A_63 = arith.constant 0 : index
    %swap3A_64 = vector.load %arg9[%swap3A, %swap3A_63] : memref<1000x128xf32, #tpu.memory_space<vmem>>, vector<1000x128xf32>
    tpu.vector_store %arg9[%swap3A, %swap3A_63], %logistic3A_62 {strides = array<i32>} : memref<1000x128xf32, #tpu.memory_space<vmem>>, vector<1000x128xf32>,
    return
  }
  func.func @transform_0(%arg0: i32) -> (i32, i32, i32) {
    %c0_i32 = arith.constant 0 : i32
    %c0_i32_0 = arith.constant 0 : i32
    %c0_i32_1 = arith.constant 0 : i32
    return %c0_i32, %arg0, %c0_i32_0 : i32, i32, i32
  }
  func.func @transform_1(%arg0: i32) -> (i32, i32, i32) {
    %c0_i32 = arith.constant 0 : i32
    %c0_i32_0 = arith.constant 0 : i32
    %c0_i32_1 = arith.constant 0 : i32
    return %c0_i32, %arg0, %c0_i32_0 : i32, i32, i32
  }
  func.func @transform_2(%arg0: i32) -> (i32, i32) {
    %c0_i32 = arith.constant 0 : i32
    %c0_i32_0 = arith.constant 0 : i32
    return %arg0, %c0_i32 : i32, i32
  }
  func.func @transform_3(%arg0: i32) -> (i32, i32) {
    %c0_i32 = arith.constant 0 : i32
    %c0_i32_0 = arith.constant 0 : i32
    %c0_i32_1 = arith.constant 0 : i32
    return %c0_i32, %c0_i32_0 : i32, i32
  }
  func.func @transform_4(%arg0: i32) -> (i32, i32) {
    %c0_i32 = arith.constant 0 : i32
    %c0_i32_0 = arith.constant 0 : i32
    %c0_i32_1 = arith.constant 0 : i32
    return %c0_i32, %c0_i32_0 : i32, i32
  }
  func.func @transform_5(%arg0: i32) -> (i32, i32) {
    %c0_i32 = arith.constant 0 : i32
    %c0_i32_0 = arith.constant 0 : i32
    %c0_i32_1 = arith.constant 0 : i32
    return %c0_i32, %c0_i32_0 : i32, i32
  }
  func.func @transform_6(%arg0: i32) -> (i32, i32) {
    %c0_i32 = arith.constant 0 : i32
    %c0_i32_0 = arith.constant 0 : i32
    %c0_i32_1 = arith.constant 0 : i32
    return %c0_i32, %c0_i32_0 : i32, i32
  }
  func.func @transform_7(%arg0: i32) -> (i32, i32) {
    %c0_i32 = arith.constant 0 : i32
    %c0_i32_0 = arith.constant 0 : i32
    %c0_i32_1 = arith.constant 0 : i32
    return %c0_i32, %c0_i32_0 : i32, i32
  }
  func.func @transform_8(%arg0: i32) -> (i32, i32) {
    %c0_i32 = arith.constant 0 : i32
    %c0_i32_0 = arith.constant 0 : i32
    return %arg0, %c0_i32 : i32, i32
  }
}

</mosaic_0001>

<sc_bundles>
// kernel: kernel.10.cloned.1.call-start
scs
__scs_entry_jumppad:
0x0: {  	(pc) =	sbr.rel $0x88, $3  }
0x1: {  	(tag) =	ssettag $0x0;
	lr =	simm.s32 $0x1  }
0x2: {  	[smem:$0x3F95] =	sst lr;
	_ =	strace $0xD0000000  }
0x3: {  	_ = 	snop  }
0x4: {  	_ = 	snop  }
0x5: {  	_ = 	snop  }
0x6: {  	_ = 	snop  }
0x7: {  	_ = 	snop  }
__scs_overlays_trampoline_lowered:
0x8: {  	[smem:$0x3FA4] =	sst s0  }
0x9: {  	[smem:$0x3FA5] =	sst s1  }
0xa: {  	[smem:$0x3FA6] =	sst s2  }
0xb: {  	[smem:$0x3FA7] =	sst s3  }
0xc: {  	[smem:$0x3FA8] =	sst s4  }
0xd: {  	[smem:$0x3FA9] =	sst s5  }
0xe: {  	[smem:$0x3FAA] =	sst s6  }
0xf: {  	[smem:$0x3FAB] =	sst s7  }
0x10: {  	[smem:$0x3FAC] =	sst s8  }
0x11: {  	[smem:$0x3FAD] =	sst s9;
	s0 =	simm.s32 @!p0 $0x0  }
0x12: {  	s1 =	sld [smem:$0x3F93];
	s0 =	simm.s32 @p0 $0x1  }
0x13: {  	[smem:$0x3FAE] =	sst s0;
	s0 =	simm.s32 @!p1 $0x0  }
0x14: {  	s2 =	sld [smem:$0x3F92];
	s0 =	simm.s32 @p1 $0x1  }
0x15: {  	[smem:$0x3FAF] =	sst s0;
	s0 =	simm.s32 @!p2 $0x0  }
0x16: {  	s3 =	sld [smem:$0x3FDB];
	s0 =	simm.s32 @p2 $0x1  }
0x17: {  	s4 =	simm.s32 $0x1BF5;
	[smem:$0x3FB1] =	sst s0  }
0x18: {  	s0 =	sld [smem:$0x3F94];
	_ =	swait.ge [sflag:s4], $0x0  }
0x19: {  	s7 =	sld [smem:$0x3F95]  }
0x1a: {  	s8 =	sadd.s32 $0xFFFFE003, lr  }
0x1b: {  	s9 =	sadd.s32 $0xFFFFFEF7, lr;
	s5 =	simm.s32 $0xFFFFFFFF;
	p2 =	slt.u32 s8, $0xFFFFF086  }
0x1c: {  	p1 =	slt.u32 s9, $0xF7A;
	s5 =	simm.s32 @!p2 $0x0  }
0x1d: {  	s5 =	simm.s32 @p1 $0x1;
	p0 =	seq.s32 s7, s2  }
0x1e: {  	s7 =	smul.u32 @!p0 $0xF7A, s2;
	p2 =	seq.s32 @!p0 s5, $0x0  }
0x1f: {  	s9 =	smul.u32 $0xF7A, s1;
	s8 =	simm.s32 @!p0 $0x1BF5;
	p2 =	por !p2, p0  }
0x20: {  	[sflag:s8] =	ssyncset.s32 @!p0 $0xFFFFF086;
	s6 =	sadd.s32 @!p0 s3, s7;
	s7 =	simm.s32 @!p0 $0x108  }
0x21: {  	s3 =	sadd.s32 s3, s9;
	s6 =	sadd.s32 @!p0 $0x88, s6;
	s7 =	simm.s32 @p2 $0x1082  }
0x22: {  	[simem:s7], [sflag:s8] =	dma.local @!p0 [hbm:s6], $0xF7A  }
0x23: {  	s9 =	sor.u32 $0xD0000000, s2;
	s6 =	simm.s32 $0x108;
	_ =	swait.ge @!p0 [sflag:s8], $0x0  }
0x24: {  	s3 =	sadd.s32 $0x88, s3;
	s6 =	simm.s32 @!p1 $0x1082;
	[sflag:s4] =	ssyncset.s32 $0xFFFFF086  }
0x25: {  	[simem:s6], [sflag:s4] =	dma.local [hbm:s3], $0xF7A  }
0x26: {  	[smem:$0x3F95] =	sst s1;
	(tag) =	ssettag s2;
	_ =	strace s9  }
0x27: {  	s1 =	sld [smem:$0x3FA5]  }
0x28: {  	s2 =	sld [smem:$0x3FA6]  }
0x29: {  	s4 =	sld [smem:$0x3FA8]  }
0x2a: {  	p0 =	seq.s32 s5, $0x0;
	s5 =	sld [smem:$0x3FA9]  }
0x2b: {  	s6 =	sld [smem:$0x3FAA]  }
0x2c: {  	s7 =	sld [smem:$0x3FAB]  }
0x2d: {  	s3 =	simm.s32 $0x108;
	s8 =	sld [smem:$0x3FAC]  }
0x2e: {  	s3 =	simm.s32 @!p0 $0x1082;
	s9 =	sld [smem:$0x3FAD]  }
0x2f: {  	lr =	sadd.s32 s0, s3;
	s0 =	sld [smem:$0x3FA4]  }
0x30: {  	s3 =	sld [smem:$0x3FA7]  }
0x31: {  	[smem:$0x3FB0] =	sst s10  }
0x32: {  	s10 =	sld [smem:$0x3FAE];
	_ =	sdelay $0x3  }
0x33: {  	p0 =	seq.s32 s10, $0x1;
	s10 =	sld [smem:$0x3FB0];
	_ =	sdelay $0x3  }
0x34: {  	[smem:$0x3FB0] =	sst s10  }
0x35: {  	s10 =	sld [smem:$0x3FAF];
	_ =	sdelay $0x3  }
0x36: {  	p1 =	seq.s32 s10, $0x1;
	s10 =	sld [smem:$0x3FB0];
	_ =	sdelay $0x3  }
0x37: {  	[smem:$0x3FB0] =	sst s10  }
0x38: {  	s10 =	sld [smem:$0x3FB1]  }
0x39: {  	_ = 	snop;
	(pc) =	sbr.ind lr, $3  }
0x3a: {  	_ = 	snop  }
0x3b: {  	_ = 	snop  }
0x3c: {  	p2 =	seq.s32 s10, $0x1;
	s10 =	sld [smem:$0x3FB0]  }
0x3d: {  	_ =	shalt  }
0x3e: {  	_ =	shalt  }
0x3f: {  	_ =	shalt  }
0x40: {  	_ =	shalt  }
0x41: {  	_ =	shalt  }
0x42: {  	_ =	shalt  }
0x43: {  	_ =	shalt  }
0x44: {  	_ =	shalt  }
0x45: {  	_ =	shalt  }
0x46: {  	_ =	shalt  }
0x47: {  	_ =	shalt  }
0x48: {  	_ =	shalt  }
0x49: {  	_ =	shalt  }
0x4a: {  	_ =	shalt  }
0x4b: {  	_ =	shalt  }
0x4c: {  	_ =	shalt  }
0x4d: {  	_ =	shalt  }
0x4e: {  	_ =	shalt  }
0x4f: {  	_ =	shalt  }
0x50: {  	_ =	shalt  }
0x51: {  	_ =	shalt  }
0x52: {  	_ =	shalt  }
0x53: {  	_ =	shalt  }
0x54: {  	_ =	shalt  }
0x55: {  	_ =	shalt  }
0x56: {  	_ =	shalt  }
0x57: {  	_ =	shalt  }
0x58: {  	_ =	shalt  }
0x59: {  	_ =	shalt  }
0x5a: {  	_ =	shalt  }
0x5b: {  	_ =	shalt  }
0x5c: {  	_ =	shalt  }
0x5d: {  	_ =	shalt  }
0x5e: {  	_ =	shalt  }
0x5f: {  	_ =	shalt  }
0x60: {  	_ =	shalt  }
0x61: {  	_ =	shalt  }
0x62: {  	_ =	shalt  }
0x63: {  	_ =	shalt  }
0x64: {  	_ =	shalt  }
0x65: {  	_ =	shalt  }
0x66: {  	_ =	shalt  }
0x67: {  	_ =	shalt  }
0x68: {  	_ =	shalt  }
0x69: {  	_ =	shalt  }
0x6a: {  	_ =	shalt  }
0x6b: {  	_ =	shalt  }
0x6c: {  	_ =	shalt  }
0x6d: {  	_ =	shalt  }
0x6e: {  	_ =	shalt  }
0x6f: {  	_ =	shalt  }
0x70: {  	_ =	shalt  }
0x71: {  	_ =	shalt  }
0x72: {  	_ =	shalt  }
0x73: {  	_ =	shalt  }
0x74: {  	_ =	shalt  }
0x75: {  	_ =	shalt  }
0x76: {  	_ =	shalt  }
0x77: {  	_ =	shalt  }
0x78: {  	_ =	shalt  }
0x79: {  	_ =	shalt  }
0x7a: {  	_ =	shalt  }
0x7b: {  	_ =	shalt  }
0x7c: {  	_ =	shalt  }
0x7d: {  	_ =	shalt  }
0x7e: {  	_ =	shalt  }
0x7f: {  	_ =	shalt  }
0x80: {  	_ =	shalt  }
0x81: {  	_ =	shalt  }
0x82: {  	_ =	shalt  }
0x83: {  	_ =	shalt  }
0x84: {  	_ =	shalt  }
0x85: {  	_ =	shalt  }
0x86: {  	_ =	shalt  }
0x87: {  	_ =	shalt  }
.Lfunc_end0:
.L_simem_size_0:
called_computation_lowered:
.L_overlay_start_0:
0x88: {  	s2 =	sld [smem:$0x3FD9]  }
0x89: {  	s3 =	sld [smem:$0x3FFE];
	_ =	sdelay $0x1  }
0x8a: {  	s1 =	srdreg.scid  }
0x8b: {  	s0 =	sand.u32 $0x1, s1  }
0x8c: {  	s16 =	sshll.u32 s0, $0xA;
	s2 =	sadd.s32 s3, s2  }
0x8d: {  	s2 =	sadd.s32 s2, s16  }
0x8e: {  	[smem:$0x3FBC] =	sst s2  }
0x8f: {  	_ = 	snop  }
0x90: {  	(tm) =	ssettm $0x1  }
0x91: {  	s17 =	sld [smem:$0x3FFB];
	_ =	sdelay $0x3  }
0x92: {  	_ =	strace s17  }
0x93: {  	s2 =	sld [smem:$0x3FFC];
	_ =	sdelay $0x3  }
0x94: {  	_ =	strace s2  }
0x95: {  	s2 =	sld [smem:$0x3FFD];
	_ =	sdelay $0x3  }
0x96: {  	_ =	strace s2  }
0x97: {  	_ =	strace $0x8FFFFFFF  }
0x98: {  	s18 =	sld [smem:$0x3FDB];
	_ =	sdelay $0x1  }
0x99: {  	s19 =	simm.s32 $_scs_section_size  }
0x9a: {  	s4 =	simm.s32 $_size__tile_overlayer_lowered;
	s5 =	simm.s32 $_tile_overlayer_lowered  }
0x9b: {  	s22 =	simm.s32 $0x1BFF;
	s21 =	sshll.u32 s5, $0x1;
	s2 =	sadd.s32 s19, s18  }
0x9c: {  	s6 =	simm.s32 $0x0;
	s20 =	sshll.u32 s4, $0x1;
	s4 =	sadd.s32 s21, s2  }
0x9d: {  	[timem:s6], [sflag:s22] =	dma.local [hbm:s4], s20  }
0x9e: {  	_ =	swait.ge [sflag:s22], s20  }
0x9f: {  	s3 =	ssub.s32 $0x0, s20;
	[sflag:s22] =	ssyncset.done $0x0  }
0xa0: {  	[sflag:s22] =	ssyncadd.s32 s3;
	_ =	sdelay $0x1  }
0xa1: {  	s23 =	simm.s32 $0x1B8B  }
0xa2: {  	_ =	swait.ge [sflag:s23], $0x1  }
0xa3: {  	[sflag:s23] =	ssyncset.done $0x0  }
0xa4: {  	s25 =	simm.s32 $0x1B8E;
	s24 =	sld [smem:$0x3FFE];
	[sflag:s23] =	ssyncadd.s32 $0xFFFFFFFF  }
0xa5: {  	s26 =	simm.s32 $execute0_lowered;
	[smem:$0x3FD2] =	sst s25  }
0xa6: {  	s4 =	sshll.u32 s26, $0x1;
	_ =	strace $0x80000046;
	[dreg:$0x1] =	wrdreg $0xFFFFFFFF  }
0xa7: {  	s28 =	simm.s32 $_size_execute0_lowered;
	s2 =	sadd.s32 s2, s4;
	[dreg:$0x0] =	wrdreg $0x0  }
0xa8: {  	s4 =	sshll.u32 s28, $0x1;
	[dreg:$0x2] =	wrdreg s2  }
0xa9: {  	[dreg:$0x3] =	wrdreg s4  }
0xaa: {  	[dreg:$0x4] =	wrdreg $0xC0  }
0xab: {  	_ =	task [dreg:s6], $0x5FFFF  }
0xac: {  	[dreg:$0x1] =	wrdreg $0xFFFFFFFF  }
0xad: {  	[dreg:$0x0] =	wrdreg $0x60  }
0xae: {  	[dreg:$0x2] =	wrdreg s24  }
0xaf: {  	[dreg:$0x3] =	wrdreg $0x68000  }
0xb0: {  	[dreg:$0x4] =	wrdreg $0x9  }
0xb1: {  	_ =	task.clear_ibuf [dreg:s6], $0x5FFFF;
	_ =	strace $0x90000046  }
0xb2: {  	s29 =	simm.s32 $0x9;
	_ =	strace $0x80000048  }
0xb3: {  	_ =	swait.ge [sflag:s29], $0x1  }
0xb4: {  	[sflag:s29] =	ssyncadd.s32 $0xFFFFFFFF  }
0xb5: {  	_ =	strace $0x90000048  }
0xb6: {  	_ =	sfence  }
0xb7: {  	s30 =	sld [smem:$0x0];
	_ =	sdelay $0x2  }
0xb8: {  	s31 =	sshll.u32 s1, $0xD;
	s1 =	sshrl.u32 s1, $0x2  }
0xb9: {  	s3 =	sand.u32 $0x4000, s31;
	s1 =	sadd.s32 s1, s30  }
0xba: {  	s0 =	sor.u32 s3, s0;
	s1 =	sshll.u32 s1, $0x11  }
0xbb: {  	s0 =	sor.u32 s1, s0  }
0xbc: {  	s0 =	sadd.s32 $0x8F2B, s0  }
0xbd: {  	[sflag:s0] =	ssyncadd.remote.s32 $0x1  }
0xbe: {  	_ =	sfence.sel $0xFFFF  }
0xbf: {  	[dreg:$0x0] =	wrdreg $0xFFFFFFFF;
	(pc) =	sbr.abs _section_cstart, $3  }
0xc0: {  	[dreg:$0x1] =	wrdreg $0xFFFFFFFF  }
0xc1: {  	_ =	task.clear_ibuf [dreg:s6], $0x2FFFF;
	_ =	strace $0x9FFFFFFF  }
0xc2: {  	(tm) =	ssettm $0x7FFFFFFF  }
0xc3: {  	_ =	shalt  }
tec
execute0_lowered:
.L_overlay_start_1:
0x0: {  	(tag) =	ssettag $0x1  }
0x1: {  	s1 =	srdreg.scid;
	s6 =	rddreg [dreg:$0x0]  }
0x2: {  	s0 =	stileid.u32;
	s2 =	rddreg [dreg:$0x1];
	s3 =	simm.s32 $0x0  }
0x3: {  	s20 =	simm.s32 $0x80;
	s21 =	simm.s32 $0x0;
	s7 =	sand.u32 $0x1, s1  }
0x4: {  	s30 =	sshll.u32 s0, $0x1;
	s1 =	rddreg [dreg:$0x2];
	s8 =	smul.u32 $0x4F000, s0  }
0x5: {  	[smem:$0x7FF] =	sst s3;
	s5 =	sadd.s32 $0x17800, s6;
	s12 =	smul.u32 $0x13C00, s0  }
0x6: {  	s16 =	sadd.s32 $0x18800, s6;
	s4 =	sor.u32 s7, s30;
	s15 =	smul.u32 $0x13C000, s7  }
0x7: {  	_ =	strace $0x80000047;
	s9 =	ssub.s32 $0x2, s7;
	s4 =	smul.u32 $0x500, s4  }
0x8: {  	s10 =	sshrl.u32 s9, $0x1;
	s8 =	sshrl.u32 s8, $0x2;
	s13 =	sadd.s32 $0x4000, s12  }
0x9: {  	s14 =	sadd.s32 $0x8000, s12;
	s18 =	sadd.s32 $0xC000, s12;
	s19 =	sadd.s32 $0x10000, s12  }
0xa: {  	s17 =	ssub.s32 s9, s10;
	s7 =	sadd.s32 s13, s2;
	s9 =	sadd.s32 s18, s2  }
0xb: {  	s12 =	sadd.s32 s12, s15;
	s10 =	sadd.s32 s19, s2;
	s13 =	sadd.s32 s15, s13  }
0xc: {  	s18 =	sadd.s32 s15, s18;
	s19 =	sadd.s32 s15, s19;
	s11 =	sadd.s32 s4, s6  }
0xd: {  	s4 =	sadd.s32 $0x18000, s6;
	s6 =	sadd.s32 s8, s2;
	s8 =	sadd.s32 s14, s2  }
0xe: {  	s12 =	sshrl.u32 s12, $0x3;
	s13 =	sshrl.u32 s13, $0x3;
	s14 =	sadd.s32 s15, s14  }
0xf: {  	s18 =	sshrl.u32 s18, $0x3;
	s31 =	sshrl.u32 s19, $0x3;
	s17 =	smax.u32 s17, $0x1  }
0x10: {  	s19 =	simm.s32 $0x1;
	s11 =	sadd.s32 $0x3800, s11;
	s12 =	sadd.s32 s16, s12  }
0x11: {  	s13 =	sadd.s32 s16, s13;
	s14 =	sshrl.u32 s14, $0x3;
	s15 =	sadd.s32 s16, s18  }
0x12: {  	s18 =	simm.s32 $0x2800;
	s14 =	sadd.s32 s16, s14;
	s16 =	sadd.s32 s16, s31  }
.LBB2_1:
0x13: {  	[tilespmem:s18], [sflag:$0x1] =	stream.linear.gather [hbm4b:s5+s3], $0x4000, $0x38;
	[tilespmem:$0x1A400] =	vst v63  }
0x14: {  	_ =	swait.ge [sflag:s19], $0x4000  }
0x15: {  	[sflag:s19] =	ssyncset.done $0x0  }
0x16: {  	[sflag:s19] =	ssyncadd.s32 $0xFFFFC000  }
0x17: {  	[spmem:s6] =	stream.linear.scatter [tilespmem:s18], [sflag:$0x1], $0x4000, $0x38;
	[tilespmem:$0x1A400] =	vst v63  }
0x18: {  	_ =	swait.ge [sflag:s19], $0x4000  }
0x19: {  	[sflag:s19] =	ssyncset.done $0x0  }
0x1a: {  	[sflag:s19] =	ssyncadd.s32 $0xFFFFC000  }
0x1b: {  	[spmem:s7] =	stream.linear.scatter [tilespmem:s18], [sflag:$0x1], $0x4000, $0x38;
	[tilespmem:$0x1A400] =	vst v63  }
0x1c: {  	_ =	swait.ge [sflag:s19], $0x4000  }
0x1d: {  	[sflag:s19] =	ssyncset.done $0x0  }
0x1e: {  	[sflag:s19] =	ssyncadd.s32 $0xFFFFC000  }
0x1f: {  	[spmem:s8] =	stream.linear.scatter [tilespmem:s18], [sflag:$0x1], $0x4000, $0x38;
	[tilespmem:$0x1A400] =	vst v63  }
0x20: {  	_ =	swait.ge [sflag:s19], $0x4000  }
0x21: {  	[sflag:s19] =	ssyncset.done $0x0  }
0x22: {  	[sflag:s19] =	ssyncadd.s32 $0xFFFFC000  }
0x23: {  	[spmem:s9] =	stream.linear.scatter [tilespmem:s18], [sflag:$0x1], $0x4000, $0x38;
	[tilespmem:$0x1A400] =	vst v63  }
0x24: {  	_ =	swait.ge [sflag:s19], $0x4000  }
0x25: {  	[sflag:s19] =	ssyncset.done $0x0  }
0x26: {  	[sflag:s19] =	ssyncadd.s32 $0xFFFFC000  }
0x27: {  	[spmem:s10] =	stream.linear.scatter [tilespmem:s18], [sflag:$0x1], $0x3C00, $0x38;
	[tilespmem:$0x1A400] =	vst v63  }
0x28: {  	_ =	swait.ge [sflag:s19], $0x3C00  }
0x29: {  	[sflag:s19] =	ssyncset.done $0x0  }
0x2a: {  	[sflag:s19] =	ssyncadd.s32 $0xFFFFC400  }
0x2b: {  	[bflag:$0x0] =	sbarrier.arrive $0xFFFF  }
0x2c: {  	[tilespmem:s3], [sflag:$0x1] =	stream.linear.gather [hbm4b:s11+s3], $0x2800, $0x38;
	[tilespmem:$0x1A400] =	vst v63  }
0x2d: {  	_ =	swait.ge [sflag:s19], $0x2800  }
0x2e: {  	[sflag:s19] =	ssyncset.done $0x0  }
0x2f: {  	[sflag:s19] =	ssyncadd.s32 $0xFFFFD800  }
0x30: {  	[tilespmem:s18], [sflag:$0x1] =	stream.linear.gather [hbm4b:s4+s3], $0x4000, $0x38;
	[tilespmem:$0x1A400] =	vst v63  }
0x31: {  	_ =	swait.ge [sflag:s19], $0x4000  }
0x32: {  	[sflag:s19] =	ssyncset.done $0x0  }
0x33: {  	s22 =	simm.s32 $0x0;
	[sflag:s19] =	ssyncadd.s32 $0xFFFFC000  }
0x34: {  	[spmem:s2] =	stream.indirect.scatter.add.f32 [tilespmem:s18], [sflag:$0x1], $0x80, s22, s20, $0xb8;
	[tilespmem:$0x1A400] =	vst v63  }
0x35: {  	_ =	swait.ge [sflag:s19], $0x4000  }
0x36: {  	s22 =	simm.s32 $0x200;
	[sflag:s19] =	ssyncset.done $0x0  }
.LBB2_2:
0x37: {  	s23 =	sshra.s32 s22, $0x2;
	[sflag:s19] =	ssyncadd.s32 $0xFFFFC000;
	p0 =	sne.s32 s22, $0x9E00  }
0x38: {  	[spmem:s2] =	stream.indirect.scatter.add.f32 [tilespmem:s18], [sflag:$0x1], $0x80, s23, s20, $0xb8;
	[tilespmem:$0x1A400] =	vst v63  }
.Ltmp0:
0x39: {  	_ = 	snop;
	(pc) =	sbr.rel @p0 .LBB2_2-.Ltmp0, $4  }
0x3a: {  	_ = 	snop  }
0x3b: {  	s22 =	sadd.s32 $0x200, s22  }
0x3c: {  	_ =	swait.ge [sflag:s19], $0x4000  }
0x3d: {  	[sflag:s19] =	ssyncset.done $0x0  }
0x3e: {  	[sflag:s19] =	ssyncadd.s32 $0xFFFFC000  }
0x3f: {  	[bflag:$0x0] =	sbarrier.arrive $0xFFFF  }
0x40: {  	[tilespmem:s18], [sflag:$0x1] =	stream.linear.gather [spmem:s6], $0x4000, $0x38;
	[tilespmem:$0x1A400] =	vst v63  }
0x41: {  	_ =	swait.ge [sflag:s19], $0x4000  }
0x42: {  	[sflag:s19] =	ssyncset.done $0x0  }
0x43: {  	[sflag:s19] =	ssyncadd.s32 $0xFFFFC000  }
0x44: {  	[hbm4b:s12+s3] =	stream.linear.scatter [tilespmem:s18], [sflag:$0x1], $0x4000, $0x38;
	[tilespmem:$0x1A400] =	vst v63  }
0x45: {  	_ =	swait.ge [sflag:s19], $0x4000  }
0x46: {  	[sflag:s19] =	ssyncset.done $0x0  }
0x47: {  	[sflag:s19] =	ssyncadd.s32 $0xFFFFC000  }
0x48: {  	[tilespmem:s18], [sflag:$0x1] =	stream.linear.gather [spmem:s7], $0x4000, $0x38;
	[tilespmem:$0x1A400] =	vst v63  }
0x49: {  	_ =	swait.ge [sflag:s19], $0x4000  }
0x4a: {  	[sflag:s19] =	ssyncset.done $0x0  }
0x4b: {  	[sflag:s19] =	ssyncadd.s32 $0xFFFFC000  }
0x4c: {  	[hbm4b:s13+s3] =	stream.linear.scatter [tilespmem:s18], [sflag:$0x1], $0x4000, $0x38;
	[tilespmem:$0x1A400] =	vst v63  }
0x4d: {  	_ =	swait.ge [sflag:s19], $0x4000  }
0x4e: {  	[sflag:s19] =	ssyncset.done $0x0  }
0x4f: {  	[sflag:s19] =	ssyncadd.s32 $0xFFFFC000  }
0x50: {  	[tilespmem:s18], [sflag:$0x1] =	stream.linear.gather [spmem:s8], $0x4000, $0x38;
	[tilespmem:$0x1A400] =	vst v63  }
0x51: {  	_ =	swait.ge [sflag:s19], $0x4000  }
0x52: {  	[sflag:s19] =	ssyncset.done $0x0  }
0x53: {  	[sflag:s19] =	ssyncadd.s32 $0xFFFFC000  }
0x54: {  	[hbm4b:s14+s3] =	stream.linear.scatter [tilespmem:s18], [sflag:$0x1], $0x4000, $0x38;
	[tilespmem:$0x1A400] =	vst v63  }
0x55: {  	_ =	swait.ge [sflag:s19], $0x4000  }
0x56: {  	[sflag:s19] =	ssyncset.done $0x0  }
0x57: {  	[sflag:s19] =	ssyncadd.s32 $0xFFFFC000  }
0x58: {  	[tilespmem:s18], [sflag:$0x1] =	stream.linear.gather [spmem:s9], $0x4000, $0x38;
	[tilespmem:$0x1A400] =	vst v63  }
0x59: {  	_ =	swait.ge [sflag:s19], $0x4000  }
0x5a: {  	[sflag:s19] =	ssyncset.done $0x0  }
0x5b: {  	[sflag:s19] =	ssyncadd.s32 $0xFFFFC000  }
0x5c: {  	[hbm4b:s15+s3] =	stream.linear.scatter [tilespmem:s18], [sflag:$0x1], $0x4000, $0x38;
	[tilespmem:$0x1A400] =	vst v63  }
0x5d: {  	_ =	swait.ge [sflag:s19], $0x4000  }
0x5e: {  	[sflag:s19] =	ssyncset.done $0x0  }
0x5f: {  	[sflag:s19] =	ssyncadd.s32 $0xFFFFC000  }
0x60: {  	[tilespmem:s18], [sflag:$0x1] =	stream.linear.gather [spmem:s10], $0x3C00, $0x38;
	[tilespmem:$0x1A400] =	vst v63  }
0x61: {  	s21 =	sadd.s32 $0x1, s21;
	_ =	swait.ge [sflag:s19], $0x3C00  }
0x62: {  	p0 =	sne.s32 s21, s17;
	[sflag:s19] =	ssyncset.done $0x0  }
.Ltmp1:
0x63: {  	[sflag:s19] =	ssyncadd.s32 $0xFFFFC400;
	(pc) =	sbr.rel @p0 .LBB2_1-.Ltmp1, $4  }
0x64: {  	[hbm4b:s16+s3] =	stream.linear.scatter [tilespmem:s18], [sflag:$0x1], $0x3C00, $0x38;
	[tilespmem:$0x1A400] =	vst v63  }
0x65: {  	_ =	swait.ge [sflag:s19], $0x3C00  }
0x66: {  	[sflag:s19] =	ssyncset.done $0x0  }
0x67: {  	[sflag:s19] =	ssyncadd.s32 $0xFFFFC400  }
0x68: {  	_ =	sfence.sel $0x180000  }
0x69: {  	[bflag:$0x0] =	sbarrier.arrive $0xFFFF  }
0x6a: {  	p0 =	sne.s32 s0, $0x0;
	_ =	strace $0x90000047  }
0x6b: {  	s0 =	sadd.s32 @!p0 $0x100000, s1;
	[bflag:$0x2] =	sbarrier.arrive $0xFFFF  }
0x6c: {  	[sflag:s0] =	ssyncadd.tile.s32 @!p0 $0x1;
	_ =	shalt  }
.Lfunc_end2:
_tile_overlayer_lowered:
.L_overlay_start_2:
0x6d: {  	(tag) =	ssettag $0x2  }
0x6e: {  	s0 =	rddreg [dreg:$0x0];
	s2 =	stileid.u32  }
0x6f: {  	s1 =	rddreg [dreg:$0x1];
	p0 =	sne.s32 s2, $0x0  }
0x70: {  	s3 =	rddreg [dreg:$0x2];
	[bflag:$0x3] =	sbarrier.arrive $0xFFFF;
	s2 =	simm.s32 @!p0 $0x1C01  }
0x71: {  	[timem:s3], [sflag:s2] =	dma.local @!p0 [hbm:s0], s1  }
0x72: {  	s0 =	simm.s32 @!p0 $0x1  }
0x73: {  	_ =	swait.ge @!p0 [sflag:s0], s1  }
0x74: {  	s1 =	ssub.s32 @!p0 $0x0, s1;
	[sflag:s0] =	ssyncset.done @!p0 $0x0  }
0x75: {  	[sflag:s0] =	ssyncadd.s32 @!p0 s1  }
0x76: {  	[bflag:$0x3] =	sbarrier.arrive $0xFFFF  }
0x77: {  	_ =	shalt  }

// kernel: kernel.13.cloned.1.call-start
scs
__scs_entry_jumppad:
0x0: {  	(pc) =	sbr.rel $0x88, $3  }
0x1: {  	(tag) =	ssettag $0x0;
	lr =	simm.s32 $0x1  }
0x2: {  	[smem:$0x3F95] =	sst lr;
	_ =	strace $0xD0000000  }
0x3: {  	_ = 	snop  }
0x4: {  	_ = 	snop  }
0x5: {  	_ = 	snop  }
0x6: {  	_ = 	snop  }
0x7: {  	_ = 	snop  }
__scs_overlays_trampoline_lowered:
0x8: {  	[smem:$0x3FA4] =	sst s0  }
0x9: {  	[smem:$0x3FA5] =	sst s1  }
0xa: {  	[smem:$0x3FA6] =	sst s2  }
0xb: {  	[smem:$0x3FA7] =	sst s3  }
0xc: {  	[smem:$0x3FA8] =	sst s4  }
0xd: {  	[smem:$0x3FA9] =	sst s5  }
0xe: {  	[smem:$0x3FAA] =	sst s6  }
0xf: {  	[smem:$0x3FAB] =	sst s7  }
0x10: {  	[smem:$0x3FAC] =	sst s8  }
0x11: {  	[smem:$0x3FAD] =	sst s9;
	s0 =	simm.s32 @!p0 $0x0  }
0x12: {  	s1 =	sld [smem:$0x3F93];
	s0 =	simm.s32 @p0 $0x1  }
0x13: {  	[smem:$0x3FAE] =	sst s0;
	s0 =	simm.s32 @!p1 $0x0  }
0x14: {  	s2 =	sld [smem:$0x3F92];
	s0 =	simm.s32 @p1 $0x1  }
0x15: {  	[smem:$0x3FAF] =	sst s0;
	s0 =	simm.s32 @!p2 $0x0  }
0x16: {  	s3 =	sld [smem:$0x3FDB];
	s0 =	simm.s32 @p2 $0x1  }
0x17: {  	s4 =	simm.s32 $0x1BF5;
	[smem:$0x3FB1] =	sst s0  }
0x18: {  	s0 =	sld [smem:$0x3F94];
	_ =	swait.ge [sflag:s4], $0x0  }
0x19: {  	s7 =	sld [smem:$0x3F95]  }
0x1a: {  	s8 =	sadd.s32 $0xFFFFE003, lr  }
0x1b: {  	s9 =	sadd.s32 $0xFFFFFEF7, lr;
	s5 =	simm.s32 $0xFFFFFFFF;
	p2 =	slt.u32 s8, $0xFFFFF086  }
0x1c: {  	p1 =	slt.u32 s9, $0xF7A;
	s5 =	simm.s32 @!p2 $0x0  }
0x1d: {  	s5 =	simm.s32 @p1 $0x1;
	p0 =	seq.s32 s7, s2  }
0x1e: {  	s7 =	smul.u32 @!p0 $0xF7A, s2;
	p2 =	seq.s32 @!p0 s5, $0x0  }
0x1f: {  	s9 =	smul.u32 $0xF7A, s1;
	s8 =	simm.s32 @!p0 $0x1BF5;
	p2 =	por !p2, p0  }
0x20: {  	[sflag:s8] =	ssyncset.s32 @!p0 $0xFFFFF086;
	s6 =	sadd.s32 @!p0 s3, s7;
	s7 =	simm.s32 @!p0 $0x108  }
0x21: {  	s3 =	sadd.s32 s3, s9;
	s6 =	sadd.s32 @!p0 $0x88, s6;
	s7 =	simm.s32 @p2 $0x1082  }
0x22: {  	[simem:s7], [sflag:s8] =	dma.local @!p0 [hbm:s6], $0xF7A  }
0x23: {  	s9 =	sor.u32 $0xD0000000, s2;
	s6 =	simm.s32 $0x108;
	_ =	swait.ge @!p0 [sflag:s8], $0x0  }
0x24: {  	s3 =	sadd.s32 $0x88, s3;
	s6 =	simm.s32 @!p1 $0x1082;
	[sflag:s4] =	ssyncset.s32 $0xFFFFF086  }
0x25: {  	[simem:s6], [sflag:s4] =	dma.local [hbm:s3], $0xF7A  }
0x26: {  	[smem:$0x3F95] =	sst s1;
	(tag) =	ssettag s2;
	_ =	strace s9  }
0x27: {  	s1 =	sld [smem:$0x3FA5]  }
0x28: {  	s2 =	sld [smem:$0x3FA6]  }
0x29: {  	s4 =	sld [smem:$0x3FA8]  }
0x2a: {  	p0 =	seq.s32 s5, $0x0;
	s5 =	sld [smem:$0x3FA9]  }
0x2b: {  	s6 =	sld [smem:$0x3FAA]  }
0x2c: {  	s7 =	sld [smem:$0x3FAB]  }
0x2d: {  	s3 =	simm.s32 $0x108;
	s8 =	sld [smem:$0x3FAC]  }
0x2e: {  	s3 =	simm.s32 @!p0 $0x1082;
	s9 =	sld [smem:$0x3FAD]  }
0x2f: {  	lr =	sadd.s32 s0, s3;
	s0 =	sld [smem:$0x3FA4]  }
0x30: {  	s3 =	sld [smem:$0x3FA7]  }
0x31: {  	[smem:$0x3FB0] =	sst s10  }
0x32: {  	s10 =	sld [smem:$0x3FAE];
	_ =	sdelay $0x3  }
0x33: {  	p0 =	seq.s32 s10, $0x1;
	s10 =	sld [smem:$0x3FB0];
	_ =	sdelay $0x3  }
0x34: {  	[smem:$0x3FB0] =	sst s10  }
0x35: {  	s10 =	sld [smem:$0x3FAF];
	_ =	sdelay $0x3  }
0x36: {  	p1 =	seq.s32 s10, $0x1;
	s10 =	sld [smem:$0x3FB0];
	_ =	sdelay $0x3  }
0x37: {  	[smem:$0x3FB0] =	sst s10  }
0x38: {  	s10 =	sld [smem:$0x3FB1]  }
0x39: {  	_ = 	snop;
	(pc) =	sbr.ind lr, $3  }
0x3a: {  	_ = 	snop  }
0x3b: {  	_ = 	snop  }
0x3c: {  	p2 =	seq.s32 s10, $0x1;
	s10 =	sld [smem:$0x3FB0]  }
0x3d: {  	_ =	shalt  }
0x3e: {  	_ =	shalt  }
0x3f: {  	_ =	shalt  }
0x40: {  	_ =	shalt  }
0x41: {  	_ =	shalt  }
0x42: {  	_ =	shalt  }
0x43: {  	_ =	shalt  }
0x44: {  	_ =	shalt  }
0x45: {  	_ =	shalt  }
0x46: {  	_ =	shalt  }
0x47: {  	_ =	shalt  }
0x48: {  	_ =	shalt  }
0x49: {  	_ =	shalt  }
0x4a: {  	_ =	shalt  }
0x4b: {  	_ =	shalt  }
0x4c: {  	_ =	shalt  }
0x4d: {  	_ =	shalt  }
0x4e: {  	_ =	shalt  }
0x4f: {  	_ =	shalt  }
0x50: {  	_ =	shalt  }
0x51: {  	_ =	shalt  }
0x52: {  	_ =	shalt  }
0x53: {  	_ =	shalt  }
0x54: {  	_ =	shalt  }
0x55: {  	_ =	shalt  }
0x56: {  	_ =	shalt  }
0x57: {  	_ =	shalt  }
0x58: {  	_ =	shalt  }
0x59: {  	_ =	shalt  }
0x5a: {  	_ =	shalt  }
0x5b: {  	_ =	shalt  }
0x5c: {  	_ =	shalt  }
0x5d: {  	_ =	shalt  }
0x5e: {  	_ =	shalt  }
0x5f: {  	_ =	shalt  }
0x60: {  	_ =	shalt  }
0x61: {  	_ =	shalt  }
0x62: {  	_ =	shalt  }
0x63: {  	_ =	shalt  }
0x64: {  	_ =	shalt  }
0x65: {  	_ =	shalt  }
0x66: {  	_ =	shalt  }
0x67: {  	_ =	shalt  }
0x68: {  	_ =	shalt  }
0x69: {  	_ =	shalt  }
0x6a: {  	_ =	shalt  }
0x6b: {  	_ =	shalt  }
0x6c: {  	_ =	shalt  }
0x6d: {  	_ =	shalt  }
0x6e: {  	_ =	shalt  }
0x6f: {  	_ =	shalt  }
0x70: {  	_ =	shalt  }
0x71: {  	_ =	shalt  }
0x72: {  	_ =	shalt  }
0x73: {  	_ =	shalt  }
0x74: {  	_ =	shalt  }
0x75: {  	_ =	shalt  }
0x76: {  	_ =	shalt  }
0x77: {  	_ =	shalt  }
0x78: {  	_ =	shalt  }
0x79: {  	_ =	shalt  }
0x7a: {  	_ =	shalt  }
0x7b: {  	_ =	shalt  }
0x7c: {  	_ =	shalt  }
0x7d: {  	_ =	shalt  }
0x7e: {  	_ =	shalt  }
0x7f: {  	_ =	shalt  }
0x80: {  	_ =	shalt  }
0x81: {  	_ =	shalt  }
0x82: {  	_ =	shalt  }
0x83: {  	_ =	shalt  }
0x84: {  	_ =	shalt  }
0x85: {  	_ =	shalt  }
0x86: {  	_ =	shalt  }
0x87: {  	_ =	shalt  }
.Lfunc_end0:
.L_simem_size_0:
called_computation.1_lowered:
.L_overlay_start_0:
0x88: {  	s2 =	sld [smem:$0x3FD9]  }
0x89: {  	s3 =	sld [smem:$0x3FFE];
	_ =	sdelay $0x1  }
0x8a: {  	s1 =	srdreg.scid  }
0x8b: {  	s0 =	sand.u32 $0x1, s1  }
0x8c: {  	s16 =	sshll.u32 s0, $0xA;
	s2 =	sadd.s32 s3, s2  }
0x8d: {  	s2 =	sadd.s32 s2, s16  }
0x8e: {  	[smem:$0x3FBC] =	sst s2  }
0x8f: {  	_ = 	snop  }
0x90: {  	(tm) =	ssettm $0x1  }
0x91: {  	s17 =	sld [smem:$0x3FFB];
	_ =	sdelay $0x3  }
0x92: {  	_ =	strace s17  }
0x93: {  	s2 =	sld [smem:$0x3FFC];
	_ =	sdelay $0x3  }
0x94: {  	_ =	strace s2  }
0x95: {  	s2 =	sld [smem:$0x3FFD];
	_ =	sdelay $0x3  }
0x96: {  	_ =	strace s2  }
0x97: {  	_ =	strace $0x8FFFFFFF  }
0x98: {  	s18 =	sld [smem:$0x3FDB];
	_ =	sdelay $0x1  }
0x99: {  	s19 =	simm.s32 $_scs_section_size  }
0x9a: {  	s4 =	simm.s32 $_size__tile_overlayer_lowered;
	s5 =	simm.s32 $_tile_overlayer_lowered  }
0x9b: {  	s22 =	simm.s32 $0x1BFF;
	s21 =	sshll.u32 s5, $0x1;
	s2 =	sadd.s32 s19, s18  }
0x9c: {  	s6 =	simm.s32 $0x0;
	s20 =	sshll.u32 s4, $0x1;
	s4 =	sadd.s32 s21, s2  }
0x9d: {  	[timem:s6], [sflag:s22] =	dma.local [hbm:s4], s20  }
0x9e: {  	_ =	swait.ge [sflag:s22], s20  }
0x9f: {  	s3 =	ssub.s32 $0x0, s20;
	[sflag:s22] =	ssyncset.done $0x0  }
0xa0: {  	[sflag:s22] =	ssyncadd.s32 s3;
	_ =	sdelay $0x1  }
0xa1: {  	s23 =	simm.s32 $0x1B8B  }
0xa2: {  	_ =	swait.ge [sflag:s23], $0x1  }
0xa3: {  	[sflag:s23] =	ssyncset.done $0x0  }
0xa4: {  	s25 =	simm.s32 $0x1B8E;
	s24 =	sld [smem:$0x3FFE];
	[sflag:s23] =	ssyncadd.s32 $0xFFFFFFFF  }
0xa5: {  	s26 =	simm.s32 $execute0_lowered;
	[smem:$0x3FD2] =	sst s25  }
0xa6: {  	s4 =	sshll.u32 s26, $0x1;
	_ =	strace $0x80000049;
	[dreg:$0x1] =	wrdreg $0xFFFFFFFF  }
0xa7: {  	s28 =	simm.s32 $_size_execute0_lowered;
	s2 =	sadd.s32 s2, s4;
	[dreg:$0x0] =	wrdreg $0x0  }
0xa8: {  	s4 =	sshll.u32 s28, $0x1;
	[dreg:$0x2] =	wrdreg s2  }
0xa9: {  	[dreg:$0x3] =	wrdreg s4  }
0xaa: {  	[dreg:$0x4] =	wrdreg $0xC0  }
0xab: {  	_ =	task [dreg:s6], $0x5FFFF  }
0xac: {  	[dreg:$0x1] =	wrdreg $0xFFFFFFFF  }
0xad: {  	[dreg:$0x0] =	wrdreg $0x60  }
0xae: {  	[dreg:$0x2] =	wrdreg s24  }
0xaf: {  	[dreg:$0x3] =	wrdreg $0xA8000  }
0xb0: {  	[dreg:$0x4] =	wrdreg $0x9  }
0xb1: {  	_ =	task.clear_ibuf [dreg:s6], $0x5FFFF;
	_ =	strace $0x90000049  }
0xb2: {  	s29 =	simm.s32 $0x9;
	_ =	strace $0x8000004B  }
0xb3: {  	_ =	swait.ge [sflag:s29], $0x1  }
0xb4: {  	[sflag:s29] =	ssyncadd.s32 $0xFFFFFFFF  }
0xb5: {  	_ =	strace $0x9000004B  }
0xb6: {  	_ =	sfence  }
0xb7: {  	s30 =	sld [smem:$0x0];
	_ =	sdelay $0x2  }
0xb8: {  	s31 =	sshll.u32 s1, $0xD;
	s1 =	sshrl.u32 s1, $0x2  }
0xb9: {  	s3 =	sand.u32 $0x4000, s31;
	s1 =	sadd.s32 s1, s30  }
0xba: {  	s0 =	sor.u32 s3, s0;
	s1 =	sshll.u32 s1, $0x11  }
0xbb: {  	s0 =	sor.u32 s1, s0  }
0xbc: {  	s0 =	sadd.s32 $0x8F2B, s0  }
0xbd: {  	[sflag:s0] =	ssyncadd.remote.s32 $0x1  }
0xbe: {  	_ =	sfence.sel $0xFFFF  }
0xbf: {  	[dreg:$0x0] =	wrdreg $0xFFFFFFFF;
	(pc) =	sbr.abs _section_cstart, $3  }
0xc0: {  	[dreg:$0x1] =	wrdreg $0xFFFFFFFF  }
0xc1: {  	_ =	task.clear_ibuf [dreg:s6], $0x2FFFF;
	_ =	strace $0x9FFFFFFF  }
0xc2: {  	(tm) =	ssettm $0x7FFFFFFF  }
0xc3: {  	_ =	shalt  }
tec
execute0_lowered:
.L_overlay_start_1:
0x0: {  	(tag) =	ssettag $0x1  }
0x1: {  	s0 =	rddreg [dreg:$0x0]  }
0x2: {  	s1 =	rddreg [dreg:$0x1];
	s2 =	simm.s32 $0x0  }
0x3: {  	s5 =	srdreg.scid;
	s9 =	stileid.u32;
	s28 =	simm.s32 $0x2  }
0x4: {  	s29 =	simm.s32 $0x1380;
	s30 =	simm.s32 $0x2700;
	s31 =	simm.s32 $0x2780  }
0x5: {  	[smem:$0x7FF] =	sst s2;
	s4 =	sadd.s32 $0x18000, s0;
	s3 =	sadd.s32 $0xD800, s0  }
0x6: {  	s14 =	sadd.s32 $0x3800, s0;
	s5 =	sand.u32 $0x1, s5;
	s7 =	smul.u32 $0x4F000, s9  }
0x7: {  	s6 =	sadd.s32 $0x17800, s0;
	s0 =	sadd.s32 $0x3F200, s0;
	s13 =	smul.u32 $0x13C00, s9  }
0x8: {  	s19 =	sshll.u32 s9, $0x1;
	_ =	strace $0x8000004A;
	[dreg:$0x3] =	wrdreg s6  }
0x9: {  	s18 =	ssub.s32 $0x2, s5;
	s21 =	sor.u32 s5, s19;
	s5 =	smul.u32 $0x13C000, s5  }
0xa: {  	s8 =	sshrl.u32 s18, $0x1;
	s7 =	sshrl.u32 s7, $0x2;
	s15 =	sadd.s32 $0x4000, s13  }
0xb: {  	s17 =	sadd.s32 $0x8000, s13;
	s10 =	smul.u32 $0x2800, s21;
	s19 =	sadd.s32 $0x10000, s13  }
0xc: {  	s20 =	ssub.s32 s18, s8;
	s6 =	sadd.s32 s7, s1;
	s18 =	sadd.s32 $0xC000, s13  }
0xd: {  	s7 =	sadd.s32 s15, s1;
	s8 =	sadd.s32 s17, s1;
	s21 =	sadd.s32 s13, s5  }
0xe: {  	s15 =	sadd.s32 s5, s15;
	s25 =	sadd.s32 s5, s17;
	s9 =	sadd.s32 s18, s1  }
0xf: {  	s16 =	sshrl.u32 s10, $0x3;
	s10 =	sadd.s32 s19, s1;
	s23 =	sshrl.u32 s21, $0x3  }
0x10: {  	s24 =	sshrl.u32 s15, $0x3;
	s26 =	sadd.s32 s5, s18;
	s5 =	sadd.s32 s5, s19  }
0x11: {  	s20 =	smax.u32 s20, $0x1;
	s21 =	simm.s32 $0x2800;
	s11 =	sadd.s32 s3, s16  }
0x12: {  	s22 =	sadd.s32 s14, s16;
	s16 =	sadd.s32 $0x280, s16;
	s15 =	sadd.s32 s0, s23  }
0x13: {  	s18 =	sshrl.u32 s26, $0x3;
	s5 =	sshrl.u32 s5, $0x3;
	[dreg:$0x4] =	wrdreg s11  }
0x14: {  	s23 =	simm.s32 $0x1400;
	s26 =	simm.s32 $0x1;
	[dreg:$0x5] =	wrdreg s22  }
0x15: {  	s3 =	sadd.s32 s3, s16;
	s14 =	sadd.s32 s14, s16;
	s16 =	sadd.s32 s0, s24  }
0x16: {  	s18 =	sadd.s32 s0, s18;
	s19 =	sadd.s32 s0, s5;
	s22 =	simm.s32 $0x3  }
0x17: {  	s24 =	simm.s32 $0x80;
	[dreg:$0x6] =	wrdreg s3;
	s3 =	sshrl.u32 s25, $0x3  }
0x18: {  	s25 =	simm.s32 $0x6800;
	s17 =	sadd.s32 s0, s3;
	s0 =	simm.s32 $0x0  }
.LBB2_1:
0x19: {  	s3 =	rddreg [dreg:$0x3]  }
0x1a: {  	[tilespmem:s21], [sflag:$0x3] =	stream.linear.gather [hbm4b:s3+s2], $0x4000, $0x38;
	[tilespmem:$0x1E400] =	vst v63  }
0x1b: {  	_ =	swait.ge [sflag:s22], $0x4000  }
0x1c: {  	[sflag:s22] =	ssyncset.done $0x0  }
0x1d: {  	[sflag:s22] =	ssyncadd.s32 $0xFFFFC000  }
0x1e: {  	[spmem:s6] =	stream.linear.scatter [tilespmem:s21], [sflag:$0x3], $0x4000, $0x38;
	[tilespmem:$0x1E400] =	vst v63  }
0x1f: {  	_ =	swait.ge [sflag:s22], $0x4000  }
0x20: {  	[sflag:s22] =	ssyncset.done $0x0  }
0x21: {  	[sflag:s22] =	ssyncadd.s32 $0xFFFFC000  }
0x22: {  	[spmem:s7] =	stream.linear.scatter [tilespmem:s21], [sflag:$0x3], $0x4000, $0x38;
	[tilespmem:$0x1E400] =	vst v63  }
0x23: {  	_ =	swait.ge [sflag:s22], $0x4000  }
0x24: {  	[sflag:s22] =	ssyncset.done $0x0  }
0x25: {  	[sflag:s22] =	ssyncadd.s32 $0xFFFFC000  }
0x26: {  	[spmem:s8] =	stream.linear.scatter [tilespmem:s21], [sflag:$0x3], $0x4000, $0x38;
	[tilespmem:$0x1E400] =	vst v63  }
0x27: {  	_ =	swait.ge [sflag:s22], $0x4000  }
0x28: {  	[sflag:s22] =	ssyncset.done $0x0  }
0x29: {  	[sflag:s22] =	ssyncadd.s32 $0xFFFFC000  }
0x2a: {  	[spmem:s9] =	stream.linear.scatter [tilespmem:s21], [sflag:$0x3], $0x4000, $0x38;
	[tilespmem:$0x1E400] =	vst v63  }
0x2b: {  	_ =	swait.ge [sflag:s22], $0x4000  }
0x2c: {  	[sflag:s22] =	ssyncset.done $0x0  }
0x2d: {  	[sflag:s22] =	ssyncadd.s32 $0xFFFFC000  }
0x2e: {  	[spmem:s10] =	stream.linear.scatter [tilespmem:s21], [sflag:$0x3], $0x3C00, $0x38;
	[tilespmem:$0x1E400] =	vst v63  }
0x2f: {  	_ =	swait.ge [sflag:s22], $0x3C00  }
0x30: {  	[sflag:s22] =	ssyncset.done $0x0  }
0x31: {  	[sflag:s22] =	ssyncadd.s32 $0xFFFFC400  }
0x32: {  	[bflag:$0x0] =	sbarrier.arrive $0xFFFF  }
0x33: {  	s12 =	rddreg [dreg:$0x4]  }
0x34: {  	[tilespmem:s2], [sflag:$0x3] =	stream.linear.gather [hbm4b:s12+s2], $0x1400, $0x38;
	[tilespmem:$0x1E400] =	vst v63  }
0x35: {  	_ =	swait.ge [sflag:s22], $0x1400  }
0x36: {  	[sflag:s22] =	ssyncset.done $0x0  }
0x37: {  	s13 =	rddreg [dreg:$0x5];
	[sflag:s22] =	ssyncadd.s32 $0xFFFFEC00  }
0x38: {  	[tilespmem:s23], [sflag:$0x3] =	stream.linear.gather [hbm4b:s13+s2], $0x1400, $0x38;
	[tilespmem:$0x1E400] =	vst v63  }
0x39: {  	_ =	swait.ge [sflag:s22], $0x1400  }
0x3a: {  	[sflag:s22] =	ssyncset.done $0x0  }
0x3b: {  	[sflag:s22] =	ssyncadd.s32 $0xFFFFEC00  }
0x3c: {  	[tilespmem:s21], [sflag:$0x1] =	stream.indirect.gather [hbm4b:s4+s24], $0x80, s2, s24, $0xb8;
	[tilespmem:$0x1E400] =	vst v63  }
0x3d: {  	s5 =	simm.s32 $0x80  }
0x3e: {  	[tilespmem:s25], [sflag:$0x2] =	stream.indirect.gather [hbm4b:s4+s24], $0x80, s5, s24, $0xb8;
	[tilespmem:$0x1E400] =	vst v63  }
0x3f: {  	_ =	swait.ge [sflag:s26], $0x4000  }
0x40: {  	[sflag:s26] =	ssyncset.done $0x0  }
0x41: {  	s11 =	simm.s32 $0x1400;
	[sflag:s26] =	ssyncadd.s32 $0xFFFFC000  }
0x42: {  	[spmem:s1] =	stream.indirect.scatter.add.f32 [tilespmem:s21], [sflag:$0x3], $0x80, s11, s24, $0xb8;
	[tilespmem:$0x1E400] =	vst v63  }
0x43: {  	_ =	swait.ge [sflag:s22], $0x4000  }
0x44: {  	[sflag:s22] =	ssyncset.done $0x0  }
0x45: {  	s12 =	simm.s32 $0x100;
	[sflag:s22] =	ssyncadd.s32 $0xFFFFC000  }
0x46: {  	[tilespmem:s21], [sflag:$0x1] =	stream.indirect.gather [hbm4b:s4+s24], $0x80, s12, s24, $0xb8;
	[tilespmem:$0x1E400] =	vst v63  }
0x47: {  	_ =	swait.ge [sflag:s28], $0x4000  }
0x48: {  	[sflag:s28] =	ssyncset.done $0x0  }
0x49: {  	s13 =	simm.s32 $0x1480;
	[sflag:s28] =	ssyncadd.s32 $0xFFFFC000  }
0x4a: {  	[spmem:s1] =	stream.indirect.scatter.add.f32 [tilespmem:s25], [sflag:$0x3], $0x80, s13, s24, $0xb8;
	[tilespmem:$0x1E400] =	vst v63  }
0x4b: {  	_ =	swait.ge [sflag:s22], $0x4000  }
0x4c: {  	s3 =	simm.s32 $0x100;
	s5 =	simm.s32 $0x800;
	[sflag:s22] =	ssyncset.done $0x0  }
.LBB2_2:
0x4d: {  	s11 =	sadd.s32 $0x80, s3  }
0x4e: {  	[sflag:s22] =	ssyncadd.s32 $0xFFFFC000;
	s12 =	smov.u32 s5;
	s13 =	sadd.s32 $0x400, s5  }
0x4f: {  	[tilespmem:s25], [sflag:$0x2] =	stream.indirect.gather [hbm4b:s4+s24], $0x80, s11, s24, $0xb8;
	[tilespmem:$0x1E400] =	vst v63  }
0x50: {  	p0 =	sne.s32 s5, $0x4800;
	_ =	swait.ge [sflag:s26], $0x4000  }
0x51: {  	[sflag:s26] =	ssyncset.done $0x0  }
0x52: {  	s5 =	sadd.s32 $0x1400, s3;
	[sflag:s26] =	ssyncadd.s32 $0xFFFFC000  }
0x53: {  	[spmem:s1] =	stream.indirect.scatter.add.f32 [tilespmem:s21], [sflag:$0x3], $0x80, s5, s24, $0xb8;
	[tilespmem:$0x1E400] =	vst v63  }
0x54: {  	_ =	swait.ge [sflag:s22], $0x4000  }
0x55: {  	[sflag:s22] =	ssyncset.done $0x0  }
0x56: {  	s5 =	sadd.s32 $0x100, s3;
	[sflag:s22] =	ssyncadd.s32 $0xFFFFC000  }
0x57: {  	[tilespmem:s21], [sflag:$0x1] =	stream.indirect.gather [hbm4b:s4+s24], $0x80, s5, s24, $0xb8;
	[tilespmem:$0x1E400] =	vst v63  }
0x58: {  	_ =	swait.ge [sflag:s28], $0x4000  }
.Ltmp0:
0x59: {  	[sflag:s28] =	ssyncset.done $0x0;
	(pc) =	sbr.rel @p0 .LBB2_2-.Ltmp0, $4  }
0x5a: {  	s3 =	sadd.s32 $0x1480, s3;
	[sflag:s28] =	ssyncadd.s32 $0xFFFFC000  }
0x5b: {  	[spmem:s1] =	stream.indirect.scatter.add.f32 [tilespmem:s25], [sflag:$0x3], $0x80, s3, s24, $0xb8;
	[tilespmem:$0x1E400] =	vst v63  }
0x5c: {  	_ =	swait.ge [sflag:s22], $0x4000  }
0x5d: {  	s5 =	smov.u32 s13;
	s3 =	sshra.s32 s12, $0x2;
	[sflag:s22] =	ssyncset.done $0x0  }
0x5e: {  	s5 =	sadd.s32 $0x80, s3;
	[sflag:s22] =	ssyncadd.s32 $0xFFFFC000  }
0x5f: {  	[tilespmem:s25], [sflag:$0x2] =	stream.indirect.gather [hbm4b:s4+s24], $0x80, s5, s24, $0xb8;
	[tilespmem:$0x1E400] =	vst v63  }
0x60: {  	_ =	swait.ge [sflag:s26], $0x4000  }
0x61: {  	[sflag:s26] =	ssyncset.done $0x0  }
0x62: {  	s12 =	sadd.s32 $0x1400, s3;
	[sflag:s26] =	ssyncadd.s32 $0xFFFFC000  }
0x63: {  	[spmem:s1] =	stream.indirect.scatter.add.f32 [tilespmem:s21], [sflag:$0x3], $0x80, s12, s24, $0xb8;
	[tilespmem:$0x1E400] =	vst v63  }
0x64: {  	_ =	swait.ge [sflag:s22], $0x4000  }
0x65: {  	[sflag:s22] =	ssyncset.done $0x0  }
0x66: {  	s13 =	sadd.s32 $0x100, s3;
	[sflag:s22] =	ssyncadd.s32 $0xFFFFC000  }
0x67: {  	[tilespmem:s21], [sflag:$0x1] =	stream.indirect.gather [hbm4b:s4+s24], $0x80, s13, s24, $0xb8;
	[tilespmem:$0x1E400] =	vst v63  }
0x68: {  	_ =	swait.ge [sflag:s28], $0x4000  }
0x69: {  	[sflag:s28] =	ssyncset.done $0x0  }
0x6a: {  	s11 =	sadd.s32 $0x1480, s3;
	[sflag:s28] =	ssyncadd.s32 $0xFFFFC000  }
0x6b: {  	[spmem:s1] =	stream.indirect.scatter.add.f32 [tilespmem:s25], [sflag:$0x3], $0x80, s11, s24, $0xb8;
	[tilespmem:$0x1E400] =	vst v63  }
0x6c: {  	_ =	swait.ge [sflag:s22], $0x4000  }
0x6d: {  	[sflag:s22] =	ssyncset.done $0x0  }
0x6e: {  	[sflag:s22] =	ssyncadd.s32 $0xFFFFC000  }
0x6f: {  	[tilespmem:s25], [sflag:$0x2] =	stream.indirect.gather [hbm4b:s4+s24], $0x80, s29, s24, $0xb8;
	[tilespmem:$0x1E400] =	vst v63  }
0x70: {  	_ =	swait.ge [sflag:s26], $0x4000  }
0x71: {  	[sflag:s26] =	ssyncset.done $0x0  }
0x72: {  	[sflag:s26] =	ssyncadd.s32 $0xFFFFC000  }
0x73: {  	[spmem:s1] =	stream.indirect.scatter.add.f32 [tilespmem:s21], [sflag:$0x3], $0x80, s30, s24, $0xb8;
	[tilespmem:$0x1E400] =	vst v63  }
0x74: {  	_ =	swait.ge [sflag:s22], $0x4000  }
0x75: {  	[sflag:s22] =	ssyncset.done $0x0  }
0x76: {  	[sflag:s22] =	ssyncadd.s32 $0xFFFFC000  }
0x77: {  	_ =	swait.ge [sflag:s28], $0x4000  }
0x78: {  	[sflag:s28] =	ssyncset.done $0x0  }
0x79: {  	[sflag:s28] =	ssyncadd.s32 $0xFFFFC000  }
0x7a: {  	[spmem:s1] =	stream.indirect.scatter.add.f32 [tilespmem:s25], [sflag:$0x3], $0x80, s31, s24, $0xb8;
	[tilespmem:$0x1E400] =	vst v63  }
0x7b: {  	_ =	swait.ge [sflag:s22], $0x4000  }
0x7c: {  	[sflag:s22] =	ssyncset.done $0x0  }
0x7d: {  	s12 =	simm.s32 $0x0;
	s13 =	rddreg [dreg:$0x6];
	[sflag:s22] =	ssyncadd.s32 $0xFFFFC000  }
0x7e: {  	[tilespmem:s12], [sflag:$0x3] =	stream.linear.gather [hbm4b:s13+s12], $0x1400, $0x38;
	[tilespmem:$0x1E400] =	vst v63  }
0x7f: {  	_ =	swait.ge [sflag:s22], $0x1400  }
0x80: {  	[sflag:s22] =	ssyncset.done $0x0  }
0x81: {  	[sflag:s22] =	ssyncadd.s32 $0xFFFFEC00  }
0x82: {  	[tilespmem:s23], [sflag:$0x3] =	stream.linear.gather [hbm4b:s14+s12], $0x1400, $0x38;
	[tilespmem:$0x1E400] =	vst v63  }
0x83: {  	_ =	swait.ge [sflag:s22], $0x1400  }
0x84: {  	[sflag:s22] =	ssyncset.done $0x0  }
0x85: {  	[sflag:s22] =	ssyncadd.s32 $0xFFFFEC00  }
0x86: {  	[tilespmem:s21], [sflag:$0x1] =	stream.indirect.gather [hbm4b:s4+s24], $0x80, s12, s24, $0xb8;
	[tilespmem:$0x1E400] =	vst v63  }
0x87: {  	s5 =	simm.s32 $0x80  }
0x88: {  	[tilespmem:s25], [sflag:$0x2] =	stream.indirect.gather [hbm4b:s4+s24], $0x80, s5, s24, $0xb8;
	[tilespmem:$0x1E400] =	vst v63  }
0x89: {  	_ =	swait.ge [sflag:s26], $0x4000  }
0x8a: {  	[sflag:s26] =	ssyncset.done $0x0  }
0x8b: {  	s11 =	simm.s32 $0x1400;
	[sflag:s26] =	ssyncadd.s32 $0xFFFFC000  }
0x8c: {  	[spmem:s1] =	stream.indirect.scatter.add.f32 [tilespmem:s21], [sflag:$0x3], $0x80, s11, s24, $0xb8;
	[tilespmem:$0x1E400] =	vst v63  }
0x8d: {  	_ =	swait.ge [sflag:s22], $0x4000  }
0x8e: {  	[sflag:s22] =	ssyncset.done $0x0  }
0x8f: {  	s12 =	simm.s32 $0x100;
	[sflag:s22] =	ssyncadd.s32 $0xFFFFC000  }
0x90: {  	[tilespmem:s21], [sflag:$0x1] =	stream.indirect.gather [hbm4b:s4+s24], $0x80, s12, s24, $0xb8;
	[tilespmem:$0x1E400] =	vst v63  }
0x91: {  	_ =	swait.ge [sflag:s28], $0x4000  }
0x92: {  	[sflag:s28] =	ssyncset.done $0x0  }
0x93: {  	s13 =	simm.s32 $0x1480;
	[sflag:s28] =	ssyncadd.s32 $0xFFFFC000  }
0x94: {  	[spmem:s1] =	stream.indirect.scatter.add.f32 [tilespmem:s25], [sflag:$0x3], $0x80, s13, s24, $0xb8;
	[tilespmem:$0x1E400] =	vst v63  }
0x95: {  	_ =	swait.ge [sflag:s22], $0x4000  }
0x96: {  	s3 =	simm.s32 $0x100;
	s5 =	simm.s32 $0x800;
	[sflag:s22] =	ssyncset.done $0x0  }
.LBB2_4:
0x97: {  	s11 =	sadd.s32 $0x80, s3  }
0x98: {  	[sflag:s22] =	ssyncadd.s32 $0xFFFFC000;
	s12 =	smov.u32 s5;
	s13 =	sadd.s32 $0x400, s5  }
0x99: {  	[tilespmem:s25], [sflag:$0x2] =	stream.indirect.gather [hbm4b:s4+s24], $0x80, s11, s24, $0xb8;
	[tilespmem:$0x1E400] =	vst v63  }
0x9a: {  	p0 =	sne.s32 s5, $0x4800;
	_ =	swait.ge [sflag:s26], $0x4000  }
0x9b: {  	[sflag:s26] =	ssyncset.done $0x0  }
0x9c: {  	s5 =	sadd.s32 $0x1400, s3;
	[sflag:s26] =	ssyncadd.s32 $0xFFFFC000  }
0x9d: {  	[spmem:s1] =	stream.indirect.scatter.add.f32 [tilespmem:s21], [sflag:$0x3], $0x80, s5, s24, $0xb8;
	[tilespmem:$0x1E400] =	vst v63  }
0x9e: {  	_ =	swait.ge [sflag:s22], $0x4000  }
0x9f: {  	[sflag:s22] =	ssyncset.done $0x0  }
0xa0: {  	s5 =	sadd.s32 $0x100, s3;
	[sflag:s22] =	ssyncadd.s32 $0xFFFFC000  }
0xa1: {  	[tilespmem:s21], [sflag:$0x1] =	stream.indirect.gather [hbm4b:s4+s24], $0x80, s5, s24, $0xb8;
	[tilespmem:$0x1E400] =	vst v63  }
0xa2: {  	_ =	swait.ge [sflag:s28], $0x4000  }
.Ltmp1:
0xa3: {  	[sflag:s28] =	ssyncset.done $0x0;
	(pc) =	sbr.rel @p0 .LBB2_4-.Ltmp1, $4  }
0xa4: {  	s3 =	sadd.s32 $0x1480, s3;
	[sflag:s28] =	ssyncadd.s32 $0xFFFFC000  }
0xa5: {  	[spmem:s1] =	stream.indirect.scatter.add.f32 [tilespmem:s25], [sflag:$0x3], $0x80, s3, s24, $0xb8;
	[tilespmem:$0x1E400] =	vst v63  }
0xa6: {  	_ =	swait.ge [sflag:s22], $0x4000  }
0xa7: {  	s5 =	smov.u32 s13;
	s3 =	sshra.s32 s12, $0x2;
	[sflag:s22] =	ssyncset.done $0x0  }
0xa8: {  	s5 =	sadd.s32 $0x80, s3;
	[sflag:s22] =	ssyncadd.s32 $0xFFFFC000  }
0xa9: {  	[tilespmem:s25], [sflag:$0x2] =	stream.indirect.gather [hbm4b:s4+s24], $0x80, s5, s24, $0xb8;
	[tilespmem:$0x1E400] =	vst v63  }
0xaa: {  	_ =	swait.ge [sflag:s26], $0x4000  }
0xab: {  	[sflag:s26] =	ssyncset.done $0x0  }
0xac: {  	s11 =	sadd.s32 $0x1400, s3;
	[sflag:s26] =	ssyncadd.s32 $0xFFFFC000  }
0xad: {  	[spmem:s1] =	stream.indirect.scatter.add.f32 [tilespmem:s21], [sflag:$0x3], $0x80, s11, s24, $0xb8;
	[tilespmem:$0x1E400] =	vst v63  }
0xae: {  	_ =	swait.ge [sflag:s22], $0x4000  }
0xaf: {  	[sflag:s22] =	ssyncset.done $0x0  }
0xb0: {  	s12 =	sadd.s32 $0x100, s3;
	[sflag:s22] =	ssyncadd.s32 $0xFFFFC000  }
0xb1: {  	[tilespmem:s21], [sflag:$0x1] =	stream.indirect.gather [hbm4b:s4+s24], $0x80, s12, s24, $0xb8;
	[tilespmem:$0x1E400] =	vst v63  }
0xb2: {  	_ =	swait.ge [sflag:s28], $0x4000  }
0xb3: {  	[sflag:s28] =	ssyncset.done $0x0  }
0xb4: {  	s13 =	sadd.s32 $0x1480, s3;
	[sflag:s28] =	ssyncadd.s32 $0xFFFFC000  }
0xb5: {  	[spmem:s1] =	stream.indirect.scatter.add.f32 [tilespmem:s25], [sflag:$0x3], $0x80, s13, s24, $0xb8;
	[tilespmem:$0x1E400] =	vst v63  }
0xb6: {  	_ =	swait.ge [sflag:s22], $0x4000  }
0xb7: {  	[sflag:s22] =	ssyncset.done $0x0  }
0xb8: {  	[sflag:s22] =	ssyncadd.s32 $0xFFFFC000  }
0xb9: {  	[tilespmem:s25], [sflag:$0x2] =	stream.indirect.gather [hbm4b:s4+s24], $0x80, s29, s24, $0xb8;
	[tilespmem:$0x1E400] =	vst v63  }
0xba: {  	_ =	swait.ge [sflag:s26], $0x4000  }
0xbb: {  	[sflag:s26] =	ssyncset.done $0x0  }
0xbc: {  	[sflag:s26] =	ssyncadd.s32 $0xFFFFC000  }
0xbd: {  	[spmem:s1] =	stream.indirect.scatter.add.f32 [tilespmem:s21], [sflag:$0x3], $0x80, s30, s24, $0xb8;
	[tilespmem:$0x1E400] =	vst v63  }
0xbe: {  	_ =	swait.ge [sflag:s22], $0x4000  }
0xbf: {  	[sflag:s22] =	ssyncset.done $0x0  }
0xc0: {  	[sflag:s22] =	ssyncadd.s32 $0xFFFFC000  }
0xc1: {  	_ =	swait.ge [sflag:s28], $0x4000  }
0xc2: {  	[sflag:s28] =	ssyncset.done $0x0  }
0xc3: {  	[sflag:s28] =	ssyncadd.s32 $0xFFFFC000  }
0xc4: {  	[spmem:s1] =	stream.indirect.scatter.add.f32 [tilespmem:s25], [sflag:$0x3], $0x80, s31, s24, $0xb8;
	[tilespmem:$0x1E400] =	vst v63  }
0xc5: {  	_ =	swait.ge [sflag:s22], $0x4000  }
0xc6: {  	[sflag:s22] =	ssyncset.done $0x0  }
0xc7: {  	[sflag:s22] =	ssyncadd.s32 $0xFFFFC000  }
0xc8: {  	[bflag:$0x0] =	sbarrier.arrive $0xFFFF  }
0xc9: {  	[tilespmem:s21], [sflag:$0x3] =	stream.linear.gather [spmem:s6], $0x4000, $0x38;
	[tilespmem:$0x1E400] =	vst v63  }
0xca: {  	_ =	swait.ge [sflag:s22], $0x4000  }
0xcb: {  	[sflag:s22] =	ssyncset.done $0x0  }
0xcc: {  	[sflag:s22] =	ssyncadd.s32 $0xFFFFC000  }
0xcd: {  	[hbm4b:s15+s2] =	stream.linear.scatter [tilespmem:s21], [sflag:$0x3], $0x4000, $0x38;
	[tilespmem:$0x1E400] =	vst v63  }
0xce: {  	_ =	swait.ge [sflag:s22], $0x4000  }
0xcf: {  	[sflag:s22] =	ssyncset.done $0x0  }
0xd0: {  	[sflag:s22] =	ssyncadd.s32 $0xFFFFC000  }
0xd1: {  	[tilespmem:s21], [sflag:$0x3] =	stream.linear.gather [spmem:s7], $0x4000, $0x38;
	[tilespmem:$0x1E400] =	vst v63  }
0xd2: {  	_ =	swait.ge [sflag:s22], $0x4000  }
0xd3: {  	[sflag:s22] =	ssyncset.done $0x0  }
0xd4: {  	[sflag:s22] =	ssyncadd.s32 $0xFFFFC000  }
0xd5: {  	[hbm4b:s16+s2] =	stream.linear.scatter [tilespmem:s21], [sflag:$0x3], $0x4000, $0x38;
	[tilespmem:$0x1E400] =	vst v63  }
0xd6: {  	_ =	swait.ge [sflag:s22], $0x4000  }
0xd7: {  	[sflag:s22] =	ssyncset.done $0x0  }
0xd8: {  	[sflag:s22] =	ssyncadd.s32 $0xFFFFC000  }
0xd9: {  	[tilespmem:s21], [sflag:$0x3] =	stream.linear.gather [spmem:s8], $0x4000, $0x38;
	[tilespmem:$0x1E400] =	vst v63  }
0xda: {  	_ =	swait.ge [sflag:s22], $0x4000  }
0xdb: {  	[sflag:s22] =	ssyncset.done $0x0  }
0xdc: {  	[sflag:s22] =	ssyncadd.s32 $0xFFFFC000  }
0xdd: {  	[hbm4b:s17+s2] =	stream.linear.scatter [tilespmem:s21], [sflag:$0x3], $0x4000, $0x38;
	[tilespmem:$0x1E400] =	vst v63  }
0xde: {  	_ =	swait.ge [sflag:s22], $0x4000  }
0xdf: {  	[sflag:s22] =	ssyncset.done $0x0  }
0xe0: {  	[sflag:s22] =	ssyncadd.s32 $0xFFFFC000  }
0xe1: {  	[tilespmem:s21], [sflag:$0x3] =	stream.linear.gather [spmem:s9], $0x4000, $0x38;
	[tilespmem:$0x1E400] =	vst v63  }
0xe2: {  	_ =	swait.ge [sflag:s22], $0x4000  }
0xe3: {  	[sflag:s22] =	ssyncset.done $0x0  }
0xe4: {  	[sflag:s22] =	ssyncadd.s32 $0xFFFFC000  }
0xe5: {  	[hbm4b:s18+s2] =	stream.linear.scatter [tilespmem:s21], [sflag:$0x3], $0x4000, $0x38;
	[tilespmem:$0x1E400] =	vst v63  }
0xe6: {  	_ =	swait.ge [sflag:s22], $0x4000  }
0xe7: {  	[sflag:s22] =	ssyncset.done $0x0  }
0xe8: {  	[sflag:s22] =	ssyncadd.s32 $0xFFFFC000  }
0xe9: {  	[tilespmem:s21], [sflag:$0x3] =	stream.linear.gather [spmem:s10], $0x3C00, $0x38;
	[tilespmem:$0x1E400] =	vst v63  }
0xea: {  	s0 =	sadd.s32 $0x1, s0;
	_ =	swait.ge [sflag:s22], $0x3C00  }
0xeb: {  	p0 =	sne.s32 s0, s20;
	[sflag:s22] =	ssyncset.done $0x0  }
.Ltmp2:
0xec: {  	[sflag:s22] =	ssyncadd.s32 $0xFFFFC400;
	(pc) =	sbr.rel @p0 .LBB2_1-.Ltmp2, $4  }
0xed: {  	[hbm4b:s19+s2] =	stream.linear.scatter [tilespmem:s21], [sflag:$0x3], $0x3C00, $0x38;
	[tilespmem:$0x1E400] =	vst v63  }
0xee: {  	_ =	swait.ge [sflag:s22], $0x3C00  }
0xef: {  	[sflag:s22] =	ssyncset.done $0x0  }
0xf0: {  	[sflag:s22] =	ssyncadd.s32 $0xFFFFC400  }
0xf1: {  	_ =	sfence.sel $0x180000  }
0xf2: {  	[bflag:$0x0] =	sbarrier.arrive $0xFFFF  }
0xf3: {  	_ =	strace $0x9000004A  }
0xf4: {  	s0 =	stileid.u32;
	[bflag:$0x2] =	sbarrier.arrive $0xFFFF  }
0xf5: {  	p0 =	sne.s32 s0, $0x0;
	s0 =	rddreg [dreg:$0x2]  }
0xf6: {  	s0 =	sadd.s32 @!p0 $0x100000, s0  }
0xf7: {  	[sflag:s0] =	ssyncadd.tile.s32 @!p0 $0x1;
	_ =	shalt  }
.Lfunc_end2:
_tile_overlayer_lowered:
.L_overlay_start_2:
0xf8: {  	(tag) =	ssettag $0x2  }
0xf9: {  	s0 =	rddreg [dreg:$0x0];
	s2 =	stileid.u32  }
0xfa: {  	s1 =	rddreg [dreg:$0x1];
	p0 =	sne.s32 s2, $0x0  }
0xfb: {  	s3 =	rddreg [dreg:$0x2];
	[bflag:$0x3] =	sbarrier.arrive $0xFFFF;
	s2 =	simm.s32 @!p0 $0x1C03  }
0xfc: {  	[timem:s3], [sflag:s2] =	dma.local @!p0 [hbm:s0], s1  }
0xfd: {  	s0 =	simm.s32 @!p0 $0x3  }
0xfe: {  	_ =	swait.ge @!p0 [sflag:s0], s1  }
0xff: {  	s1 =	ssub.s32 @!p0 $0x0, s1;
	[sflag:s0] =	ssyncset.done @!p0 $0x0  }
0x100: {  	[sflag:s0] =	ssyncadd.s32 @!p0 s1  }
0x101: {  	[bflag:$0x3] =	sbarrier.arrive $0xFFFF  }
0x102: {  	_ =	shalt  }

// kernel: kernel.16.cloned.1.call-start
scs
__scs_entry_jumppad:
0x0: {  	(pc) =	sbr.rel $0x88, $3  }
0x1: {  	(tag) =	ssettag $0x0;
	lr =	simm.s32 $0x1  }
0x2: {  	[smem:$0x3F95] =	sst lr;
	_ =	strace $0xD0000000  }
0x3: {  	_ = 	snop  }
0x4: {  	_ = 	snop  }
0x5: {  	_ = 	snop  }
0x6: {  	_ = 	snop  }
0x7: {  	_ = 	snop  }
__scs_overlays_trampoline_lowered:
0x8: {  	[smem:$0x3FA4] =	sst s0  }
0x9: {  	[smem:$0x3FA5] =	sst s1  }
0xa: {  	[smem:$0x3FA6] =	sst s2  }
0xb: {  	[smem:$0x3FA7] =	sst s3  }
0xc: {  	[smem:$0x3FA8] =	sst s4  }
0xd: {  	[smem:$0x3FA9] =	sst s5  }
0xe: {  	[smem:$0x3FAA] =	sst s6  }
0xf: {  	[smem:$0x3FAB] =	sst s7  }
0x10: {  	[smem:$0x3FAC] =	sst s8  }
0x11: {  	[smem:$0x3FAD] =	sst s9;
	s0 =	simm.s32 @!p0 $0x0  }
0x12: {  	s1 =	sld [smem:$0x3F93];
	s0 =	simm.s32 @p0 $0x1  }
0x13: {  	[smem:$0x3FAE] =	sst s0;
	s0 =	simm.s32 @!p1 $0x0  }
0x14: {  	s2 =	sld [smem:$0x3F92];
	s0 =	simm.s32 @p1 $0x1  }
0x15: {  	[smem:$0x3FAF] =	sst s0;
	s0 =	simm.s32 @!p2 $0x0  }
0x16: {  	s3 =	sld [smem:$0x3FDB];
	s0 =	simm.s32 @p2 $0x1  }
0x17: {  	s4 =	simm.s32 $0x1BF5;
	[smem:$0x3FB1] =	sst s0  }
0x18: {  	s0 =	sld [smem:$0x3F94];
	_ =	swait.ge [sflag:s4], $0x0  }
0x19: {  	s7 =	sld [smem:$0x3F95]  }
0x1a: {  	s8 =	sadd.s32 $0xFFFFE003, lr  }
0x1b: {  	s9 =	sadd.s32 $0xFFFFFEF7, lr;
	s5 =	simm.s32 $0xFFFFFFFF;
	p2 =	slt.u32 s8, $0xFFFFF086  }
0x1c: {  	p1 =	slt.u32 s9, $0xF7A;
	s5 =	simm.s32 @!p2 $0x0  }
0x1d: {  	s5 =	simm.s32 @p1 $0x1;
	p0 =	seq.s32 s7, s2  }
0x1e: {  	s7 =	smul.u32 @!p0 $0xF7A, s2;
	p2 =	seq.s32 @!p0 s5, $0x0  }
0x1f: {  	s9 =	smul.u32 $0xF7A, s1;
	s8 =	simm.s32 @!p0 $0x1BF5;
	p2 =	por !p2, p0  }
0x20: {  	[sflag:s8] =	ssyncset.s32 @!p0 $0xFFFFF086;
	s6 =	sadd.s32 @!p0 s3, s7;
	s7 =	simm.s32 @!p0 $0x108  }
0x21: {  	s3 =	sadd.s32 s3, s9;
	s6 =	sadd.s32 @!p0 $0x88, s6;
	s7 =	simm.s32 @p2 $0x1082  }
0x22: {  	[simem:s7], [sflag:s8] =	dma.local @!p0 [hbm:s6], $0xF7A  }
0x23: {  	s9 =	sor.u32 $0xD0000000, s2;
	s6 =	simm.s32 $0x108;
	_ =	swait.ge @!p0 [sflag:s8], $0x0  }
0x24: {  	s3 =	sadd.s32 $0x88, s3;
	s6 =	simm.s32 @!p1 $0x1082;
	[sflag:s4] =	ssyncset.s32 $0xFFFFF086  }
0x25: {  	[simem:s6], [sflag:s4] =	dma.local [hbm:s3], $0xF7A  }
0x26: {  	[smem:$0x3F95] =	sst s1;
	(tag) =	ssettag s2;
	_ =	strace s9  }
0x27: {  	s1 =	sld [smem:$0x3FA5]  }
0x28: {  	s2 =	sld [smem:$0x3FA6]  }
0x29: {  	s4 =	sld [smem:$0x3FA8]  }
0x2a: {  	p0 =	seq.s32 s5, $0x0;
	s5 =	sld [smem:$0x3FA9]  }
0x2b: {  	s6 =	sld [smem:$0x3FAA]  }
0x2c: {  	s7 =	sld [smem:$0x3FAB]  }
0x2d: {  	s3 =	simm.s32 $0x108;
	s8 =	sld [smem:$0x3FAC]  }
0x2e: {  	s3 =	simm.s32 @!p0 $0x1082;
	s9 =	sld [smem:$0x3FAD]  }
0x2f: {  	lr =	sadd.s32 s0, s3;
	s0 =	sld [smem:$0x3FA4]  }
0x30: {  	s3 =	sld [smem:$0x3FA7]  }
0x31: {  	[smem:$0x3FB0] =	sst s10  }
0x32: {  	s10 =	sld [smem:$0x3FAE];
	_ =	sdelay $0x3  }
0x33: {  	p0 =	seq.s32 s10, $0x1;
	s10 =	sld [smem:$0x3FB0];
	_ =	sdelay $0x3  }
0x34: {  	[smem:$0x3FB0] =	sst s10  }
0x35: {  	s10 =	sld [smem:$0x3FAF];
	_ =	sdelay $0x3  }
0x36: {  	p1 =	seq.s32 s10, $0x1;
	s10 =	sld [smem:$0x3FB0];
	_ =	sdelay $0x3  }
0x37: {  	[smem:$0x3FB0] =	sst s10  }
0x38: {  	s10 =	sld [smem:$0x3FB1]  }
0x39: {  	_ = 	snop;
	(pc) =	sbr.ind lr, $3  }
0x3a: {  	_ = 	snop  }
0x3b: {  	_ = 	snop  }
0x3c: {  	p2 =	seq.s32 s10, $0x1;
	s10 =	sld [smem:$0x3FB0]  }
0x3d: {  	_ =	shalt  }
0x3e: {  	_ =	shalt  }
0x3f: {  	_ =	shalt  }
0x40: {  	_ =	shalt  }
0x41: {  	_ =	shalt  }
0x42: {  	_ =	shalt  }
0x43: {  	_ =	shalt  }
0x44: {  	_ =	shalt  }
0x45: {  	_ =	shalt  }
0x46: {  	_ =	shalt  }
0x47: {  	_ =	shalt  }
0x48: {  	_ =	shalt  }
0x49: {  	_ =	shalt  }
0x4a: {  	_ =	shalt  }
0x4b: {  	_ =	shalt  }
0x4c: {  	_ =	shalt  }
0x4d: {  	_ =	shalt  }
0x4e: {  	_ =	shalt  }
0x4f: {  	_ =	shalt  }
0x50: {  	_ =	shalt  }
0x51: {  	_ =	shalt  }
0x52: {  	_ =	shalt  }
0x53: {  	_ =	shalt  }
0x54: {  	_ =	shalt  }
0x55: {  	_ =	shalt  }
0x56: {  	_ =	shalt  }
0x57: {  	_ =	shalt  }
0x58: {  	_ =	shalt  }
0x59: {  	_ =	shalt  }
0x5a: {  	_ =	shalt  }
0x5b: {  	_ =	shalt  }
0x5c: {  	_ =	shalt  }
0x5d: {  	_ =	shalt  }
0x5e: {  	_ =	shalt  }
0x5f: {  	_ =	shalt  }
0x60: {  	_ =	shalt  }
0x61: {  	_ =	shalt  }
0x62: {  	_ =	shalt  }
0x63: {  	_ =	shalt  }
0x64: {  	_ =	shalt  }
0x65: {  	_ =	shalt  }
0x66: {  	_ =	shalt  }
0x67: {  	_ =	shalt  }
0x68: {  	_ =	shalt  }
0x69: {  	_ =	shalt  }
0x6a: {  	_ =	shalt  }
0x6b: {  	_ =	shalt  }
0x6c: {  	_ =	shalt  }
0x6d: {  	_ =	shalt  }
0x6e: {  	_ =	shalt  }
0x6f: {  	_ =	shalt  }
0x70: {  	_ =	shalt  }
0x71: {  	_ =	shalt  }
0x72: {  	_ =	shalt  }
0x73: {  	_ =	shalt  }
0x74: {  	_ =	shalt  }
0x75: {  	_ =	shalt  }
0x76: {  	_ =	shalt  }
0x77: {  	_ =	shalt  }
0x78: {  	_ =	shalt  }
0x79: {  	_ =	shalt  }
0x7a: {  	_ =	shalt  }
0x7b: {  	_ =	shalt  }
0x7c: {  	_ =	shalt  }
0x7d: {  	_ =	shalt  }
0x7e: {  	_ =	shalt  }
0x7f: {  	_ =	shalt  }
0x80: {  	_ =	shalt  }
0x81: {  	_ =	shalt  }
0x82: {  	_ =	shalt  }
0x83: {  	_ =	shalt  }
0x84: {  	_ =	shalt  }
0x85: {  	_ =	shalt  }
0x86: {  	_ =	shalt  }
0x87: {  	_ =	shalt  }
.Lfunc_end0:
.L_simem_size_0:
called_computation.2_lowered:
.L_overlay_start_0:
0x88: {  	s2 =	sld [smem:$0x3FD9]  }
0x89: {  	s3 =	sld [smem:$0x3FFE];
	_ =	sdelay $0x1  }
0x8a: {  	s1 =	srdreg.scid  }
0x8b: {  	s0 =	sand.u32 $0x1, s1  }
0x8c: {  	s16 =	sshll.u32 s0, $0xA;
	s2 =	sadd.s32 s3, s2  }
0x8d: {  	s2 =	sadd.s32 s2, s16  }
0x8e: {  	[smem:$0x3FBC] =	sst s2  }
0x8f: {  	_ = 	snop  }
0x90: {  	(tm) =	ssettm $0x1  }
0x91: {  	s17 =	sld [smem:$0x3FFB];
	_ =	sdelay $0x3  }
0x92: {  	_ =	strace s17  }
0x93: {  	s2 =	sld [smem:$0x3FFC];
	_ =	sdelay $0x3  }
0x94: {  	_ =	strace s2  }
0x95: {  	s2 =	sld [smem:$0x3FFD];
	_ =	sdelay $0x3  }
0x96: {  	_ =	strace s2  }
0x97: {  	_ =	strace $0x8FFFFFFF  }
0x98: {  	s18 =	sld [smem:$0x3FDB];
	_ =	sdelay $0x1  }
0x99: {  	s19 =	simm.s32 $_scs_section_size  }
0x9a: {  	s4 =	simm.s32 $_size__tile_overlayer_lowered;
	s5 =	simm.s32 $_tile_overlayer_lowered  }
0x9b: {  	s22 =	simm.s32 $0x1BFF;
	s21 =	sshll.u32 s5, $0x1;
	s2 =	sadd.s32 s19, s18  }
0x9c: {  	s6 =	simm.s32 $0x0;
	s20 =	sshll.u32 s4, $0x1;
	s4 =	sadd.s32 s21, s2  }
0x9d: {  	[timem:s6], [sflag:s22] =	dma.local [hbm:s4], s20  }
0x9e: {  	_ =	swait.ge [sflag:s22], s20  }
0x9f: {  	s3 =	ssub.s32 $0x0, s20;
	[sflag:s22] =	ssyncset.done $0x0  }
0xa0: {  	[sflag:s22] =	ssyncadd.s32 s3;
	_ =	sdelay $0x1  }
0xa1: {  	s23 =	simm.s32 $0x1B8B  }
0xa2: {  	_ =	swait.ge [sflag:s23], $0x1  }
0xa3: {  	[sflag:s23] =	ssyncset.done $0x0  }
0xa4: {  	s25 =	simm.s32 $0x1B8E;
	s24 =	sld [smem:$0x3FFE];
	[sflag:s23] =	ssyncadd.s32 $0xFFFFFFFF  }
0xa5: {  	s26 =	simm.s32 $execute0_lowered;
	[smem:$0x3FD2] =	sst s25  }
0xa6: {  	s4 =	sshll.u32 s26, $0x1;
	_ =	strace $0x8000004C;
	[dreg:$0x1] =	wrdreg $0xFFFFFFFF  }
0xa7: {  	s28 =	simm.s32 $_size_execute0_lowered;
	s2 =	sadd.s32 s2, s4;
	[dreg:$0x0] =	wrdreg $0x0  }
0xa8: {  	s4 =	sshll.u32 s28, $0x1;
	[dreg:$0x2] =	wrdreg s2  }
0xa9: {  	[dreg:$0x3] =	wrdreg s4  }
0xaa: {  	[dreg:$0x4] =	wrdreg $0xC0  }
0xab: {  	_ =	task [dreg:s6], $0x5FFFF  }
0xac: {  	[dreg:$0x1] =	wrdreg $0xFFFFFFFF  }
0xad: {  	[dreg:$0x0] =	wrdreg $0x60  }
0xae: {  	[dreg:$0x2] =	wrdreg s24  }
0xaf: {  	[dreg:$0x3] =	wrdreg $0xA8000  }
0xb0: {  	[dreg:$0x4] =	wrdreg $0x9  }
0xb1: {  	_ =	task.clear_ibuf [dreg:s6], $0x5FFFF;
	_ =	strace $0x9000004C  }
0xb2: {  	s29 =	simm.s32 $0x9;
	_ =	strace $0x8000004E  }
0xb3: {  	_ =	swait.ge [sflag:s29], $0x1  }
0xb4: {  	[sflag:s29] =	ssyncadd.s32 $0xFFFFFFFF  }
0xb5: {  	_ =	strace $0x9000004E  }
0xb6: {  	_ =	sfence  }
0xb7: {  	s30 =	sld [smem:$0x0];
	_ =	sdelay $0x2  }
0xb8: {  	s31 =	sshll.u32 s1, $0xD;
	s1 =	sshrl.u32 s1, $0x2  }
0xb9: {  	s3 =	sand.u32 $0x4000, s31;
	s1 =	sadd.s32 s1, s30  }
0xba: {  	s0 =	sor.u32 s3, s0;
	s1 =	sshll.u32 s1, $0x11  }
0xbb: {  	s0 =	sor.u32 s1, s0  }
0xbc: {  	s0 =	sadd.s32 $0x8F2B, s0  }
0xbd: {  	[sflag:s0] =	ssyncadd.remote.s32 $0x1  }
0xbe: {  	_ =	sfence.sel $0xFFFF  }
0xbf: {  	[dreg:$0x0] =	wrdreg $0xFFFFFFFF;
	(pc) =	sbr.abs _section_cstart, $3  }
0xc0: {  	[dreg:$0x1] =	wrdreg $0xFFFFFFFF  }
0xc1: {  	_ =	task.clear_ibuf [dreg:s6], $0x2FFFF;
	_ =	strace $0x9FFFFFFF  }
0xc2: {  	(tm) =	ssettm $0x7FFFFFFF  }
0xc3: {  	_ =	shalt  }
tec
execute0_lowered:
.L_overlay_start_1:
0x0: {  	(tag) =	ssettag $0x1  }
0x1: {  	s0 =	rddreg [dreg:$0x0]  }
0x2: {  	s1 =	rddreg [dreg:$0x1];
	s2 =	simm.s32 $0x0  }
0x3: {  	s5 =	srdreg.scid;
	s9 =	stileid.u32;
	s28 =	simm.s32 $0x2  }
0x4: {  	s29 =	simm.s32 $0x1380;
	s30 =	simm.s32 $0x2700;
	s31 =	simm.s32 $0x2780  }
0x5: {  	[smem:$0x7FF] =	sst s2;
	s4 =	sadd.s32 $0x18000, s0;
	s3 =	sadd.s32 $0xD800, s0  }
0x6: {  	s14 =	sadd.s32 $0x3800, s0;
	s5 =	sand.u32 $0x1, s5;
	s7 =	smul.u32 $0x4F000, s9  }
0x7: {  	s6 =	sadd.s32 $0x17800, s0;
	s0 =	sadd.s32 $0x3F200, s0;
	s13 =	smul.u32 $0x13C00, s9  }
0x8: {  	s19 =	sshll.u32 s9, $0x1;
	_ =	strace $0x8000004D;
	[dreg:$0x3] =	wrdreg s6  }
0x9: {  	s18 =	ssub.s32 $0x2, s5;
	s21 =	sor.u32 s5, s19;
	s5 =	smul.u32 $0x13C000, s5  }
0xa: {  	s8 =	sshrl.u32 s18, $0x1;
	s7 =	sshrl.u32 s7, $0x2;
	s15 =	sadd.s32 $0x4000, s13  }
0xb: {  	s17 =	sadd.s32 $0x8000, s13;
	s10 =	smul.u32 $0x2800, s21;
	s19 =	sadd.s32 $0x10000, s13  }
0xc: {  	s20 =	ssub.s32 s18, s8;
	s6 =	sadd.s32 s7, s1;
	s18 =	sadd.s32 $0xC000, s13  }
0xd: {  	s7 =	sadd.s32 s15, s1;
	s8 =	sadd.s32 s17, s1;
	s21 =	sadd.s32 s13, s5  }
0xe: {  	s15 =	sadd.s32 s5, s15;
	s25 =	sadd.s32 s5, s17;
	s9 =	sadd.s32 s18, s1  }
0xf: {  	s16 =	sshrl.u32 s10, $0x3;
	s10 =	sadd.s32 s19, s1;
	s23 =	sshrl.u32 s21, $0x3  }
0x10: {  	s24 =	sshrl.u32 s15, $0x3;
	s26 =	sadd.s32 s5, s18;
	s5 =	sadd.s32 s5, s19  }
0x11: {  	s20 =	smax.u32 s20, $0x1;
	s21 =	simm.s32 $0x2800;
	s11 =	sadd.s32 s3, s16  }
0x12: {  	s22 =	sadd.s32 s14, s16;
	s16 =	sadd.s32 $0x280, s16;
	s15 =	sadd.s32 s0, s23  }
0x13: {  	s18 =	sshrl.u32 s26, $0x3;
	s5 =	sshrl.u32 s5, $0x3;
	[dreg:$0x4] =	wrdreg s11  }
0x14: {  	s23 =	simm.s32 $0x1400;
	s26 =	simm.s32 $0x1;
	[dreg:$0x5] =	wrdreg s22  }
0x15: {  	s3 =	sadd.s32 s3, s16;
	s14 =	sadd.s32 s14, s16;
	s16 =	sadd.s32 s0, s24  }
0x16: {  	s18 =	sadd.s32 s0, s18;
	s19 =	sadd.s32 s0, s5;
	s22 =	simm.s32 $0x3  }
0x17: {  	s24 =	simm.s32 $0x80;
	[dreg:$0x6] =	wrdreg s3;
	s3 =	sshrl.u32 s25, $0x3  }
0x18: {  	s25 =	simm.s32 $0x6800;
	s17 =	sadd.s32 s0, s3;
	s0 =	simm.s32 $0x0  }
.LBB2_1:
0x19: {  	s3 =	rddreg [dreg:$0x3]  }
0x1a: {  	[tilespmem:s21], [sflag:$0x3] =	stream.linear.gather [hbm4b:s3+s2], $0x4000, $0x38;
	[tilespmem:$0x1E400] =	vst v63  }
0x1b: {  	_ =	swait.ge [sflag:s22], $0x4000  }
0x1c: {  	[sflag:s22] =	ssyncset.done $0x0  }
0x1d: {  	[sflag:s22] =	ssyncadd.s32 $0xFFFFC000  }
0x1e: {  	[spmem:s6] =	stream.linear.scatter [tilespmem:s21], [sflag:$0x3], $0x4000, $0x38;
	[tilespmem:$0x1E400] =	vst v63  }
0x1f: {  	_ =	swait.ge [sflag:s22], $0x4000  }
0x20: {  	[sflag:s22] =	ssyncset.done $0x0  }
0x21: {  	[sflag:s22] =	ssyncadd.s32 $0xFFFFC000  }
0x22: {  	[spmem:s7] =	stream.linear.scatter [tilespmem:s21], [sflag:$0x3], $0x4000, $0x38;
	[tilespmem:$0x1E400] =	vst v63  }
0x23: {  	_ =	swait.ge [sflag:s22], $0x4000  }
0x24: {  	[sflag:s22] =	ssyncset.done $0x0  }
0x25: {  	[sflag:s22] =	ssyncadd.s32 $0xFFFFC000  }
0x26: {  	[spmem:s8] =	stream.linear.scatter [tilespmem:s21], [sflag:$0x3], $0x4000, $0x38;
	[tilespmem:$0x1E400] =	vst v63  }
0x27: {  	_ =	swait.ge [sflag:s22], $0x4000  }
0x28: {  	[sflag:s22] =	ssyncset.done $0x0  }
0x29: {  	[sflag:s22] =	ssyncadd.s32 $0xFFFFC000  }
0x2a: {  	[spmem:s9] =	stream.linear.scatter [tilespmem:s21], [sflag:$0x3], $0x4000, $0x38;
	[tilespmem:$0x1E400] =	vst v63  }
0x2b: {  	_ =	swait.ge [sflag:s22], $0x4000  }
0x2c: {  	[sflag:s22] =	ssyncset.done $0x0  }
0x2d: {  	[sflag:s22] =	ssyncadd.s32 $0xFFFFC000  }
0x2e: {  	[spmem:s10] =	stream.linear.scatter [tilespmem:s21], [sflag:$0x3], $0x3C00, $0x38;
	[tilespmem:$0x1E400] =	vst v63  }
0x2f: {  	_ =	swait.ge [sflag:s22], $0x3C00  }
0x30: {  	[sflag:s22] =	ssyncset.done $0x0  }
0x31: {  	[sflag:s22] =	ssyncadd.s32 $0xFFFFC400  }
0x32: {  	[bflag:$0x0] =	sbarrier.arrive $0xFFFF  }
0x33: {  	s12 =	rddreg [dreg:$0x4]  }
0x34: {  	[tilespmem:s2], [sflag:$0x3] =	stream.linear.gather [hbm4b:s12+s2], $0x1400, $0x38;
	[tilespmem:$0x1E400] =	vst v63  }
0x35: {  	_ =	swait.ge [sflag:s22], $0x1400  }
0x36: {  	[sflag:s22] =	ssyncset.done $0x0  }
0x37: {  	s13 =	rddreg [dreg:$0x5];
	[sflag:s22] =	ssyncadd.s32 $0xFFFFEC00  }
0x38: {  	[tilespmem:s23], [sflag:$0x3] =	stream.linear.gather [hbm4b:s13+s2], $0x1400, $0x38;
	[tilespmem:$0x1E400] =	vst v63  }
0x39: {  	_ =	swait.ge [sflag:s22], $0x1400  }
0x3a: {  	[sflag:s22] =	ssyncset.done $0x0  }
0x3b: {  	[sflag:s22] =	ssyncadd.s32 $0xFFFFEC00  }
0x3c: {  	[tilespmem:s21], [sflag:$0x1] =	stream.indirect.gather [hbm4b:s4+s24], $0x80, s2, s24, $0xb8;
	[tilespmem:$0x1E400] =	vst v63  }
0x3d: {  	s5 =	simm.s32 $0x80  }
0x3e: {  	[tilespmem:s25], [sflag:$0x2] =	stream.indirect.gather [hbm4b:s4+s24], $0x80, s5, s24, $0xb8;
	[tilespmem:$0x1E400] =	vst v63  }
0x3f: {  	_ =	swait.ge [sflag:s26], $0x4000  }
0x40: {  	[sflag:s26] =	ssyncset.done $0x0  }
0x41: {  	s11 =	simm.s32 $0x1400;
	[sflag:s26] =	ssyncadd.s32 $0xFFFFC000  }
0x42: {  	[spmem:s1] =	stream.indirect.scatter.add.f32 [tilespmem:s21], [sflag:$0x3], $0x80, s11, s24, $0xb8;
	[tilespmem:$0x1E400] =	vst v63  }
0x43: {  	_ =	swait.ge [sflag:s22], $0x4000  }
0x44: {  	[sflag:s22] =	ssyncset.done $0x0  }
0x45: {  	s12 =	simm.s32 $0x100;
	[sflag:s22] =	ssyncadd.s32 $0xFFFFC000  }
0x46: {  	[tilespmem:s21], [sflag:$0x1] =	stream.indirect.gather [hbm4b:s4+s24], $0x80, s12, s24, $0xb8;
	[tilespmem:$0x1E400] =	vst v63  }
0x47: {  	_ =	swait.ge [sflag:s28], $0x4000  }
0x48: {  	[sflag:s28] =	ssyncset.done $0x0  }
0x49: {  	s13 =	simm.s32 $0x1480;
	[sflag:s28] =	ssyncadd.s32 $0xFFFFC000  }
0x4a: {  	[spmem:s1] =	stream.indirect.scatter.add.f32 [tilespmem:s25], [sflag:$0x3], $0x80, s13, s24, $0xb8;
	[tilespmem:$0x1E400] =	vst v63  }
0x4b: {  	_ =	swait.ge [sflag:s22], $0x4000  }
0x4c: {  	s3 =	simm.s32 $0x100;
	s5 =	simm.s32 $0x800;
	[sflag:s22] =	ssyncset.done $0x0  }
.LBB2_2:
0x4d: {  	s11 =	sadd.s32 $0x80, s3  }
0x4e: {  	[sflag:s22] =	ssyncadd.s32 $0xFFFFC000;
	s12 =	smov.u32 s5;
	s13 =	sadd.s32 $0x400, s5  }
0x4f: {  	[tilespmem:s25], [sflag:$0x2] =	stream.indirect.gather [hbm4b:s4+s24], $0x80, s11, s24, $0xb8;
	[tilespmem:$0x1E400] =	vst v63  }
0x50: {  	p0 =	sne.s32 s5, $0x4800;
	_ =	swait.ge [sflag:s26], $0x4000  }
0x51: {  	[sflag:s26] =	ssyncset.done $0x0  }
0x52: {  	s5 =	sadd.s32 $0x1400, s3;
	[sflag:s26] =	ssyncadd.s32 $0xFFFFC000  }
0x53: {  	[spmem:s1] =	stream.indirect.scatter.add.f32 [tilespmem:s21], [sflag:$0x3], $0x80, s5, s24, $0xb8;
	[tilespmem:$0x1E400] =	vst v63  }
0x54: {  	_ =	swait.ge [sflag:s22], $0x4000  }
0x55: {  	[sflag:s22] =	ssyncset.done $0x0  }
0x56: {  	s5 =	sadd.s32 $0x100, s3;
	[sflag:s22] =	ssyncadd.s32 $0xFFFFC000  }
0x57: {  	[tilespmem:s21], [sflag:$0x1] =	stream.indirect.gather [hbm4b:s4+s24], $0x80, s5, s24, $0xb8;
	[tilespmem:$0x1E400] =	vst v63  }
0x58: {  	_ =	swait.ge [sflag:s28], $0x4000  }
.Ltmp0:
0x59: {  	[sflag:s28] =	ssyncset.done $0x0;
	(pc) =	sbr.rel @p0 .LBB2_2-.Ltmp0, $4  }
0x5a: {  	s3 =	sadd.s32 $0x1480, s3;
	[sflag:s28] =	ssyncadd.s32 $0xFFFFC000  }
0x5b: {  	[spmem:s1] =	stream.indirect.scatter.add.f32 [tilespmem:s25], [sflag:$0x3], $0x80, s3, s24, $0xb8;
	[tilespmem:$0x1E400] =	vst v63  }
0x5c: {  	_ =	swait.ge [sflag:s22], $0x4000  }
0x5d: {  	s5 =	smov.u32 s13;
	s3 =	sshra.s32 s12, $0x2;
	[sflag:s22] =	ssyncset.done $0x0  }
0x5e: {  	s5 =	sadd.s32 $0x80, s3;
	[sflag:s22] =	ssyncadd.s32 $0xFFFFC000  }
0x5f: {  	[tilespmem:s25], [sflag:$0x2] =	stream.indirect.gather [hbm4b:s4+s24], $0x80, s5, s24, $0xb8;
	[tilespmem:$0x1E400] =	vst v63  }
0x60: {  	_ =	swait.ge [sflag:s26], $0x4000  }
0x61: {  	[sflag:s26] =	ssyncset.done $0x0  }
0x62: {  	s12 =	sadd.s32 $0x1400, s3;
	[sflag:s26] =	ssyncadd.s32 $0xFFFFC000  }
0x63: {  	[spmem:s1] =	stream.indirect.scatter.add.f32 [tilespmem:s21], [sflag:$0x3], $0x80, s12, s24, $0xb8;
	[tilespmem:$0x1E400] =	vst v63  }
0x64: {  	_ =	swait.ge [sflag:s22], $0x4000  }
0x65: {  	[sflag:s22] =	ssyncset.done $0x0  }
0x66: {  	s13 =	sadd.s32 $0x100, s3;
	[sflag:s22] =	ssyncadd.s32 $0xFFFFC000  }
0x67: {  	[tilespmem:s21], [sflag:$0x1] =	stream.indirect.gather [hbm4b:s4+s24], $0x80, s13, s24, $0xb8;
	[tilespmem:$0x1E400] =	vst v63  }
0x68: {  	_ =	swait.ge [sflag:s28], $0x4000  }
0x69: {  	[sflag:s28] =	ssyncset.done $0x0  }
0x6a: {  	s11 =	sadd.s32 $0x1480, s3;
	[sflag:s28] =	ssyncadd.s32 $0xFFFFC000  }
0x6b: {  	[spmem:s1] =	stream.indirect.scatter.add.f32 [tilespmem:s25], [sflag:$0x3], $0x80, s11, s24, $0xb8;
	[tilespmem:$0x1E400] =	vst v63  }
0x6c: {  	_ =	swait.ge [sflag:s22], $0x4000  }
0x6d: {  	[sflag:s22] =	ssyncset.done $0x0  }
0x6e: {  	[sflag:s22] =	ssyncadd.s32 $0xFFFFC000  }
0x6f: {  	[tilespmem:s25], [sflag:$0x2] =	stream.indirect.gather [hbm4b:s4+s24], $0x80, s29, s24, $0xb8;
	[tilespmem:$0x1E400] =	vst v63  }
0x70: {  	_ =	swait.ge [sflag:s26], $0x4000  }
0x71: {  	[sflag:s26] =	ssyncset.done $0x0  }
0x72: {  	[sflag:s26] =	ssyncadd.s32 $0xFFFFC000  }
0x73: {  	[spmem:s1] =	stream.indirect.scatter.add.f32 [tilespmem:s21], [sflag:$0x3], $0x80, s30, s24, $0xb8;
	[tilespmem:$0x1E400] =	vst v63  }
0x74: {  	_ =	swait.ge [sflag:s22], $0x4000  }
0x75: {  	[sflag:s22] =	ssyncset.done $0x0  }
0x76: {  	[sflag:s22] =	ssyncadd.s32 $0xFFFFC000  }
0x77: {  	_ =	swait.ge [sflag:s28], $0x4000  }
0x78: {  	[sflag:s28] =	ssyncset.done $0x0  }
0x79: {  	[sflag:s28] =	ssyncadd.s32 $0xFFFFC000  }
0x7a: {  	[spmem:s1] =	stream.indirect.scatter.add.f32 [tilespmem:s25], [sflag:$0x3], $0x80, s31, s24, $0xb8;
	[tilespmem:$0x1E400] =	vst v63  }
0x7b: {  	_ =	swait.ge [sflag:s22], $0x4000  }
0x7c: {  	[sflag:s22] =	ssyncset.done $0x0  }
0x7d: {  	s12 =	simm.s32 $0x0;
	s13 =	rddreg [dreg:$0x6];
	[sflag:s22] =	ssyncadd.s32 $0xFFFFC000  }
0x7e: {  	[tilespmem:s12], [sflag:$0x3] =	stream.linear.gather [hbm4b:s13+s12], $0x1400, $0x38;
	[tilespmem:$0x1E400] =	vst v63  }
0x7f: {  	_ =	swait.ge [sflag:s22], $0x1400  }
0x80: {  	[sflag:s22] =	ssyncset.done $0x0  }
0x81: {  	[sflag:s22] =	ssyncadd.s32 $0xFFFFEC00  }
0x82: {  	[tilespmem:s23], [sflag:$0x3] =	stream.linear.gather [hbm4b:s14+s12], $0x1400, $0x38;
	[tilespmem:$0x1E400] =	vst v63  }
0x83: {  	_ =	swait.ge [sflag:s22], $0x1400  }
0x84: {  	[sflag:s22] =	ssyncset.done $0x0  }
0x85: {  	[sflag:s22] =	ssyncadd.s32 $0xFFFFEC00  }
0x86: {  	[tilespmem:s21], [sflag:$0x1] =	stream.indirect.gather [hbm4b:s4+s24], $0x80, s12, s24, $0xb8;
	[tilespmem:$0x1E400] =	vst v63  }
0x87: {  	s5 =	simm.s32 $0x80  }
0x88: {  	[tilespmem:s25], [sflag:$0x2] =	stream.indirect.gather [hbm4b:s4+s24], $0x80, s5, s24, $0xb8;
	[tilespmem:$0x1E400] =	vst v63  }
0x89: {  	_ =	swait.ge [sflag:s26], $0x4000  }
0x8a: {  	[sflag:s26] =	ssyncset.done $0x0  }
0x8b: {  	s11 =	simm.s32 $0x1400;
	[sflag:s26] =	ssyncadd.s32 $0xFFFFC000  }
0x8c: {  	[spmem:s1] =	stream.indirect.scatter.add.f32 [tilespmem:s21], [sflag:$0x3], $0x80, s11, s24, $0xb8;
	[tilespmem:$0x1E400] =	vst v63  }
0x8d: {  	_ =	swait.ge [sflag:s22], $0x4000  }
0x8e: {  	[sflag:s22] =	ssyncset.done $0x0  }
0x8f: {  	s12 =	simm.s32 $0x100;
	[sflag:s22] =	ssyncadd.s32 $0xFFFFC000  }
0x90: {  	[tilespmem:s21], [sflag:$0x1] =	stream.indirect.gather [hbm4b:s4+s24], $0x80, s12, s24, $0xb8;
	[tilespmem:$0x1E400] =	vst v63  }
0x91: {  	_ =	swait.ge [sflag:s28], $0x4000  }
0x92: {  	[sflag:s28] =	ssyncset.done $0x0  }
0x93: {  	s13 =	simm.s32 $0x1480;
	[sflag:s28] =	ssyncadd.s32 $0xFFFFC000  }
0x94: {  	[spmem:s1] =	stream.indirect.scatter.add.f32 [tilespmem:s25], [sflag:$0x3], $0x80, s13, s24, $0xb8;
	[tilespmem:$0x1E400] =	vst v63  }
0x95: {  	_ =	swait.ge [sflag:s22], $0x4000  }
0x96: {  	s3 =	simm.s32 $0x100;
	s5 =	simm.s32 $0x800;
	[sflag:s22] =	ssyncset.done $0x0  }
.LBB2_4:
0x97: {  	s11 =	sadd.s32 $0x80, s3  }
0x98: {  	[sflag:s22] =	ssyncadd.s32 $0xFFFFC000;
	s12 =	smov.u32 s5;
	s13 =	sadd.s32 $0x400, s5  }
0x99: {  	[tilespmem:s25], [sflag:$0x2] =	stream.indirect.gather [hbm4b:s4+s24], $0x80, s11, s24, $0xb8;
	[tilespmem:$0x1E400] =	vst v63  }
0x9a: {  	p0 =	sne.s32 s5, $0x4800;
	_ =	swait.ge [sflag:s26], $0x4000  }
0x9b: {  	[sflag:s26] =	ssyncset.done $0x0  }
0x9c: {  	s5 =	sadd.s32 $0x1400, s3;
	[sflag:s26] =	ssyncadd.s32 $0xFFFFC000  }
0x9d: {  	[spmem:s1] =	stream.indirect.scatter.add.f32 [tilespmem:s21], [sflag:$0x3], $0x80, s5, s24, $0xb8;
	[tilespmem:$0x1E400] =	vst v63  }
0x9e: {  	_ =	swait.ge [sflag:s22], $0x4000  }
0x9f: {  	[sflag:s22] =	ssyncset.done $0x0  }
0xa0: {  	s5 =	sadd.s32 $0x100, s3;
	[sflag:s22] =	ssyncadd.s32 $0xFFFFC000  }
0xa1: {  	[tilespmem:s21], [sflag:$0x1] =	stream.indirect.gather [hbm4b:s4+s24], $0x80, s5, s24, $0xb8;
	[tilespmem:$0x1E400] =	vst v63  }
0xa2: {  	_ =	swait.ge [sflag:s28], $0x4000  }
.Ltmp1:
0xa3: {  	[sflag:s28] =	ssyncset.done $0x0;
	(pc) =	sbr.rel @p0 .LBB2_4-.Ltmp1, $4  }
0xa4: {  	s3 =	sadd.s32 $0x1480, s3;
	[sflag:s28] =	ssyncadd.s32 $0xFFFFC000  }
0xa5: {  	[spmem:s1] =	stream.indirect.scatter.add.f32 [tilespmem:s25], [sflag:$0x3], $0x80, s3, s24, $0xb8;
	[tilespmem:$0x1E400] =	vst v63  }
0xa6: {  	_ =	swait.ge [sflag:s22], $0x4000  }
0xa7: {  	s5 =	smov.u32 s13;
	s3 =	sshra.s32 s12, $0x2;
	[sflag:s22] =	ssyncset.done $0x0  }
0xa8: {  	s5 =	sadd.s32 $0x80, s3;
	[sflag:s22] =	ssyncadd.s32 $0xFFFFC000  }
0xa9: {  	[tilespmem:s25], [sflag:$0x2] =	stream.indirect.gather [hbm4b:s4+s24], $0x80, s5, s24, $0xb8;
	[tilespmem:$0x1E400] =	vst v63  }
0xaa: {  	_ =	swait.ge [sflag:s26], $0x4000  }
0xab: {  	[sflag:s26] =	ssyncset.done $0x0  }
0xac: {  	s11 =	sadd.s32 $0x1400, s3;
	[sflag:s26] =	ssyncadd.s32 $0xFFFFC000  }
0xad: {  	[spmem:s1] =	stream.indirect.scatter.add.f32 [tilespmem:s21], [sflag:$0x3], $0x80, s11, s24, $0xb8;
	[tilespmem:$0x1E400] =	vst v63  }
0xae: {  	_ =	swait.ge [sflag:s22], $0x4000  }
0xaf: {  	[sflag:s22] =	ssyncset.done $0x0  }
0xb0: {  	s12 =	sadd.s32 $0x100, s3;
	[sflag:s22] =	ssyncadd.s32 $0xFFFFC000  }
0xb1: {  	[tilespmem:s21], [sflag:$0x1] =	stream.indirect.gather [hbm4b:s4+s24], $0x80, s12, s24, $0xb8;
	[tilespmem:$0x1E400] =	vst v63  }
0xb2: {  	_ =	swait.ge [sflag:s28], $0x4000  }
0xb3: {  	[sflag:s28] =	ssyncset.done $0x0  }
0xb4: {  	s13 =	sadd.s32 $0x1480, s3;
	[sflag:s28] =	ssyncadd.s32 $0xFFFFC000  }
0xb5: {  	[spmem:s1] =	stream.indirect.scatter.add.f32 [tilespmem:s25], [sflag:$0x3], $0x80, s13, s24, $0xb8;
	[tilespmem:$0x1E400] =	vst v63  }
0xb6: {  	_ =	swait.ge [sflag:s22], $0x4000  }
0xb7: {  	[sflag:s22] =	ssyncset.done $0x0  }
0xb8: {  	[sflag:s22] =	ssyncadd.s32 $0xFFFFC000  }
0xb9: {  	[tilespmem:s25], [sflag:$0x2] =	stream.indirect.gather [hbm4b:s4+s24], $0x80, s29, s24, $0xb8;
	[tilespmem:$0x1E400] =	vst v63  }
0xba: {  	_ =	swait.ge [sflag:s26], $0x4000  }
0xbb: {  	[sflag:s26] =	ssyncset.done $0x0  }
0xbc: {  	[sflag:s26] =	ssyncadd.s32 $0xFFFFC000  }
0xbd: {  	[spmem:s1] =	stream.indirect.scatter.add.f32 [tilespmem:s21], [sflag:$0x3], $0x80, s30, s24, $0xb8;
	[tilespmem:$0x1E400] =	vst v63  }
0xbe: {  	_ =	swait.ge [sflag:s22], $0x4000  }
0xbf: {  	[sflag:s22] =	ssyncset.done $0x0  }
0xc0: {  	[sflag:s22] =	ssyncadd.s32 $0xFFFFC000  }
0xc1: {  	_ =	swait.ge [sflag:s28], $0x4000  }
0xc2: {  	[sflag:s28] =	ssyncset.done $0x0  }
0xc3: {  	[sflag:s28] =	ssyncadd.s32 $0xFFFFC000  }
0xc4: {  	[spmem:s1] =	stream.indirect.scatter.add.f32 [tilespmem:s25], [sflag:$0x3], $0x80, s31, s24, $0xb8;
	[tilespmem:$0x1E400] =	vst v63  }
0xc5: {  	_ =	swait.ge [sflag:s22], $0x4000  }
0xc6: {  	[sflag:s22] =	ssyncset.done $0x0  }
0xc7: {  	[sflag:s22] =	ssyncadd.s32 $0xFFFFC000  }
0xc8: {  	[bflag:$0x0] =	sbarrier.arrive $0xFFFF  }
0xc9: {  	[tilespmem:s21], [sflag:$0x3] =	stream.linear.gather [spmem:s6], $0x4000, $0x38;
	[tilespmem:$0x1E400] =	vst v63  }
0xca: {  	_ =	swait.ge [sflag:s22], $0x4000  }
0xcb: {  	[sflag:s22] =	ssyncset.done $0x0  }
0xcc: {  	[sflag:s22] =	ssyncadd.s32 $0xFFFFC000  }
0xcd: {  	[hbm4b:s15+s2] =	stream.linear.scatter [tilespmem:s21], [sflag:$0x3], $0x4000, $0x38;
	[tilespmem:$0x1E400] =	vst v63  }
0xce: {  	_ =	swait.ge [sflag:s22], $0x4000  }
0xcf: {  	[sflag:s22] =	ssyncset.done $0x0  }
0xd0: {  	[sflag:s22] =	ssyncadd.s32 $0xFFFFC000  }
0xd1: {  	[tilespmem:s21], [sflag:$0x3] =	stream.linear.gather [spmem:s7], $0x4000, $0x38;
	[tilespmem:$0x1E400] =	vst v63  }
0xd2: {  	_ =	swait.ge [sflag:s22], $0x4000  }
0xd3: {  	[sflag:s22] =	ssyncset.done $0x0  }
0xd4: {  	[sflag:s22] =	ssyncadd.s32 $0xFFFFC000  }
0xd5: {  	[hbm4b:s16+s2] =	stream.linear.scatter [tilespmem:s21], [sflag:$0x3], $0x4000, $0x38;
	[tilespmem:$0x1E400] =	vst v63  }
0xd6: {  	_ =	swait.ge [sflag:s22], $0x4000  }
0xd7: {  	[sflag:s22] =	ssyncset.done $0x0  }
0xd8: {  	[sflag:s22] =	ssyncadd.s32 $0xFFFFC000  }
0xd9: {  	[tilespmem:s21], [sflag:$0x3] =	stream.linear.gather [spmem:s8], $0x4000, $0x38;
	[tilespmem:$0x1E400] =	vst v63  }
0xda: {  	_ =	swait.ge [sflag:s22], $0x4000  }
0xdb: {  	[sflag:s22] =	ssyncset.done $0x0  }
0xdc: {  	[sflag:s22] =	ssyncadd.s32 $0xFFFFC000  }
0xdd: {  	[hbm4b:s17+s2] =	stream.linear.scatter [tilespmem:s21], [sflag:$0x3], $0x4000, $0x38;
	[tilespmem:$0x1E400] =	vst v63  }
0xde: {  	_ =	swait.ge [sflag:s22], $0x4000  }
0xdf: {  	[sflag:s22] =	ssyncset.done $0x0  }
0xe0: {  	[sflag:s22] =	ssyncadd.s32 $0xFFFFC000  }
0xe1: {  	[tilespmem:s21], [sflag:$0x3] =	stream.linear.gather [spmem:s9], $0x4000, $0x38;
	[tilespmem:$0x1E400] =	vst v63  }
0xe2: {  	_ =	swait.ge [sflag:s22], $0x4000  }
0xe3: {  	[sflag:s22] =	ssyncset.done $0x0  }
0xe4: {  	[sflag:s22] =	ssyncadd.s32 $0xFFFFC000  }
0xe5: {  	[hbm4b:s18+s2] =	stream.linear.scatter [tilespmem:s21], [sflag:$0x3], $0x4000, $0x38;
	[tilespmem:$0x1E400] =	vst v63  }
0xe6: {  	_ =	swait.ge [sflag:s22], $0x4000  }
0xe7: {  	[sflag:s22] =	ssyncset.done $0x0  }
0xe8: {  	[sflag:s22] =	ssyncadd.s32 $0xFFFFC000  }
0xe9: {  	[tilespmem:s21], [sflag:$0x3] =	stream.linear.gather [spmem:s10], $0x3C00, $0x38;
	[tilespmem:$0x1E400] =	vst v63  }
0xea: {  	s0 =	sadd.s32 $0x1, s0;
	_ =	swait.ge [sflag:s22], $0x3C00  }
0xeb: {  	p0 =	sne.s32 s0, s20;
	[sflag:s22] =	ssyncset.done $0x0  }
.Ltmp2:
0xec: {  	[sflag:s22] =	ssyncadd.s32 $0xFFFFC400;
	(pc) =	sbr.rel @p0 .LBB2_1-.Ltmp2, $4  }
0xed: {  	[hbm4b:s19+s2] =	stream.linear.scatter [tilespmem:s21], [sflag:$0x3], $0x3C00, $0x38;
	[tilespmem:$0x1E400] =	vst v63  }
0xee: {  	_ =	swait.ge [sflag:s22], $0x3C00  }
0xef: {  	[sflag:s22] =	ssyncset.done $0x0  }
0xf0: {  	[sflag:s22] =	ssyncadd.s32 $0xFFFFC400  }
0xf1: {  	_ =	sfence.sel $0x180000  }
0xf2: {  	[bflag:$0x0] =	sbarrier.arrive $0xFFFF  }
0xf3: {  	_ =	strace $0x9000004D  }
0xf4: {  	s0 =	stileid.u32;
	[bflag:$0x2] =	sbarrier.arrive $0xFFFF  }
0xf5: {  	p0 =	sne.s32 s0, $0x0;
	s0 =	rddreg [dreg:$0x2]  }
0xf6: {  	s0 =	sadd.s32 @!p0 $0x100000, s0  }
0xf7: {  	[sflag:s0] =	ssyncadd.tile.s32 @!p0 $0x1;
	_ =	shalt  }
.Lfunc_end2:
_tile_overlayer_lowered:
.L_overlay_start_2:
0xf8: {  	(tag) =	ssettag $0x2  }
0xf9: {  	s0 =	rddreg [dreg:$0x0];
	s2 =	stileid.u32  }
0xfa: {  	s1 =	rddreg [dreg:$0x1];
	p0 =	sne.s32 s2, $0x0  }
0xfb: {  	s3 =	rddreg [dreg:$0x2];
	[bflag:$0x3] =	sbarrier.arrive $0xFFFF;
	s2 =	simm.s32 @!p0 $0x1C03  }
0xfc: {  	[timem:s3], [sflag:s2] =	dma.local @!p0 [hbm:s0], s1  }
0xfd: {  	s0 =	simm.s32 @!p0 $0x3  }
0xfe: {  	_ =	swait.ge @!p0 [sflag:s0], s1  }
0xff: {  	s1 =	ssub.s32 @!p0 $0x0, s1;
	[sflag:s0] =	ssyncset.done @!p0 $0x0  }
0x100: {  	[sflag:s0] =	ssyncadd.s32 @!p0 s1  }
0x101: {  	[bflag:$0x3] =	sbarrier.arrive $0xFFFF  }
0x102: {  	_ =	shalt  }

// kernel: kernel.19.cloned.1.call-start
scs
__scs_entry_jumppad:
0x0: {  	(pc) =	sbr.rel $0x88, $3  }
0x1: {  	(tag) =	ssettag $0x0;
	lr =	simm.s32 $0x1  }
0x2: {  	[smem:$0x3F95] =	sst lr;
	_ =	strace $0xD0000000  }
0x3: {  	_ = 	snop  }
0x4: {  	_ = 	snop  }
0x5: {  	_ = 	snop  }
0x6: {  	_ = 	snop  }
0x7: {  	_ = 	snop  }
__scs_overlays_trampoline_lowered:
0x8: {  	[smem:$0x3FA4] =	sst s0  }
0x9: {  	[smem:$0x3FA5] =	sst s1  }
0xa: {  	[smem:$0x3FA6] =	sst s2  }
0xb: {  	[smem:$0x3FA7] =	sst s3  }
0xc: {  	[smem:$0x3FA8] =	sst s4  }
0xd: {  	[smem:$0x3FA9] =	sst s5  }
0xe: {  	[smem:$0x3FAA] =	sst s6  }
0xf: {  	[smem:$0x3FAB] =	sst s7  }
0x10: {  	[smem:$0x3FAC] =	sst s8  }
0x11: {  	[smem:$0x3FAD] =	sst s9;
	s0 =	simm.s32 @!p0 $0x0  }
0x12: {  	s1 =	sld [smem:$0x3F93];
	s0 =	simm.s32 @p0 $0x1  }
0x13: {  	[smem:$0x3FAE] =	sst s0;
	s0 =	simm.s32 @!p1 $0x0  }
0x14: {  	s2 =	sld [smem:$0x3F92];
	s0 =	simm.s32 @p1 $0x1  }
0x15: {  	[smem:$0x3FAF] =	sst s0;
	s0 =	simm.s32 @!p2 $0x0  }
0x16: {  	s3 =	sld [smem:$0x3FDB];
	s0 =	simm.s32 @p2 $0x1  }
0x17: {  	s4 =	simm.s32 $0x1BF5;
	[smem:$0x3FB1] =	sst s0  }
0x18: {  	s0 =	sld [smem:$0x3F94];
	_ =	swait.ge [sflag:s4], $0x0  }
0x19: {  	s7 =	sld [smem:$0x3F95]  }
0x1a: {  	s8 =	sadd.s32 $0xFFFFE003, lr  }
0x1b: {  	s9 =	sadd.s32 $0xFFFFFEF7, lr;
	s5 =	simm.s32 $0xFFFFFFFF;
	p2 =	slt.u32 s8, $0xFFFFF086  }
0x1c: {  	p1 =	slt.u32 s9, $0xF7A;
	s5 =	simm.s32 @!p2 $0x0  }
0x1d: {  	s5 =	simm.s32 @p1 $0x1;
	p0 =	seq.s32 s7, s2  }
0x1e: {  	s7 =	smul.u32 @!p0 $0xF7A, s2;
	p2 =	seq.s32 @!p0 s5, $0x0  }
0x1f: {  	s9 =	smul.u32 $0xF7A, s1;
	s8 =	simm.s32 @!p0 $0x1BF5;
	p2 =	por !p2, p0  }
0x20: {  	[sflag:s8] =	ssyncset.s32 @!p0 $0xFFFFF086;
	s6 =	sadd.s32 @!p0 s3, s7;
	s7 =	simm.s32 @!p0 $0x108  }
0x21: {  	s3 =	sadd.s32 s3, s9;
	s6 =	sadd.s32 @!p0 $0x88, s6;
	s7 =	simm.s32 @p2 $0x1082  }
0x22: {  	[simem:s7], [sflag:s8] =	dma.local @!p0 [hbm:s6], $0xF7A  }
0x23: {  	s9 =	sor.u32 $0xD0000000, s2;
	s6 =	simm.s32 $0x108;
	_ =	swait.ge @!p0 [sflag:s8], $0x0  }
0x24: {  	s3 =	sadd.s32 $0x88, s3;
	s6 =	simm.s32 @!p1 $0x1082;
	[sflag:s4] =	ssyncset.s32 $0xFFFFF086  }
0x25: {  	[simem:s6], [sflag:s4] =	dma.local [hbm:s3], $0xF7A  }
0x26: {  	[smem:$0x3F95] =	sst s1;
	(tag) =	ssettag s2;
	_ =	strace s9  }
0x27: {  	s1 =	sld [smem:$0x3FA5]  }
0x28: {  	s2 =	sld [smem:$0x3FA6]  }
0x29: {  	s4 =	sld [smem:$0x3FA8]  }
0x2a: {  	p0 =	seq.s32 s5, $0x0;
	s5 =	sld [smem:$0x3FA9]  }
0x2b: {  	s6 =	sld [smem:$0x3FAA]  }
0x2c: {  	s7 =	sld [smem:$0x3FAB]  }
0x2d: {  	s3 =	simm.s32 $0x108;
	s8 =	sld [smem:$0x3FAC]  }
0x2e: {  	s3 =	simm.s32 @!p0 $0x1082;
	s9 =	sld [smem:$0x3FAD]  }
0x2f: {  	lr =	sadd.s32 s0, s3;
	s0 =	sld [smem:$0x3FA4]  }
0x30: {  	s3 =	sld [smem:$0x3FA7]  }
0x31: {  	[smem:$0x3FB0] =	sst s10  }
0x32: {  	s10 =	sld [smem:$0x3FAE];
	_ =	sdelay $0x3  }
0x33: {  	p0 =	seq.s32 s10, $0x1;
	s10 =	sld [smem:$0x3FB0];
	_ =	sdelay $0x3  }
0x34: {  	[smem:$0x3FB0] =	sst s10  }
0x35: {  	s10 =	sld [smem:$0x3FAF];
	_ =	sdelay $0x3  }
0x36: {  	p1 =	seq.s32 s10, $0x1;
	s10 =	sld [smem:$0x3FB0];
	_ =	sdelay $0x3  }
0x37: {  	[smem:$0x3FB0] =	sst s10  }
0x38: {  	s10 =	sld [smem:$0x3FB1]  }
0x39: {  	_ = 	snop;
	(pc) =	sbr.ind lr, $3  }
0x3a: {  	_ = 	snop  }
0x3b: {  	_ = 	snop  }
0x3c: {  	p2 =	seq.s32 s10, $0x1;
	s10 =	sld [smem:$0x3FB0]  }
0x3d: {  	_ =	shalt  }
0x3e: {  	_ =	shalt  }
0x3f: {  	_ =	shalt  }
0x40: {  	_ =	shalt  }
0x41: {  	_ =	shalt  }
0x42: {  	_ =	shalt  }
0x43: {  	_ =	shalt  }
0x44: {  	_ =	shalt  }
0x45: {  	_ =	shalt  }
0x46: {  	_ =	shalt  }
0x47: {  	_ =	shalt  }
0x48: {  	_ =	shalt  }
0x49: {  	_ =	shalt  }
0x4a: {  	_ =	shalt  }
0x4b: {  	_ =	shalt  }
0x4c: {  	_ =	shalt  }
0x4d: {  	_ =	shalt  }
0x4e: {  	_ =	shalt  }
0x4f: {  	_ =	shalt  }
0x50: {  	_ =	shalt  }
0x51: {  	_ =	shalt  }
0x52: {  	_ =	shalt  }
0x53: {  	_ =	shalt  }
0x54: {  	_ =	shalt  }
0x55: {  	_ =	shalt  }
0x56: {  	_ =	shalt  }
0x57: {  	_ =	shalt  }
0x58: {  	_ =	shalt  }
0x59: {  	_ =	shalt  }
0x5a: {  	_ =	shalt  }
0x5b: {  	_ =	shalt  }
0x5c: {  	_ =	shalt  }
0x5d: {  	_ =	shalt  }
0x5e: {  	_ =	shalt  }
0x5f: {  	_ =	shalt  }
0x60: {  	_ =	shalt  }
0x61: {  	_ =	shalt  }
0x62: {  	_ =	shalt  }
0x63: {  	_ =	shalt  }
0x64: {  	_ =	shalt  }
0x65: {  	_ =	shalt  }
0x66: {  	_ =	shalt  }
0x67: {  	_ =	shalt  }
0x68: {  	_ =	shalt  }
0x69: {  	_ =	shalt  }
0x6a: {  	_ =	shalt  }
0x6b: {  	_ =	shalt  }
0x6c: {  	_ =	shalt  }
0x6d: {  	_ =	shalt  }
0x6e: {  	_ =	shalt  }
0x6f: {  	_ =	shalt  }
0x70: {  	_ =	shalt  }
0x71: {  	_ =	shalt  }
0x72: {  	_ =	shalt  }
0x73: {  	_ =	shalt  }
0x74: {  	_ =	shalt  }
0x75: {  	_ =	shalt  }
0x76: {  	_ =	shalt  }
0x77: {  	_ =	shalt  }
0x78: {  	_ =	shalt  }
0x79: {  	_ =	shalt  }
0x7a: {  	_ =	shalt  }
0x7b: {  	_ =	shalt  }
0x7c: {  	_ =	shalt  }
0x7d: {  	_ =	shalt  }
0x7e: {  	_ =	shalt  }
0x7f: {  	_ =	shalt  }
0x80: {  	_ =	shalt  }
0x81: {  	_ =	shalt  }
0x82: {  	_ =	shalt  }
0x83: {  	_ =	shalt  }
0x84: {  	_ =	shalt  }
0x85: {  	_ =	shalt  }
0x86: {  	_ =	shalt  }
0x87: {  	_ =	shalt  }
.Lfunc_end0:
.L_simem_size_0:
called_computation.3_lowered:
.L_overlay_start_0:
0x88: {  	s2 =	sld [smem:$0x3FD9]  }
0x89: {  	s3 =	sld [smem:$0x3FFE];
	_ =	sdelay $0x1  }
0x8a: {  	s1 =	srdreg.scid  }
0x8b: {  	s0 =	sand.u32 $0x1, s1  }
0x8c: {  	s16 =	sshll.u32 s0, $0xA;
	s2 =	sadd.s32 s3, s2  }
0x8d: {  	s2 =	sadd.s32 s2, s16  }
0x8e: {  	[smem:$0x3FBC] =	sst s2  }
0x8f: {  	_ = 	snop  }
0x90: {  	(tm) =	ssettm $0x1  }
0x91: {  	s17 =	sld [smem:$0x3FFB];
	_ =	sdelay $0x3  }
0x92: {  	_ =	strace s17  }
0x93: {  	s2 =	sld [smem:$0x3FFC];
	_ =	sdelay $0x3  }
0x94: {  	_ =	strace s2  }
0x95: {  	s2 =	sld [smem:$0x3FFD];
	_ =	sdelay $0x3  }
0x96: {  	_ =	strace s2  }
0x97: {  	_ =	strace $0x8FFFFFFF  }
0x98: {  	s18 =	sld [smem:$0x3FDB];
	_ =	sdelay $0x1  }
0x99: {  	s19 =	simm.s32 $_scs_section_size  }
0x9a: {  	s4 =	simm.s32 $_size__tile_overlayer_lowered;
	s5 =	simm.s32 $_tile_overlayer_lowered  }
0x9b: {  	s22 =	simm.s32 $0x1BFF;
	s21 =	sshll.u32 s5, $0x1;
	s2 =	sadd.s32 s19, s18  }
0x9c: {  	s6 =	simm.s32 $0x0;
	s20 =	sshll.u32 s4, $0x1;
	s4 =	sadd.s32 s21, s2  }
0x9d: {  	[timem:s6], [sflag:s22] =	dma.local [hbm:s4], s20  }
0x9e: {  	_ =	swait.ge [sflag:s22], s20  }
0x9f: {  	s3 =	ssub.s32 $0x0, s20;
	[sflag:s22] =	ssyncset.done $0x0  }
0xa0: {  	[sflag:s22] =	ssyncadd.s32 s3;
	_ =	sdelay $0x1  }
0xa1: {  	s23 =	simm.s32 $0x1B8B  }
0xa2: {  	_ =	swait.ge [sflag:s23], $0x1  }
0xa3: {  	[sflag:s23] =	ssyncset.done $0x0  }
0xa4: {  	s25 =	simm.s32 $0x1B8E;
	s24 =	sld [smem:$0x3FFE];
	[sflag:s23] =	ssyncadd.s32 $0xFFFFFFFF  }
0xa5: {  	s26 =	simm.s32 $execute0_lowered;
	[smem:$0x3FD2] =	sst s25  }
0xa6: {  	s4 =	sshll.u32 s26, $0x1;
	_ =	strace $0x8000004F;
	[dreg:$0x1] =	wrdreg $0xFFFFFFFF  }
0xa7: {  	s28 =	simm.s32 $_size_execute0_lowered;
	s2 =	sadd.s32 s2, s4;
	[dreg:$0x0] =	wrdreg $0x0  }
0xa8: {  	s4 =	sshll.u32 s28, $0x1;
	[dreg:$0x2] =	wrdreg s2  }
0xa9: {  	[dreg:$0x3] =	wrdreg s4  }
0xaa: {  	[dreg:$0x4] =	wrdreg $0xC0  }
0xab: {  	_ =	task [dreg:s6], $0x5FFFF  }
0xac: {  	[dreg:$0x1] =	wrdreg $0xFFFFFFFF  }
0xad: {  	[dreg:$0x0] =	wrdreg $0x60  }
0xae: {  	[dreg:$0x2] =	wrdreg s24  }
0xaf: {  	[dreg:$0x3] =	wrdreg $0xA8000  }
0xb0: {  	[dreg:$0x4] =	wrdreg $0x9  }
0xb1: {  	_ =	task.clear_ibuf [dreg:s6], $0x5FFFF;
	_ =	strace $0x9000004F  }
0xb2: {  	s29 =	simm.s32 $0x9;
	_ =	strace $0x80000051  }
0xb3: {  	_ =	swait.ge [sflag:s29], $0x1  }
0xb4: {  	[sflag:s29] =	ssyncadd.s32 $0xFFFFFFFF  }
0xb5: {  	_ =	strace $0x90000051  }
0xb6: {  	_ =	sfence  }
0xb7: {  	s30 =	sld [smem:$0x0];
	_ =	sdelay $0x2  }
0xb8: {  	s31 =	sshll.u32 s1, $0xD;
	s1 =	sshrl.u32 s1, $0x2  }
0xb9: {  	s3 =	sand.u32 $0x4000, s31;
	s1 =	sadd.s32 s1, s30  }
0xba: {  	s0 =	sor.u32 s3, s0;
	s1 =	sshll.u32 s1, $0x11  }
0xbb: {  	s0 =	sor.u32 s1, s0  }
0xbc: {  	s0 =	sadd.s32 $0x8F2B, s0  }
0xbd: {  	[sflag:s0] =	ssyncadd.remote.s32 $0x1  }
0xbe: {  	_ =	sfence.sel $0xFFFF  }
0xbf: {  	[dreg:$0x0] =	wrdreg $0xFFFFFFFF;
	(pc) =	sbr.abs _section_cstart, $3  }
0xc0: {  	[dreg:$0x1] =	wrdreg $0xFFFFFFFF  }
0xc1: {  	_ =	task.clear_ibuf [dreg:s6], $0x2FFFF;
	_ =	strace $0x9FFFFFFF  }
0xc2: {  	(tm) =	ssettm $0x7FFFFFFF  }
0xc3: {  	_ =	shalt  }
tec
execute0_lowered:
.L_overlay_start_1:
0x0: {  	(tag) =	ssettag $0x1  }
0x1: {  	s0 =	rddreg [dreg:$0x0]  }
0x2: {  	s1 =	rddreg [dreg:$0x1];
	s2 =	simm.s32 $0x0  }
0x3: {  	s5 =	srdreg.scid;
	s9 =	stileid.u32;
	s28 =	simm.s32 $0x2  }
0x4: {  	s29 =	simm.s32 $0x1380;
	s30 =	simm.s32 $0x2700;
	s31 =	simm.s32 $0x2780  }
0x5: {  	[smem:$0x7FF] =	sst s2;
	s4 =	sadd.s32 $0x18000, s0;
	s3 =	sadd.s32 $0xD800, s0  }
0x6: {  	s14 =	sadd.s32 $0x3800, s0;
	s5 =	sand.u32 $0x1, s5;
	s7 =	smul.u32 $0x4F000, s9  }
0x7: {  	s6 =	sadd.s32 $0x17800, s0;
	s0 =	sadd.s32 $0x3F200, s0;
	s13 =	smul.u32 $0x13C00, s9  }
0x8: {  	s19 =	sshll.u32 s9, $0x1;
	_ =	strace $0x80000050;
	[dreg:$0x3] =	wrdreg s6  }
0x9: {  	s18 =	ssub.s32 $0x2, s5;
	s21 =	sor.u32 s5, s19;
	s5 =	smul.u32 $0x13C000, s5  }
0xa: {  	s8 =	sshrl.u32 s18, $0x1;
	s7 =	sshrl.u32 s7, $0x2;
	s15 =	sadd.s32 $0x4000, s13  }
0xb: {  	s17 =	sadd.s32 $0x8000, s13;
	s10 =	smul.u32 $0x2800, s21;
	s19 =	sadd.s32 $0x10000, s13  }
0xc: {  	s20 =	ssub.s32 s18, s8;
	s6 =	sadd.s32 s7, s1;
	s18 =	sadd.s32 $0xC000, s13  }
0xd: {  	s7 =	sadd.s32 s15, s1;
	s8 =	sadd.s32 s17, s1;
	s21 =	sadd.s32 s13, s5  }
0xe: {  	s15 =	sadd.s32 s5, s15;
	s25 =	sadd.s32 s5, s17;
	s9 =	sadd.s32 s18, s1  }
0xf: {  	s16 =	sshrl.u32 s10, $0x3;
	s10 =	sadd.s32 s19, s1;
	s23 =	sshrl.u32 s21, $0x3  }
0x10: {  	s24 =	sshrl.u32 s15, $0x3;
	s26 =	sadd.s32 s5, s18;
	s5 =	sadd.s32 s5, s19  }
0x11: {  	s20 =	smax.u32 s20, $0x1;
	s21 =	simm.s32 $0x2800;
	s11 =	sadd.s32 s3, s16  }
0x12: {  	s22 =	sadd.s32 s14, s16;
	s16 =	sadd.s32 $0x280, s16;
	s15 =	sadd.s32 s0, s23  }
0x13: {  	s18 =	sshrl.u32 s26, $0x3;
	s5 =	sshrl.u32 s5, $0x3;
	[dreg:$0x4] =	wrdreg s11  }
0x14: {  	s23 =	simm.s32 $0x1400;
	s26 =	simm.s32 $0x1;
	[dreg:$0x5] =	wrdreg s22  }
0x15: {  	s3 =	sadd.s32 s3, s16;
	s14 =	sadd.s32 s14, s16;
	s16 =	sadd.s32 s0, s24  }
0x16: {  	s18 =	sadd.s32 s0, s18;
	s19 =	sadd.s32 s0, s5;
	s22 =	simm.s32 $0x3  }
0x17: {  	s24 =	simm.s32 $0x80;
	[dreg:$0x6] =	wrdreg s3;
	s3 =	sshrl.u32 s25, $0x3  }
0x18: {  	s25 =	simm.s32 $0x6800;
	s17 =	sadd.s32 s0, s3;
	s0 =	simm.s32 $0x0  }
.LBB2_1:
0x19: {  	s3 =	rddreg [dreg:$0x3]  }
0x1a: {  	[tilespmem:s21], [sflag:$0x3] =	stream.linear.gather [hbm4b:s3+s2], $0x4000, $0x38;
	[tilespmem:$0x1E400] =	vst v63  }
0x1b: {  	_ =	swait.ge [sflag:s22], $0x4000  }
0x1c: {  	[sflag:s22] =	ssyncset.done $0x0  }
0x1d: {  	[sflag:s22] =	ssyncadd.s32 $0xFFFFC000  }
0x1e: {  	[spmem:s6] =	stream.linear.scatter [tilespmem:s21], [sflag:$0x3], $0x4000, $0x38;
	[tilespmem:$0x1E400] =	vst v63  }
0x1f: {  	_ =	swait.ge [sflag:s22], $0x4000  }
0x20: {  	[sflag:s22] =	ssyncset.done $0x0  }
0x21: {  	[sflag:s22] =	ssyncadd.s32 $0xFFFFC000  }
0x22: {  	[spmem:s7] =	stream.linear.scatter [tilespmem:s21], [sflag:$0x3], $0x4000, $0x38;
	[tilespmem:$0x1E400] =	vst v63  }
0x23: {  	_ =	swait.ge [sflag:s22], $0x4000  }
0x24: {  	[sflag:s22] =	ssyncset.done $0x0  }
0x25: {  	[sflag:s22] =	ssyncadd.s32 $0xFFFFC000  }
0x26: {  	[spmem:s8] =	stream.linear.scatter [tilespmem:s21], [sflag:$0x3], $0x4000, $0x38;
	[tilespmem:$0x1E400] =	vst v63  }
0x27: {  	_ =	swait.ge [sflag:s22], $0x4000  }
0x28: {  	[sflag:s22] =	ssyncset.done $0x0  }
0x29: {  	[sflag:s22] =	ssyncadd.s32 $0xFFFFC000  }
0x2a: {  	[spmem:s9] =	stream.linear.scatter [tilespmem:s21], [sflag:$0x3], $0x4000, $0x38;
	[tilespmem:$0x1E400] =	vst v63  }
0x2b: {  	_ =	swait.ge [sflag:s22], $0x4000  }
0x2c: {  	[sflag:s22] =	ssyncset.done $0x0  }
0x2d: {  	[sflag:s22] =	ssyncadd.s32 $0xFFFFC000  }
0x2e: {  	[spmem:s10] =	stream.linear.scatter [tilespmem:s21], [sflag:$0x3], $0x3C00, $0x38;
	[tilespmem:$0x1E400] =	vst v63  }
0x2f: {  	_ =	swait.ge [sflag:s22], $0x3C00  }
0x30: {  	[sflag:s22] =	ssyncset.done $0x0  }
0x31: {  	[sflag:s22] =	ssyncadd.s32 $0xFFFFC400  }
0x32: {  	[bflag:$0x0] =	sbarrier.arrive $0xFFFF  }
0x33: {  	s12 =	rddreg [dreg:$0x4]  }
0x34: {  	[tilespmem:s2], [sflag:$0x3] =	stream.linear.gather [hbm4b:s12+s2], $0x1400, $0x38;
	[tilespmem:$0x1E400] =	vst v63  }
0x35: {  	_ =	swait.ge [sflag:s22], $0x1400  }
0x36: {  	[sflag:s22] =	ssyncset.done $0x0  }
0x37: {  	s13 =	rddreg [dreg:$0x5];
	[sflag:s22] =	ssyncadd.s32 $0xFFFFEC00  }
0x38: {  	[tilespmem:s23], [sflag:$0x3] =	stream.linear.gather [hbm4b:s13+s2], $0x1400, $0x38;
	[tilespmem:$0x1E400] =	vst v63  }
0x39: {  	_ =	swait.ge [sflag:s22], $0x1400  }
0x3a: {  	[sflag:s22] =	ssyncset.done $0x0  }
0x3b: {  	[sflag:s22] =	ssyncadd.s32 $0xFFFFEC00  }
0x3c: {  	[tilespmem:s21], [sflag:$0x1] =	stream.indirect.gather [hbm4b:s4+s24], $0x80, s2, s24, $0xb8;
	[tilespmem:$0x1E400] =	vst v63  }
0x3d: {  	s5 =	simm.s32 $0x80  }
0x3e: {  	[tilespmem:s25], [sflag:$0x2] =	stream.indirect.gather [hbm4b:s4+s24], $0x80, s5, s24, $0xb8;
	[tilespmem:$0x1E400] =	vst v63  }
0x3f: {  	_ =	swait.ge [sflag:s26], $0x4000  }
0x40: {  	[sflag:s26] =	ssyncset.done $0x0  }
0x41: {  	s11 =	simm.s32 $0x1400;
	[sflag:s26] =	ssyncadd.s32 $0xFFFFC000  }
0x42: {  	[spmem:s1] =	stream.indirect.scatter.add.f32 [tilespmem:s21], [sflag:$0x3], $0x80, s11, s24, $0xb8;
	[tilespmem:$0x1E400] =	vst v63  }
0x43: {  	_ =	swait.ge [sflag:s22], $0x4000  }
0x44: {  	[sflag:s22] =	ssyncset.done $0x0  }
0x45: {  	s12 =	simm.s32 $0x100;
	[sflag:s22] =	ssyncadd.s32 $0xFFFFC000  }
0x46: {  	[tilespmem:s21], [sflag:$0x1] =	stream.indirect.gather [hbm4b:s4+s24], $0x80, s12, s24, $0xb8;
	[tilespmem:$0x1E400] =	vst v63  }
0x47: {  	_ =	swait.ge [sflag:s28], $0x4000  }
0x48: {  	[sflag:s28] =	ssyncset.done $0x0  }
0x49: {  	s13 =	simm.s32 $0x1480;
	[sflag:s28] =	ssyncadd.s32 $0xFFFFC000  }
0x4a: {  	[spmem:s1] =	stream.indirect.scatter.add.f32 [tilespmem:s25], [sflag:$0x3], $0x80, s13, s24, $0xb8;
	[tilespmem:$0x1E400] =	vst v63  }
0x4b: {  	_ =	swait.ge [sflag:s22], $0x4000  }
0x4c: {  	s3 =	simm.s32 $0x100;
	s5 =	simm.s32 $0x800;
	[sflag:s22] =	ssyncset.done $0x0  }
.LBB2_2:
0x4d: {  	s11 =	sadd.s32 $0x80, s3  }
0x4e: {  	[sflag:s22] =	ssyncadd.s32 $0xFFFFC000;
	s12 =	smov.u32 s5;
	s13 =	sadd.s32 $0x400, s5  }
0x4f: {  	[tilespmem:s25], [sflag:$0x2] =	stream.indirect.gather [hbm4b:s4+s24], $0x80, s11, s24, $0xb8;
	[tilespmem:$0x1E400] =	vst v63  }
0x50: {  	p0 =	sne.s32 s5, $0x4800;
	_ =	swait.ge [sflag:s26], $0x4000  }
0x51: {  	[sflag:s26] =	ssyncset.done $0x0  }
0x52: {  	s5 =	sadd.s32 $0x1400, s3;
	[sflag:s26] =	ssyncadd.s32 $0xFFFFC000  }
0x53: {  	[spmem:s1] =	stream.indirect.scatter.add.f32 [tilespmem:s21], [sflag:$0x3], $0x80, s5, s24, $0xb8;
	[tilespmem:$0x1E400] =	vst v63  }
0x54: {  	_ =	swait.ge [sflag:s22], $0x4000  }
0x55: {  	[sflag:s22] =	ssyncset.done $0x0  }
0x56: {  	s5 =	sadd.s32 $0x100, s3;
	[sflag:s22] =	ssyncadd.s32 $0xFFFFC000  }
0x57: {  	[tilespmem:s21], [sflag:$0x1] =	stream.indirect.gather [hbm4b:s4+s24], $0x80, s5, s24, $0xb8;
	[tilespmem:$0x1E400] =	vst v63  }
0x58: {  	_ =	swait.ge [sflag:s28], $0x4000  }
.Ltmp0:
0x59: {  	[sflag:s28] =	ssyncset.done $0x0;
	(pc) =	sbr.rel @p0 .LBB2_2-.Ltmp0, $4  }
0x5a: {  	s3 =	sadd.s32 $0x1480, s3;
	[sflag:s28] =	ssyncadd.s32 $0xFFFFC000  }
0x5b: {  	[spmem:s1] =	stream.indirect.scatter.add.f32 [tilespmem:s25], [sflag:$0x3], $0x80, s3, s24, $0xb8;
	[tilespmem:$0x1E400] =	vst v63  }
0x5c: {  	_ =	swait.ge [sflag:s22], $0x4000  }
0x5d: {  	s5 =	smov.u32 s13;
	s3 =	sshra.s32 s12, $0x2;
	[sflag:s22] =	ssyncset.done $0x0  }
0x5e: {  	s5 =	sadd.s32 $0x80, s3;
	[sflag:s22] =	ssyncadd.s32 $0xFFFFC000  }
0x5f: {  	[tilespmem:s25], [sflag:$0x2] =	stream.indirect.gather [hbm4b:s4+s24], $0x80, s5, s24, $0xb8;
	[tilespmem:$0x1E400] =	vst v63  }
0x60: {  	_ =	swait.ge [sflag:s26], $0x4000  }
0x61: {  	[sflag:s26] =	ssyncset.done $0x0  }
0x62: {  	s12 =	sadd.s32 $0x1400, s3;
	[sflag:s26] =	ssyncadd.s32 $0xFFFFC000  }
0x63: {  	[spmem:s1] =	stream.indirect.scatter.add.f32 [tilespmem:s21], [sflag:$0x3], $0x80, s12, s24, $0xb8;
	[tilespmem:$0x1E400] =	vst v63  }
0x64: {  	_ =	swait.ge [sflag:s22], $0x4000  }
0x65: {  	[sflag:s22] =	ssyncset.done $0x0  }
0x66: {  	s13 =	sadd.s32 $0x100, s3;
	[sflag:s22] =	ssyncadd.s32 $0xFFFFC000  }
0x67: {  	[tilespmem:s21], [sflag:$0x1] =	stream.indirect.gather [hbm4b:s4+s24], $0x80, s13, s24, $0xb8;
	[tilespmem:$0x1E400] =	vst v63  }
0x68: {  	_ =	swait.ge [sflag:s28], $0x4000  }
0x69: {  	[sflag:s28] =	ssyncset.done $0x0  }
0x6a: {  	s11 =	sadd.s32 $0x1480, s3;
	[sflag:s28] =	ssyncadd.s32 $0xFFFFC000  }
0x6b: {  	[spmem:s1] =	stream.indirect.scatter.add.f32 [tilespmem:s25], [sflag:$0x3], $0x80, s11, s24, $0xb8;
	[tilespmem:$0x1E400] =	vst v63  }
0x6c: {  	_ =	swait.ge [sflag:s22], $0x4000  }
0x6d: {  	[sflag:s22] =	ssyncset.done $0x0  }
0x6e: {  	[sflag:s22] =	ssyncadd.s32 $0xFFFFC000  }
0x6f: {  	[tilespmem:s25], [sflag:$0x2] =	stream.indirect.gather [hbm4b:s4+s24], $0x80, s29, s24, $0xb8;
	[tilespmem:$0x1E400] =	vst v63  }
0x70: {  	_ =	swait.ge [sflag:s26], $0x4000  }
0x71: {  	[sflag:s26] =	ssyncset.done $0x0  }
0x72: {  	[sflag:s26] =	ssyncadd.s32 $0xFFFFC000  }
0x73: {  	[spmem:s1] =	stream.indirect.scatter.add.f32 [tilespmem:s21], [sflag:$0x3], $0x80, s30, s24, $0xb8;
	[tilespmem:$0x1E400] =	vst v63  }
0x74: {  	_ =	swait.ge [sflag:s22], $0x4000  }
0x75: {  	[sflag:s22] =	ssyncset.done $0x0  }
0x76: {  	[sflag:s22] =	ssyncadd.s32 $0xFFFFC000  }
0x77: {  	_ =	swait.ge [sflag:s28], $0x4000  }
0x78: {  	[sflag:s28] =	ssyncset.done $0x0  }
0x79: {  	[sflag:s28] =	ssyncadd.s32 $0xFFFFC000  }
0x7a: {  	[spmem:s1] =	stream.indirect.scatter.add.f32 [tilespmem:s25], [sflag:$0x3], $0x80, s31, s24, $0xb8;
	[tilespmem:$0x1E400] =	vst v63  }
0x7b: {  	_ =	swait.ge [sflag:s22], $0x4000  }
0x7c: {  	[sflag:s22] =	ssyncset.done $0x0  }
0x7d: {  	s12 =	simm.s32 $0x0;
	s13 =	rddreg [dreg:$0x6];
	[sflag:s22] =	ssyncadd.s32 $0xFFFFC000  }
0x7e: {  	[tilespmem:s12], [sflag:$0x3] =	stream.linear.gather [hbm4b:s13+s12], $0x1400, $0x38;
	[tilespmem:$0x1E400] =	vst v63  }
0x7f: {  	_ =	swait.ge [sflag:s22], $0x1400  }
0x80: {  	[sflag:s22] =	ssyncset.done $0x0  }
0x81: {  	[sflag:s22] =	ssyncadd.s32 $0xFFFFEC00  }
0x82: {  	[tilespmem:s23], [sflag:$0x3] =	stream.linear.gather [hbm4b:s14+s12], $0x1400, $0x38;
	[tilespmem:$0x1E400] =	vst v63  }
0x83: {  	_ =	swait.ge [sflag:s22], $0x1400  }
0x84: {  	[sflag:s22] =	ssyncset.done $0x0  }
0x85: {  	[sflag:s22] =	ssyncadd.s32 $0xFFFFEC00  }
0x86: {  	[tilespmem:s21], [sflag:$0x1] =	stream.indirect.gather [hbm4b:s4+s24], $0x80, s12, s24, $0xb8;
	[tilespmem:$0x1E400] =	vst v63  }
0x87: {  	s5 =	simm.s32 $0x80  }
0x88: {  	[tilespmem:s25], [sflag:$0x2] =	stream.indirect.gather [hbm4b:s4+s24], $0x80, s5, s24, $0xb8;
	[tilespmem:$0x1E400] =	vst v63  }
0x89: {  	_ =	swait.ge [sflag:s26], $0x4000  }
0x8a: {  	[sflag:s26] =	ssyncset.done $0x0  }
0x8b: {  	s11 =	simm.s32 $0x1400;
	[sflag:s26] =	ssyncadd.s32 $0xFFFFC000  }
0x8c: {  	[spmem:s1] =	stream.indirect.scatter.add.f32 [tilespmem:s21], [sflag:$0x3], $0x80, s11, s24, $0xb8;
	[tilespmem:$0x1E400] =	vst v63  }
0x8d: {  	_ =	swait.ge [sflag:s22], $0x4000  }
0x8e: {  	[sflag:s22] =	ssyncset.done $0x0  }
0x8f: {  	s12 =	simm.s32 $0x100;
	[sflag:s22] =	ssyncadd.s32 $0xFFFFC000  }
0x90: {  	[tilespmem:s21], [sflag:$0x1] =	stream.indirect.gather [hbm4b:s4+s24], $0x80, s12, s24, $0xb8;
	[tilespmem:$0x1E400] =	vst v63  }
0x91: {  	_ =	swait.ge [sflag:s28], $0x4000  }
0x92: {  	[sflag:s28] =	ssyncset.done $0x0  }
0x93: {  	s13 =	simm.s32 $0x1480;
	[sflag:s28] =	ssyncadd.s32 $0xFFFFC000  }
0x94: {  	[spmem:s1] =	stream.indirect.scatter.add.f32 [tilespmem:s25], [sflag:$0x3], $0x80, s13, s24, $0xb8;
	[tilespmem:$0x1E400] =	vst v63  }
0x95: {  	_ =	swait.ge [sflag:s22], $0x4000  }
0x96: {  	s3 =	simm.s32 $0x100;
	s5 =	simm.s32 $0x800;
	[sflag:s22] =	ssyncset.done $0x0  }
.LBB2_4:
0x97: {  	s11 =	sadd.s32 $0x80, s3  }
0x98: {  	[sflag:s22] =	ssyncadd.s32 $0xFFFFC000;
	s12 =	smov.u32 s5;
	s13 =	sadd.s32 $0x400, s5  }
0x99: {  	[tilespmem:s25], [sflag:$0x2] =	stream.indirect.gather [hbm4b:s4+s24], $0x80, s11, s24, $0xb8;
	[tilespmem:$0x1E400] =	vst v63  }
0x9a: {  	p0 =	sne.s32 s5, $0x4800;
	_ =	swait.ge [sflag:s26], $0x4000  }
0x9b: {  	[sflag:s26] =	ssyncset.done $0x0  }
0x9c: {  	s5 =	sadd.s32 $0x1400, s3;
	[sflag:s26] =	ssyncadd.s32 $0xFFFFC000  }
0x9d: {  	[spmem:s1] =	stream.indirect.scatter.add.f32 [tilespmem:s21], [sflag:$0x3], $0x80, s5, s24, $0xb8;
	[tilespmem:$0x1E400] =	vst v63  }
0x9e: {  	_ =	swait.ge [sflag:s22], $0x4000  }
0x9f: {  	[sflag:s22] =	ssyncset.done $0x0  }
0xa0: {  	s5 =	sadd.s32 $0x100, s3;
	[sflag:s22] =	ssyncadd.s32 $0xFFFFC000  }
0xa1: {  	[tilespmem:s21], [sflag:$0x1] =	stream.indirect.gather [hbm4b:s4+s24], $0x80, s5, s24, $0xb8;
	[tilespmem:$0x1E400] =	vst v63  }
0xa2: {  	_ =	swait.ge [sflag:s28], $0x4000  }
.Ltmp1:
0xa3: {  	[sflag:s28] =	ssyncset.done $0x0;
	(pc) =	sbr.rel @p0 .LBB2_4-.Ltmp1, $4  }
0xa4: {  	s3 =	sadd.s32 $0x1480, s3;
	[sflag:s28] =	ssyncadd.s32 $0xFFFFC000  }
0xa5: {  	[spmem:s1] =	stream.indirect.scatter.add.f32 [tilespmem:s25], [sflag:$0x3], $0x80, s3, s24, $0xb8;
	[tilespmem:$0x1E400] =	vst v63  }
0xa6: {  	_ =	swait.ge [sflag:s22], $0x4000  }
0xa7: {  	s5 =	smov.u32 s13;
	s3 =	sshra.s32 s12, $0x2;
	[sflag:s22] =	ssyncset.done $0x0  }
0xa8: {  	s5 =	sadd.s32 $0x80, s3;
	[sflag:s22] =	ssyncadd.s32 $0xFFFFC000  }
0xa9: {  	[tilespmem:s25], [sflag:$0x2] =	stream.indirect.gather [hbm4b:s4+s24], $0x80, s5, s24, $0xb8;
	[tilespmem:$0x1E400] =	vst v63  }
0xaa: {  	_ =	swait.ge [sflag:s26], $0x4000  }
0xab: {  	[sflag:s26] =	ssyncset.done $0x0  }
0xac: {  	s11 =	sadd.s32 $0x1400, s3;
	[sflag:s26] =	ssyncadd.s32 $0xFFFFC000  }
0xad: {  	[spmem:s1] =	stream.indirect.scatter.add.f32 [tilespmem:s21], [sflag:$0x3], $0x80, s11, s24, $0xb8;
	[tilespmem:$0x1E400] =	vst v63  }
0xae: {  	_ =	swait.ge [sflag:s22], $0x4000  }
0xaf: {  	[sflag:s22] =	ssyncset.done $0x0  }
0xb0: {  	s12 =	sadd.s32 $0x100, s3;
	[sflag:s22] =	ssyncadd.s32 $0xFFFFC000  }
0xb1: {  	[tilespmem:s21], [sflag:$0x1] =	stream.indirect.gather [hbm4b:s4+s24], $0x80, s12, s24, $0xb8;
	[tilespmem:$0x1E400] =	vst v63  }
0xb2: {  	_ =	swait.ge [sflag:s28], $0x4000  }
0xb3: {  	[sflag:s28] =	ssyncset.done $0x0  }
0xb4: {  	s13 =	sadd.s32 $0x1480, s3;
	[sflag:s28] =	ssyncadd.s32 $0xFFFFC000  }
0xb5: {  	[spmem:s1] =	stream.indirect.scatter.add.f32 [tilespmem:s25], [sflag:$0x3], $0x80, s13, s24, $0xb8;
	[tilespmem:$0x1E400] =	vst v63  }
0xb6: {  	_ =	swait.ge [sflag:s22], $0x4000  }
0xb7: {  	[sflag:s22] =	ssyncset.done $0x0  }
0xb8: {  	[sflag:s22] =	ssyncadd.s32 $0xFFFFC000  }
0xb9: {  	[tilespmem:s25], [sflag:$0x2] =	stream.indirect.gather [hbm4b:s4+s24], $0x80, s29, s24, $0xb8;
	[tilespmem:$0x1E400] =	vst v63  }
0xba: {  	_ =	swait.ge [sflag:s26], $0x4000  }
0xbb: {  	[sflag:s26] =	ssyncset.done $0x0  }
0xbc: {  	[sflag:s26] =	ssyncadd.s32 $0xFFFFC000  }
0xbd: {  	[spmem:s1] =	stream.indirect.scatter.add.f32 [tilespmem:s21], [sflag:$0x3], $0x80, s30, s24, $0xb8;
	[tilespmem:$0x1E400] =	vst v63  }
0xbe: {  	_ =	swait.ge [sflag:s22], $0x4000  }
0xbf: {  	[sflag:s22] =	ssyncset.done $0x0  }
0xc0: {  	[sflag:s22] =	ssyncadd.s32 $0xFFFFC000  }
0xc1: {  	_ =	swait.ge [sflag:s28], $0x4000  }
0xc2: {  	[sflag:s28] =	ssyncset.done $0x0  }
0xc3: {  	[sflag:s28] =	ssyncadd.s32 $0xFFFFC000  }
0xc4: {  	[spmem:s1] =	stream.indirect.scatter.add.f32 [tilespmem:s25], [sflag:$0x3], $0x80, s31, s24, $0xb8;
	[tilespmem:$0x1E400] =	vst v63  }
0xc5: {  	_ =	swait.ge [sflag:s22], $0x4000  }
0xc6: {  	[sflag:s22] =	ssyncset.done $0x0  }
0xc7: {  	[sflag:s22] =	ssyncadd.s32 $0xFFFFC000  }
0xc8: {  	[bflag:$0x0] =	sbarrier.arrive $0xFFFF  }
0xc9: {  	[tilespmem:s21], [sflag:$0x3] =	stream.linear.gather [spmem:s6], $0x4000, $0x38;
	[tilespmem:$0x1E400] =	vst v63  }
0xca: {  	_ =	swait.ge [sflag:s22], $0x4000  }
0xcb: {  	[sflag:s22] =	ssyncset.done $0x0  }
0xcc: {  	[sflag:s22] =	ssyncadd.s32 $0xFFFFC000  }
0xcd: {  	[hbm4b:s15+s2] =	stream.linear.scatter [tilespmem:s21], [sflag:$0x3], $0x4000, $0x38;
	[tilespmem:$0x1E400] =	vst v63  }
0xce: {  	_ =	swait.ge [sflag:s22], $0x4000  }
0xcf: {  	[sflag:s22] =	ssyncset.done $0x0  }
0xd0: {  	[sflag:s22] =	ssyncadd.s32 $0xFFFFC000  }
0xd1: {  	[tilespmem:s21], [sflag:$0x3] =	stream.linear.gather [spmem:s7], $0x4000, $0x38;
	[tilespmem:$0x1E400] =	vst v63  }
0xd2: {  	_ =	swait.ge [sflag:s22], $0x4000  }
0xd3: {  	[sflag:s22] =	ssyncset.done $0x0  }
0xd4: {  	[sflag:s22] =	ssyncadd.s32 $0xFFFFC000  }
0xd5: {  	[hbm4b:s16+s2] =	stream.linear.scatter [tilespmem:s21], [sflag:$0x3], $0x4000, $0x38;
	[tilespmem:$0x1E400] =	vst v63  }
0xd6: {  	_ =	swait.ge [sflag:s22], $0x4000  }
0xd7: {  	[sflag:s22] =	ssyncset.done $0x0  }
0xd8: {  	[sflag:s22] =	ssyncadd.s32 $0xFFFFC000  }
0xd9: {  	[tilespmem:s21], [sflag:$0x3] =	stream.linear.gather [spmem:s8], $0x4000, $0x38;
	[tilespmem:$0x1E400] =	vst v63  }
0xda: {  	_ =	swait.ge [sflag:s22], $0x4000  }
0xdb: {  	[sflag:s22] =	ssyncset.done $0x0  }
0xdc: {  	[sflag:s22] =	ssyncadd.s32 $0xFFFFC000  }
0xdd: {  	[hbm4b:s17+s2] =	stream.linear.scatter [tilespmem:s21], [sflag:$0x3], $0x4000, $0x38;
	[tilespmem:$0x1E400] =	vst v63  }
0xde: {  	_ =	swait.ge [sflag:s22], $0x4000  }
0xdf: {  	[sflag:s22] =	ssyncset.done $0x0  }
0xe0: {  	[sflag:s22] =	ssyncadd.s32 $0xFFFFC000  }
0xe1: {  	[tilespmem:s21], [sflag:$0x3] =	stream.linear.gather [spmem:s9], $0x4000, $0x38;
	[tilespmem:$0x1E400] =	vst v63  }
0xe2: {  	_ =	swait.ge [sflag:s22], $0x4000  }
0xe3: {  	[sflag:s22] =	ssyncset.done $0x0  }
0xe4: {  	[sflag:s22] =	ssyncadd.s32 $0xFFFFC000  }
0xe5: {  	[hbm4b:s18+s2] =	stream.linear.scatter [tilespmem:s21], [sflag:$0x3], $0x4000, $0x38;
	[tilespmem:$0x1E400] =	vst v63  }
0xe6: {  	_ =	swait.ge [sflag:s22], $0x4000  }
0xe7: {  	[sflag:s22] =	ssyncset.done $0x0  }
0xe8: {  	[sflag:s22] =	ssyncadd.s32 $0xFFFFC000  }
0xe9: {  	[tilespmem:s21], [sflag:$0x3] =	stream.linear.gather [spmem:s10], $0x3C00, $0x38;
	[tilespmem:$0x1E400] =	vst v63  }
0xea: {  	s0 =	sadd.s32 $0x1, s0;
	_ =	swait.ge [sflag:s22], $0x3C00  }
0xeb: {  	p0 =	sne.s32 s0, s20;
	[sflag:s22] =	ssyncset.done $0x0  }
.Ltmp2:
0xec: {  	[sflag:s22] =	ssyncadd.s32 $0xFFFFC400;
	(pc) =	sbr.rel @p0 .LBB2_1-.Ltmp2, $4  }
0xed: {  	[hbm4b:s19+s2] =	stream.linear.scatter [tilespmem:s21], [sflag:$0x3], $0x3C00, $0x38;
	[tilespmem:$0x1E400] =	vst v63  }
0xee: {  	_ =	swait.ge [sflag:s22], $0x3C00  }
0xef: {  	[sflag:s22] =	ssyncset.done $0x0  }
0xf0: {  	[sflag:s22] =	ssyncadd.s32 $0xFFFFC400  }
0xf1: {  	_ =	sfence.sel $0x180000  }
0xf2: {  	[bflag:$0x0] =	sbarrier.arrive $0xFFFF  }
0xf3: {  	_ =	strace $0x90000050  }
0xf4: {  	s0 =	stileid.u32;
	[bflag:$0x2] =	sbarrier.arrive $0xFFFF  }
0xf5: {  	p0 =	sne.s32 s0, $0x0;
	s0 =	rddreg [dreg:$0x2]  }
0xf6: {  	s0 =	sadd.s32 @!p0 $0x100000, s0  }
0xf7: {  	[sflag:s0] =	ssyncadd.tile.s32 @!p0 $0x1;
	_ =	shalt  }
.Lfunc_end2:
_tile_overlayer_lowered:
.L_overlay_start_2:
0xf8: {  	(tag) =	ssettag $0x2  }
0xf9: {  	s0 =	rddreg [dreg:$0x0];
	s2 =	stileid.u32  }
0xfa: {  	s1 =	rddreg [dreg:$0x1];
	p0 =	sne.s32 s2, $0x0  }
0xfb: {  	s3 =	rddreg [dreg:$0x2];
	[bflag:$0x3] =	sbarrier.arrive $0xFFFF;
	s2 =	simm.s32 @!p0 $0x1C03  }
0xfc: {  	[timem:s3], [sflag:s2] =	dma.local @!p0 [hbm:s0], s1  }
0xfd: {  	s0 =	simm.s32 @!p0 $0x3  }
0xfe: {  	_ =	swait.ge @!p0 [sflag:s0], s1  }
0xff: {  	s1 =	ssub.s32 @!p0 $0x0, s1;
	[sflag:s0] =	ssyncset.done @!p0 $0x0  }
0x100: {  	[sflag:s0] =	ssyncadd.s32 @!p0 s1  }
0x101: {  	[bflag:$0x3] =	sbarrier.arrive $0xFFFF  }
0x102: {  	_ =	shalt  }

</sc_bundles>
